<compile_context>
chip_gen: v7x
topology: tpu7x:2x2x1
jax: 0.10.2.dev20260603
libtpu: 0.0.44.dev20260713+nightly
codegen_flags: <defaults>
</compile_context>

<pallas_src>
import functools

import jax
import jax.numpy as jnp
from jax import lax
from jax.experimental import pallas as pl
from jax.experimental.pallas import tpu as pltpu
from jax.experimental.pallas import tpu_sc as plsc

NC = 2
NS = 16
NW = NC * NS
LANES = 16
NB = 8
H = 128


def _sc_gather_rows(emb, idx_pad):
  B = idx_pad.shape[0]
  D = emb.shape[1]
  assert B % (8 * NW) == 0
  bpw = B // NW
  mesh = plsc.VectorSubcoreMesh(core_axis_name="c", subcore_axis_name="s")

  @functools.partial(
      pl.kernel,
      out_type=jax.ShapeDtypeStruct((B, D), jnp.float32),
      mesh=mesh,
      scratch_types=[
          pltpu.VMEM((bpw,), jnp.int32),
          pltpu.VMEM((bpw, D), jnp.float32),
          pltpu.SemaphoreType.DMA,
      ],
  )
  def k(emb_hbm, idx_hbm, out_hbm, idx_v, rows_v, sem):
    wid = lax.axis_index("s") * NC + lax.axis_index("c")
    base = wid * bpw
    pltpu.sync_copy(idx_hbm.at[pl.ds(base, bpw)], idx_v)
    pltpu.async_copy(emb_hbm.at[idx_v], rows_v, sem).wait()
    pltpu.sync_copy(rows_v, out_hbm.at[pl.ds(base, bpw)])

  return k(emb, idx_pad)


def _tc_project(x, basis, bn):
  N, Hin = x.shape
  nb, _, O = basis.shape
  assert N % bn == 0

  def body(x_ref, w_ref, y_ref):
    y_ref[...] = jnp.dot(x_ref[...], w_ref[0],
                         preferred_element_type=jnp.float32)

  return pl.pallas_call(
      body,
      grid=(N // bn, nb),
      in_specs=[
          pl.BlockSpec((bn, Hin), lambda n, b: (n, 0)),
          pl.BlockSpec((1, Hin, O), lambda n, b: (b, 0, 0)),
      ],
      out_specs=pl.BlockSpec((bn, O), lambda n, b: (n, b)),
      out_shape=jax.ShapeDtypeStruct((N, nb * O), jnp.float32),
  )(x, basis)


def _tc_combine_project(hp, bias, basis, bn):
  _, N, O = hp.shape
  nb = basis.shape[0]
  Oo = basis.shape[2]
  assert N % bn == 0

  def body(h_ref, b_ref, w_ref, y_ref):
    x2 = jnp.maximum(h_ref[0] + h_ref[1] + b_ref[...], 0.0)
    y_ref[...] = jnp.dot(x2, w_ref[0], preferred_element_type=jnp.float32)

  return pl.pallas_call(
      body,
      grid=(N // bn, nb),
      in_specs=[
          pl.BlockSpec((2, bn, O), lambda n, b: (0, n, 0)),
          pl.BlockSpec((1, O), lambda n, b: (0, 0)),
          pl.BlockSpec((1, O, Oo), lambda n, b: (b, 0, 0)),
      ],
      out_specs=pl.BlockSpec((bn, Oo), lambda n, b: (n, b)),
      out_shape=jax.ShapeDtypeStruct((N, nb * Oo), jnp.float32),
  )(hp, bias.reshape(1, O), basis)


def _tc_combine(hp, bias, relu, bn):
  _, N, O = hp.shape
  bn = N
  assert N % bn == 0

  def body(h_ref, b_ref, o_ref):
    v = h_ref[0] + h_ref[1] + b_ref[...]
    if relu:
      v = jnp.maximum(v, 0.0)
    o_ref[...] = v

  return pl.pallas_call(
      body,
      grid=(N // bn,),
      in_specs=[
          pl.BlockSpec((2, bn, O), lambda n: (0, n, 0)),
          pl.BlockSpec((1, O), lambda n: (0, 0)),
      ],
      out_specs=pl.BlockSpec((bn, O), lambda n: (n, 0)),
      out_shape=jax.ShapeDtypeStruct((N, O), jnp.float32),
  )(hp, bias.reshape(1, O))


def _sc_edge_pass(y, src, dst, etype, norm, coeff_flat, zeros_init, ndst_pad, K):
  assert K % LANES == 0
  E = src.shape[0]
  D = y.shape[1]
  ep = (-E) % (NW * K)
  if ep:
    src = jnp.concatenate([src, jnp.zeros((ep,), src.dtype)])
    dst = jnp.concatenate([dst, jnp.zeros((ep,), dst.dtype)])
    etype = jnp.concatenate([etype, jnp.zeros((ep,), etype.dtype)])
    norm = jnp.concatenate([norm, jnp.zeros((ep,), norm.dtype)])
    E += ep
  epw = E // NW
  assert epw % K == 0
  nblk = epw // K
  den3 = jnp.stack([etype.reshape(NW, nblk, K),
                    lax.bitcast_convert_type(norm, jnp.int32
                                             ).reshape(NW, nblk, K)], axis=2)
  rpt = ndst_pad // NS
  assert rpt * NS == ndst_pad and rpt % 8 == 0
  mesh = plsc.VectorSubcoreMesh(core_axis_name="c", subcore_axis_name="s")

  @functools.partial(
      pl.kernel,
      out_type=jax.ShapeDtypeStruct((NC * ndst_pad, H), jnp.float32),
      mesh=mesh,
      scratch_types=[
          pltpu.VMEM((epw,), jnp.int32),
          pltpu.VMEM((2, K), jnp.int32),
          pltpu.VMEM((2, K), jnp.int32),
          pltpu.VMEM((K,), jnp.int32),
          pltpu.VMEM((K,), jnp.int32),
          pltpu.VMEM((K,), jnp.int32),
          pltpu.VMEM((K,), jnp.int32),
          pltpu.VMEM((K, D), jnp.float32),
          pltpu.VMEM((K, D), jnp.float32),
          pltpu.VMEM((K, H), jnp.float32),
          pltpu.VMEM((K, H), jnp.float32),
          pltpu.VMEM((coeff_flat.shape[0],), jnp.float32),
          pltpu.VMEM_SHARED((ndst_pad, H), jnp.float32),
          pltpu.SemaphoreType.DMA,
          pltpu.SemaphoreType.DMA,
          pltpu.SemaphoreType.DMA,
          pltpu.SemaphoreType.DMA,
          pltpu.SemaphoreType.DMA,
          pltpu.SemaphoreType.DMA,
          pltpu.SemaphoreType.DMA,
          pltpu.SemaphoreType.DMA,
      ],
      compiler_params=pltpu.CompilerParams(needs_layout_passes=False),
  )
  def k(y_hbm, src_hbm, dst_hbm, den_hbm, cf_hbm, z_hbm, out_hbm,
        src_v, den_a, den_b, dst_a, dst_b, sidx_a, sidx_b, rows_a, rows_b,
        m_a, m_b, cf_v, h_sh, sem_a, sem_b, sem_da, sem_db, sem_ma, sem_mb,
        sem_ea, sem_eb):
    cid = lax.axis_index("c")
    sid = lax.axis_index("s")
    wid = cid * NS + sid

    pltpu.sync_copy(z_hbm, h_sh.at[pl.ds(sid * rpt, rpt)])
    pltpu.sync_copy(cf_hbm, cf_v)
    pltpu.sync_copy(src_hbm.at[pl.ds(wid * epw, epw)], src_v)
    pltpu.sync_copy(den_hbm.at[wid, 0], den_a)
    plsc.subcore_barrier()

    def compute_block(i, rows_v, m_v, dst_v, den_cur, sem_ecur, den_nxt,
                      sem_enxt, sem_d, sem_m, do_wait):
      @pl.when(do_wait)
      def _():
        pltpu.make_async_copy(m_v, h_sh.at[dst_v], sem_m).wait()

      pltpu.async_copy(dst_hbm.at[pl.ds(wid * epw + i * K, K)], dst_v, sem_d)
      pltpu.async_copy(den_hbm.at[wid, jnp.minimum(i + 1, nblk - 1)],
                       den_nxt, sem_enxt)
      @pl.when(i > 0)
      def _():
        pltpu.make_async_copy(den_hbm.at[wid, 0], den_cur, sem_ecur).wait()

      def edge_body(e, carry2):
        evec = jnp.full((LANES,), 0, jnp.int32) + e
        et_b = plsc.load_gather(den_cur, [evec * 0, evec])
        nm_b = plsc.bitcast(
            plsc.load_gather(den_cur, [evec * 0 + 1, evec]), jnp.float32)
        acc = [jnp.zeros((LANES,), jnp.float32) for _ in range(H // LANES)]
        for b in range(NB):
          cb = plsc.load_gather(cf_v, [et_b * NB + b])
          for j in range(H // LANES):
            seg = rows_v[e, pl.ds(b * H + j * LANES, LANES)]
            acc[j] = acc[j] + cb * seg
        for j in range(H // LANES):
          m_v[e, pl.ds(j * LANES, LANES)] = acc[j] * nm_b
        return carry2

      lax.fori_loop(0, K, edge_body, 0)
      pltpu.make_async_copy(dst_hbm.at[pl.ds(0, K)], dst_v, sem_d).wait()
      pltpu.async_copy(m_v, h_sh.at[dst_v], sem_m, add=True)

    def gather_rows(i, sidx_ref, rows_ref, sem):
      for j in range(K // LANES):
        sidx_ref[pl.ds(j * LANES, LANES)] = src_v[pl.ds(i * K + j * LANES,
                                                        LANES)]
      pltpu.async_copy(y_hbm.at[sidx_ref], rows_ref, sem)

    def wait_rows(sidx_ref, rows_ref, sem):
      pltpu.make_async_copy(y_hbm.at[pl.ds(0, K)], rows_ref, sem).wait()

    gather_rows(0, sidx_a, rows_a, sem_a)

    def pair_body(i2, carry):
      b0 = 2 * i2
      wait_rows(sidx_a, rows_a, sem_a)
      gather_rows(b0 + 1, sidx_b, rows_b, sem_b)
      compute_block(b0, rows_a, m_a, dst_a, den_a, sem_ea, den_b, sem_eb,
                    sem_da, sem_ma, i2 > 0)
      wait_rows(sidx_b, rows_b, sem_b)
      gather_rows(jnp.minimum(b0 + 2, nblk - 1), sidx_a, rows_a, sem_a)
      compute_block(b0 + 1, rows_b, m_b, dst_b, den_b, sem_eb, den_a, sem_ea,
                    sem_db, sem_mb, i2 > 0)
      return carry

    npairs = nblk // 2
    lax.fori_loop(0, npairs, pair_body, 0)
    wait_rows(sidx_a, rows_a, sem_a)
    if nblk % 2 == 1:
      compute_block(nblk - 1, rows_a, m_a, dst_a, den_a, sem_ea, den_b,
                    sem_eb, sem_da, sem_ma, npairs > 0)
    pltpu.make_async_copy(m_a, h_sh.at[dst_a], sem_ma).wait()
    pltpu.make_async_copy(m_b, h_sh.at[dst_b], sem_mb).wait()
    if nblk % 2 == 1:
      pltpu.make_async_copy(den_hbm.at[wid, 0], den_b, sem_eb).wait()
    else:
      pltpu.make_async_copy(den_hbm.at[wid, 0], den_a, sem_ea).wait()

    plsc.subcore_barrier()
    pltpu.sync_copy(h_sh.at[pl.ds(sid * rpt, rpt)],
                    out_hbm.at[pl.ds(cid * ndst_pad + sid * rpt, rpt)])

  out = k(y, src, dst, den3, coeff_flat, zeros_init)
  return out.reshape(NC, ndst_pad, H)


def kernel(node_ids, src1, dst1, etype1, norm1, src2, dst2, etype2, norm2,
           emb, basis1, coeff1, bias1, basis2, coeff2, bias2):
  n1 = node_ids.shape[0]
  pad = (-n1) % (8 * NW)
  idx_pad = jnp.concatenate([node_ids.astype(jnp.int32),
                             jnp.zeros((pad,), jnp.int32)])
  x = _sc_gather_rows(emb, idx_pad)[:n1]

  z1 = jnp.zeros((5120 // NS, H), jnp.float32)
  z2 = jnp.zeros((2560 // NS, H), jnp.float32)

  y1 = _tc_project(x, basis1, 1000)
  hp1 = _sc_edge_pass(y1, src1, dst1, etype1, norm1.reshape(-1),
                      coeff1.reshape(-1), z1, 5120, 32)[:, :5000]
  y2 = _tc_combine_project(hp1, bias1, basis2, 1000)
  hp2 = _sc_edge_pass(y2, src2, dst2, etype2, norm2.reshape(-1),
                      coeff2.reshape(-1), z2, 2560, 32)[:, :2500]
  return _tc_combine(hp2, bias2, relu=False, bn=500)

# --- scband reference (transcript-rebuilt; emitter-appended) ---
"""Pipeline reference for scband-rgcn-31396210933967 (READ-ONLY COPY).

The authoritative reference and input builder live on the scoring server;
editing this copy changes nothing except your own understanding.
"""

import jax, jax.numpy as jnp
import numpy as np

NUM_NODES = 100000
H = 128
OUT = 128
R = 64
NB = 8
N1 = 10000
N2 = 5000
N3 = 2500
E1 = 320000
E2 = 160000


def setup_inputs(seed: int = 0) -> dict:
    key = jax.random.key(seed)
    ks = jax.random.split(key, 16)
    inp = {}
    inp["node_ids"] = jax.random.randint(ks[0], (N1,), 0, NUM_NODES)
    inp["src1"] = jax.random.randint(ks[1], (E1,), 0, N1)
    inp["dst1"] = jax.random.randint(ks[2], (E1,), 0, N2)
    inp["etype1"] = jax.random.randint(ks[3], (E1,), 0, R)
    inp["norm1"] = jax.random.uniform(ks[4], (E1, 1), dtype=jnp.float32)
    inp["src2"] = jax.random.randint(ks[5], (E2,), 0, N2)
    inp["dst2"] = jax.random.randint(ks[6], (E2,), 0, N3)
    inp["etype2"] = jax.random.randint(ks[7], (E2,), 0, R)
    inp["norm2"] = jax.random.uniform(ks[8], (E2, 1), dtype=jnp.float32)
    # learned parameters
    inp["emb"] = jax.random.normal(ks[9], (NUM_NODES, H), dtype=jnp.float32) * 0.02
    inp["basis1"] = jax.random.normal(ks[10], (NB, H, H), dtype=jnp.float32) * (1.0 / np.sqrt(H))
    inp["coeff1"] = jax.random.normal(ks[11], (R, NB), dtype=jnp.float32) * (1.0 / np.sqrt(NB))
    inp["bias1"] = jnp.zeros((H,), dtype=jnp.float32)
    inp["basis2"] = jax.random.normal(ks[12], (NB, H, OUT), dtype=jnp.float32) * (1.0 / np.sqrt(H))
    inp["coeff2"] = jax.random.normal(ks[13], (R, NB), dtype=jnp.float32) * (1.0 / np.sqrt(NB))
    inp["bias2"] = jnp.zeros((OUT,), dtype=jnp.float32)
    return inp


def _rel_graph_conv(x, src, dst, etype, norm, basis, coeff, bias, num_dst):
    # basis regularizer: W[r] = sum_b coeff[r, b] * basis[b]
    W = jnp.einsum('rb,bio->rio', coeff, basis)          # [R, in, out]
    # project src features under every relation, then gather per edge
    xr = jnp.einsum('ni,rio->rno', x, W)                  # [R, N, out]
    m = xr[etype, src] * norm                             # [E, out]
    h = jax.ops.segment_sum(m, dst, num_segments=num_dst) # [num_dst, out]
    return h + bias


def reference(node_ids, src1, dst1, etype1, norm1, src2, dst2, etype2, norm2,
              emb, basis1, coeff1, bias1, basis2, coeff2, bias2):
    # x = self.emb(g[0].srcdata[dgl.NID])
    x = jnp.take(emb, node_ids, axis=0)                   # [N1, H]
    # h = relu(conv1(g[0], x, etype, norm))
    h = jax.nn.relu(_rel_graph_conv(x, src1, dst1, etype1, norm1,
                                    basis1, coeff1, bias1, N2))
    # h = conv2(g[1], h, etype, norm)
    h = _rel_graph_conv(h, src2, dst2, etype2, norm2,
                        basis2, coeff2, bias2, N3)
    return h

if __name__ == "__main__":
    import jax
    _d = setup_inputs()
    print(jax.jit(kernel)(*tuple(_d.values())))

</pallas_src>

<mosaic_0001>
#map = affine_map<(d0, d1) -> (0, 0)>
#map1 = affine_map<(d0, d1) -> (0)>
module attributes {stable_mosaic.version = 14 : i64} {
  func.func @k(%arg0: i32, %arg1: i32, %arg2: memref<100000x128xf32, #tpu.memory_space<hbm>>, %arg3: memref<10240xi32, #tpu.memory_space<hbm>>, %arg4: memref<10240x128xf32, #tpu.memory_space<hbm>>, %arg5: memref<320xi32, #tpu.memory_space<vmem>>, %arg6: memref<320x128xf32, #tpu.memory_space<vmem>>, %arg7: memref<!tpu.dma_semaphore, #tpu.memory_space<semaphore_mem>>) attributes {dimension_semantics = [#tpu.dimension_semantics<core_parallel>, #tpu.dimension_semantics<subcore_parallel>], iteration_bounds = array<i64: 2, 16>, scalar_prefetch = 0 : i64, scratch_operands = 3 : i64, tpu.core_type = #tpu.core_type<sc_vector_subcore>, window_params = [{transform_indices = #map}, {transform_indices = #map1}, {transform_indices = #map}]} {
    %mul3A = arith.constant 2 : i32
    %mul3A_0 = arith.muli %arg1, %mul3A : i32
    %add3A = arith.addi %mul3A_0, %arg0 : i32
    %mul3A_1 = arith.constant 320 : i32
    %mul3A_2 = arith.muli %add3A, %mul3A_1 : i32
    "tpu.region"() ({
      %run_scoped3A = tpu.sem_alloc : memref<!tpu.dma_semaphore, #tpu.memory_space<semaphore_mem>>
      %dma_start3A_7 = tpu.memref_slice %arg3[%mul3A_2] : memref<10240xi32, #tpu.memory_space<hbm>> -> memref<320xi32, #tpu.memory_space<hbm>>
      %dma_start3A_8 = tpu.memref_slice %arg3[%mul3A_2] : memref<10240xi32, #tpu.memory_space<hbm>> -> memref<320xi32, #tpu.memory_space<hbm>>
      tpu.enqueue_dma source(%dma_start3A_8 : memref<320xi32, #tpu.memory_space<hbm>>) target(%arg5 : memref<320xi32, #tpu.memory_space<vmem>>) target_semaphore(%run_scoped3A : memref<!tpu.dma_semaphore, #tpu.memory_space<semaphore_mem>>)
      %dma_wait3A_9 = tpu.memref_slice %arg3[%mul3A_2] : memref<10240xi32, #tpu.memory_space<hbm>> -> memref<320xi32, #tpu.memory_space<hbm>>
      %dma_wait3A_10 = tpu.memref_slice %arg3[%mul3A_2] : memref<10240xi32, #tpu.memory_space<hbm>> -> memref<320xi32, #tpu.memory_space<hbm>>
      tpu.wait_dma2 semaphore(%run_scoped3A : memref<!tpu.dma_semaphore, #tpu.memory_space<semaphore_mem>>) src(%dma_wait3A_10 : memref<320xi32, #tpu.memory_space<hbm>>) dst(%arg5 : memref<320xi32, #tpu.memory_space<vmem>>)
      tpu.yield
    }) : () -> ()
    %dma_start3A = arith.constant 0 : i32
    %dma_start3A_3 = arith.constant 0 : i32
    %dma_start3A_4 = tpu.memref_slice %arg2[%dma_start3A, %dma_start3A_3] : memref<100000x128xf32, #tpu.memory_space<hbm>> -> memref<100000x128xf32, #tpu.memory_space<hbm>>
    tpu.enqueue_indirect_dma source(%dma_start3A_4 : memref<100000x128xf32, #tpu.memory_space<hbm>>) target(%arg6 : memref<320x128xf32, #tpu.memory_space<vmem>>) offsets(%arg5 : memref<320xi32, #tpu.memory_space<vmem>>) semaphore(%arg7 : memref<!tpu.dma_semaphore, #tpu.memory_space<semaphore_mem>>)
    %dma_wait3A = arith.constant 0 : i32
    %dma_wait3A_5 = arith.constant 0 : i32
    %dma_wait3A_6 = tpu.memref_slice %arg2[%dma_wait3A, %dma_wait3A_5] : memref<100000x128xf32, #tpu.memory_space<hbm>> -> memref<100000x128xf32, #tpu.memory_space<hbm>>
    tpu.wait_indirect_dma semaphore(%arg7 : memref<!tpu.dma_semaphore, #tpu.memory_space<semaphore_mem>>) src(%dma_wait3A_6 : memref<100000x128xf32, #tpu.memory_space<hbm>>) dst(%arg6 : memref<320x128xf32, #tpu.memory_space<vmem>>)
    "tpu.region"() ({
      %run_scoped3A = tpu.sem_alloc : memref<!tpu.dma_semaphore, #tpu.memory_space<semaphore_mem>>
      %dma_start3A_7 = arith.constant 0 : i32
      %dma_start3A_8 = tpu.memref_slice %arg4[%mul3A_2, %dma_start3A_7] : memref<10240x128xf32, #tpu.memory_space<hbm>> -> memref<320x128xf32, #tpu.memory_space<hbm>>
      %dma_start3A_9 = arith.constant 0 : i32
      %dma_start3A_10 = tpu.memref_slice %arg4[%mul3A_2, %dma_start3A_9] : memref<10240x128xf32, #tpu.memory_space<hbm>> -> memref<320x128xf32, #tpu.memory_space<hbm>>
      tpu.enqueue_dma source(%arg6 : memref<320x128xf32, #tpu.memory_space<vmem>>) target(%dma_start3A_10 : memref<320x128xf32, #tpu.memory_space<hbm>>) target_semaphore(%run_scoped3A : memref<!tpu.dma_semaphore, #tpu.memory_space<semaphore_mem>>)
      %dma_wait3A_11 = arith.constant 0 : i32
      %dma_wait3A_12 = tpu.memref_slice %arg4[%mul3A_2, %dma_wait3A_11] : memref<10240x128xf32, #tpu.memory_space<hbm>> -> memref<320x128xf32, #tpu.memory_space<hbm>>
      %dma_wait3A_13 = arith.constant 0 : i32
      %dma_wait3A_14 = tpu.memref_slice %arg4[%mul3A_2, %dma_wait3A_13] : memref<10240x128xf32, #tpu.memory_space<hbm>> -> memref<320x128xf32, #tpu.memory_space<hbm>>
      tpu.wait_dma2 semaphore(%run_scoped3A : memref<!tpu.dma_semaphore, #tpu.memory_space<semaphore_mem>>) src(%arg6 : memref<320x128xf32, #tpu.memory_space<vmem>>) dst(%dma_wait3A_14 : memref<320x128xf32, #tpu.memory_space<hbm>>)
      tpu.yield
    }) : () -> ()
    return
  }
}

#map = affine_map<(d0, d1) -> (0, 0)>
#map1 = affine_map<(d0, d1) -> (0)>
#map2 = affine_map<(d0, d1) -> (0, 0, 0, 0)>
module attributes {stable_mosaic.version = 14 : i64} {
  func.func @k(%arg0: i32, %arg1: i32, %arg2: memref<10000x1024xf32, #tpu.memory_space<hbm>>, %arg3: memref<320512xi32, #tpu.memory_space<hbm>>, %arg4: memref<320512xi32, #tpu.memory_space<hbm>>, %arg5: memref<32x313x2x32xi32, #tpu.memory_space<hbm>>, %arg6: memref<512xf32, #tpu.memory_space<hbm>>, %arg7: memref<320x128xf32, #tpu.memory_space<hbm>>, %arg8: memref<10240x128xf32, #tpu.memory_space<hbm>>, %arg9: memref<10016xi32, #tpu.memory_space<vmem>>, %arg10: memref<2x32xi32, #tpu.memory_space<vmem>>, %arg11: memref<2x32xi32, #tpu.memory_space<vmem>>, %arg12: memref<32xi32, #tpu.memory_space<vmem>>, %arg13: memref<32xi32, #tpu.memory_space<vmem>>, %arg14: memref<32xi32, #tpu.memory_space<vmem>>, %arg15: memref<32xi32, #tpu.memory_space<vmem>>, %arg16: memref<32x1024xf32, #tpu.memory_space<vmem>>, %arg17: memref<32x1024xf32, #tpu.memory_space<vmem>>, %arg18: memref<32x128xf32, #tpu.memory_space<vmem>>, %arg19: memref<32x128xf32, #tpu.memory_space<vmem>>, %arg20: memref<512xf32, #tpu.memory_space<vmem>>, %arg21: memref<5120x128xf32, #tpu.memory_space<vmem_shared>>, %arg22: memref<!tpu.dma_semaphore, #tpu.memory_space<semaphore_mem>>, %arg23: memref<!tpu.dma_semaphore, #tpu.memory_space<semaphore_mem>>, %arg24: memref<!tpu.dma_semaphore, #tpu.memory_space<semaphore_mem>>, %arg25: memref<!tpu.dma_semaphore, #tpu.memory_space<semaphore_mem>>, %arg26: memref<!tpu.dma_semaphore, #tpu.memory_space<semaphore_mem>>, %arg27: memref<!tpu.dma_semaphore, #tpu.memory_space<semaphore_mem>>, %arg28: memref<!tpu.dma_semaphore, #tpu.memory_space<semaphore_mem>>, %arg29: memref<!tpu.dma_semaphore, #tpu.memory_space<semaphore_mem>>) attributes {dimension_semantics = [#tpu.dimension_semantics<core_parallel>, #tpu.dimension_semantics<subcore_parallel>], iteration_bounds = array<i64: 2, 16>, scalar_prefetch = 0 : i64, scratch_operands = 21 : i64, tpu.core_type = #tpu.core_type<sc_vector_subcore>, window_params = [{transform_indices = #map}, {transform_indices = #map1}, {transform_indices = #map1}, {transform_indices = #map2}, {transform_indices = #map1}, {transform_indices = #map}, {transform_indices = #map}]} {
    %mul3A = arith.constant 16 : i32
    %mul3A_0 = arith.muli %arg0, %mul3A : i32
    %add3A = arith.addi %mul3A_0, %arg1 : i32
    %mul3A_1 = arith.constant 320 : i32
    %mul3A_2 = arith.muli %arg1, %mul3A_1 : i32
    "tpu.region"() ({
      %run_scoped3A_87 = tpu.sem_alloc : memref<!tpu.dma_semaphore, #tpu.memory_space<semaphore_mem>>
      %dma_start3A_88 = arith.constant 0 : i32
      %dma_start3A_89 = tpu.memref_slice %arg21[%mul3A_2, %dma_start3A_88] : memref<5120x128xf32, #tpu.memory_space<vmem_shared>> -> memref<320x128xf32, #tpu.memory_space<vmem_shared>>
      tpu.enqueue_dma source(%arg7 : memref<320x128xf32, #tpu.memory_space<hbm>>) target(%dma_start3A_89 : memref<320x128xf32, #tpu.memory_space<vmem_shared>>) target_semaphore(%run_scoped3A_87 : memref<!tpu.dma_semaphore, #tpu.memory_space<semaphore_mem>>)
      %dma_wait3A_90 = arith.constant 0 : i32
      %dma_wait3A_91 = tpu.memref_slice %arg21[%mul3A_2, %dma_wait3A_90] : memref<5120x128xf32, #tpu.memory_space<vmem_shared>> -> memref<320x128xf32, #tpu.memory_space<vmem_shared>>
      tpu.wait_dma2 semaphore(%run_scoped3A_87 : memref<!tpu.dma_semaphore, #tpu.memory_space<semaphore_mem>>) src(%arg7 : memref<320x128xf32, #tpu.memory_space<hbm>>) dst(%dma_wait3A_91 : memref<320x128xf32, #tpu.memory_space<vmem_shared>>)
      tpu.yield
    }) : () -> ()
    "tpu.region"() ({
      %run_scoped3A_87 = tpu.sem_alloc : memref<!tpu.dma_semaphore, #tpu.memory_space<semaphore_mem>>
      tpu.enqueue_dma source(%arg6 : memref<512xf32, #tpu.memory_space<hbm>>) target(%arg20 : memref<512xf32, #tpu.memory_space<vmem>>) target_semaphore(%run_scoped3A_87 : memref<!tpu.dma_semaphore, #tpu.memory_space<semaphore_mem>>)
      tpu.wait_dma2 semaphore(%run_scoped3A_87 : memref<!tpu.dma_semaphore, #tpu.memory_space<semaphore_mem>>) src(%arg6 : memref<512xf32, #tpu.memory_space<hbm>>) dst(%arg20 : memref<512xf32, #tpu.memory_space<vmem>>)
      tpu.yield
    }) : () -> ()
    %mul3A_3 = arith.constant 10016 : i32
    %mul3A_4 = arith.muli %add3A, %mul3A_3 : i32
    "tpu.region"() ({
      %run_scoped3A_87 = tpu.sem_alloc : memref<!tpu.dma_semaphore, #tpu.memory_space<semaphore_mem>>
      %dma_start3A_88 = tpu.memref_slice %arg3[%mul3A_4] : memref<320512xi32, #tpu.memory_space<hbm>> -> memref<10016xi32, #tpu.memory_space<hbm>>
      %dma_start3A_89 = tpu.memref_slice %arg3[%mul3A_4] : memref<320512xi32, #tpu.memory_space<hbm>> -> memref<10016xi32, #tpu.memory_space<hbm>>
      tpu.enqueue_dma source(%dma_start3A_89 : memref<10016xi32, #tpu.memory_space<hbm>>) target(%arg9 : memref<10016xi32, #tpu.memory_space<vmem>>) target_semaphore(%run_scoped3A_87 : memref<!tpu.dma_semaphore, #tpu.memory_space<semaphore_mem>>)
      %dma_wait3A_90 = tpu.memref_slice %arg3[%mul3A_4] : memref<320512xi32, #tpu.memory_space<hbm>> -> memref<10016xi32, #tpu.memory_space<hbm>>
      %dma_wait3A_91 = tpu.memref_slice %arg3[%mul3A_4] : memref<320512xi32, #tpu.memory_space<hbm>> -> memref<10016xi32, #tpu.memory_space<hbm>>
      tpu.wait_dma2 semaphore(%run_scoped3A_87 : memref<!tpu.dma_semaphore, #tpu.memory_space<semaphore_mem>>) src(%dma_wait3A_91 : memref<10016xi32, #tpu.memory_space<hbm>>) dst(%arg9 : memref<10016xi32, #tpu.memory_space<vmem>>)
      tpu.yield
    }) : () -> ()
    %run_scoped3A = arith.constant 0 : i32
    "tpu.region"() ({
      %run_scoped3A_87 = tpu.sem_alloc : memref<!tpu.dma_semaphore, #tpu.memory_space<semaphore_mem>>
      %dma_start3A_88 = arith.constant 0 : i32
      %dma_start3A_89 = arith.constant 0 : i32
      %dma_start3A_90 = tpu.memref_slice %arg5[%add3A, %run_scoped3A, %dma_start3A_88, %dma_start3A_89] : memref<32x313x2x32xi32, #tpu.memory_space<hbm>> -> memref<1x1x2x32xi32, #tpu.memory_space<hbm>>
      %dma_start3A_91 = tpu.memref_squeeze %dma_start3A_90 : memref<1x1x2x32xi32, #tpu.memory_space<hbm>> -> memref<2x32xi32, #tpu.memory_space<hbm>>
      %dma_start3A_92 = arith.constant 0 : i32
      %dma_start3A_93 = arith.constant 0 : i32
      %dma_start3A_94 = tpu.memref_slice %arg5[%add3A, %run_scoped3A, %dma_start3A_92, %dma_start3A_93] : memref<32x313x2x32xi32, #tpu.memory_space<hbm>> -> memref<1x1x2x32xi32, #tpu.memory_space<hbm>>
      %dma_start3A_95 = tpu.memref_squeeze %dma_start3A_94 : memref<1x1x2x32xi32, #tpu.memory_space<hbm>> -> memref<2x32xi32, #tpu.memory_space<hbm>>
      tpu.enqueue_dma source(%dma_start3A_95 : memref<2x32xi32, #tpu.memory_space<hbm>>) target(%arg10 : memref<2x32xi32, #tpu.memory_space<vmem>>) target_semaphore(%run_scoped3A_87 : memref<!tpu.dma_semaphore, #tpu.memory_space<semaphore_mem>>)
      %dma_wait3A_96 = arith.constant 0 : i32
      %dma_wait3A_97 = arith.constant 0 : i32
      %dma_wait3A_98 = tpu.memref_slice %arg5[%add3A, %run_scoped3A, %dma_wait3A_96, %dma_wait3A_97] : memref<32x313x2x32xi32, #tpu.memory_space<hbm>> -> memref<1x1x2x32xi32, #tpu.memory_space<hbm>>
      %dma_wait3A_99 = tpu.memref_squeeze %dma_wait3A_98 : memref<1x1x2x32xi32, #tpu.memory_space<hbm>> -> memref<2x32xi32, #tpu.memory_space<hbm>>
      %dma_wait3A_100 = arith.constant 0 : i32
      %dma_wait3A_101 = arith.constant 0 : i32
      %dma_wait3A_102 = tpu.memref_slice %arg5[%add3A, %run_scoped3A, %dma_wait3A_100, %dma_wait3A_101] : memref<32x313x2x32xi32, #tpu.memory_space<hbm>> -> memref<1x1x2x32xi32, #tpu.memory_space<hbm>>
      %dma_wait3A_103 = tpu.memref_squeeze %dma_wait3A_102 : memref<1x1x2x32xi32, #tpu.memory_space<hbm>> -> memref<2x32xi32, #tpu.memory_space<hbm>>
      tpu.wait_dma2 semaphore(%run_scoped3A_87 : memref<!tpu.dma_semaphore, #tpu.memory_space<semaphore_mem>>) src(%dma_wait3A_103 : memref<2x32xi32, #tpu.memory_space<hbm>>) dst(%arg10 : memref<2x32xi32, #tpu.memory_space<vmem>>)
      tpu.yield
    }) : () -> ()
    %barrier3A = arith.constant 0 : index
    tpu.barrier barrier_id(%barrier3A)
    %get3A = arith.constant 0 : index
    %get3A_5 = tpu.vector_load %arg9[%get3A] {strides = array<i32>} : memref<10016xi32, #tpu.memory_space<vmem>>, vector<16xi32>,
    %swap3A = arith.constant 0 : index
    %swap3A_6 = tpu.vector_load %arg14[%swap3A] {strides = array<i32>} : memref<32xi32, #tpu.memory_space<vmem>>, vector<16xi32>,
    tpu.vector_store %arg14[%swap3A], %get3A_5 {strides = array<i32>} : memref<32xi32, #tpu.memory_space<vmem>>, vector<16xi32>,
    %get3A_7 = arith.constant 16 : index
    %get3A_8 = tpu.vector_load %arg9[%get3A_7] {strides = array<i32>} : memref<10016xi32, #tpu.memory_space<vmem>>, vector<16xi32>,
    %swap3A_9 = arith.constant 16 : index
    %swap3A_10 = tpu.vector_load %arg14[%swap3A_9] {strides = array<i32>} : memref<32xi32, #tpu.memory_space<vmem>>, vector<16xi32>,
    tpu.vector_store %arg14[%swap3A_9], %get3A_8 {strides = array<i32>} : memref<32xi32, #tpu.memory_space<vmem>>, vector<16xi32>,
    %dma_start3A = arith.constant 0 : i32
    %dma_start3A_11 = arith.constant 0 : i32
    %dma_start3A_12 = tpu.memref_slice %arg2[%dma_start3A, %dma_start3A_11] : memref<10000x1024xf32, #tpu.memory_space<hbm>> -> memref<10000x1024xf32, #tpu.memory_space<hbm>>
    tpu.enqueue_indirect_dma source(%dma_start3A_12 : memref<10000x1024xf32, #tpu.memory_space<hbm>>) target(%arg16 : memref<32x1024xf32, #tpu.memory_space<vmem>>) offsets(%arg14 : memref<32xi32, #tpu.memory_space<vmem>>) semaphore(%arg22 : memref<!tpu.dma_semaphore, #tpu.memory_space<semaphore_mem>>)
    %scan3A = arith.constant 0 : i32
    %scan3A_13 = arith.constant 0 : i32
    %scan3A_14 = arith.constant 156 : i32
    %scan3A_15 = arith.addi %scan3A_13, %scan3A_14 : i32
    %scan3A_16 = arith.constant 1 : i32
    scf.for %scan3A_87 = %scan3A_13 to %scan3A_15 step %scan3A_16  : i32 {
      %mul3A_88 = arith.constant 2 : i32
      %mul3A_89 = arith.muli %mul3A_88, %scan3A_87 : i32
      %dma_wait3A_90 = arith.constant 0 : i32
      %dma_wait3A_91 = arith.constant 0 : i32
      %dma_wait3A_92 = tpu.memref_slice %arg2[%dma_wait3A_90, %dma_wait3A_91] : memref<10000x1024xf32, #tpu.memory_space<hbm>> -> memref<32x1024xf32, #tpu.memory_space<hbm>>
      %dma_wait3A_93 = arith.constant 0 : i32
      %dma_wait3A_94 = arith.constant 0 : i32
      %dma_wait3A_95 = tpu.memref_slice %arg2[%dma_wait3A_93, %dma_wait3A_94] : memref<10000x1024xf32, #tpu.memory_space<hbm>> -> memref<32x1024xf32, #tpu.memory_space<hbm>>
      tpu.wait_dma2 semaphore(%arg22 : memref<!tpu.dma_semaphore, #tpu.memory_space<semaphore_mem>>) src(%dma_wait3A_95 : memref<32x1024xf32, #tpu.memory_space<hbm>>) dst(%arg16 : memref<32x1024xf32, #tpu.memory_space<vmem>>)
      %add3A_96 = arith.constant 1 : i32
      %add3A_97 = arith.addi %mul3A_89, %add3A_96 : i32
      %mul3A_98 = arith.constant 32 : i32
      %mul3A_99 = arith.muli %add3A_97, %mul3A_98 : i32
      %add3A_100 = arith.constant 0 : i32
      %add3A_101 = arith.addi %mul3A_99, %add3A_100 : i32
      %get3A_102 = arith.index_cast %add3A_101 : i32 to index
      %get3A_103 = tpu.vector_load %arg9[%get3A_102] {strides = array<i32>} : memref<10016xi32, #tpu.memory_space<vmem>>, vector<16xi32>,
      %swap3A_104 = arith.constant 0 : index
      %swap3A_105 = tpu.vector_load %arg15[%swap3A_104] {strides = array<i32>} : memref<32xi32, #tpu.memory_space<vmem>>, vector<16xi32>,
      tpu.vector_store %arg15[%swap3A_104], %get3A_103 {strides = array<i32>} : memref<32xi32, #tpu.memory_space<vmem>>, vector<16xi32>,
      %mul3A_106 = arith.constant 32 : i32
      %mul3A_107 = arith.muli %add3A_97, %mul3A_106 : i32
      %add3A_108 = arith.constant 16 : i32
      %add3A_109 = arith.addi %mul3A_107, %add3A_108 : i32
      %get3A_110 = arith.index_cast %add3A_109 : i32 to index
      %get3A_111 = tpu.vector_load %arg9[%get3A_110] {strides = array<i32>} : memref<10016xi32, #tpu.memory_space<vmem>>, vector<16xi32>,
      %swap3A_112 = arith.constant 16 : index
      %swap3A_113 = tpu.vector_load %arg15[%swap3A_112] {strides = array<i32>} : memref<32xi32, #tpu.memory_space<vmem>>, vector<16xi32>,
      tpu.vector_store %arg15[%swap3A_112], %get3A_111 {strides = array<i32>} : memref<32xi32, #tpu.memory_space<vmem>>, vector<16xi32>,
      %dma_start3A_114 = arith.constant 0 : i32
      %dma_start3A_115 = arith.constant 0 : i32
      %dma_start3A_116 = tpu.memref_slice %arg2[%dma_start3A_114, %dma_start3A_115] : memref<10000x1024xf32, #tpu.memory_space<hbm>> -> memref<10000x1024xf32, #tpu.memory_space<hbm>>
      tpu.enqueue_indirect_dma source(%dma_start3A_116 : memref<10000x1024xf32, #tpu.memory_space<hbm>>) target(%arg17 : memref<32x1024xf32, #tpu.memory_space<vmem>>) offsets(%arg15 : memref<32xi32, #tpu.memory_space<vmem>>) semaphore(%arg23 : memref<!tpu.dma_semaphore, #tpu.memory_space<semaphore_mem>>)
      %gt3A = arith.constant 0 : i32
      %gt3A_117 = arith.cmpi sgt, %scan3A_87, %gt3A : i32
      %convert_element_type3A = arith.extui %gt3A_117 : i1 to i32
      %cond3A = arith.constant 0 : i32
      %cond3A_118 = arith.cmpi ne, %convert_element_type3A, %cond3A : i32
      scf.if %cond3A_118 {
        %dma_wait3A_229 = arith.constant 0 : i32
        %dma_wait3A_230 = arith.constant 0 : i32
        %dma_wait3A_231 = tpu.memref_slice %arg21[%dma_wait3A_229, %dma_wait3A_230] : memref<5120x128xf32, #tpu.memory_space<vmem_shared>> -> memref<5120x128xf32, #tpu.memory_space<vmem_shared>>
        tpu.wait_indirect_dma semaphore(%arg26 : memref<!tpu.dma_semaphore, #tpu.memory_space<semaphore_mem>>) src(%arg18 : memref<32x128xf32, #tpu.memory_space<vmem>>) dst(%dma_wait3A_231 : memref<5120x128xf32, #tpu.memory_space<vmem_shared>>)
      } else {
      }
      %mul3A_119 = arith.constant 10016 : i32
      %mul3A_120 = arith.muli %add3A, %mul3A_119 : i32
      %mul3A_121 = arith.constant 32 : i32
      %mul3A_122 = arith.muli %mul3A_89, %mul3A_121 : i32
      %add3A_123 = arith.addi %mul3A_120, %mul3A_122 : i32
      %dma_start3A_124 = tpu.memref_slice %arg4[%add3A_123] : memref<320512xi32, #tpu.memory_space<hbm>> -> memref<32xi32, #tpu.memory_space<hbm>>
      %dma_start3A_125 = tpu.memref_slice %arg4[%add3A_123] : memref<320512xi32, #tpu.memory_space<hbm>> -> memref<32xi32, #tpu.memory_space<hbm>>
      tpu.enqueue_dma source(%dma_start3A_125 : memref<32xi32, #tpu.memory_space<hbm>>) target(%arg12 : memref<32xi32, #tpu.memory_space<vmem>>) target_semaphore(%arg24 : memref<!tpu.dma_semaphore, #tpu.memory_space<semaphore_mem>>)
      %add3A_126 = arith.constant 1 : i32
      %add3A_127 = arith.addi %mul3A_89, %add3A_126 : i32
      %min3A_128 = arith.constant 312 : i32
      %min3A_129 = arith.minsi %add3A_127, %min3A_128 : i32
      %dma_start3A_130 = arith.constant 0 : i32
      %dma_start3A_131 = arith.constant 0 : i32
      %dma_start3A_132 = tpu.memref_slice %arg5[%add3A, %min3A_129, %dma_start3A_130, %dma_start3A_131] : memref<32x313x2x32xi32, #tpu.memory_space<hbm>> -> memref<1x1x2x32xi32, #tpu.memory_space<hbm>>
      %dma_start3A_133 = tpu.memref_squeeze %dma_start3A_132 : memref<1x1x2x32xi32, #tpu.memory_space<hbm>> -> memref<2x32xi32, #tpu.memory_space<hbm>>
      %dma_start3A_134 = arith.constant 0 : i32
      %dma_start3A_135 = arith.constant 0 : i32
      %dma_start3A_136 = tpu.memref_slice %arg5[%add3A, %min3A_129, %dma_start3A_134, %dma_start3A_135] : memref<32x313x2x32xi32, #tpu.memory_space<hbm>> -> memref<1x1x2x32xi32, #tpu.memory_space<hbm>>
      %dma_start3A_137 = tpu.memref_squeeze %dma_start3A_136 : memref<1x1x2x32xi32, #tpu.memory_space<hbm>> -> memref<2x32xi32, #tpu.memory_space<hbm>>
      tpu.enqueue_dma source(%dma_start3A_137 : memref<2x32xi32, #tpu.memory_space<hbm>>) target(%arg11 : memref<2x32xi32, #tpu.memory_space<vmem>>) target_semaphore(%arg29 : memref<!tpu.dma_semaphore, #tpu.memory_space<semaphore_mem>>)
      %gt3A_138 = arith.constant 0 : i32
      %gt3A_139 = arith.cmpi sgt, %mul3A_89, %gt3A_138 : i32
      %convert_element_type3A_140 = arith.extui %gt3A_139 : i1 to i32
      %cond3A_141 = arith.constant 0 : i32
      %cond3A_142 = arith.cmpi ne, %convert_element_type3A_140, %cond3A_141 : i32
      scf.if %cond3A_142 {
        %dma_wait3A_229 = arith.constant 0 : i32
        %dma_wait3A_230 = arith.constant 0 : i32
        %dma_wait3A_231 = arith.constant 0 : i32
        %dma_wait3A_232 = tpu.memref_slice %arg5[%add3A, %dma_wait3A_229, %dma_wait3A_230, %dma_wait3A_231] : memref<32x313x2x32xi32, #tpu.memory_space<hbm>> -> memref<1x1x2x32xi32, #tpu.memory_space<hbm>>
        %dma_wait3A_233 = tpu.memref_squeeze %dma_wait3A_232 : memref<1x1x2x32xi32, #tpu.memory_space<hbm>> -> memref<2x32xi32, #tpu.memory_space<hbm>>
        %dma_wait3A_234 = arith.constant 0 : i32
        %dma_wait3A_235 = arith.constant 0 : i32
        %dma_wait3A_236 = tpu.memref_slice %arg5[%add3A, %dma_wait3A_229, %dma_wait3A_234, %dma_wait3A_235] : memref<32x313x2x32xi32, #tpu.memory_space<hbm>> -> memref<1x1x2x32xi32, #tpu.memory_space<hbm>>
        %dma_wait3A_237 = tpu.memref_squeeze %dma_wait3A_236 : memref<1x1x2x32xi32, #tpu.memory_space<hbm>> -> memref<2x32xi32, #tpu.memory_space<hbm>>
        tpu.wait_dma2 semaphore(%arg28 : memref<!tpu.dma_semaphore, #tpu.memory_space<semaphore_mem>>) src(%dma_wait3A_237 : memref<2x32xi32, #tpu.memory_space<hbm>>) dst(%arg10 : memref<2x32xi32, #tpu.memory_space<vmem>>)
      } else {
      }
      %scan3A_143 = arith.constant 0 : i32
      %scan3A_144 = arith.constant 0 : i32
      %scan3A_145 = arith.constant 32 : i32
      %scan3A_146 = arith.addi %scan3A_144, %scan3A_145 : i32
      %scan3A_147 = arith.constant 1 : i32
      scf.for %scan3A_229 = %scan3A_144 to %scan3A_146 step %scan3A_147  : i32 {
        %broadcast_in_dim3A = arith.constant 0 : i32
        %broadcast_in_dim3A_230 = vector.broadcast %broadcast_in_dim3A : i32 to vector<16xi32>
        %add3A_231 = vector.broadcast %scan3A_229 : i32 to vector<16xi32>
        %add3A_232 = arith.addi %broadcast_in_dim3A_230, %add3A_231 : vector<16xi32>
        %mul3A_233 = arith.constant 0 : i32
        %mul3A_234 = vector.broadcast %mul3A_233 : i32 to vector<16xi32>
        %mul3A_235 = arith.muli %add3A_232, %mul3A_234 : vector<16xi32>
        %gather3A = tpu.vector_load_idx %arg10[%mul3A_235, %add3A_232] : memref<2x32xi32, #tpu.memory_space<vmem>>[vector<16xi32>, vector<16xi32>], vector<16xi32>,
        %mul3A_236 = arith.constant 0 : i32
        %mul3A_237 = vector.broadcast %mul3A_236 : i32 to vector<16xi32>
        %mul3A_238 = arith.muli %add3A_232, %mul3A_237 : vector<16xi32>
        %add3A_239 = arith.constant 1 : i32
        %add3A_240 = vector.broadcast %add3A_239 : i32 to vector<16xi32>
        %add3A_241 = arith.addi %mul3A_238, %add3A_240 : vector<16xi32>
        %gather3A_242 = tpu.vector_load_idx %arg10[%add3A_241, %add3A_232] : memref<2x32xi32, #tpu.memory_space<vmem>>[vector<16xi32>, vector<16xi32>], vector<16xi32>,
        %bitcast3A = vector.bitcast %gather3A_242 : vector<16xi32> to vector<16xf32>
        %broadcast_in_dim3A_243 = arith.constant 0.000000e+00 : f32
        %broadcast_in_dim3A_244 = vector.broadcast %broadcast_in_dim3A_243 : f32 to vector<16xf32>
        %broadcast_in_dim3A_245 = arith.constant 0.000000e+00 : f32
        %broadcast_in_dim3A_246 = vector.broadcast %broadcast_in_dim3A_245 : f32 to vector<16xf32>
        %broadcast_in_dim3A_247 = arith.constant 0.000000e+00 : f32
        %broadcast_in_dim3A_248 = vector.broadcast %broadcast_in_dim3A_247 : f32 to vector<16xf32>
        %broadcast_in_dim3A_249 = arith.constant 0.000000e+00 : f32
        %broadcast_in_dim3A_250 = vector.broadcast %broadcast_in_dim3A_249 : f32 to vector<16xf32>
        %broadcast_in_dim3A_251 = arith.constant 0.000000e+00 : f32
        %broadcast_in_dim3A_252 = vector.broadcast %broadcast_in_dim3A_251 : f32 to vector<16xf32>
        %broadcast_in_dim3A_253 = arith.constant 0.000000e+00 : f32
        %broadcast_in_dim3A_254 = vector.broadcast %broadcast_in_dim3A_253 : f32 to vector<16xf32>
        %broadcast_in_dim3A_255 = arith.constant 0.000000e+00 : f32
        %broadcast_in_dim3A_256 = vector.broadcast %broadcast_in_dim3A_255 : f32 to vector<16xf32>
        %broadcast_in_dim3A_257 = arith.constant 0.000000e+00 : f32
        %broadcast_in_dim3A_258 = vector.broadcast %broadcast_in_dim3A_257 : f32 to vector<16xf32>
        %mul3A_259 = arith.constant 8 : i32
        %mul3A_260 = vector.broadcast %mul3A_259 : i32 to vector<16xi32>
        %mul3A_261 = arith.muli %gather3A, %mul3A_260 : vector<16xi32>
        %add3A_262 = arith.constant 0 : i32
        %add3A_263 = vector.broadcast %add3A_262 : i32 to vector<16xi32>
        %add3A_264 = arith.addi %mul3A_261, %add3A_263 : vector<16xi32>
        %gather3A_265 = tpu.vector_load_idx %arg20[%add3A_264] : memref<512xf32, #tpu.memory_space<vmem>>[vector<16xi32>], vector<16xf32>,
        %get3A_266 = arith.index_cast %scan3A_229 : i32 to index
        %get3A_267 = arith.constant 0 : index
        %get3A_268 = tpu.vector_load %arg16[%get3A_266, %get3A_267] {strides = array<i32>} : memref<32x1024xf32, #tpu.memory_space<vmem>>, vector<16xf32>,
        %mul3A_269 = arith.mulf %gather3A_265, %get3A_268 : vector<16xf32>
        %add3A_270 = arith.addf %broadcast_in_dim3A_244, %mul3A_269 : vector<16xf32>
        %get3A_271 = arith.index_cast %scan3A_229 : i32 to index
        %get3A_272 = arith.constant 16 : index
        %get3A_273 = tpu.vector_load %arg16[%get3A_271, %get3A_272] {strides = array<i32>} : memref<32x1024xf32, #tpu.memory_space<vmem>>, vector<16xf32>,
        %mul3A_274 = arith.mulf %gather3A_265, %get3A_273 : vector<16xf32>
        %add3A_275 = arith.addf %broadcast_in_dim3A_246, %mul3A_274 : vector<16xf32>
        %get3A_276 = arith.index_cast %scan3A_229 : i32 to index
        %get3A_277 = arith.constant 32 : index
        %get3A_278 = tpu.vector_load %arg16[%get3A_276, %get3A_277] {strides = array<i32>} : memref<32x1024xf32, #tpu.memory_space<vmem>>, vector<16xf32>,
        %mul3A_279 = arith.mulf %gather3A_265, %get3A_278 : vector<16xf32>
        %add3A_280 = arith.addf %broadcast_in_dim3A_248, %mul3A_279 : vector<16xf32>
        %get3A_281 = arith.index_cast %scan3A_229 : i32 to index
        %get3A_282 = arith.constant 48 : index
        %get3A_283 = tpu.vector_load %arg16[%get3A_281, %get3A_282] {strides = array<i32>} : memref<32x1024xf32, #tpu.memory_space<vmem>>, vector<16xf32>,
        %mul3A_284 = arith.mulf %gather3A_265, %get3A_283 : vector<16xf32>
        %add3A_285 = arith.addf %broadcast_in_dim3A_250, %mul3A_284 : vector<16xf32>
        %get3A_286 = arith.index_cast %scan3A_229 : i32 to index
        %get3A_287 = arith.constant 64 : index
        %get3A_288 = tpu.vector_load %arg16[%get3A_286, %get3A_287] {strides = array<i32>} : memref<32x1024xf32, #tpu.memory_space<vmem>>, vector<16xf32>,
        %mul3A_289 = arith.mulf %gather3A_265, %get3A_288 : vector<16xf32>
        %add3A_290 = arith.addf %broadcast_in_dim3A_252, %mul3A_289 : vector<16xf32>
        %get3A_291 = arith.index_cast %scan3A_229 : i32 to index
        %get3A_292 = arith.constant 80 : index
        %get3A_293 = tpu.vector_load %arg16[%get3A_291, %get3A_292] {strides = array<i32>} : memref<32x1024xf32, #tpu.memory_space<vmem>>, vector<16xf32>,
        %mul3A_294 = arith.mulf %gather3A_265, %get3A_293 : vector<16xf32>
        %add3A_295 = arith.addf %broadcast_in_dim3A_254, %mul3A_294 : vector<16xf32>
        %get3A_296 = arith.index_cast %scan3A_229 : i32 to index
        %get3A_297 = arith.constant 96 : index
        %get3A_298 = tpu.vector_load %arg16[%get3A_296, %get3A_297] {strides = array<i32>} : memref<32x1024xf32, #tpu.memory_space<vmem>>, vector<16xf32>,
        %mul3A_299 = arith.mulf %gather3A_265, %get3A_298 : vector<16xf32>
        %add3A_300 = arith.addf %broadcast_in_dim3A_256, %mul3A_299 : vector<16xf32>
        %get3A_301 = arith.index_cast %scan3A_229 : i32 to index
        %get3A_302 = arith.constant 112 : index
        %get3A_303 = tpu.vector_load %arg16[%get3A_301, %get3A_302] {strides = array<i32>} : memref<32x1024xf32, #tpu.memory_space<vmem>>, vector<16xf32>,
        %mul3A_304 = arith.mulf %gather3A_265, %get3A_303 : vector<16xf32>
        %add3A_305 = arith.addf %broadcast_in_dim3A_258, %mul3A_304 : vector<16xf32>
        %mul3A_306 = arith.constant 8 : i32
        %mul3A_307 = vector.broadcast %mul3A_306 : i32 to vector<16xi32>
        %mul3A_308 = arith.muli %gather3A, %mul3A_307 : vector<16xi32>
        %add3A_309 = arith.constant 1 : i32
        %add3A_310 = vector.broadcast %add3A_309 : i32 to vector<16xi32>
        %add3A_311 = arith.addi %mul3A_308, %add3A_310 : vector<16xi32>
        %gather3A_312 = tpu.vector_load_idx %arg20[%add3A_311] : memref<512xf32, #tpu.memory_space<vmem>>[vector<16xi32>], vector<16xf32>,
        %get3A_313 = arith.index_cast %scan3A_229 : i32 to index
        %get3A_314 = arith.constant 128 : index
        %get3A_315 = tpu.vector_load %arg16[%get3A_313, %get3A_314] {strides = array<i32>} : memref<32x1024xf32, #tpu.memory_space<vmem>>, vector<16xf32>,
        %mul3A_316 = arith.mulf %gather3A_312, %get3A_315 : vector<16xf32>
        %add3A_317 = arith.addf %add3A_270, %mul3A_316 : vector<16xf32>
        %get3A_318 = arith.index_cast %scan3A_229 : i32 to index
        %get3A_319 = arith.constant 144 : index
        %get3A_320 = tpu.vector_load %arg16[%get3A_318, %get3A_319] {strides = array<i32>} : memref<32x1024xf32, #tpu.memory_space<vmem>>, vector<16xf32>,
        %mul3A_321 = arith.mulf %gather3A_312, %get3A_320 : vector<16xf32>
        %add3A_322 = arith.addf %add3A_275, %mul3A_321 : vector<16xf32>
        %get3A_323 = arith.index_cast %scan3A_229 : i32 to index
        %get3A_324 = arith.constant 160 : index
        %get3A_325 = tpu.vector_load %arg16[%get3A_323, %get3A_324] {strides = array<i32>} : memref<32x1024xf32, #tpu.memory_space<vmem>>, vector<16xf32>,
        %mul3A_326 = arith.mulf %gather3A_312, %get3A_325 : vector<16xf32>
        %add3A_327 = arith.addf %add3A_280, %mul3A_326 : vector<16xf32>
        %get3A_328 = arith.index_cast %scan3A_229 : i32 to index
        %get3A_329 = arith.constant 176 : index
        %get3A_330 = tpu.vector_load %arg16[%get3A_328, %get3A_329] {strides = array<i32>} : memref<32x1024xf32, #tpu.memory_space<vmem>>, vector<16xf32>,
        %mul3A_331 = arith.mulf %gather3A_312, %get3A_330 : vector<16xf32>
        %add3A_332 = arith.addf %add3A_285, %mul3A_331 : vector<16xf32>
        %get3A_333 = arith.index_cast %scan3A_229 : i32 to index
        %get3A_334 = arith.constant 192 : index
        %get3A_335 = tpu.vector_load %arg16[%get3A_333, %get3A_334] {strides = array<i32>} : memref<32x1024xf32, #tpu.memory_space<vmem>>, vector<16xf32>,
        %mul3A_336 = arith.mulf %gather3A_312, %get3A_335 : vector<16xf32>
        %add3A_337 = arith.addf %add3A_290, %mul3A_336 : vector<16xf32>
        %get3A_338 = arith.index_cast %scan3A_229 : i32 to index
        %get3A_339 = arith.constant 208 : index
        %get3A_340 = tpu.vector_load %arg16[%get3A_338, %get3A_339] {strides = array<i32>} : memref<32x1024xf32, #tpu.memory_space<vmem>>, vector<16xf32>,
        %mul3A_341 = arith.mulf %gather3A_312, %get3A_340 : vector<16xf32>
        %add3A_342 = arith.addf %add3A_295, %mul3A_341 : vector<16xf32>
        %get3A_343 = arith.index_cast %scan3A_229 : i32 to index
        %get3A_344 = arith.constant 224 : index
        %get3A_345 = tpu.vector_load %arg16[%get3A_343, %get3A_344] {strides = array<i32>} : memref<32x1024xf32, #tpu.memory_space<vmem>>, vector<16xf32>,
        %mul3A_346 = arith.mulf %gather3A_312, %get3A_345 : vector<16xf32>
        %add3A_347 = arith.addf %add3A_300, %mul3A_346 : vector<16xf32>
        %get3A_348 = arith.index_cast %scan3A_229 : i32 to index
        %get3A_349 = arith.constant 240 : index
        %get3A_350 = tpu.vector_load %arg16[%get3A_348, %get3A_349] {strides = array<i32>} : memref<32x1024xf32, #tpu.memory_space<vmem>>, vector<16xf32>,
        %mul3A_351 = arith.mulf %gather3A_312, %get3A_350 : vector<16xf32>
        %add3A_352 = arith.addf %add3A_305, %mul3A_351 : vector<16xf32>
        %mul3A_353 = arith.constant 8 : i32
        %mul3A_354 = vector.broadcast %mul3A_353 : i32 to vector<16xi32>
        %mul3A_355 = arith.muli %gather3A, %mul3A_354 : vector<16xi32>
        %add3A_356 = arith.constant 2 : i32
        %add3A_357 = vector.broadcast %add3A_356 : i32 to vector<16xi32>
        %add3A_358 = arith.addi %mul3A_355, %add3A_357 : vector<16xi32>
        %gather3A_359 = tpu.vector_load_idx %arg20[%add3A_358] : memref<512xf32, #tpu.memory_space<vmem>>[vector<16xi32>], vector<16xf32>,
        %get3A_360 = arith.index_cast %scan3A_229 : i32 to index
        %get3A_361 = arith.constant 256 : index
        %get3A_362 = tpu.vector_load %arg16[%get3A_360, %get3A_361] {strides = array<i32>} : memref<32x1024xf32, #tpu.memory_space<vmem>>, vector<16xf32>,
        %mul3A_363 = arith.mulf %gather3A_359, %get3A_362 : vector<16xf32>
        %add3A_364 = arith.addf %add3A_317, %mul3A_363 : vector<16xf32>
        %get3A_365 = arith.index_cast %scan3A_229 : i32 to index
        %get3A_366 = arith.constant 272 : index
        %get3A_367 = tpu.vector_load %arg16[%get3A_365, %get3A_366] {strides = array<i32>} : memref<32x1024xf32, #tpu.memory_space<vmem>>, vector<16xf32>,
        %mul3A_368 = arith.mulf %gather3A_359, %get3A_367 : vector<16xf32>
        %add3A_369 = arith.addf %add3A_322, %mul3A_368 : vector<16xf32>
        %get3A_370 = arith.index_cast %scan3A_229 : i32 to index
        %get3A_371 = arith.constant 288 : index
        %get3A_372 = tpu.vector_load %arg16[%get3A_370, %get3A_371] {strides = array<i32>} : memref<32x1024xf32, #tpu.memory_space<vmem>>, vector<16xf32>,
        %mul3A_373 = arith.mulf %gather3A_359, %get3A_372 : vector<16xf32>
        %add3A_374 = arith.addf %add3A_327, %mul3A_373 : vector<16xf32>
        %get3A_375 = arith.index_cast %scan3A_229 : i32 to index
        %get3A_376 = arith.constant 304 : index
        %get3A_377 = tpu.vector_load %arg16[%get3A_375, %get3A_376] {strides = array<i32>} : memref<32x1024xf32, #tpu.memory_space<vmem>>, vector<16xf32>,
        %mul3A_378 = arith.mulf %gather3A_359, %get3A_377 : vector<16xf32>
        %add3A_379 = arith.addf %add3A_332, %mul3A_378 : vector<16xf32>
        %get3A_380 = arith.index_cast %scan3A_229 : i32 to index
        %get3A_381 = arith.constant 320 : index
        %get3A_382 = tpu.vector_load %arg16[%get3A_380, %get3A_381] {strides = array<i32>} : memref<32x1024xf32, #tpu.memory_space<vmem>>, vector<16xf32>,
        %mul3A_383 = arith.mulf %gather3A_359, %get3A_382 : vector<16xf32>
        %add3A_384 = arith.addf %add3A_337, %mul3A_383 : vector<16xf32>
        %get3A_385 = arith.index_cast %scan3A_229 : i32 to index
        %get3A_386 = arith.constant 336 : index
        %get3A_387 = tpu.vector_load %arg16[%get3A_385, %get3A_386] {strides = array<i32>} : memref<32x1024xf32, #tpu.memory_space<vmem>>, vector<16xf32>,
        %mul3A_388 = arith.mulf %gather3A_359, %get3A_387 : vector<16xf32>
        %add3A_389 = arith.addf %add3A_342, %mul3A_388 : vector<16xf32>
        %get3A_390 = arith.index_cast %scan3A_229 : i32 to index
        %get3A_391 = arith.constant 352 : index
        %get3A_392 = tpu.vector_load %arg16[%get3A_390, %get3A_391] {strides = array<i32>} : memref<32x1024xf32, #tpu.memory_space<vmem>>, vector<16xf32>,
        %mul3A_393 = arith.mulf %gather3A_359, %get3A_392 : vector<16xf32>
        %add3A_394 = arith.addf %add3A_347, %mul3A_393 : vector<16xf32>
        %get3A_395 = arith.index_cast %scan3A_229 : i32 to index
        %get3A_396 = arith.constant 368 : index
        %get3A_397 = tpu.vector_load %arg16[%get3A_395, %get3A_396] {strides = array<i32>} : memref<32x1024xf32, #tpu.memory_space<vmem>>, vector<16xf32>,
        %mul3A_398 = arith.mulf %gather3A_359, %get3A_397 : vector<16xf32>
        %add3A_399 = arith.addf %add3A_352, %mul3A_398 : vector<16xf32>
        %mul3A_400 = arith.constant 8 : i32
        %mul3A_401 = vector.broadcast %mul3A_400 : i32 to vector<16xi32>
        %mul3A_402 = arith.muli %gather3A, %mul3A_401 : vector<16xi32>
        %add3A_403 = arith.constant 3 : i32
        %add3A_404 = vector.broadcast %add3A_403 : i32 to vector<16xi32>
        %add3A_405 = arith.addi %mul3A_402, %add3A_404 : vector<16xi32>
        %gather3A_406 = tpu.vector_load_idx %arg20[%add3A_405] : memref<512xf32, #tpu.memory_space<vmem>>[vector<16xi32>], vector<16xf32>,
        %get3A_407 = arith.index_cast %scan3A_229 : i32 to index
        %get3A_408 = arith.constant 384 : index
        %get3A_409 = tpu.vector_load %arg16[%get3A_407, %get3A_408] {strides = array<i32>} : memref<32x1024xf32, #tpu.memory_space<vmem>>, vector<16xf32>,
        %mul3A_410 = arith.mulf %gather3A_406, %get3A_409 : vector<16xf32>
        %add3A_411 = arith.addf %add3A_364, %mul3A_410 : vector<16xf32>
        %get3A_412 = arith.index_cast %scan3A_229 : i32 to index
        %get3A_413 = arith.constant 400 : index
        %get3A_414 = tpu.vector_load %arg16[%get3A_412, %get3A_413] {strides = array<i32>} : memref<32x1024xf32, #tpu.memory_space<vmem>>, vector<16xf32>,
        %mul3A_415 = arith.mulf %gather3A_406, %get3A_414 : vector<16xf32>
        %add3A_416 = arith.addf %add3A_369, %mul3A_415 : vector<16xf32>
        %get3A_417 = arith.index_cast %scan3A_229 : i32 to index
        %get3A_418 = arith.constant 416 : index
        %get3A_419 = tpu.vector_load %arg16[%get3A_417, %get3A_418] {strides = array<i32>} : memref<32x1024xf32, #tpu.memory_space<vmem>>, vector<16xf32>,
        %mul3A_420 = arith.mulf %gather3A_406, %get3A_419 : vector<16xf32>
        %add3A_421 = arith.addf %add3A_374, %mul3A_420 : vector<16xf32>
        %get3A_422 = arith.index_cast %scan3A_229 : i32 to index
        %get3A_423 = arith.constant 432 : index
        %get3A_424 = tpu.vector_load %arg16[%get3A_422, %get3A_423] {strides = array<i32>} : memref<32x1024xf32, #tpu.memory_space<vmem>>, vector<16xf32>,
        %mul3A_425 = arith.mulf %gather3A_406, %get3A_424 : vector<16xf32>
        %add3A_426 = arith.addf %add3A_379, %mul3A_425 : vector<16xf32>
        %get3A_427 = arith.index_cast %scan3A_229 : i32 to index
        %get3A_428 = arith.constant 448 : index
        %get3A_429 = tpu.vector_load %arg16[%get3A_427, %get3A_428] {strides = array<i32>} : memref<32x1024xf32, #tpu.memory_space<vmem>>, vector<16xf32>,
        %mul3A_430 = arith.mulf %gather3A_406, %get3A_429 : vector<16xf32>
        %add3A_431 = arith.addf %add3A_384, %mul3A_430 : vector<16xf32>
        %get3A_432 = arith.index_cast %scan3A_229 : i32 to index
        %get3A_433 = arith.constant 464 : index
        %get3A_434 = tpu.vector_load %arg16[%get3A_432, %get3A_433] {strides = array<i32>} : memref<32x1024xf32, #tpu.memory_space<vmem>>, vector<16xf32>,
        %mul3A_435 = arith.mulf %gather3A_406, %get3A_434 : vector<16xf32>
        %add3A_436 = arith.addf %add3A_389, %mul3A_435 : vector<16xf32>
        %get3A_437 = arith.index_cast %scan3A_229 : i32 to index
        %get3A_438 = arith.constant 480 : index
        %get3A_439 = tpu.vector_load %arg16[%get3A_437, %get3A_438] {strides = array<i32>} : memref<32x1024xf32, #tpu.memory_space<vmem>>, vector<16xf32>,
        %mul3A_440 = arith.mulf %gather3A_406, %get3A_439 : vector<16xf32>
        %add3A_441 = arith.addf %add3A_394, %mul3A_440 : vector<16xf32>
        %get3A_442 = arith.index_cast %scan3A_229 : i32 to index
        %get3A_443 = arith.constant 496 : index
        %get3A_444 = tpu.vector_load %arg16[%get3A_442, %get3A_443] {strides = array<i32>} : memref<32x1024xf32, #tpu.memory_space<vmem>>, vector<16xf32>,
        %mul3A_445 = arith.mulf %gather3A_406, %get3A_444 : vector<16xf32>
        %add3A_446 = arith.addf %add3A_399, %mul3A_445 : vector<16xf32>
        %mul3A_447 = arith.constant 8 : i32
        %mul3A_448 = vector.broadcast %mul3A_447 : i32 to vector<16xi32>
        %mul3A_449 = arith.muli %gather3A, %mul3A_448 : vector<16xi32>
        %add3A_450 = arith.constant 4 : i32
        %add3A_451 = vector.broadcast %add3A_450 : i32 to vector<16xi32>
        %add3A_452 = arith.addi %mul3A_449, %add3A_451 : vector<16xi32>
        %gather3A_453 = tpu.vector_load_idx %arg20[%add3A_452] : memref<512xf32, #tpu.memory_space<vmem>>[vector<16xi32>], vector<16xf32>,
        %get3A_454 = arith.index_cast %scan3A_229 : i32 to index
        %get3A_455 = arith.constant 512 : index
        %get3A_456 = tpu.vector_load %arg16[%get3A_454, %get3A_455] {strides = array<i32>} : memref<32x1024xf32, #tpu.memory_space<vmem>>, vector<16xf32>,
        %mul3A_457 = arith.mulf %gather3A_453, %get3A_456 : vector<16xf32>
        %add3A_458 = arith.addf %add3A_411, %mul3A_457 : vector<16xf32>
        %get3A_459 = arith.index_cast %scan3A_229 : i32 to index
        %get3A_460 = arith.constant 528 : index
        %get3A_461 = tpu.vector_load %arg16[%get3A_459, %get3A_460] {strides = array<i32>} : memref<32x1024xf32, #tpu.memory_space<vmem>>, vector<16xf32>,
        %mul3A_462 = arith.mulf %gather3A_453, %get3A_461 : vector<16xf32>
        %add3A_463 = arith.addf %add3A_416, %mul3A_462 : vector<16xf32>
        %get3A_464 = arith.index_cast %scan3A_229 : i32 to index
        %get3A_465 = arith.constant 544 : index
        %get3A_466 = tpu.vector_load %arg16[%get3A_464, %get3A_465] {strides = array<i32>} : memref<32x1024xf32, #tpu.memory_space<vmem>>, vector<16xf32>,
        %mul3A_467 = arith.mulf %gather3A_453, %get3A_466 : vector<16xf32>
        %add3A_468 = arith.addf %add3A_421, %mul3A_467 : vector<16xf32>
        %get3A_469 = arith.index_cast %scan3A_229 : i32 to index
        %get3A_470 = arith.constant 560 : index
        %get3A_471 = tpu.vector_load %arg16[%get3A_469, %get3A_470] {strides = array<i32>} : memref<32x1024xf32, #tpu.memory_space<vmem>>, vector<16xf32>,
        %mul3A_472 = arith.mulf %gather3A_453, %get3A_471 : vector<16xf32>
        %add3A_473 = arith.addf %add3A_426, %mul3A_472 : vector<16xf32>
        %get3A_474 = arith.index_cast %scan3A_229 : i32 to index
        %get3A_475 = arith.constant 576 : index
        %get3A_476 = tpu.vector_load %arg16[%get3A_474, %get3A_475] {strides = array<i32>} : memref<32x1024xf32, #tpu.memory_space<vmem>>, vector<16xf32>,
        %mul3A_477 = arith.mulf %gather3A_453, %get3A_476 : vector<16xf32>
        %add3A_478 = arith.addf %add3A_431, %mul3A_477 : vector<16xf32>
        %get3A_479 = arith.index_cast %scan3A_229 : i32 to index
        %get3A_480 = arith.constant 592 : index
        %get3A_481 = tpu.vector_load %arg16[%get3A_479, %get3A_480] {strides = array<i32>} : memref<32x1024xf32, #tpu.memory_space<vmem>>, vector<16xf32>,
        %mul3A_482 = arith.mulf %gather3A_453, %get3A_481 : vector<16xf32>
        %add3A_483 = arith.addf %add3A_436, %mul3A_482 : vector<16xf32>
        %get3A_484 = arith.index_cast %scan3A_229 : i32 to index
        %get3A_485 = arith.constant 608 : index
        %get3A_486 = tpu.vector_load %arg16[%get3A_484, %get3A_485] {strides = array<i32>} : memref<32x1024xf32, #tpu.memory_space<vmem>>, vector<16xf32>,
        %mul3A_487 = arith.mulf %gather3A_453, %get3A_486 : vector<16xf32>
        %add3A_488 = arith.addf %add3A_441, %mul3A_487 : vector<16xf32>
        %get3A_489 = arith.index_cast %scan3A_229 : i32 to index
        %get3A_490 = arith.constant 624 : index
        %get3A_491 = tpu.vector_load %arg16[%get3A_489, %get3A_490] {strides = array<i32>} : memref<32x1024xf32, #tpu.memory_space<vmem>>, vector<16xf32>,
        %mul3A_492 = arith.mulf %gather3A_453, %get3A_491 : vector<16xf32>
        %add3A_493 = arith.addf %add3A_446, %mul3A_492 : vector<16xf32>
        %mul3A_494 = arith.constant 8 : i32
        %mul3A_495 = vector.broadcast %mul3A_494 : i32 to vector<16xi32>
        %mul3A_496 = arith.muli %gather3A, %mul3A_495 : vector<16xi32>
        %add3A_497 = arith.constant 5 : i32
        %add3A_498 = vector.broadcast %add3A_497 : i32 to vector<16xi32>
        %add3A_499 = arith.addi %mul3A_496, %add3A_498 : vector<16xi32>
        %gather3A_500 = tpu.vector_load_idx %arg20[%add3A_499] : memref<512xf32, #tpu.memory_space<vmem>>[vector<16xi32>], vector<16xf32>,
        %get3A_501 = arith.index_cast %scan3A_229 : i32 to index
        %get3A_502 = arith.constant 640 : index
        %get3A_503 = tpu.vector_load %arg16[%get3A_501, %get3A_502] {strides = array<i32>} : memref<32x1024xf32, #tpu.memory_space<vmem>>, vector<16xf32>,
        %mul3A_504 = arith.mulf %gather3A_500, %get3A_503 : vector<16xf32>
        %add3A_505 = arith.addf %add3A_458, %mul3A_504 : vector<16xf32>
        %get3A_506 = arith.index_cast %scan3A_229 : i32 to index
        %get3A_507 = arith.constant 656 : index
        %get3A_508 = tpu.vector_load %arg16[%get3A_506, %get3A_507] {strides = array<i32>} : memref<32x1024xf32, #tpu.memory_space<vmem>>, vector<16xf32>,
        %mul3A_509 = arith.mulf %gather3A_500, %get3A_508 : vector<16xf32>
        %add3A_510 = arith.addf %add3A_463, %mul3A_509 : vector<16xf32>
        %get3A_511 = arith.index_cast %scan3A_229 : i32 to index
        %get3A_512 = arith.constant 672 : index
        %get3A_513 = tpu.vector_load %arg16[%get3A_511, %get3A_512] {strides = array<i32>} : memref<32x1024xf32, #tpu.memory_space<vmem>>, vector<16xf32>,
        %mul3A_514 = arith.mulf %gather3A_500, %get3A_513 : vector<16xf32>
        %add3A_515 = arith.addf %add3A_468, %mul3A_514 : vector<16xf32>
        %get3A_516 = arith.index_cast %scan3A_229 : i32 to index
        %get3A_517 = arith.constant 688 : index
        %get3A_518 = tpu.vector_load %arg16[%get3A_516, %get3A_517] {strides = array<i32>} : memref<32x1024xf32, #tpu.memory_space<vmem>>, vector<16xf32>,
        %mul3A_519 = arith.mulf %gather3A_500, %get3A_518 : vector<16xf32>
        %add3A_520 = arith.addf %add3A_473, %mul3A_519 : vector<16xf32>
        %get3A_521 = arith.index_cast %scan3A_229 : i32 to index
        %get3A_522 = arith.constant 704 : index
        %get3A_523 = tpu.vector_load %arg16[%get3A_521, %get3A_522] {strides = array<i32>} : memref<32x1024xf32, #tpu.memory_space<vmem>>, vector<16xf32>,
        %mul3A_524 = arith.mulf %gather3A_500, %get3A_523 : vector<16xf32>
        %add3A_525 = arith.addf %add3A_478, %mul3A_524 : vector<16xf32>
        %get3A_526 = arith.index_cast %scan3A_229 : i32 to index
        %get3A_527 = arith.constant 720 : index
        %get3A_528 = tpu.vector_load %arg16[%get3A_526, %get3A_527] {strides = array<i32>} : memref<32x1024xf32, #tpu.memory_space<vmem>>, vector<16xf32>,
        %mul3A_529 = arith.mulf %gather3A_500, %get3A_528 : vector<16xf32>
        %add3A_530 = arith.addf %add3A_483, %mul3A_529 : vector<16xf32>
        %get3A_531 = arith.index_cast %scan3A_229 : i32 to index
        %get3A_532 = arith.constant 736 : index
        %get3A_533 = tpu.vector_load %arg16[%get3A_531, %get3A_532] {strides = array<i32>} : memref<32x1024xf32, #tpu.memory_space<vmem>>, vector<16xf32>,
        %mul3A_534 = arith.mulf %gather3A_500, %get3A_533 : vector<16xf32>
        %add3A_535 = arith.addf %add3A_488, %mul3A_534 : vector<16xf32>
        %get3A_536 = arith.index_cast %scan3A_229 : i32 to index
        %get3A_537 = arith.constant 752 : index
        %get3A_538 = tpu.vector_load %arg16[%get3A_536, %get3A_537] {strides = array<i32>} : memref<32x1024xf32, #tpu.memory_space<vmem>>, vector<16xf32>,
        %mul3A_539 = arith.mulf %gather3A_500, %get3A_538 : vector<16xf32>
        %add3A_540 = arith.addf %add3A_493, %mul3A_539 : vector<16xf32>
        %mul3A_541 = arith.constant 8 : i32
        %mul3A_542 = vector.broadcast %mul3A_541 : i32 to vector<16xi32>
        %mul3A_543 = arith.muli %gather3A, %mul3A_542 : vector<16xi32>
        %add3A_544 = arith.constant 6 : i32
        %add3A_545 = vector.broadcast %add3A_544 : i32 to vector<16xi32>
        %add3A_546 = arith.addi %mul3A_543, %add3A_545 : vector<16xi32>
        %gather3A_547 = tpu.vector_load_idx %arg20[%add3A_546] : memref<512xf32, #tpu.memory_space<vmem>>[vector<16xi32>], vector<16xf32>,
        %get3A_548 = arith.index_cast %scan3A_229 : i32 to index
        %get3A_549 = arith.constant 768 : index
        %get3A_550 = tpu.vector_load %arg16[%get3A_548, %get3A_549] {strides = array<i32>} : memref<32x1024xf32, #tpu.memory_space<vmem>>, vector<16xf32>,
        %mul3A_551 = arith.mulf %gather3A_547, %get3A_550 : vector<16xf32>
        %add3A_552 = arith.addf %add3A_505, %mul3A_551 : vector<16xf32>
        %get3A_553 = arith.index_cast %scan3A_229 : i32 to index
        %get3A_554 = arith.constant 784 : index
        %get3A_555 = tpu.vector_load %arg16[%get3A_553, %get3A_554] {strides = array<i32>} : memref<32x1024xf32, #tpu.memory_space<vmem>>, vector<16xf32>,
        %mul3A_556 = arith.mulf %gather3A_547, %get3A_555 : vector<16xf32>
        %add3A_557 = arith.addf %add3A_510, %mul3A_556 : vector<16xf32>
        %get3A_558 = arith.index_cast %scan3A_229 : i32 to index
        %get3A_559 = arith.constant 800 : index
        %get3A_560 = tpu.vector_load %arg16[%get3A_558, %get3A_559] {strides = array<i32>} : memref<32x1024xf32, #tpu.memory_space<vmem>>, vector<16xf32>,
        %mul3A_561 = arith.mulf %gather3A_547, %get3A_560 : vector<16xf32>
        %add3A_562 = arith.addf %add3A_515, %mul3A_561 : vector<16xf32>
        %get3A_563 = arith.index_cast %scan3A_229 : i32 to index
        %get3A_564 = arith.constant 816 : index
        %get3A_565 = tpu.vector_load %arg16[%get3A_563, %get3A_564] {strides = array<i32>} : memref<32x1024xf32, #tpu.memory_space<vmem>>, vector<16xf32>,
        %mul3A_566 = arith.mulf %gather3A_547, %get3A_565 : vector<16xf32>
        %add3A_567 = arith.addf %add3A_520, %mul3A_566 : vector<16xf32>
        %get3A_568 = arith.index_cast %scan3A_229 : i32 to index
        %get3A_569 = arith.constant 832 : index
        %get3A_570 = tpu.vector_load %arg16[%get3A_568, %get3A_569] {strides = array<i32>} : memref<32x1024xf32, #tpu.memory_space<vmem>>, vector<16xf32>,
        %mul3A_571 = arith.mulf %gather3A_547, %get3A_570 : vector<16xf32>
        %add3A_572 = arith.addf %add3A_525, %mul3A_571 : vector<16xf32>
        %get3A_573 = arith.index_cast %scan3A_229 : i32 to index
        %get3A_574 = arith.constant 848 : index
        %get3A_575 = tpu.vector_load %arg16[%get3A_573, %get3A_574] {strides = array<i32>} : memref<32x1024xf32, #tpu.memory_space<vmem>>, vector<16xf32>,
        %mul3A_576 = arith.mulf %gather3A_547, %get3A_575 : vector<16xf32>
        %add3A_577 = arith.addf %add3A_530, %mul3A_576 : vector<16xf32>
        %get3A_578 = arith.index_cast %scan3A_229 : i32 to index
        %get3A_579 = arith.constant 864 : index
        %get3A_580 = tpu.vector_load %arg16[%get3A_578, %get3A_579] {strides = array<i32>} : memref<32x1024xf32, #tpu.memory_space<vmem>>, vector<16xf32>,
        %mul3A_581 = arith.mulf %gather3A_547, %get3A_580 : vector<16xf32>
        %add3A_582 = arith.addf %add3A_535, %mul3A_581 : vector<16xf32>
        %get3A_583 = arith.index_cast %scan3A_229 : i32 to index
        %get3A_584 = arith.constant 880 : index
        %get3A_585 = tpu.vector_load %arg16[%get3A_583, %get3A_584] {strides = array<i32>} : memref<32x1024xf32, #tpu.memory_space<vmem>>, vector<16xf32>,
        %mul3A_586 = arith.mulf %gather3A_547, %get3A_585 : vector<16xf32>
        %add3A_587 = arith.addf %add3A_540, %mul3A_586 : vector<16xf32>
        %mul3A_588 = arith.constant 8 : i32
        %mul3A_589 = vector.broadcast %mul3A_588 : i32 to vector<16xi32>
        %mul3A_590 = arith.muli %gather3A, %mul3A_589 : vector<16xi32>
        %add3A_591 = arith.constant 7 : i32
        %add3A_592 = vector.broadcast %add3A_591 : i32 to vector<16xi32>
        %add3A_593 = arith.addi %mul3A_590, %add3A_592 : vector<16xi32>
        %gather3A_594 = tpu.vector_load_idx %arg20[%add3A_593] : memref<512xf32, #tpu.memory_space<vmem>>[vector<16xi32>], vector<16xf32>,
        %get3A_595 = arith.index_cast %scan3A_229 : i32 to index
        %get3A_596 = arith.constant 896 : index
        %get3A_597 = tpu.vector_load %arg16[%get3A_595, %get3A_596] {strides = array<i32>} : memref<32x1024xf32, #tpu.memory_space<vmem>>, vector<16xf32>,
        %mul3A_598 = arith.mulf %gather3A_594, %get3A_597 : vector<16xf32>
        %add3A_599 = arith.addf %add3A_552, %mul3A_598 : vector<16xf32>
        %get3A_600 = arith.index_cast %scan3A_229 : i32 to index
        %get3A_601 = arith.constant 912 : index
        %get3A_602 = tpu.vector_load %arg16[%get3A_600, %get3A_601] {strides = array<i32>} : memref<32x1024xf32, #tpu.memory_space<vmem>>, vector<16xf32>,
        %mul3A_603 = arith.mulf %gather3A_594, %get3A_602 : vector<16xf32>
        %add3A_604 = arith.addf %add3A_557, %mul3A_603 : vector<16xf32>
        %get3A_605 = arith.index_cast %scan3A_229 : i32 to index
        %get3A_606 = arith.constant 928 : index
        %get3A_607 = tpu.vector_load %arg16[%get3A_605, %get3A_606] {strides = array<i32>} : memref<32x1024xf32, #tpu.memory_space<vmem>>, vector<16xf32>,
        %mul3A_608 = arith.mulf %gather3A_594, %get3A_607 : vector<16xf32>
        %add3A_609 = arith.addf %add3A_562, %mul3A_608 : vector<16xf32>
        %get3A_610 = arith.index_cast %scan3A_229 : i32 to index
        %get3A_611 = arith.constant 944 : index
        %get3A_612 = tpu.vector_load %arg16[%get3A_610, %get3A_611] {strides = array<i32>} : memref<32x1024xf32, #tpu.memory_space<vmem>>, vector<16xf32>,
        %mul3A_613 = arith.mulf %gather3A_594, %get3A_612 : vector<16xf32>
        %add3A_614 = arith.addf %add3A_567, %mul3A_613 : vector<16xf32>
        %get3A_615 = arith.index_cast %scan3A_229 : i32 to index
        %get3A_616 = arith.constant 960 : index
        %get3A_617 = tpu.vector_load %arg16[%get3A_615, %get3A_616] {strides = array<i32>} : memref<32x1024xf32, #tpu.memory_space<vmem>>, vector<16xf32>,
        %mul3A_618 = arith.mulf %gather3A_594, %get3A_617 : vector<16xf32>
        %add3A_619 = arith.addf %add3A_572, %mul3A_618 : vector<16xf32>
        %get3A_620 = arith.index_cast %scan3A_229 : i32 to index
        %get3A_621 = arith.constant 976 : index
        %get3A_622 = tpu.vector_load %arg16[%get3A_620, %get3A_621] {strides = array<i32>} : memref<32x1024xf32, #tpu.memory_space<vmem>>, vector<16xf32>,
        %mul3A_623 = arith.mulf %gather3A_594, %get3A_622 : vector<16xf32>
        %add3A_624 = arith.addf %add3A_577, %mul3A_623 : vector<16xf32>
        %get3A_625 = arith.index_cast %scan3A_229 : i32 to index
        %get3A_626 = arith.constant 992 : index
        %get3A_627 = tpu.vector_load %arg16[%get3A_625, %get3A_626] {strides = array<i32>} : memref<32x1024xf32, #tpu.memory_space<vmem>>, vector<16xf32>,
        %mul3A_628 = arith.mulf %gather3A_594, %get3A_627 : vector<16xf32>
        %add3A_629 = arith.addf %add3A_582, %mul3A_628 : vector<16xf32>
        %get3A_630 = arith.index_cast %scan3A_229 : i32 to index
        %get3A_631 = arith.constant 1008 : index
        %get3A_632 = tpu.vector_load %arg16[%get3A_630, %get3A_631] {strides = array<i32>} : memref<32x1024xf32, #tpu.memory_space<vmem>>, vector<16xf32>,
        %mul3A_633 = arith.mulf %gather3A_594, %get3A_632 : vector<16xf32>
        %add3A_634 = arith.addf %add3A_587, %mul3A_633 : vector<16xf32>
        %mul3A_635 = arith.mulf %add3A_599, %bitcast3A : vector<16xf32>
        %swap3A_636 = arith.index_cast %scan3A_229 : i32 to index
        %swap3A_637 = arith.constant 0 : index
        %swap3A_638 = tpu.vector_load %arg18[%swap3A_636, %swap3A_637] {strides = array<i32>} : memref<32x128xf32, #tpu.memory_space<vmem>>, vector<16xf32>,
        tpu.vector_store %arg18[%swap3A_636, %swap3A_637], %mul3A_635 {strides = array<i32>} : memref<32x128xf32, #tpu.memory_space<vmem>>, vector<16xf32>,
        %mul3A_639 = arith.mulf %add3A_604, %bitcast3A : vector<16xf32>
        %swap3A_640 = arith.index_cast %scan3A_229 : i32 to index
        %swap3A_641 = arith.constant 16 : index
        %swap3A_642 = tpu.vector_load %arg18[%swap3A_640, %swap3A_641] {strides = array<i32>} : memref<32x128xf32, #tpu.memory_space<vmem>>, vector<16xf32>,
        tpu.vector_store %arg18[%swap3A_640, %swap3A_641], %mul3A_639 {strides = array<i32>} : memref<32x128xf32, #tpu.memory_space<vmem>>, vector<16xf32>,
        %mul3A_643 = arith.mulf %add3A_609, %bitcast3A : vector<16xf32>
        %swap3A_644 = arith.index_cast %scan3A_229 : i32 to index
        %swap3A_645 = arith.constant 32 : index
        %swap3A_646 = tpu.vector_load %arg18[%swap3A_644, %swap3A_645] {strides = array<i32>} : memref<32x128xf32, #tpu.memory_space<vmem>>, vector<16xf32>,
        tpu.vector_store %arg18[%swap3A_644, %swap3A_645], %mul3A_643 {strides = array<i32>} : memref<32x128xf32, #tpu.memory_space<vmem>>, vector<16xf32>,
        %mul3A_647 = arith.mulf %add3A_614, %bitcast3A : vector<16xf32>
        %swap3A_648 = arith.index_cast %scan3A_229 : i32 to index
        %swap3A_649 = arith.constant 48 : index
        %swap3A_650 = tpu.vector_load %arg18[%swap3A_648, %swap3A_649] {strides = array<i32>} : memref<32x128xf32, #tpu.memory_space<vmem>>, vector<16xf32>,
        tpu.vector_store %arg18[%swap3A_648, %swap3A_649], %mul3A_647 {strides = array<i32>} : memref<32x128xf32, #tpu.memory_space<vmem>>, vector<16xf32>,
        %mul3A_651 = arith.mulf %add3A_619, %bitcast3A : vector<16xf32>
        %swap3A_652 = arith.index_cast %scan3A_229 : i32 to index
        %swap3A_653 = arith.constant 64 : index
        %swap3A_654 = tpu.vector_load %arg18[%swap3A_652, %swap3A_653] {strides = array<i32>} : memref<32x128xf32, #tpu.memory_space<vmem>>, vector<16xf32>,
        tpu.vector_store %arg18[%swap3A_652, %swap3A_653], %mul3A_651 {strides = array<i32>} : memref<32x128xf32, #tpu.memory_space<vmem>>, vector<16xf32>,
        %mul3A_655 = arith.mulf %add3A_624, %bitcast3A : vector<16xf32>
        %swap3A_656 = arith.index_cast %scan3A_229 : i32 to index
        %swap3A_657 = arith.constant 80 : index
        %swap3A_658 = tpu.vector_load %arg18[%swap3A_656, %swap3A_657] {strides = array<i32>} : memref<32x128xf32, #tpu.memory_space<vmem>>, vector<16xf32>,
        tpu.vector_store %arg18[%swap3A_656, %swap3A_657], %mul3A_655 {strides = array<i32>} : memref<32x128xf32, #tpu.memory_space<vmem>>, vector<16xf32>,
        %mul3A_659 = arith.mulf %add3A_629, %bitcast3A : vector<16xf32>
        %swap3A_660 = arith.index_cast %scan3A_229 : i32 to index
        %swap3A_661 = arith.constant 96 : index
        %swap3A_662 = tpu.vector_load %arg18[%swap3A_660, %swap3A_661] {strides = array<i32>} : memref<32x128xf32, #tpu.memory_space<vmem>>, vector<16xf32>,
        tpu.vector_store %arg18[%swap3A_660, %swap3A_661], %mul3A_659 {strides = array<i32>} : memref<32x128xf32, #tpu.memory_space<vmem>>, vector<16xf32>,
        %mul3A_663 = arith.mulf %add3A_634, %bitcast3A : vector<16xf32>
        %swap3A_664 = arith.index_cast %scan3A_229 : i32 to index
        %swap3A_665 = arith.constant 112 : index
        %swap3A_666 = tpu.vector_load %arg18[%swap3A_664, %swap3A_665] {strides = array<i32>} : memref<32x128xf32, #tpu.memory_space<vmem>>, vector<16xf32>,
        tpu.vector_store %arg18[%swap3A_664, %swap3A_665], %mul3A_663 {strides = array<i32>} : memref<32x128xf32, #tpu.memory_space<vmem>>, vector<16xf32>,
      }
      %scan3A_148 = arith.constant 32 : i32
      %dma_wait3A_149 = arith.constant 0 : i32
      %dma_wait3A_150 = tpu.memref_slice %arg4[%dma_wait3A_149] : memref<320512xi32, #tpu.memory_space<hbm>> -> memref<32xi32, #tpu.memory_space<hbm>>
      %dma_wait3A_151 = arith.constant 0 : i32
      %dma_wait3A_152 = tpu.memref_slice %arg4[%dma_wait3A_151] : memref<320512xi32, #tpu.memory_space<hbm>> -> memref<32xi32, #tpu.memory_space<hbm>>
      tpu.wait_dma2 semaphore(%arg24 : memref<!tpu.dma_semaphore, #tpu.memory_space<semaphore_mem>>) src(%dma_wait3A_152 : memref<32xi32, #tpu.memory_space<hbm>>) dst(%arg12 : memref<32xi32, #tpu.memory_space<vmem>>)
      %dma_start3A_153 = arith.constant 0 : i32
      %dma_start3A_154 = arith.constant 0 : i32
      %dma_start3A_155 = tpu.memref_slice %arg21[%dma_start3A_153, %dma_start3A_154] : memref<5120x128xf32, #tpu.memory_space<vmem_shared>> -> memref<5120x128xf32, #tpu.memory_space<vmem_shared>>
      tpu.enqueue_indirect_dma source(%arg18 : memref<32x128xf32, #tpu.memory_space<vmem>>) target(%dma_start3A_155 : memref<5120x128xf32, #tpu.memory_space<vmem_shared>>) offsets(%arg12 : memref<32xi32, #tpu.memory_space<vmem>>) semaphore(%arg26 : memref<!tpu.dma_semaphore, #tpu.memory_space<semaphore_mem>>) {add = true}
      %dma_wait3A_156 = arith.constant 0 : i32
      %dma_wait3A_157 = arith.constant 0 : i32
      %dma_wait3A_158 = tpu.memref_slice %arg2[%dma_wait3A_156, %dma_wait3A_157] : memref<10000x1024xf32, #tpu.memory_space<hbm>> -> memref<32x1024xf32, #tpu.memory_space<hbm>>
      %dma_wait3A_159 = arith.constant 0 : i32
      %dma_wait3A_160 = arith.constant 0 : i32
      %dma_wait3A_161 = tpu.memref_slice %arg2[%dma_wait3A_159, %dma_wait3A_160] : memref<10000x1024xf32, #tpu.memory_space<hbm>> -> memref<32x1024xf32, #tpu.memory_space<hbm>>
      tpu.wait_dma2 semaphore(%arg23 : memref<!tpu.dma_semaphore, #tpu.memory_space<semaphore_mem>>) src(%dma_wait3A_161 : memref<32x1024xf32, #tpu.memory_space<hbm>>) dst(%arg17 : memref<32x1024xf32, #tpu.memory_space<vmem>>)
      %add3A_162 = arith.constant 2 : i32
      %add3A_163 = arith.addi %mul3A_89, %add3A_162 : i32
      %min3A_164 = arith.constant 312 : i32
      %min3A_165 = arith.minsi %add3A_163, %min3A_164 : i32
      %mul3A_166 = arith.constant 32 : i32
      %mul3A_167 = arith.muli %min3A_165, %mul3A_166 : i32
      %add3A_168 = arith.constant 0 : i32
      %add3A_169 = arith.addi %mul3A_167, %add3A_168 : i32
      %get3A_170 = arith.index_cast %add3A_169 : i32 to index
      %get3A_171 = tpu.vector_load %arg9[%get3A_170] {strides = array<i32>} : memref<10016xi32, #tpu.memory_space<vmem>>, vector<16xi32>,
      %swap3A_172 = arith.constant 0 : index
      %swap3A_173 = tpu.vector_load %arg14[%swap3A_172] {strides = array<i32>} : memref<32xi32, #tpu.memory_space<vmem>>, vector<16xi32>,
      tpu.vector_store %arg14[%swap3A_172], %get3A_171 {strides = array<i32>} : memref<32xi32, #tpu.memory_space<vmem>>, vector<16xi32>,
      %mul3A_174 = arith.constant 32 : i32
      %mul3A_175 = arith.muli %min3A_165, %mul3A_174 : i32
      %add3A_176 = arith.constant 16 : i32
      %add3A_177 = arith.addi %mul3A_175, %add3A_176 : i32
      %get3A_178 = arith.index_cast %add3A_177 : i32 to index
      %get3A_179 = tpu.vector_load %arg9[%get3A_178] {strides = array<i32>} : memref<10016xi32, #tpu.memory_space<vmem>>, vector<16xi32>,
      %swap3A_180 = arith.constant 16 : index
      %swap3A_181 = tpu.vector_load %arg14[%swap3A_180] {strides = array<i32>} : memref<32xi32, #tpu.memory_space<vmem>>, vector<16xi32>,
      tpu.vector_store %arg14[%swap3A_180], %get3A_179 {strides = array<i32>} : memref<32xi32, #tpu.memory_space<vmem>>, vector<16xi32>,
      %dma_start3A_182 = arith.constant 0 : i32
      %dma_start3A_183 = arith.constant 0 : i32
      %dma_start3A_184 = tpu.memref_slice %arg2[%dma_start3A_182, %dma_start3A_183] : memref<10000x1024xf32, #tpu.memory_space<hbm>> -> memref<10000x1024xf32, #tpu.memory_space<hbm>>
      tpu.enqueue_indirect_dma source(%dma_start3A_184 : memref<10000x1024xf32, #tpu.memory_space<hbm>>) target(%arg16 : memref<32x1024xf32, #tpu.memory_space<vmem>>) offsets(%arg14 : memref<32xi32, #tpu.memory_space<vmem>>) semaphore(%arg22 : memref<!tpu.dma_semaphore, #tpu.memory_space<semaphore_mem>>)
      %add3A_185 = arith.constant 1 : i32
      %add3A_186 = arith.addi %mul3A_89, %add3A_185 : i32
      %gt3A_187 = arith.constant 0 : i32
      %gt3A_188 = arith.cmpi sgt, %scan3A_87, %gt3A_187 : i32
      %convert_element_type3A_189 = arith.extui %gt3A_188 : i1 to i32
      %cond3A_190 = arith.constant 0 : i32
      %cond3A_191 = arith.cmpi ne, %convert_element_type3A_189, %cond3A_190 : i32
      scf.if %cond3A_191 {
        %dma_wait3A_229 = arith.constant 0 : i32
        %dma_wait3A_230 = arith.constant 0 : i32
        %dma_wait3A_231 = tpu.memref_slice %arg21[%dma_wait3A_229, %dma_wait3A_230] : memref<5120x128xf32, #tpu.memory_space<vmem_shared>> -> memref<5120x128xf32, #tpu.memory_space<vmem_shared>>
        tpu.wait_indirect_dma semaphore(%arg27 : memref<!tpu.dma_semaphore, #tpu.memory_space<semaphore_mem>>) src(%arg19 : memref<32x128xf32, #tpu.memory_space<vmem>>) dst(%dma_wait3A_231 : memref<5120x128xf32, #tpu.memory_space<vmem_shared>>)
      } else {
      }
      %mul3A_192 = arith.constant 10016 : i32
      %mul3A_193 = arith.muli %add3A, %mul3A_192 : i32
      %mul3A_194 = arith.constant 32 : i32
      %mul3A_195 = arith.muli %add3A_186, %mul3A_194 : i32
      %add3A_196 = arith.addi %mul3A_193, %mul3A_195 : i32
      %dma_start3A_197 = tpu.memref_slice %arg4[%add3A_196] : memref<320512xi32, #tpu.memory_space<hbm>> -> memref<32xi32, #tpu.memory_space<hbm>>
      %dma_start3A_198 = tpu.memref_slice %arg4[%add3A_196] : memref<320512xi32, #tpu.memory_space<hbm>> -> memref<32xi32, #tpu.memory_space<hbm>>
      tpu.enqueue_dma source(%dma_start3A_198 : memref<32xi32, #tpu.memory_space<hbm>>) target(%arg13 : memref<32xi32, #tpu.memory_space<vmem>>) target_semaphore(%arg25 : memref<!tpu.dma_semaphore, #tpu.memory_space<semaphore_mem>>)
      %add3A_199 = arith.constant 1 : i32
      %add3A_200 = arith.addi %add3A_186, %add3A_199 : i32
      %min3A_201 = arith.constant 312 : i32
      %min3A_202 = arith.minsi %add3A_200, %min3A_201 : i32
      %dma_start3A_203 = arith.constant 0 : i32
      %dma_start3A_204 = arith.constant 0 : i32
      %dma_start3A_205 = tpu.memref_slice %arg5[%add3A, %min3A_202, %dma_start3A_203, %dma_start3A_204] : memref<32x313x2x32xi32, #tpu.memory_space<hbm>> -> memref<1x1x2x32xi32, #tpu.memory_space<hbm>>
      %dma_start3A_206 = tpu.memref_squeeze %dma_start3A_205 : memref<1x1x2x32xi32, #tpu.memory_space<hbm>> -> memref<2x32xi32, #tpu.memory_space<hbm>>
      %dma_start3A_207 = arith.constant 0 : i32
      %dma_start3A_208 = arith.constant 0 : i32
      %dma_start3A_209 = tpu.memref_slice %arg5[%add3A, %min3A_202, %dma_start3A_207, %dma_start3A_208] : memref<32x313x2x32xi32, #tpu.memory_space<hbm>> -> memref<1x1x2x32xi32, #tpu.memory_space<hbm>>
      %dma_start3A_210 = tpu.memref_squeeze %dma_start3A_209 : memref<1x1x2x32xi32, #tpu.memory_space<hbm>> -> memref<2x32xi32, #tpu.memory_space<hbm>>
      tpu.enqueue_dma source(%dma_start3A_210 : memref<2x32xi32, #tpu.memory_space<hbm>>) target(%arg10 : memref<2x32xi32, #tpu.memory_space<vmem>>) target_semaphore(%arg28 : memref<!tpu.dma_semaphore, #tpu.memory_space<semaphore_mem>>)
      %gt3A_211 = arith.constant 0 : i32
      %gt3A_212 = arith.cmpi sgt, %add3A_186, %gt3A_211 : i32
      %convert_element_type3A_213 = arith.extui %gt3A_212 : i1 to i32
      %cond3A_214 = arith.constant 0 : i32
      %cond3A_215 = arith.cmpi ne, %convert_element_type3A_213, %cond3A_214 : i32
      scf.if %cond3A_215 {
        %dma_wait3A_229 = arith.constant 0 : i32
        %dma_wait3A_230 = arith.constant 0 : i32
        %dma_wait3A_231 = arith.constant 0 : i32
        %dma_wait3A_232 = tpu.memref_slice %arg5[%add3A, %dma_wait3A_229, %dma_wait3A_230, %dma_wait3A_231] : memref<32x313x2x32xi32, #tpu.memory_space<hbm>> -> memref<1x1x2x32xi32, #tpu.memory_space<hbm>>
        %dma_wait3A_233 = tpu.memref_squeeze %dma_wait3A_232 : memref<1x1x2x32xi32, #tpu.memory_space<hbm>> -> memref<2x32xi32, #tpu.memory_space<hbm>>
        %dma_wait3A_234 = arith.constant 0 : i32
        %dma_wait3A_235 = arith.constant 0 : i32
        %dma_wait3A_236 = tpu.memref_slice %arg5[%add3A, %dma_wait3A_229, %dma_wait3A_234, %dma_wait3A_235] : memref<32x313x2x32xi32, #tpu.memory_space<hbm>> -> memref<1x1x2x32xi32, #tpu.memory_space<hbm>>
        %dma_wait3A_237 = tpu.memref_squeeze %dma_wait3A_236 : memref<1x1x2x32xi32, #tpu.memory_space<hbm>> -> memref<2x32xi32, #tpu.memory_space<hbm>>
        tpu.wait_dma2 semaphore(%arg29 : memref<!tpu.dma_semaphore, #tpu.memory_space<semaphore_mem>>) src(%dma_wait3A_237 : memref<2x32xi32, #tpu.memory_space<hbm>>) dst(%arg11 : memref<2x32xi32, #tpu.memory_space<vmem>>)
      } else {
      }
      %scan3A_216 = arith.constant 0 : i32
      %scan3A_217 = arith.constant 0 : i32
      %scan3A_218 = arith.constant 32 : i32
      %scan3A_219 = arith.addi %scan3A_217, %scan3A_218 : i32
      %scan3A_220 = arith.constant 1 : i32
      scf.for %scan3A_229 = %scan3A_217 to %scan3A_219 step %scan3A_220  : i32 {
        %broadcast_in_dim3A = arith.constant 0 : i32
        %broadcast_in_dim3A_230 = vector.broadcast %broadcast_in_dim3A : i32 to vector<16xi32>
        %add3A_231 = vector.broadcast %scan3A_229 : i32 to vector<16xi32>
        %add3A_232 = arith.addi %broadcast_in_dim3A_230, %add3A_231 : vector<16xi32>
        %mul3A_233 = arith.constant 0 : i32
        %mul3A_234 = vector.broadcast %mul3A_233 : i32 to vector<16xi32>
        %mul3A_235 = arith.muli %add3A_232, %mul3A_234 : vector<16xi32>
        %gather3A = tpu.vector_load_idx %arg11[%mul3A_235, %add3A_232] : memref<2x32xi32, #tpu.memory_space<vmem>>[vector<16xi32>, vector<16xi32>], vector<16xi32>,
        %mul3A_236 = arith.constant 0 : i32
        %mul3A_237 = vector.broadcast %mul3A_236 : i32 to vector<16xi32>
        %mul3A_238 = arith.muli %add3A_232, %mul3A_237 : vector<16xi32>
        %add3A_239 = arith.constant 1 : i32
        %add3A_240 = vector.broadcast %add3A_239 : i32 to vector<16xi32>
        %add3A_241 = arith.addi %mul3A_238, %add3A_240 : vector<16xi32>
        %gather3A_242 = tpu.vector_load_idx %arg11[%add3A_241, %add3A_232] : memref<2x32xi32, #tpu.memory_space<vmem>>[vector<16xi32>, vector<16xi32>], vector<16xi32>,
        %bitcast3A = vector.bitcast %gather3A_242 : vector<16xi32> to vector<16xf32>
        %broadcast_in_dim3A_243 = arith.constant 0.000000e+00 : f32
        %broadcast_in_dim3A_244 = vector.broadcast %broadcast_in_dim3A_243 : f32 to vector<16xf32>
        %broadcast_in_dim3A_245 = arith.constant 0.000000e+00 : f32
        %broadcast_in_dim3A_246 = vector.broadcast %broadcast_in_dim3A_245 : f32 to vector<16xf32>
        %broadcast_in_dim3A_247 = arith.constant 0.000000e+00 : f32
        %broadcast_in_dim3A_248 = vector.broadcast %broadcast_in_dim3A_247 : f32 to vector<16xf32>
        %broadcast_in_dim3A_249 = arith.constant 0.000000e+00 : f32
        %broadcast_in_dim3A_250 = vector.broadcast %broadcast_in_dim3A_249 : f32 to vector<16xf32>
        %broadcast_in_dim3A_251 = arith.constant 0.000000e+00 : f32
        %broadcast_in_dim3A_252 = vector.broadcast %broadcast_in_dim3A_251 : f32 to vector<16xf32>
        %broadcast_in_dim3A_253 = arith.constant 0.000000e+00 : f32
        %broadcast_in_dim3A_254 = vector.broadcast %broadcast_in_dim3A_253 : f32 to vector<16xf32>
        %broadcast_in_dim3A_255 = arith.constant 0.000000e+00 : f32
        %broadcast_in_dim3A_256 = vector.broadcast %broadcast_in_dim3A_255 : f32 to vector<16xf32>
        %broadcast_in_dim3A_257 = arith.constant 0.000000e+00 : f32
        %broadcast_in_dim3A_258 = vector.broadcast %broadcast_in_dim3A_257 : f32 to vector<16xf32>
        %mul3A_259 = arith.constant 8 : i32
        %mul3A_260 = vector.broadcast %mul3A_259 : i32 to vector<16xi32>
        %mul3A_261 = arith.muli %gather3A, %mul3A_260 : vector<16xi32>
        %add3A_262 = arith.constant 0 : i32
        %add3A_263 = vector.broadcast %add3A_262 : i32 to vector<16xi32>
        %add3A_264 = arith.addi %mul3A_261, %add3A_263 : vector<16xi32>
        %gather3A_265 = tpu.vector_load_idx %arg20[%add3A_264] : memref<512xf32, #tpu.memory_space<vmem>>[vector<16xi32>], vector<16xf32>,
        %get3A_266 = arith.index_cast %scan3A_229 : i32 to index
        %get3A_267 = arith.constant 0 : index
        %get3A_268 = tpu.vector_load %arg17[%get3A_266, %get3A_267] {strides = array<i32>} : memref<32x1024xf32, #tpu.memory_space<vmem>>, vector<16xf32>,
        %mul3A_269 = arith.mulf %gather3A_265, %get3A_268 : vector<16xf32>
        %add3A_270 = arith.addf %broadcast_in_dim3A_244, %mul3A_269 : vector<16xf32>
        %get3A_271 = arith.index_cast %scan3A_229 : i32 to index
        %get3A_272 = arith.constant 16 : index
        %get3A_273 = tpu.vector_load %arg17[%get3A_271, %get3A_272] {strides = array<i32>} : memref<32x1024xf32, #tpu.memory_space<vmem>>, vector<16xf32>,
        %mul3A_274 = arith.mulf %gather3A_265, %get3A_273 : vector<16xf32>
        %add3A_275 = arith.addf %broadcast_in_dim3A_246, %mul3A_274 : vector<16xf32>
        %get3A_276 = arith.index_cast %scan3A_229 : i32 to index
        %get3A_277 = arith.constant 32 : index
        %get3A_278 = tpu.vector_load %arg17[%get3A_276, %get3A_277] {strides = array<i32>} : memref<32x1024xf32, #tpu.memory_space<vmem>>, vector<16xf32>,
        %mul3A_279 = arith.mulf %gather3A_265, %get3A_278 : vector<16xf32>
        %add3A_280 = arith.addf %broadcast_in_dim3A_248, %mul3A_279 : vector<16xf32>
        %get3A_281 = arith.index_cast %scan3A_229 : i32 to index
        %get3A_282 = arith.constant 48 : index
        %get3A_283 = tpu.vector_load %arg17[%get3A_281, %get3A_282] {strides = array<i32>} : memref<32x1024xf32, #tpu.memory_space<vmem>>, vector<16xf32>,
        %mul3A_284 = arith.mulf %gather3A_265, %get3A_283 : vector<16xf32>
        %add3A_285 = arith.addf %broadcast_in_dim3A_250, %mul3A_284 : vector<16xf32>
        %get3A_286 = arith.index_cast %scan3A_229 : i32 to index
        %get3A_287 = arith.constant 64 : index
        %get3A_288 = tpu.vector_load %arg17[%get3A_286, %get3A_287] {strides = array<i32>} : memref<32x1024xf32, #tpu.memory_space<vmem>>, vector<16xf32>,
        %mul3A_289 = arith.mulf %gather3A_265, %get3A_288 : vector<16xf32>
        %add3A_290 = arith.addf %broadcast_in_dim3A_252, %mul3A_289 : vector<16xf32>
        %get3A_291 = arith.index_cast %scan3A_229 : i32 to index
        %get3A_292 = arith.constant 80 : index
        %get3A_293 = tpu.vector_load %arg17[%get3A_291, %get3A_292] {strides = array<i32>} : memref<32x1024xf32, #tpu.memory_space<vmem>>, vector<16xf32>,
        %mul3A_294 = arith.mulf %gather3A_265, %get3A_293 : vector<16xf32>
        %add3A_295 = arith.addf %broadcast_in_dim3A_254, %mul3A_294 : vector<16xf32>
        %get3A_296 = arith.index_cast %scan3A_229 : i32 to index
        %get3A_297 = arith.constant 96 : index
        %get3A_298 = tpu.vector_load %arg17[%get3A_296, %get3A_297] {strides = array<i32>} : memref<32x1024xf32, #tpu.memory_space<vmem>>, vector<16xf32>,
        %mul3A_299 = arith.mulf %gather3A_265, %get3A_298 : vector<16xf32>
        %add3A_300 = arith.addf %broadcast_in_dim3A_256, %mul3A_299 : vector<16xf32>
        %get3A_301 = arith.index_cast %scan3A_229 : i32 to index
        %get3A_302 = arith.constant 112 : index
        %get3A_303 = tpu.vector_load %arg17[%get3A_301, %get3A_302] {strides = array<i32>} : memref<32x1024xf32, #tpu.memory_space<vmem>>, vector<16xf32>,
        %mul3A_304 = arith.mulf %gather3A_265, %get3A_303 : vector<16xf32>
        %add3A_305 = arith.addf %broadcast_in_dim3A_258, %mul3A_304 : vector<16xf32>
        %mul3A_306 = arith.constant 8 : i32
        %mul3A_307 = vector.broadcast %mul3A_306 : i32 to vector<16xi32>
        %mul3A_308 = arith.muli %gather3A, %mul3A_307 : vector<16xi32>
        %add3A_309 = arith.constant 1 : i32
        %add3A_310 = vector.broadcast %add3A_309 : i32 to vector<16xi32>
        %add3A_311 = arith.addi %mul3A_308, %add3A_310 : vector<16xi32>
        %gather3A_312 = tpu.vector_load_idx %arg20[%add3A_311] : memref<512xf32, #tpu.memory_space<vmem>>[vector<16xi32>], vector<16xf32>,
        %get3A_313 = arith.index_cast %scan3A_229 : i32 to index
        %get3A_314 = arith.constant 128 : index
        %get3A_315 = tpu.vector_load %arg17[%get3A_313, %get3A_314] {strides = array<i32>} : memref<32x1024xf32, #tpu.memory_space<vmem>>, vector<16xf32>,
        %mul3A_316 = arith.mulf %gather3A_312, %get3A_315 : vector<16xf32>
        %add3A_317 = arith.addf %add3A_270, %mul3A_316 : vector<16xf32>
        %get3A_318 = arith.index_cast %scan3A_229 : i32 to index
        %get3A_319 = arith.constant 144 : index
        %get3A_320 = tpu.vector_load %arg17[%get3A_318, %get3A_319] {strides = array<i32>} : memref<32x1024xf32, #tpu.memory_space<vmem>>, vector<16xf32>,
        %mul3A_321 = arith.mulf %gather3A_312, %get3A_320 : vector<16xf32>
        %add3A_322 = arith.addf %add3A_275, %mul3A_321 : vector<16xf32>
        %get3A_323 = arith.index_cast %scan3A_229 : i32 to index
        %get3A_324 = arith.constant 160 : index
        %get3A_325 = tpu.vector_load %arg17[%get3A_323, %get3A_324] {strides = array<i32>} : memref<32x1024xf32, #tpu.memory_space<vmem>>, vector<16xf32>,
        %mul3A_326 = arith.mulf %gather3A_312, %get3A_325 : vector<16xf32>
        %add3A_327 = arith.addf %add3A_280, %mul3A_326 : vector<16xf32>
        %get3A_328 = arith.index_cast %scan3A_229 : i32 to index
        %get3A_329 = arith.constant 176 : index
        %get3A_330 = tpu.vector_load %arg17[%get3A_328, %get3A_329] {strides = array<i32>} : memref<32x1024xf32, #tpu.memory_space<vmem>>, vector<16xf32>,
        %mul3A_331 = arith.mulf %gather3A_312, %get3A_330 : vector<16xf32>
        %add3A_332 = arith.addf %add3A_285, %mul3A_331 : vector<16xf32>
        %get3A_333 = arith.index_cast %scan3A_229 : i32 to index
        %get3A_334 = arith.constant 192 : index
        %get3A_335 = tpu.vector_load %arg17[%get3A_333, %get3A_334] {strides = array<i32>} : memref<32x1024xf32, #tpu.memory_space<vmem>>, vector<16xf32>,
        %mul3A_336 = arith.mulf %gather3A_312, %get3A_335 : vector<16xf32>
        %add3A_337 = arith.addf %add3A_290, %mul3A_336 : vector<16xf32>
        %get3A_338 = arith.index_cast %scan3A_229 : i32 to index
        %get3A_339 = arith.constant 208 : index
        %get3A_340 = tpu.vector_load %arg17[%get3A_338, %get3A_339] {strides = array<i32>} : memref<32x1024xf32, #tpu.memory_space<vmem>>, vector<16xf32>,
        %mul3A_341 = arith.mulf %gather3A_312, %get3A_340 : vector<16xf32>
        %add3A_342 = arith.addf %add3A_295, %mul3A_341 : vector<16xf32>
        %get3A_343 = arith.index_cast %scan3A_229 : i32 to index
        %get3A_344 = arith.constant 224 : index
        %get3A_345 = tpu.vector_load %arg17[%get3A_343, %get3A_344] {strides = array<i32>} : memref<32x1024xf32, #tpu.memory_space<vmem>>, vector<16xf32>,
        %mul3A_346 = arith.mulf %gather3A_312, %get3A_345 : vector<16xf32>
        %add3A_347 = arith.addf %add3A_300, %mul3A_346 : vector<16xf32>
        %get3A_348 = arith.index_cast %scan3A_229 : i32 to index
        %get3A_349 = arith.constant 240 : index
        %get3A_350 = tpu.vector_load %arg17[%get3A_348, %get3A_349] {strides = array<i32>} : memref<32x1024xf32, #tpu.memory_space<vmem>>, vector<16xf32>,
        %mul3A_351 = arith.mulf %gather3A_312, %get3A_350 : vector<16xf32>
        %add3A_352 = arith.addf %add3A_305, %mul3A_351 : vector<16xf32>
        %mul3A_353 = arith.constant 8 : i32
        %mul3A_354 = vector.broadcast %mul3A_353 : i32 to vector<16xi32>
        %mul3A_355 = arith.muli %gather3A, %mul3A_354 : vector<16xi32>
        %add3A_356 = arith.constant 2 : i32
        %add3A_357 = vector.broadcast %add3A_356 : i32 to vector<16xi32>
        %add3A_358 = arith.addi %mul3A_355, %add3A_357 : vector<16xi32>
        %gather3A_359 = tpu.vector_load_idx %arg20[%add3A_358] : memref<512xf32, #tpu.memory_space<vmem>>[vector<16xi32>], vector<16xf32>,
        %get3A_360 = arith.index_cast %scan3A_229 : i32 to index
        %get3A_361 = arith.constant 256 : index
        %get3A_362 = tpu.vector_load %arg17[%get3A_360, %get3A_361] {strides = array<i32>} : memref<32x1024xf32, #tpu.memory_space<vmem>>, vector<16xf32>,
        %mul3A_363 = arith.mulf %gather3A_359, %get3A_362 : vector<16xf32>
        %add3A_364 = arith.addf %add3A_317, %mul3A_363 : vector<16xf32>
        %get3A_365 = arith.index_cast %scan3A_229 : i32 to index
        %get3A_366 = arith.constant 272 : index
        %get3A_367 = tpu.vector_load %arg17[%get3A_365, %get3A_366] {strides = array<i32>} : memref<32x1024xf32, #tpu.memory_space<vmem>>, vector<16xf32>,
        %mul3A_368 = arith.mulf %gather3A_359, %get3A_367 : vector<16xf32>
        %add3A_369 = arith.addf %add3A_322, %mul3A_368 : vector<16xf32>
        %get3A_370 = arith.index_cast %scan3A_229 : i32 to index
        %get3A_371 = arith.constant 288 : index
        %get3A_372 = tpu.vector_load %arg17[%get3A_370, %get3A_371] {strides = array<i32>} : memref<32x1024xf32, #tpu.memory_space<vmem>>, vector<16xf32>,
        %mul3A_373 = arith.mulf %gather3A_359, %get3A_372 : vector<16xf32>
        %add3A_374 = arith.addf %add3A_327, %mul3A_373 : vector<16xf32>
        %get3A_375 = arith.index_cast %scan3A_229 : i32 to index
        %get3A_376 = arith.constant 304 : index
        %get3A_377 = tpu.vector_load %arg17[%get3A_375, %get3A_376] {strides = array<i32>} : memref<32x1024xf32, #tpu.memory_space<vmem>>, vector<16xf32>,
        %mul3A_378 = arith.mulf %gather3A_359, %get3A_377 : vector<16xf32>
        %add3A_379 = arith.addf %add3A_332, %mul3A_378 : vector<16xf32>
        %get3A_380 = arith.index_cast %scan3A_229 : i32 to index
        %get3A_381 = arith.constant 320 : index
        %get3A_382 = tpu.vector_load %arg17[%get3A_380, %get3A_381] {strides = array<i32>} : memref<32x1024xf32, #tpu.memory_space<vmem>>, vector<16xf32>,
        %mul3A_383 = arith.mulf %gather3A_359, %get3A_382 : vector<16xf32>
        %add3A_384 = arith.addf %add3A_337, %mul3A_383 : vector<16xf32>
        %get3A_385 = arith.index_cast %scan3A_229 : i32 to index
        %get3A_386 = arith.constant 336 : index
        %get3A_387 = tpu.vector_load %arg17[%get3A_385, %get3A_386] {strides = array<i32>} : memref<32x1024xf32, #tpu.memory_space<vmem>>, vector<16xf32>,
        %mul3A_388 = arith.mulf %gather3A_359, %get3A_387 : vector<16xf32>
        %add3A_389 = arith.addf %add3A_342, %mul3A_388 : vector<16xf32>
        %get3A_390 = arith.index_cast %scan3A_229 : i32 to index
        %get3A_391 = arith.constant 352 : index
        %get3A_392 = tpu.vector_load %arg17[%get3A_390, %get3A_391] {strides = array<i32>} : memref<32x1024xf32, #tpu.memory_space<vmem>>, vector<16xf32>,
        %mul3A_393 = arith.mulf %gather3A_359, %get3A_392 : vector<16xf32>
        %add3A_394 = arith.addf %add3A_347, %mul3A_393 : vector<16xf32>
        %get3A_395 = arith.index_cast %scan3A_229 : i32 to index
        %get3A_396 = arith.constant 368 : index
        %get3A_397 = tpu.vector_load %arg17[%get3A_395, %get3A_396] {strides = array<i32>} : memref<32x1024xf32, #tpu.memory_space<vmem>>, vector<16xf32>,
        %mul3A_398 = arith.mulf %gather3A_359, %get3A_397 : vector<16xf32>
        %add3A_399 = arith.addf %add3A_352, %mul3A_398 : vector<16xf32>
        %mul3A_400 = arith.constant 8 : i32
        %mul3A_401 = vector.broadcast %mul3A_400 : i32 to vector<16xi32>
        %mul3A_402 = arith.muli %gather3A, %mul3A_401 : vector<16xi32>
        %add3A_403 = arith.constant 3 : i32
        %add3A_404 = vector.broadcast %add3A_403 : i32 to vector<16xi32>
        %add3A_405 = arith.addi %mul3A_402, %add3A_404 : vector<16xi32>
        %gather3A_406 = tpu.vector_load_idx %arg20[%add3A_405] : memref<512xf32, #tpu.memory_space<vmem>>[vector<16xi32>], vector<16xf32>,
        %get3A_407 = arith.index_cast %scan3A_229 : i32 to index
        %get3A_408 = arith.constant 384 : index
        %get3A_409 = tpu.vector_load %arg17[%get3A_407, %get3A_408] {strides = array<i32>} : memref<32x1024xf32, #tpu.memory_space<vmem>>, vector<16xf32>,
        %mul3A_410 = arith.mulf %gather3A_406, %get3A_409 : vector<16xf32>
        %add3A_411 = arith.addf %add3A_364, %mul3A_410 : vector<16xf32>
        %get3A_412 = arith.index_cast %scan3A_229 : i32 to index
        %get3A_413 = arith.constant 400 : index
        %get3A_414 = tpu.vector_load %arg17[%get3A_412, %get3A_413] {strides = array<i32>} : memref<32x1024xf32, #tpu.memory_space<vmem>>, vector<16xf32>,
        %mul3A_415 = arith.mulf %gather3A_406, %get3A_414 : vector<16xf32>
        %add3A_416 = arith.addf %add3A_369, %mul3A_415 : vector<16xf32>
        %get3A_417 = arith.index_cast %scan3A_229 : i32 to index
        %get3A_418 = arith.constant 416 : index
        %get3A_419 = tpu.vector_load %arg17[%get3A_417, %get3A_418] {strides = array<i32>} : memref<32x1024xf32, #tpu.memory_space<vmem>>, vector<16xf32>,
        %mul3A_420 = arith.mulf %gather3A_406, %get3A_419 : vector<16xf32>
        %add3A_421 = arith.addf %add3A_374, %mul3A_420 : vector<16xf32>
        %get3A_422 = arith.index_cast %scan3A_229 : i32 to index
        %get3A_423 = arith.constant 432 : index
        %get3A_424 = tpu.vector_load %arg17[%get3A_422, %get3A_423] {strides = array<i32>} : memref<32x1024xf32, #tpu.memory_space<vmem>>, vector<16xf32>,
        %mul3A_425 = arith.mulf %gather3A_406, %get3A_424 : vector<16xf32>
        %add3A_426 = arith.addf %add3A_379, %mul3A_425 : vector<16xf32>
        %get3A_427 = arith.index_cast %scan3A_229 : i32 to index
        %get3A_428 = arith.constant 448 : index
        %get3A_429 = tpu.vector_load %arg17[%get3A_427, %get3A_428] {strides = array<i32>} : memref<32x1024xf32, #tpu.memory_space<vmem>>, vector<16xf32>,
        %mul3A_430 = arith.mulf %gather3A_406, %get3A_429 : vector<16xf32>
        %add3A_431 = arith.addf %add3A_384, %mul3A_430 : vector<16xf32>
        %get3A_432 = arith.index_cast %scan3A_229 : i32 to index
        %get3A_433 = arith.constant 464 : index
        %get3A_434 = tpu.vector_load %arg17[%get3A_432, %get3A_433] {strides = array<i32>} : memref<32x1024xf32, #tpu.memory_space<vmem>>, vector<16xf32>,
        %mul3A_435 = arith.mulf %gather3A_406, %get3A_434 : vector<16xf32>
        %add3A_436 = arith.addf %add3A_389, %mul3A_435 : vector<16xf32>
        %get3A_437 = arith.index_cast %scan3A_229 : i32 to index
        %get3A_438 = arith.constant 480 : index
        %get3A_439 = tpu.vector_load %arg17[%get3A_437, %get3A_438] {strides = array<i32>} : memref<32x1024xf32, #tpu.memory_space<vmem>>, vector<16xf32>,
        %mul3A_440 = arith.mulf %gather3A_406, %get3A_439 : vector<16xf32>
        %add3A_441 = arith.addf %add3A_394, %mul3A_440 : vector<16xf32>
        %get3A_442 = arith.index_cast %scan3A_229 : i32 to index
        %get3A_443 = arith.constant 496 : index
        %get3A_444 = tpu.vector_load %arg17[%get3A_442, %get3A_443] {strides = array<i32>} : memref<32x1024xf32, #tpu.memory_space<vmem>>, vector<16xf32>,
        %mul3A_445 = arith.mulf %gather3A_406, %get3A_444 : vector<16xf32>
        %add3A_446 = arith.addf %add3A_399, %mul3A_445 : vector<16xf32>
        %mul3A_447 = arith.constant 8 : i32
        %mul3A_448 = vector.broadcast %mul3A_447 : i32 to vector<16xi32>
        %mul3A_449 = arith.muli %gather3A, %mul3A_448 : vector<16xi32>
        %add3A_450 = arith.constant 4 : i32
        %add3A_451 = vector.broadcast %add3A_450 : i32 to vector<16xi32>
        %add3A_452 = arith.addi %mul3A_449, %add3A_451 : vector<16xi32>
        %gather3A_453 = tpu.vector_load_idx %arg20[%add3A_452] : memref<512xf32, #tpu.memory_space<vmem>>[vector<16xi32>], vector<16xf32>,
        %get3A_454 = arith.index_cast %scan3A_229 : i32 to index
        %get3A_455 = arith.constant 512 : index
        %get3A_456 = tpu.vector_load %arg17[%get3A_454, %get3A_455] {strides = array<i32>} : memref<32x1024xf32, #tpu.memory_space<vmem>>, vector<16xf32>,
        %mul3A_457 = arith.mulf %gather3A_453, %get3A_456 : vector<16xf32>
        %add3A_458 = arith.addf %add3A_411, %mul3A_457 : vector<16xf32>
        %get3A_459 = arith.index_cast %scan3A_229 : i32 to index
        %get3A_460 = arith.constant 528 : index
        %get3A_461 = tpu.vector_load %arg17[%get3A_459, %get3A_460] {strides = array<i32>} : memref<32x1024xf32, #tpu.memory_space<vmem>>, vector<16xf32>,
        %mul3A_462 = arith.mulf %gather3A_453, %get3A_461 : vector<16xf32>
        %add3A_463 = arith.addf %add3A_416, %mul3A_462 : vector<16xf32>
        %get3A_464 = arith.index_cast %scan3A_229 : i32 to index
        %get3A_465 = arith.constant 544 : index
        %get3A_466 = tpu.vector_load %arg17[%get3A_464, %get3A_465] {strides = array<i32>} : memref<32x1024xf32, #tpu.memory_space<vmem>>, vector<16xf32>,
        %mul3A_467 = arith.mulf %gather3A_453, %get3A_466 : vector<16xf32>
        %add3A_468 = arith.addf %add3A_421, %mul3A_467 : vector<16xf32>
        %get3A_469 = arith.index_cast %scan3A_229 : i32 to index
        %get3A_470 = arith.constant 560 : index
        %get3A_471 = tpu.vector_load %arg17[%get3A_469, %get3A_470] {strides = array<i32>} : memref<32x1024xf32, #tpu.memory_space<vmem>>, vector<16xf32>,
        %mul3A_472 = arith.mulf %gather3A_453, %get3A_471 : vector<16xf32>
        %add3A_473 = arith.addf %add3A_426, %mul3A_472 : vector<16xf32>
        %get3A_474 = arith.index_cast %scan3A_229 : i32 to index
        %get3A_475 = arith.constant 576 : index
        %get3A_476 = tpu.vector_load %arg17[%get3A_474, %get3A_475] {strides = array<i32>} : memref<32x1024xf32, #tpu.memory_space<vmem>>, vector<16xf32>,
        %mul3A_477 = arith.mulf %gather3A_453, %get3A_476 : vector<16xf32>
        %add3A_478 = arith.addf %add3A_431, %mul3A_477 : vector<16xf32>
        %get3A_479 = arith.index_cast %scan3A_229 : i32 to index
        %get3A_480 = arith.constant 592 : index
        %get3A_481 = tpu.vector_load %arg17[%get3A_479, %get3A_480] {strides = array<i32>} : memref<32x1024xf32, #tpu.memory_space<vmem>>, vector<16xf32>,
        %mul3A_482 = arith.mulf %gather3A_453, %get3A_481 : vector<16xf32>
        %add3A_483 = arith.addf %add3A_436, %mul3A_482 : vector<16xf32>
        %get3A_484 = arith.index_cast %scan3A_229 : i32 to index
        %get3A_485 = arith.constant 608 : index
        %get3A_486 = tpu.vector_load %arg17[%get3A_484, %get3A_485] {strides = array<i32>} : memref<32x1024xf32, #tpu.memory_space<vmem>>, vector<16xf32>,
        %mul3A_487 = arith.mulf %gather3A_453, %get3A_486 : vector<16xf32>
        %add3A_488 = arith.addf %add3A_441, %mul3A_487 : vector<16xf32>
        %get3A_489 = arith.index_cast %scan3A_229 : i32 to index
        %get3A_490 = arith.constant 624 : index
        %get3A_491 = tpu.vector_load %arg17[%get3A_489, %get3A_490] {strides = array<i32>} : memref<32x1024xf32, #tpu.memory_space<vmem>>, vector<16xf32>,
        %mul3A_492 = arith.mulf %gather3A_453, %get3A_491 : vector<16xf32>
        %add3A_493 = arith.addf %add3A_446, %mul3A_492 : vector<16xf32>
        %mul3A_494 = arith.constant 8 : i32
        %mul3A_495 = vector.broadcast %mul3A_494 : i32 to vector<16xi32>
        %mul3A_496 = arith.muli %gather3A, %mul3A_495 : vector<16xi32>
        %add3A_497 = arith.constant 5 : i32
        %add3A_498 = vector.broadcast %add3A_497 : i32 to vector<16xi32>
        %add3A_499 = arith.addi %mul3A_496, %add3A_498 : vector<16xi32>
        %gather3A_500 = tpu.vector_load_idx %arg20[%add3A_499] : memref<512xf32, #tpu.memory_space<vmem>>[vector<16xi32>], vector<16xf32>,
        %get3A_501 = arith.index_cast %scan3A_229 : i32 to index
        %get3A_502 = arith.constant 640 : index
        %get3A_503 = tpu.vector_load %arg17[%get3A_501, %get3A_502] {strides = array<i32>} : memref<32x1024xf32, #tpu.memory_space<vmem>>, vector<16xf32>,
        %mul3A_504 = arith.mulf %gather3A_500, %get3A_503 : vector<16xf32>
        %add3A_505 = arith.addf %add3A_458, %mul3A_504 : vector<16xf32>
        %get3A_506 = arith.index_cast %scan3A_229 : i32 to index
        %get3A_507 = arith.constant 656 : index
        %get3A_508 = tpu.vector_load %arg17[%get3A_506, %get3A_507] {strides = array<i32>} : memref<32x1024xf32, #tpu.memory_space<vmem>>, vector<16xf32>,
        %mul3A_509 = arith.mulf %gather3A_500, %get3A_508 : vector<16xf32>
        %add3A_510 = arith.addf %add3A_463, %mul3A_509 : vector<16xf32>
        %get3A_511 = arith.index_cast %scan3A_229 : i32 to index
        %get3A_512 = arith.constant 672 : index
        %get3A_513 = tpu.vector_load %arg17[%get3A_511, %get3A_512] {strides = array<i32>} : memref<32x1024xf32, #tpu.memory_space<vmem>>, vector<16xf32>,
        %mul3A_514 = arith.mulf %gather3A_500, %get3A_513 : vector<16xf32>
        %add3A_515 = arith.addf %add3A_468, %mul3A_514 : vector<16xf32>
        %get3A_516 = arith.index_cast %scan3A_229 : i32 to index
        %get3A_517 = arith.constant 688 : index
        %get3A_518 = tpu.vector_load %arg17[%get3A_516, %get3A_517] {strides = array<i32>} : memref<32x1024xf32, #tpu.memory_space<vmem>>, vector<16xf32>,
        %mul3A_519 = arith.mulf %gather3A_500, %get3A_518 : vector<16xf32>
        %add3A_520 = arith.addf %add3A_473, %mul3A_519 : vector<16xf32>
        %get3A_521 = arith.index_cast %scan3A_229 : i32 to index
        %get3A_522 = arith.constant 704 : index
        %get3A_523 = tpu.vector_load %arg17[%get3A_521, %get3A_522] {strides = array<i32>} : memref<32x1024xf32, #tpu.memory_space<vmem>>, vector<16xf32>,
        %mul3A_524 = arith.mulf %gather3A_500, %get3A_523 : vector<16xf32>
        %add3A_525 = arith.addf %add3A_478, %mul3A_524 : vector<16xf32>
        %get3A_526 = arith.index_cast %scan3A_229 : i32 to index
        %get3A_527 = arith.constant 720 : index
        %get3A_528 = tpu.vector_load %arg17[%get3A_526, %get3A_527] {strides = array<i32>} : memref<32x1024xf32, #tpu.memory_space<vmem>>, vector<16xf32>,
        %mul3A_529 = arith.mulf %gather3A_500, %get3A_528 : vector<16xf32>
        %add3A_530 = arith.addf %add3A_483, %mul3A_529 : vector<16xf32>
        %get3A_531 = arith.index_cast %scan3A_229 : i32 to index
        %get3A_532 = arith.constant 736 : index
        %get3A_533 = tpu.vector_load %arg17[%get3A_531, %get3A_532] {strides = array<i32>} : memref<32x1024xf32, #tpu.memory_space<vmem>>, vector<16xf32>,
        %mul3A_534 = arith.mulf %gather3A_500, %get3A_533 : vector<16xf32>
        %add3A_535 = arith.addf %add3A_488, %mul3A_534 : vector<16xf32>
        %get3A_536 = arith.index_cast %scan3A_229 : i32 to index
        %get3A_537 = arith.constant 752 : index
        %get3A_538 = tpu.vector_load %arg17[%get3A_536, %get3A_537] {strides = array<i32>} : memref<32x1024xf32, #tpu.memory_space<vmem>>, vector<16xf32>,
        %mul3A_539 = arith.mulf %gather3A_500, %get3A_538 : vector<16xf32>
        %add3A_540 = arith.addf %add3A_493, %mul3A_539 : vector<16xf32>
        %mul3A_541 = arith.constant 8 : i32
        %mul3A_542 = vector.broadcast %mul3A_541 : i32 to vector<16xi32>
        %mul3A_543 = arith.muli %gather3A, %mul3A_542 : vector<16xi32>
        %add3A_544 = arith.constant 6 : i32
        %add3A_545 = vector.broadcast %add3A_544 : i32 to vector<16xi32>
        %add3A_546 = arith.addi %mul3A_543, %add3A_545 : vector<16xi32>
        %gather3A_547 = tpu.vector_load_idx %arg20[%add3A_546] : memref<512xf32, #tpu.memory_space<vmem>>[vector<16xi32>], vector<16xf32>,
        %get3A_548 = arith.index_cast %scan3A_229 : i32 to index
        %get3A_549 = arith.constant 768 : index
        %get3A_550 = tpu.vector_load %arg17[%get3A_548, %get3A_549] {strides = array<i32>} : memref<32x1024xf32, #tpu.memory_space<vmem>>, vector<16xf32>,
        %mul3A_551 = arith.mulf %gather3A_547, %get3A_550 : vector<16xf32>
        %add3A_552 = arith.addf %add3A_505, %mul3A_551 : vector<16xf32>
        %get3A_553 = arith.index_cast %scan3A_229 : i32 to index
        %get3A_554 = arith.constant 784 : index
        %get3A_555 = tpu.vector_load %arg17[%get3A_553, %get3A_554] {strides = array<i32>} : memref<32x1024xf32, #tpu.memory_space<vmem>>, vector<16xf32>,
        %mul3A_556 = arith.mulf %gather3A_547, %get3A_555 : vector<16xf32>
        %add3A_557 = arith.addf %add3A_510, %mul3A_556 : vector<16xf32>
        %get3A_558 = arith.index_cast %scan3A_229 : i32 to index
        %get3A_559 = arith.constant 800 : index
        %get3A_560 = tpu.vector_load %arg17[%get3A_558, %get3A_559] {strides = array<i32>} : memref<32x1024xf32, #tpu.memory_space<vmem>>, vector<16xf32>,
        %mul3A_561 = arith.mulf %gather3A_547, %get3A_560 : vector<16xf32>
        %add3A_562 = arith.addf %add3A_515, %mul3A_561 : vector<16xf32>
        %get3A_563 = arith.index_cast %scan3A_229 : i32 to index
        %get3A_564 = arith.constant 816 : index
        %get3A_565 = tpu.vector_load %arg17[%get3A_563, %get3A_564] {strides = array<i32>} : memref<32x1024xf32, #tpu.memory_space<vmem>>, vector<16xf32>,
        %mul3A_566 = arith.mulf %gather3A_547, %get3A_565 : vector<16xf32>
        %add3A_567 = arith.addf %add3A_520, %mul3A_566 : vector<16xf32>
        %get3A_568 = arith.index_cast %scan3A_229 : i32 to index
        %get3A_569 = arith.constant 832 : index
        %get3A_570 = tpu.vector_load %arg17[%get3A_568, %get3A_569] {strides = array<i32>} : memref<32x1024xf32, #tpu.memory_space<vmem>>, vector<16xf32>,
        %mul3A_571 = arith.mulf %gather3A_547, %get3A_570 : vector<16xf32>
        %add3A_572 = arith.addf %add3A_525, %mul3A_571 : vector<16xf32>
        %get3A_573 = arith.index_cast %scan3A_229 : i32 to index
        %get3A_574 = arith.constant 848 : index
        %get3A_575 = tpu.vector_load %arg17[%get3A_573, %get3A_574] {strides = array<i32>} : memref<32x1024xf32, #tpu.memory_space<vmem>>, vector<16xf32>,
        %mul3A_576 = arith.mulf %gather3A_547, %get3A_575 : vector<16xf32>
        %add3A_577 = arith.addf %add3A_530, %mul3A_576 : vector<16xf32>
        %get3A_578 = arith.index_cast %scan3A_229 : i32 to index
        %get3A_579 = arith.constant 864 : index
        %get3A_580 = tpu.vector_load %arg17[%get3A_578, %get3A_579] {strides = array<i32>} : memref<32x1024xf32, #tpu.memory_space<vmem>>, vector<16xf32>,
        %mul3A_581 = arith.mulf %gather3A_547, %get3A_580 : vector<16xf32>
        %add3A_582 = arith.addf %add3A_535, %mul3A_581 : vector<16xf32>
        %get3A_583 = arith.index_cast %scan3A_229 : i32 to index
        %get3A_584 = arith.constant 880 : index
        %get3A_585 = tpu.vector_load %arg17[%get3A_583, %get3A_584] {strides = array<i32>} : memref<32x1024xf32, #tpu.memory_space<vmem>>, vector<16xf32>,
        %mul3A_586 = arith.mulf %gather3A_547, %get3A_585 : vector<16xf32>
        %add3A_587 = arith.addf %add3A_540, %mul3A_586 : vector<16xf32>
        %mul3A_588 = arith.constant 8 : i32
        %mul3A_589 = vector.broadcast %mul3A_588 : i32 to vector<16xi32>
        %mul3A_590 = arith.muli %gather3A, %mul3A_589 : vector<16xi32>
        %add3A_591 = arith.constant 7 : i32
        %add3A_592 = vector.broadcast %add3A_591 : i32 to vector<16xi32>
        %add3A_593 = arith.addi %mul3A_590, %add3A_592 : vector<16xi32>
        %gather3A_594 = tpu.vector_load_idx %arg20[%add3A_593] : memref<512xf32, #tpu.memory_space<vmem>>[vector<16xi32>], vector<16xf32>,
        %get3A_595 = arith.index_cast %scan3A_229 : i32 to index
        %get3A_596 = arith.constant 896 : index
        %get3A_597 = tpu.vector_load %arg17[%get3A_595, %get3A_596] {strides = array<i32>} : memref<32x1024xf32, #tpu.memory_space<vmem>>, vector<16xf32>,
        %mul3A_598 = arith.mulf %gather3A_594, %get3A_597 : vector<16xf32>
        %add3A_599 = arith.addf %add3A_552, %mul3A_598 : vector<16xf32>
        %get3A_600 = arith.index_cast %scan3A_229 : i32 to index
        %get3A_601 = arith.constant 912 : index
        %get3A_602 = tpu.vector_load %arg17[%get3A_600, %get3A_601] {strides = array<i32>} : memref<32x1024xf32, #tpu.memory_space<vmem>>, vector<16xf32>,
        %mul3A_603 = arith.mulf %gather3A_594, %get3A_602 : vector<16xf32>
        %add3A_604 = arith.addf %add3A_557, %mul3A_603 : vector<16xf32>
        %get3A_605 = arith.index_cast %scan3A_229 : i32 to index
        %get3A_606 = arith.constant 928 : index
        %get3A_607 = tpu.vector_load %arg17[%get3A_605, %get3A_606] {strides = array<i32>} : memref<32x1024xf32, #tpu.memory_space<vmem>>, vector<16xf32>,
        %mul3A_608 = arith.mulf %gather3A_594, %get3A_607 : vector<16xf32>
        %add3A_609 = arith.addf %add3A_562, %mul3A_608 : vector<16xf32>
        %get3A_610 = arith.index_cast %scan3A_229 : i32 to index
        %get3A_611 = arith.constant 944 : index
        %get3A_612 = tpu.vector_load %arg17[%get3A_610, %get3A_611] {strides = array<i32>} : memref<32x1024xf32, #tpu.memory_space<vmem>>, vector<16xf32>,
        %mul3A_613 = arith.mulf %gather3A_594, %get3A_612 : vector<16xf32>
        %add3A_614 = arith.addf %add3A_567, %mul3A_613 : vector<16xf32>
        %get3A_615 = arith.index_cast %scan3A_229 : i32 to index
        %get3A_616 = arith.constant 960 : index
        %get3A_617 = tpu.vector_load %arg17[%get3A_615, %get3A_616] {strides = array<i32>} : memref<32x1024xf32, #tpu.memory_space<vmem>>, vector<16xf32>,
        %mul3A_618 = arith.mulf %gather3A_594, %get3A_617 : vector<16xf32>
        %add3A_619 = arith.addf %add3A_572, %mul3A_618 : vector<16xf32>
        %get3A_620 = arith.index_cast %scan3A_229 : i32 to index
        %get3A_621 = arith.constant 976 : index
        %get3A_622 = tpu.vector_load %arg17[%get3A_620, %get3A_621] {strides = array<i32>} : memref<32x1024xf32, #tpu.memory_space<vmem>>, vector<16xf32>,
        %mul3A_623 = arith.mulf %gather3A_594, %get3A_622 : vector<16xf32>
        %add3A_624 = arith.addf %add3A_577, %mul3A_623 : vector<16xf32>
        %get3A_625 = arith.index_cast %scan3A_229 : i32 to index
        %get3A_626 = arith.constant 992 : index
        %get3A_627 = tpu.vector_load %arg17[%get3A_625, %get3A_626] {strides = array<i32>} : memref<32x1024xf32, #tpu.memory_space<vmem>>, vector<16xf32>,
        %mul3A_628 = arith.mulf %gather3A_594, %get3A_627 : vector<16xf32>
        %add3A_629 = arith.addf %add3A_582, %mul3A_628 : vector<16xf32>
        %get3A_630 = arith.index_cast %scan3A_229 : i32 to index
        %get3A_631 = arith.constant 1008 : index
        %get3A_632 = tpu.vector_load %arg17[%get3A_630, %get3A_631] {strides = array<i32>} : memref<32x1024xf32, #tpu.memory_space<vmem>>, vector<16xf32>,
        %mul3A_633 = arith.mulf %gather3A_594, %get3A_632 : vector<16xf32>
        %add3A_634 = arith.addf %add3A_587, %mul3A_633 : vector<16xf32>
        %mul3A_635 = arith.mulf %add3A_599, %bitcast3A : vector<16xf32>
        %swap3A_636 = arith.index_cast %scan3A_229 : i32 to index
        %swap3A_637 = arith.constant 0 : index
        %swap3A_638 = tpu.vector_load %arg19[%swap3A_636, %swap3A_637] {strides = array<i32>} : memref<32x128xf32, #tpu.memory_space<vmem>>, vector<16xf32>,
        tpu.vector_store %arg19[%swap3A_636, %swap3A_637], %mul3A_635 {strides = array<i32>} : memref<32x128xf32, #tpu.memory_space<vmem>>, vector<16xf32>,
        %mul3A_639 = arith.mulf %add3A_604, %bitcast3A : vector<16xf32>
        %swap3A_640 = arith.index_cast %scan3A_229 : i32 to index
        %swap3A_641 = arith.constant 16 : index
        %swap3A_642 = tpu.vector_load %arg19[%swap3A_640, %swap3A_641] {strides = array<i32>} : memref<32x128xf32, #tpu.memory_space<vmem>>, vector<16xf32>,
        tpu.vector_store %arg19[%swap3A_640, %swap3A_641], %mul3A_639 {strides = array<i32>} : memref<32x128xf32, #tpu.memory_space<vmem>>, vector<16xf32>,
        %mul3A_643 = arith.mulf %add3A_609, %bitcast3A : vector<16xf32>
        %swap3A_644 = arith.index_cast %scan3A_229 : i32 to index
        %swap3A_645 = arith.constant 32 : index
        %swap3A_646 = tpu.vector_load %arg19[%swap3A_644, %swap3A_645] {strides = array<i32>} : memref<32x128xf32, #tpu.memory_space<vmem>>, vector<16xf32>,
        tpu.vector_store %arg19[%swap3A_644, %swap3A_645], %mul3A_643 {strides = array<i32>} : memref<32x128xf32, #tpu.memory_space<vmem>>, vector<16xf32>,
        %mul3A_647 = arith.mulf %add3A_614, %bitcast3A : vector<16xf32>
        %swap3A_648 = arith.index_cast %scan3A_229 : i32 to index
        %swap3A_649 = arith.constant 48 : index
        %swap3A_650 = tpu.vector_load %arg19[%swap3A_648, %swap3A_649] {strides = array<i32>} : memref<32x128xf32, #tpu.memory_space<vmem>>, vector<16xf32>,
        tpu.vector_store %arg19[%swap3A_648, %swap3A_649], %mul3A_647 {strides = array<i32>} : memref<32x128xf32, #tpu.memory_space<vmem>>, vector<16xf32>,
        %mul3A_651 = arith.mulf %add3A_619, %bitcast3A : vector<16xf32>
        %swap3A_652 = arith.index_cast %scan3A_229 : i32 to index
        %swap3A_653 = arith.constant 64 : index
        %swap3A_654 = tpu.vector_load %arg19[%swap3A_652, %swap3A_653] {strides = array<i32>} : memref<32x128xf32, #tpu.memory_space<vmem>>, vector<16xf32>,
        tpu.vector_store %arg19[%swap3A_652, %swap3A_653], %mul3A_651 {strides = array<i32>} : memref<32x128xf32, #tpu.memory_space<vmem>>, vector<16xf32>,
        %mul3A_655 = arith.mulf %add3A_624, %bitcast3A : vector<16xf32>
        %swap3A_656 = arith.index_cast %scan3A_229 : i32 to index
        %swap3A_657 = arith.constant 80 : index
        %swap3A_658 = tpu.vector_load %arg19[%swap3A_656, %swap3A_657] {strides = array<i32>} : memref<32x128xf32, #tpu.memory_space<vmem>>, vector<16xf32>,
        tpu.vector_store %arg19[%swap3A_656, %swap3A_657], %mul3A_655 {strides = array<i32>} : memref<32x128xf32, #tpu.memory_space<vmem>>, vector<16xf32>,
        %mul3A_659 = arith.mulf %add3A_629, %bitcast3A : vector<16xf32>
        %swap3A_660 = arith.index_cast %scan3A_229 : i32 to index
        %swap3A_661 = arith.constant 96 : index
        %swap3A_662 = tpu.vector_load %arg19[%swap3A_660, %swap3A_661] {strides = array<i32>} : memref<32x128xf32, #tpu.memory_space<vmem>>, vector<16xf32>,
        tpu.vector_store %arg19[%swap3A_660, %swap3A_661], %mul3A_659 {strides = array<i32>} : memref<32x128xf32, #tpu.memory_space<vmem>>, vector<16xf32>,
        %mul3A_663 = arith.mulf %add3A_634, %bitcast3A : vector<16xf32>
        %swap3A_664 = arith.index_cast %scan3A_229 : i32 to index
        %swap3A_665 = arith.constant 112 : index
        %swap3A_666 = tpu.vector_load %arg19[%swap3A_664, %swap3A_665] {strides = array<i32>} : memref<32x128xf32, #tpu.memory_space<vmem>>, vector<16xf32>,
        tpu.vector_store %arg19[%swap3A_664, %swap3A_665], %mul3A_663 {strides = array<i32>} : memref<32x128xf32, #tpu.memory_space<vmem>>, vector<16xf32>,
      }
      %scan3A_221 = arith.constant 32 : i32
      %dma_wait3A_222 = arith.constant 0 : i32
      %dma_wait3A_223 = tpu.memref_slice %arg4[%dma_wait3A_222] : memref<320512xi32, #tpu.memory_space<hbm>> -> memref<32xi32, #tpu.memory_space<hbm>>
      %dma_wait3A_224 = arith.constant 0 : i32
      %dma_wait3A_225 = tpu.memref_slice %arg4[%dma_wait3A_224] : memref<320512xi32, #tpu.memory_space<hbm>> -> memref<32xi32, #tpu.memory_space<hbm>>
      tpu.wait_dma2 semaphore(%arg25 : memref<!tpu.dma_semaphore, #tpu.memory_space<semaphore_mem>>) src(%dma_wait3A_225 : memref<32xi32, #tpu.memory_space<hbm>>) dst(%arg13 : memref<32xi32, #tpu.memory_space<vmem>>)
      %dma_start3A_226 = arith.constant 0 : i32
      %dma_start3A_227 = arith.constant 0 : i32
      %dma_start3A_228 = tpu.memref_slice %arg21[%dma_start3A_226, %dma_start3A_227] : memref<5120x128xf32, #tpu.memory_space<vmem_shared>> -> memref<5120x128xf32, #tpu.memory_space<vmem_shared>>
      tpu.enqueue_indirect_dma source(%arg19 : memref<32x128xf32, #tpu.memory_space<vmem>>) target(%dma_start3A_228 : memref<5120x128xf32, #tpu.memory_space<vmem_shared>>) offsets(%arg13 : memref<32xi32, #tpu.memory_space<vmem>>) semaphore(%arg27 : memref<!tpu.dma_semaphore, #tpu.memory_space<semaphore_mem>>) {add = true}
    }
    %scan3A_17 = arith.constant 156 : i32
    %dma_wait3A = arith.constant 0 : i32
    %dma_wait3A_18 = arith.constant 0 : i32
    %dma_wait3A_19 = tpu.memref_slice %arg2[%dma_wait3A, %dma_wait3A_18] : memref<10000x1024xf32, #tpu.memory_space<hbm>> -> memref<32x1024xf32, #tpu.memory_space<hbm>>
    %dma_wait3A_20 = arith.constant 0 : i32
    %dma_wait3A_21 = arith.constant 0 : i32
    %dma_wait3A_22 = tpu.memref_slice %arg2[%dma_wait3A_20, %dma_wait3A_21] : memref<10000x1024xf32, #tpu.memory_space<hbm>> -> memref<32x1024xf32, #tpu.memory_space<hbm>>
    tpu.wait_dma2 semaphore(%arg22 : memref<!tpu.dma_semaphore, #tpu.memory_space<semaphore_mem>>) src(%dma_wait3A_22 : memref<32x1024xf32, #tpu.memory_space<hbm>>) dst(%arg16 : memref<32x1024xf32, #tpu.memory_space<vmem>>)
    %dma_wait3A_23 = arith.constant 0 : i32
    %dma_wait3A_24 = arith.constant 0 : i32
    %dma_wait3A_25 = tpu.memref_slice %arg21[%dma_wait3A_23, %dma_wait3A_24] : memref<5120x128xf32, #tpu.memory_space<vmem_shared>> -> memref<5120x128xf32, #tpu.memory_space<vmem_shared>>
    tpu.wait_indirect_dma semaphore(%arg26 : memref<!tpu.dma_semaphore, #tpu.memory_space<semaphore_mem>>) src(%arg18 : memref<32x128xf32, #tpu.memory_space<vmem>>) dst(%dma_wait3A_25 : memref<5120x128xf32, #tpu.memory_space<vmem_shared>>)
    %mul3A_26 = arith.constant 10016 : i32
    %mul3A_27 = arith.muli %add3A, %mul3A_26 : i32
    %add3A_28 = arith.constant 9984 : i32
    %add3A_29 = arith.addi %mul3A_27, %add3A_28 : i32
    %dma_start3A_30 = tpu.memref_slice %arg4[%add3A_29] : memref<320512xi32, #tpu.memory_space<hbm>> -> memref<32xi32, #tpu.memory_space<hbm>>
    %dma_start3A_31 = tpu.memref_slice %arg4[%add3A_29] : memref<320512xi32, #tpu.memory_space<hbm>> -> memref<32xi32, #tpu.memory_space<hbm>>
    tpu.enqueue_dma source(%dma_start3A_31 : memref<32xi32, #tpu.memory_space<hbm>>) target(%arg12 : memref<32xi32, #tpu.memory_space<vmem>>) target_semaphore(%arg24 : memref<!tpu.dma_semaphore, #tpu.memory_space<semaphore_mem>>)
    %min3A = arith.constant 313 : i32
    %min3A_32 = arith.constant 312 : i32
    %min3A_33 = arith.minsi %min3A, %min3A_32 : i32
    %dma_start3A_34 = arith.constant 0 : i32
    %dma_start3A_35 = arith.constant 0 : i32
    %dma_start3A_36 = tpu.memref_slice %arg5[%add3A, %min3A_33, %dma_start3A_34, %dma_start3A_35] : memref<32x313x2x32xi32, #tpu.memory_space<hbm>> -> memref<1x1x2x32xi32, #tpu.memory_space<hbm>>
    %dma_start3A_37 = tpu.memref_squeeze %dma_start3A_36 : memref<1x1x2x32xi32, #tpu.memory_space<hbm>> -> memref<2x32xi32, #tpu.memory_space<hbm>>
    %dma_start3A_38 = arith.constant 0 : i32
    %dma_start3A_39 = arith.constant 0 : i32
    %dma_start3A_40 = tpu.memref_slice %arg5[%add3A, %min3A_33, %dma_start3A_38, %dma_start3A_39] : memref<32x313x2x32xi32, #tpu.memory_space<hbm>> -> memref<1x1x2x32xi32, #tpu.memory_space<hbm>>
    %dma_start3A_41 = tpu.memref_squeeze %dma_start3A_40 : memref<1x1x2x32xi32, #tpu.memory_space<hbm>> -> memref<2x32xi32, #tpu.memory_space<hbm>>
    tpu.enqueue_dma source(%dma_start3A_41 : memref<2x32xi32, #tpu.memory_space<hbm>>) target(%arg11 : memref<2x32xi32, #tpu.memory_space<vmem>>) target_semaphore(%arg29 : memref<!tpu.dma_semaphore, #tpu.memory_space<semaphore_mem>>)
    %dma_wait3A_42 = arith.constant 0 : i32
    %dma_wait3A_43 = arith.constant 0 : i32
    %dma_wait3A_44 = arith.constant 0 : i32
    %dma_wait3A_45 = tpu.memref_slice %arg5[%add3A, %dma_wait3A_42, %dma_wait3A_43, %dma_wait3A_44] : memref<32x313x2x32xi32, #tpu.memory_space<hbm>> -> memref<1x1x2x32xi32, #tpu.memory_space<hbm>>
    %dma_wait3A_46 = tpu.memref_squeeze %dma_wait3A_45 : memref<1x1x2x32xi32, #tpu.memory_space<hbm>> -> memref<2x32xi32, #tpu.memory_space<hbm>>
    %dma_wait3A_47 = arith.constant 0 : i32
    %dma_wait3A_48 = arith.constant 0 : i32
    %dma_wait3A_49 = tpu.memref_slice %arg5[%add3A, %dma_wait3A_42, %dma_wait3A_47, %dma_wait3A_48] : memref<32x313x2x32xi32, #tpu.memory_space<hbm>> -> memref<1x1x2x32xi32, #tpu.memory_space<hbm>>
    %dma_wait3A_50 = tpu.memref_squeeze %dma_wait3A_49 : memref<1x1x2x32xi32, #tpu.memory_space<hbm>> -> memref<2x32xi32, #tpu.memory_space<hbm>>
    tpu.wait_dma2 semaphore(%arg28 : memref<!tpu.dma_semaphore, #tpu.memory_space<semaphore_mem>>) src(%dma_wait3A_50 : memref<2x32xi32, #tpu.memory_space<hbm>>) dst(%arg10 : memref<2x32xi32, #tpu.memory_space<vmem>>)
    %scan3A_51 = arith.constant 0 : i32
    %scan3A_52 = arith.constant 0 : i32
    %scan3A_53 = arith.constant 32 : i32
    %scan3A_54 = arith.addi %scan3A_52, %scan3A_53 : i32
    %scan3A_55 = arith.constant 1 : i32
    scf.for %scan3A_87 = %scan3A_52 to %scan3A_54 step %scan3A_55  : i32 {
      %broadcast_in_dim3A = arith.constant 0 : i32
      %broadcast_in_dim3A_88 = vector.broadcast %broadcast_in_dim3A : i32 to vector<16xi32>
      %add3A_89 = vector.broadcast %scan3A_87 : i32 to vector<16xi32>
      %add3A_90 = arith.addi %broadcast_in_dim3A_88, %add3A_89 : vector<16xi32>
      %mul3A_91 = arith.constant 0 : i32
      %mul3A_92 = vector.broadcast %mul3A_91 : i32 to vector<16xi32>
      %mul3A_93 = arith.muli %add3A_90, %mul3A_92 : vector<16xi32>
      %gather3A = tpu.vector_load_idx %arg10[%mul3A_93, %add3A_90] : memref<2x32xi32, #tpu.memory_space<vmem>>[vector<16xi32>, vector<16xi32>], vector<16xi32>,
      %mul3A_94 = arith.constant 0 : i32
      %mul3A_95 = vector.broadcast %mul3A_94 : i32 to vector<16xi32>
      %mul3A_96 = arith.muli %add3A_90, %mul3A_95 : vector<16xi32>
      %add3A_97 = arith.constant 1 : i32
      %add3A_98 = vector.broadcast %add3A_97 : i32 to vector<16xi32>
      %add3A_99 = arith.addi %mul3A_96, %add3A_98 : vector<16xi32>
      %gather3A_100 = tpu.vector_load_idx %arg10[%add3A_99, %add3A_90] : memref<2x32xi32, #tpu.memory_space<vmem>>[vector<16xi32>, vector<16xi32>], vector<16xi32>,
      %bitcast3A = vector.bitcast %gather3A_100 : vector<16xi32> to vector<16xf32>
      %broadcast_in_dim3A_101 = arith.constant 0.000000e+00 : f32
      %broadcast_in_dim3A_102 = vector.broadcast %broadcast_in_dim3A_101 : f32 to vector<16xf32>
      %broadcast_in_dim3A_103 = arith.constant 0.000000e+00 : f32
      %broadcast_in_dim3A_104 = vector.broadcast %broadcast_in_dim3A_103 : f32 to vector<16xf32>
      %broadcast_in_dim3A_105 = arith.constant 0.000000e+00 : f32
      %broadcast_in_dim3A_106 = vector.broadcast %broadcast_in_dim3A_105 : f32 to vector<16xf32>
      %broadcast_in_dim3A_107 = arith.constant 0.000000e+00 : f32
      %broadcast_in_dim3A_108 = vector.broadcast %broadcast_in_dim3A_107 : f32 to vector<16xf32>
      %broadcast_in_dim3A_109 = arith.constant 0.000000e+00 : f32
      %broadcast_in_dim3A_110 = vector.broadcast %broadcast_in_dim3A_109 : f32 to vector<16xf32>
      %broadcast_in_dim3A_111 = arith.constant 0.000000e+00 : f32
      %broadcast_in_dim3A_112 = vector.broadcast %broadcast_in_dim3A_111 : f32 to vector<16xf32>
      %broadcast_in_dim3A_113 = arith.constant 0.000000e+00 : f32
      %broadcast_in_dim3A_114 = vector.broadcast %broadcast_in_dim3A_113 : f32 to vector<16xf32>
      %broadcast_in_dim3A_115 = arith.constant 0.000000e+00 : f32
      %broadcast_in_dim3A_116 = vector.broadcast %broadcast_in_dim3A_115 : f32 to vector<16xf32>
      %mul3A_117 = arith.constant 8 : i32
      %mul3A_118 = vector.broadcast %mul3A_117 : i32 to vector<16xi32>
      %mul3A_119 = arith.muli %gather3A, %mul3A_118 : vector<16xi32>
      %add3A_120 = arith.constant 0 : i32
      %add3A_121 = vector.broadcast %add3A_120 : i32 to vector<16xi32>
      %add3A_122 = arith.addi %mul3A_119, %add3A_121 : vector<16xi32>
      %gather3A_123 = tpu.vector_load_idx %arg20[%add3A_122] : memref<512xf32, #tpu.memory_space<vmem>>[vector<16xi32>], vector<16xf32>,
      %get3A_124 = arith.index_cast %scan3A_87 : i32 to index
      %get3A_125 = arith.constant 0 : index
      %get3A_126 = tpu.vector_load %arg16[%get3A_124, %get3A_125] {strides = array<i32>} : memref<32x1024xf32, #tpu.memory_space<vmem>>, vector<16xf32>,
      %mul3A_127 = arith.mulf %gather3A_123, %get3A_126 : vector<16xf32>
      %add3A_128 = arith.addf %broadcast_in_dim3A_102, %mul3A_127 : vector<16xf32>
      %get3A_129 = arith.index_cast %scan3A_87 : i32 to index
      %get3A_130 = arith.constant 16 : index
      %get3A_131 = tpu.vector_load %arg16[%get3A_129, %get3A_130] {strides = array<i32>} : memref<32x1024xf32, #tpu.memory_space<vmem>>, vector<16xf32>,
      %mul3A_132 = arith.mulf %gather3A_123, %get3A_131 : vector<16xf32>
      %add3A_133 = arith.addf %broadcast_in_dim3A_104, %mul3A_132 : vector<16xf32>
      %get3A_134 = arith.index_cast %scan3A_87 : i32 to index
      %get3A_135 = arith.constant 32 : index
      %get3A_136 = tpu.vector_load %arg16[%get3A_134, %get3A_135] {strides = array<i32>} : memref<32x1024xf32, #tpu.memory_space<vmem>>, vector<16xf32>,
      %mul3A_137 = arith.mulf %gather3A_123, %get3A_136 : vector<16xf32>
      %add3A_138 = arith.addf %broadcast_in_dim3A_106, %mul3A_137 : vector<16xf32>
      %get3A_139 = arith.index_cast %scan3A_87 : i32 to index
      %get3A_140 = arith.constant 48 : index
      %get3A_141 = tpu.vector_load %arg16[%get3A_139, %get3A_140] {strides = array<i32>} : memref<32x1024xf32, #tpu.memory_space<vmem>>, vector<16xf32>,
      %mul3A_142 = arith.mulf %gather3A_123, %get3A_141 : vector<16xf32>
      %add3A_143 = arith.addf %broadcast_in_dim3A_108, %mul3A_142 : vector<16xf32>
      %get3A_144 = arith.index_cast %scan3A_87 : i32 to index
      %get3A_145 = arith.constant 64 : index
      %get3A_146 = tpu.vector_load %arg16[%get3A_144, %get3A_145] {strides = array<i32>} : memref<32x1024xf32, #tpu.memory_space<vmem>>, vector<16xf32>,
      %mul3A_147 = arith.mulf %gather3A_123, %get3A_146 : vector<16xf32>
      %add3A_148 = arith.addf %broadcast_in_dim3A_110, %mul3A_147 : vector<16xf32>
      %get3A_149 = arith.index_cast %scan3A_87 : i32 to index
      %get3A_150 = arith.constant 80 : index
      %get3A_151 = tpu.vector_load %arg16[%get3A_149, %get3A_150] {strides = array<i32>} : memref<32x1024xf32, #tpu.memory_space<vmem>>, vector<16xf32>,
      %mul3A_152 = arith.mulf %gather3A_123, %get3A_151 : vector<16xf32>
      %add3A_153 = arith.addf %broadcast_in_dim3A_112, %mul3A_152 : vector<16xf32>
      %get3A_154 = arith.index_cast %scan3A_87 : i32 to index
      %get3A_155 = arith.constant 96 : index
      %get3A_156 = tpu.vector_load %arg16[%get3A_154, %get3A_155] {strides = array<i32>} : memref<32x1024xf32, #tpu.memory_space<vmem>>, vector<16xf32>,
      %mul3A_157 = arith.mulf %gather3A_123, %get3A_156 : vector<16xf32>
      %add3A_158 = arith.addf %broadcast_in_dim3A_114, %mul3A_157 : vector<16xf32>
      %get3A_159 = arith.index_cast %scan3A_87 : i32 to index
      %get3A_160 = arith.constant 112 : index
      %get3A_161 = tpu.vector_load %arg16[%get3A_159, %get3A_160] {strides = array<i32>} : memref<32x1024xf32, #tpu.memory_space<vmem>>, vector<16xf32>,
      %mul3A_162 = arith.mulf %gather3A_123, %get3A_161 : vector<16xf32>
      %add3A_163 = arith.addf %broadcast_in_dim3A_116, %mul3A_162 : vector<16xf32>
      %mul3A_164 = arith.constant 8 : i32
      %mul3A_165 = vector.broadcast %mul3A_164 : i32 to vector<16xi32>
      %mul3A_166 = arith.muli %gather3A, %mul3A_165 : vector<16xi32>
      %add3A_167 = arith.constant 1 : i32
      %add3A_168 = vector.broadcast %add3A_167 : i32 to vector<16xi32>
      %add3A_169 = arith.addi %mul3A_166, %add3A_168 : vector<16xi32>
      %gather3A_170 = tpu.vector_load_idx %arg20[%add3A_169] : memref<512xf32, #tpu.memory_space<vmem>>[vector<16xi32>], vector<16xf32>,
      %get3A_171 = arith.index_cast %scan3A_87 : i32 to index
      %get3A_172 = arith.constant 128 : index
      %get3A_173 = tpu.vector_load %arg16[%get3A_171, %get3A_172] {strides = array<i32>} : memref<32x1024xf32, #tpu.memory_space<vmem>>, vector<16xf32>,
      %mul3A_174 = arith.mulf %gather3A_170, %get3A_173 : vector<16xf32>
      %add3A_175 = arith.addf %add3A_128, %mul3A_174 : vector<16xf32>
      %get3A_176 = arith.index_cast %scan3A_87 : i32 to index
      %get3A_177 = arith.constant 144 : index
      %get3A_178 = tpu.vector_load %arg16[%get3A_176, %get3A_177] {strides = array<i32>} : memref<32x1024xf32, #tpu.memory_space<vmem>>, vector<16xf32>,
      %mul3A_179 = arith.mulf %gather3A_170, %get3A_178 : vector<16xf32>
      %add3A_180 = arith.addf %add3A_133, %mul3A_179 : vector<16xf32>
      %get3A_181 = arith.index_cast %scan3A_87 : i32 to index
      %get3A_182 = arith.constant 160 : index
      %get3A_183 = tpu.vector_load %arg16[%get3A_181, %get3A_182] {strides = array<i32>} : memref<32x1024xf32, #tpu.memory_space<vmem>>, vector<16xf32>,
      %mul3A_184 = arith.mulf %gather3A_170, %get3A_183 : vector<16xf32>
      %add3A_185 = arith.addf %add3A_138, %mul3A_184 : vector<16xf32>
      %get3A_186 = arith.index_cast %scan3A_87 : i32 to index
      %get3A_187 = arith.constant 176 : index
      %get3A_188 = tpu.vector_load %arg16[%get3A_186, %get3A_187] {strides = array<i32>} : memref<32x1024xf32, #tpu.memory_space<vmem>>, vector<16xf32>,
      %mul3A_189 = arith.mulf %gather3A_170, %get3A_188 : vector<16xf32>
      %add3A_190 = arith.addf %add3A_143, %mul3A_189 : vector<16xf32>
      %get3A_191 = arith.index_cast %scan3A_87 : i32 to index
      %get3A_192 = arith.constant 192 : index
      %get3A_193 = tpu.vector_load %arg16[%get3A_191, %get3A_192] {strides = array<i32>} : memref<32x1024xf32, #tpu.memory_space<vmem>>, vector<16xf32>,
      %mul3A_194 = arith.mulf %gather3A_170, %get3A_193 : vector<16xf32>
      %add3A_195 = arith.addf %add3A_148, %mul3A_194 : vector<16xf32>
      %get3A_196 = arith.index_cast %scan3A_87 : i32 to index
      %get3A_197 = arith.constant 208 : index
      %get3A_198 = tpu.vector_load %arg16[%get3A_196, %get3A_197] {strides = array<i32>} : memref<32x1024xf32, #tpu.memory_space<vmem>>, vector<16xf32>,
      %mul3A_199 = arith.mulf %gather3A_170, %get3A_198 : vector<16xf32>
      %add3A_200 = arith.addf %add3A_153, %mul3A_199 : vector<16xf32>
      %get3A_201 = arith.index_cast %scan3A_87 : i32 to index
      %get3A_202 = arith.constant 224 : index
      %get3A_203 = tpu.vector_load %arg16[%get3A_201, %get3A_202] {strides = array<i32>} : memref<32x1024xf32, #tpu.memory_space<vmem>>, vector<16xf32>,
      %mul3A_204 = arith.mulf %gather3A_170, %get3A_203 : vector<16xf32>
      %add3A_205 = arith.addf %add3A_158, %mul3A_204 : vector<16xf32>
      %get3A_206 = arith.index_cast %scan3A_87 : i32 to index
      %get3A_207 = arith.constant 240 : index
      %get3A_208 = tpu.vector_load %arg16[%get3A_206, %get3A_207] {strides = array<i32>} : memref<32x1024xf32, #tpu.memory_space<vmem>>, vector<16xf32>,
      %mul3A_209 = arith.mulf %gather3A_170, %get3A_208 : vector<16xf32>
      %add3A_210 = arith.addf %add3A_163, %mul3A_209 : vector<16xf32>
      %mul3A_211 = arith.constant 8 : i32
      %mul3A_212 = vector.broadcast %mul3A_211 : i32 to vector<16xi32>
      %mul3A_213 = arith.muli %gather3A, %mul3A_212 : vector<16xi32>
      %add3A_214 = arith.constant 2 : i32
      %add3A_215 = vector.broadcast %add3A_214 : i32 to vector<16xi32>
      %add3A_216 = arith.addi %mul3A_213, %add3A_215 : vector<16xi32>
      %gather3A_217 = tpu.vector_load_idx %arg20[%add3A_216] : memref<512xf32, #tpu.memory_space<vmem>>[vector<16xi32>], vector<16xf32>,
      %get3A_218 = arith.index_cast %scan3A_87 : i32 to index
      %get3A_219 = arith.constant 256 : index
      %get3A_220 = tpu.vector_load %arg16[%get3A_218, %get3A_219] {strides = array<i32>} : memref<32x1024xf32, #tpu.memory_space<vmem>>, vector<16xf32>,
      %mul3A_221 = arith.mulf %gather3A_217, %get3A_220 : vector<16xf32>
      %add3A_222 = arith.addf %add3A_175, %mul3A_221 : vector<16xf32>
      %get3A_223 = arith.index_cast %scan3A_87 : i32 to index
      %get3A_224 = arith.constant 272 : index
      %get3A_225 = tpu.vector_load %arg16[%get3A_223, %get3A_224] {strides = array<i32>} : memref<32x1024xf32, #tpu.memory_space<vmem>>, vector<16xf32>,
      %mul3A_226 = arith.mulf %gather3A_217, %get3A_225 : vector<16xf32>
      %add3A_227 = arith.addf %add3A_180, %mul3A_226 : vector<16xf32>
      %get3A_228 = arith.index_cast %scan3A_87 : i32 to index
      %get3A_229 = arith.constant 288 : index
      %get3A_230 = tpu.vector_load %arg16[%get3A_228, %get3A_229] {strides = array<i32>} : memref<32x1024xf32, #tpu.memory_space<vmem>>, vector<16xf32>,
      %mul3A_231 = arith.mulf %gather3A_217, %get3A_230 : vector<16xf32>
      %add3A_232 = arith.addf %add3A_185, %mul3A_231 : vector<16xf32>
      %get3A_233 = arith.index_cast %scan3A_87 : i32 to index
      %get3A_234 = arith.constant 304 : index
      %get3A_235 = tpu.vector_load %arg16[%get3A_233, %get3A_234] {strides = array<i32>} : memref<32x1024xf32, #tpu.memory_space<vmem>>, vector<16xf32>,
      %mul3A_236 = arith.mulf %gather3A_217, %get3A_235 : vector<16xf32>
      %add3A_237 = arith.addf %add3A_190, %mul3A_236 : vector<16xf32>
      %get3A_238 = arith.index_cast %scan3A_87 : i32 to index
      %get3A_239 = arith.constant 320 : index
      %get3A_240 = tpu.vector_load %arg16[%get3A_238, %get3A_239] {strides = array<i32>} : memref<32x1024xf32, #tpu.memory_space<vmem>>, vector<16xf32>,
      %mul3A_241 = arith.mulf %gather3A_217, %get3A_240 : vector<16xf32>
      %add3A_242 = arith.addf %add3A_195, %mul3A_241 : vector<16xf32>
      %get3A_243 = arith.index_cast %scan3A_87 : i32 to index
      %get3A_244 = arith.constant 336 : index
      %get3A_245 = tpu.vector_load %arg16[%get3A_243, %get3A_244] {strides = array<i32>} : memref<32x1024xf32, #tpu.memory_space<vmem>>, vector<16xf32>,
      %mul3A_246 = arith.mulf %gather3A_217, %get3A_245 : vector<16xf32>
      %add3A_247 = arith.addf %add3A_200, %mul3A_246 : vector<16xf32>
      %get3A_248 = arith.index_cast %scan3A_87 : i32 to index
      %get3A_249 = arith.constant 352 : index
      %get3A_250 = tpu.vector_load %arg16[%get3A_248, %get3A_249] {strides = array<i32>} : memref<32x1024xf32, #tpu.memory_space<vmem>>, vector<16xf32>,
      %mul3A_251 = arith.mulf %gather3A_217, %get3A_250 : vector<16xf32>
      %add3A_252 = arith.addf %add3A_205, %mul3A_251 : vector<16xf32>
      %get3A_253 = arith.index_cast %scan3A_87 : i32 to index
      %get3A_254 = arith.constant 368 : index
      %get3A_255 = tpu.vector_load %arg16[%get3A_253, %get3A_254] {strides = array<i32>} : memref<32x1024xf32, #tpu.memory_space<vmem>>, vector<16xf32>,
      %mul3A_256 = arith.mulf %gather3A_217, %get3A_255 : vector<16xf32>
      %add3A_257 = arith.addf %add3A_210, %mul3A_256 : vector<16xf32>
      %mul3A_258 = arith.constant 8 : i32
      %mul3A_259 = vector.broadcast %mul3A_258 : i32 to vector<16xi32>
      %mul3A_260 = arith.muli %gather3A, %mul3A_259 : vector<16xi32>
      %add3A_261 = arith.constant 3 : i32
      %add3A_262 = vector.broadcast %add3A_261 : i32 to vector<16xi32>
      %add3A_263 = arith.addi %mul3A_260, %add3A_262 : vector<16xi32>
      %gather3A_264 = tpu.vector_load_idx %arg20[%add3A_263] : memref<512xf32, #tpu.memory_space<vmem>>[vector<16xi32>], vector<16xf32>,
      %get3A_265 = arith.index_cast %scan3A_87 : i32 to index
      %get3A_266 = arith.constant 384 : index
      %get3A_267 = tpu.vector_load %arg16[%get3A_265, %get3A_266] {strides = array<i32>} : memref<32x1024xf32, #tpu.memory_space<vmem>>, vector<16xf32>,
      %mul3A_268 = arith.mulf %gather3A_264, %get3A_267 : vector<16xf32>
      %add3A_269 = arith.addf %add3A_222, %mul3A_268 : vector<16xf32>
      %get3A_270 = arith.index_cast %scan3A_87 : i32 to index
      %get3A_271 = arith.constant 400 : index
      %get3A_272 = tpu.vector_load %arg16[%get3A_270, %get3A_271] {strides = array<i32>} : memref<32x1024xf32, #tpu.memory_space<vmem>>, vector<16xf32>,
      %mul3A_273 = arith.mulf %gather3A_264, %get3A_272 : vector<16xf32>
      %add3A_274 = arith.addf %add3A_227, %mul3A_273 : vector<16xf32>
      %get3A_275 = arith.index_cast %scan3A_87 : i32 to index
      %get3A_276 = arith.constant 416 : index
      %get3A_277 = tpu.vector_load %arg16[%get3A_275, %get3A_276] {strides = array<i32>} : memref<32x1024xf32, #tpu.memory_space<vmem>>, vector<16xf32>,
      %mul3A_278 = arith.mulf %gather3A_264, %get3A_277 : vector<16xf32>
      %add3A_279 = arith.addf %add3A_232, %mul3A_278 : vector<16xf32>
      %get3A_280 = arith.index_cast %scan3A_87 : i32 to index
      %get3A_281 = arith.constant 432 : index
      %get3A_282 = tpu.vector_load %arg16[%get3A_280, %get3A_281] {strides = array<i32>} : memref<32x1024xf32, #tpu.memory_space<vmem>>, vector<16xf32>,
      %mul3A_283 = arith.mulf %gather3A_264, %get3A_282 : vector<16xf32>
      %add3A_284 = arith.addf %add3A_237, %mul3A_283 : vector<16xf32>
      %get3A_285 = arith.index_cast %scan3A_87 : i32 to index
      %get3A_286 = arith.constant 448 : index
      %get3A_287 = tpu.vector_load %arg16[%get3A_285, %get3A_286] {strides = array<i32>} : memref<32x1024xf32, #tpu.memory_space<vmem>>, vector<16xf32>,
      %mul3A_288 = arith.mulf %gather3A_264, %get3A_287 : vector<16xf32>
      %add3A_289 = arith.addf %add3A_242, %mul3A_288 : vector<16xf32>
      %get3A_290 = arith.index_cast %scan3A_87 : i32 to index
      %get3A_291 = arith.constant 464 : index
      %get3A_292 = tpu.vector_load %arg16[%get3A_290, %get3A_291] {strides = array<i32>} : memref<32x1024xf32, #tpu.memory_space<vmem>>, vector<16xf32>,
      %mul3A_293 = arith.mulf %gather3A_264, %get3A_292 : vector<16xf32>
      %add3A_294 = arith.addf %add3A_247, %mul3A_293 : vector<16xf32>
      %get3A_295 = arith.index_cast %scan3A_87 : i32 to index
      %get3A_296 = arith.constant 480 : index
      %get3A_297 = tpu.vector_load %arg16[%get3A_295, %get3A_296] {strides = array<i32>} : memref<32x1024xf32, #tpu.memory_space<vmem>>, vector<16xf32>,
      %mul3A_298 = arith.mulf %gather3A_264, %get3A_297 : vector<16xf32>
      %add3A_299 = arith.addf %add3A_252, %mul3A_298 : vector<16xf32>
      %get3A_300 = arith.index_cast %scan3A_87 : i32 to index
      %get3A_301 = arith.constant 496 : index
      %get3A_302 = tpu.vector_load %arg16[%get3A_300, %get3A_301] {strides = array<i32>} : memref<32x1024xf32, #tpu.memory_space<vmem>>, vector<16xf32>,
      %mul3A_303 = arith.mulf %gather3A_264, %get3A_302 : vector<16xf32>
      %add3A_304 = arith.addf %add3A_257, %mul3A_303 : vector<16xf32>
      %mul3A_305 = arith.constant 8 : i32
      %mul3A_306 = vector.broadcast %mul3A_305 : i32 to vector<16xi32>
      %mul3A_307 = arith.muli %gather3A, %mul3A_306 : vector<16xi32>
      %add3A_308 = arith.constant 4 : i32
      %add3A_309 = vector.broadcast %add3A_308 : i32 to vector<16xi32>
      %add3A_310 = arith.addi %mul3A_307, %add3A_309 : vector<16xi32>
      %gather3A_311 = tpu.vector_load_idx %arg20[%add3A_310] : memref<512xf32, #tpu.memory_space<vmem>>[vector<16xi32>], vector<16xf32>,
      %get3A_312 = arith.index_cast %scan3A_87 : i32 to index
      %get3A_313 = arith.constant 512 : index
      %get3A_314 = tpu.vector_load %arg16[%get3A_312, %get3A_313] {strides = array<i32>} : memref<32x1024xf32, #tpu.memory_space<vmem>>, vector<16xf32>,
      %mul3A_315 = arith.mulf %gather3A_311, %get3A_314 : vector<16xf32>
      %add3A_316 = arith.addf %add3A_269, %mul3A_315 : vector<16xf32>
      %get3A_317 = arith.index_cast %scan3A_87 : i32 to index
      %get3A_318 = arith.constant 528 : index
      %get3A_319 = tpu.vector_load %arg16[%get3A_317, %get3A_318] {strides = array<i32>} : memref<32x1024xf32, #tpu.memory_space<vmem>>, vector<16xf32>,
      %mul3A_320 = arith.mulf %gather3A_311, %get3A_319 : vector<16xf32>
      %add3A_321 = arith.addf %add3A_274, %mul3A_320 : vector<16xf32>
      %get3A_322 = arith.index_cast %scan3A_87 : i32 to index
      %get3A_323 = arith.constant 544 : index
      %get3A_324 = tpu.vector_load %arg16[%get3A_322, %get3A_323] {strides = array<i32>} : memref<32x1024xf32, #tpu.memory_space<vmem>>, vector<16xf32>,
      %mul3A_325 = arith.mulf %gather3A_311, %get3A_324 : vector<16xf32>
      %add3A_326 = arith.addf %add3A_279, %mul3A_325 : vector<16xf32>
      %get3A_327 = arith.index_cast %scan3A_87 : i32 to index
      %get3A_328 = arith.constant 560 : index
      %get3A_329 = tpu.vector_load %arg16[%get3A_327, %get3A_328] {strides = array<i32>} : memref<32x1024xf32, #tpu.memory_space<vmem>>, vector<16xf32>,
      %mul3A_330 = arith.mulf %gather3A_311, %get3A_329 : vector<16xf32>
      %add3A_331 = arith.addf %add3A_284, %mul3A_330 : vector<16xf32>
      %get3A_332 = arith.index_cast %scan3A_87 : i32 to index
      %get3A_333 = arith.constant 576 : index
      %get3A_334 = tpu.vector_load %arg16[%get3A_332, %get3A_333] {strides = array<i32>} : memref<32x1024xf32, #tpu.memory_space<vmem>>, vector<16xf32>,
      %mul3A_335 = arith.mulf %gather3A_311, %get3A_334 : vector<16xf32>
      %add3A_336 = arith.addf %add3A_289, %mul3A_335 : vector<16xf32>
      %get3A_337 = arith.index_cast %scan3A_87 : i32 to index
      %get3A_338 = arith.constant 592 : index
      %get3A_339 = tpu.vector_load %arg16[%get3A_337, %get3A_338] {strides = array<i32>} : memref<32x1024xf32, #tpu.memory_space<vmem>>, vector<16xf32>,
      %mul3A_340 = arith.mulf %gather3A_311, %get3A_339 : vector<16xf32>
      %add3A_341 = arith.addf %add3A_294, %mul3A_340 : vector<16xf32>
      %get3A_342 = arith.index_cast %scan3A_87 : i32 to index
      %get3A_343 = arith.constant 608 : index
      %get3A_344 = tpu.vector_load %arg16[%get3A_342, %get3A_343] {strides = array<i32>} : memref<32x1024xf32, #tpu.memory_space<vmem>>, vector<16xf32>,
      %mul3A_345 = arith.mulf %gather3A_311, %get3A_344 : vector<16xf32>
      %add3A_346 = arith.addf %add3A_299, %mul3A_345 : vector<16xf32>
      %get3A_347 = arith.index_cast %scan3A_87 : i32 to index
      %get3A_348 = arith.constant 624 : index
      %get3A_349 = tpu.vector_load %arg16[%get3A_347, %get3A_348] {strides = array<i32>} : memref<32x1024xf32, #tpu.memory_space<vmem>>, vector<16xf32>,
      %mul3A_350 = arith.mulf %gather3A_311, %get3A_349 : vector<16xf32>
      %add3A_351 = arith.addf %add3A_304, %mul3A_350 : vector<16xf32>
      %mul3A_352 = arith.constant 8 : i32
      %mul3A_353 = vector.broadcast %mul3A_352 : i32 to vector<16xi32>
      %mul3A_354 = arith.muli %gather3A, %mul3A_353 : vector<16xi32>
      %add3A_355 = arith.constant 5 : i32
      %add3A_356 = vector.broadcast %add3A_355 : i32 to vector<16xi32>
      %add3A_357 = arith.addi %mul3A_354, %add3A_356 : vector<16xi32>
      %gather3A_358 = tpu.vector_load_idx %arg20[%add3A_357] : memref<512xf32, #tpu.memory_space<vmem>>[vector<16xi32>], vector<16xf32>,
      %get3A_359 = arith.index_cast %scan3A_87 : i32 to index
      %get3A_360 = arith.constant 640 : index
      %get3A_361 = tpu.vector_load %arg16[%get3A_359, %get3A_360] {strides = array<i32>} : memref<32x1024xf32, #tpu.memory_space<vmem>>, vector<16xf32>,
      %mul3A_362 = arith.mulf %gather3A_358, %get3A_361 : vector<16xf32>
      %add3A_363 = arith.addf %add3A_316, %mul3A_362 : vector<16xf32>
      %get3A_364 = arith.index_cast %scan3A_87 : i32 to index
      %get3A_365 = arith.constant 656 : index
      %get3A_366 = tpu.vector_load %arg16[%get3A_364, %get3A_365] {strides = array<i32>} : memref<32x1024xf32, #tpu.memory_space<vmem>>, vector<16xf32>,
      %mul3A_367 = arith.mulf %gather3A_358, %get3A_366 : vector<16xf32>
      %add3A_368 = arith.addf %add3A_321, %mul3A_367 : vector<16xf32>
      %get3A_369 = arith.index_cast %scan3A_87 : i32 to index
      %get3A_370 = arith.constant 672 : index
      %get3A_371 = tpu.vector_load %arg16[%get3A_369, %get3A_370] {strides = array<i32>} : memref<32x1024xf32, #tpu.memory_space<vmem>>, vector<16xf32>,
      %mul3A_372 = arith.mulf %gather3A_358, %get3A_371 : vector<16xf32>
      %add3A_373 = arith.addf %add3A_326, %mul3A_372 : vector<16xf32>
      %get3A_374 = arith.index_cast %scan3A_87 : i32 to index
      %get3A_375 = arith.constant 688 : index
      %get3A_376 = tpu.vector_load %arg16[%get3A_374, %get3A_375] {strides = array<i32>} : memref<32x1024xf32, #tpu.memory_space<vmem>>, vector<16xf32>,
      %mul3A_377 = arith.mulf %gather3A_358, %get3A_376 : vector<16xf32>
      %add3A_378 = arith.addf %add3A_331, %mul3A_377 : vector<16xf32>
      %get3A_379 = arith.index_cast %scan3A_87 : i32 to index
      %get3A_380 = arith.constant 704 : index
      %get3A_381 = tpu.vector_load %arg16[%get3A_379, %get3A_380] {strides = array<i32>} : memref<32x1024xf32, #tpu.memory_space<vmem>>, vector<16xf32>,
      %mul3A_382 = arith.mulf %gather3A_358, %get3A_381 : vector<16xf32>
      %add3A_383 = arith.addf %add3A_336, %mul3A_382 : vector<16xf32>
      %get3A_384 = arith.index_cast %scan3A_87 : i32 to index
      %get3A_385 = arith.constant 720 : index
      %get3A_386 = tpu.vector_load %arg16[%get3A_384, %get3A_385] {strides = array<i32>} : memref<32x1024xf32, #tpu.memory_space<vmem>>, vector<16xf32>,
      %mul3A_387 = arith.mulf %gather3A_358, %get3A_386 : vector<16xf32>
      %add3A_388 = arith.addf %add3A_341, %mul3A_387 : vector<16xf32>
      %get3A_389 = arith.index_cast %scan3A_87 : i32 to index
      %get3A_390 = arith.constant 736 : index
      %get3A_391 = tpu.vector_load %arg16[%get3A_389, %get3A_390] {strides = array<i32>} : memref<32x1024xf32, #tpu.memory_space<vmem>>, vector<16xf32>,
      %mul3A_392 = arith.mulf %gather3A_358, %get3A_391 : vector<16xf32>
      %add3A_393 = arith.addf %add3A_346, %mul3A_392 : vector<16xf32>
      %get3A_394 = arith.index_cast %scan3A_87 : i32 to index
      %get3A_395 = arith.constant 752 : index
      %get3A_396 = tpu.vector_load %arg16[%get3A_394, %get3A_395] {strides = array<i32>} : memref<32x1024xf32, #tpu.memory_space<vmem>>, vector<16xf32>,
      %mul3A_397 = arith.mulf %gather3A_358, %get3A_396 : vector<16xf32>
      %add3A_398 = arith.addf %add3A_351, %mul3A_397 : vector<16xf32>
      %mul3A_399 = arith.constant 8 : i32
      %mul3A_400 = vector.broadcast %mul3A_399 : i32 to vector<16xi32>
      %mul3A_401 = arith.muli %gather3A, %mul3A_400 : vector<16xi32>
      %add3A_402 = arith.constant 6 : i32
      %add3A_403 = vector.broadcast %add3A_402 : i32 to vector<16xi32>
      %add3A_404 = arith.addi %mul3A_401, %add3A_403 : vector<16xi32>
      %gather3A_405 = tpu.vector_load_idx %arg20[%add3A_404] : memref<512xf32, #tpu.memory_space<vmem>>[vector<16xi32>], vector<16xf32>,
      %get3A_406 = arith.index_cast %scan3A_87 : i32 to index
      %get3A_407 = arith.constant 768 : index
      %get3A_408 = tpu.vector_load %arg16[%get3A_406, %get3A_407] {strides = array<i32>} : memref<32x1024xf32, #tpu.memory_space<vmem>>, vector<16xf32>,
      %mul3A_409 = arith.mulf %gather3A_405, %get3A_408 : vector<16xf32>
      %add3A_410 = arith.addf %add3A_363, %mul3A_409 : vector<16xf32>
      %get3A_411 = arith.index_cast %scan3A_87 : i32 to index
      %get3A_412 = arith.constant 784 : index
      %get3A_413 = tpu.vector_load %arg16[%get3A_411, %get3A_412] {strides = array<i32>} : memref<32x1024xf32, #tpu.memory_space<vmem>>, vector<16xf32>,
      %mul3A_414 = arith.mulf %gather3A_405, %get3A_413 : vector<16xf32>
      %add3A_415 = arith.addf %add3A_368, %mul3A_414 : vector<16xf32>
      %get3A_416 = arith.index_cast %scan3A_87 : i32 to index
      %get3A_417 = arith.constant 800 : index
      %get3A_418 = tpu.vector_load %arg16[%get3A_416, %get3A_417] {strides = array<i32>} : memref<32x1024xf32, #tpu.memory_space<vmem>>, vector<16xf32>,
      %mul3A_419 = arith.mulf %gather3A_405, %get3A_418 : vector<16xf32>
      %add3A_420 = arith.addf %add3A_373, %mul3A_419 : vector<16xf32>
      %get3A_421 = arith.index_cast %scan3A_87 : i32 to index
      %get3A_422 = arith.constant 816 : index
      %get3A_423 = tpu.vector_load %arg16[%get3A_421, %get3A_422] {strides = array<i32>} : memref<32x1024xf32, #tpu.memory_space<vmem>>, vector<16xf32>,
      %mul3A_424 = arith.mulf %gather3A_405, %get3A_423 : vector<16xf32>
      %add3A_425 = arith.addf %add3A_378, %mul3A_424 : vector<16xf32>
      %get3A_426 = arith.index_cast %scan3A_87 : i32 to index
      %get3A_427 = arith.constant 832 : index
      %get3A_428 = tpu.vector_load %arg16[%get3A_426, %get3A_427] {strides = array<i32>} : memref<32x1024xf32, #tpu.memory_space<vmem>>, vector<16xf32>,
      %mul3A_429 = arith.mulf %gather3A_405, %get3A_428 : vector<16xf32>
      %add3A_430 = arith.addf %add3A_383, %mul3A_429 : vector<16xf32>
      %get3A_431 = arith.index_cast %scan3A_87 : i32 to index
      %get3A_432 = arith.constant 848 : index
      %get3A_433 = tpu.vector_load %arg16[%get3A_431, %get3A_432] {strides = array<i32>} : memref<32x1024xf32, #tpu.memory_space<vmem>>, vector<16xf32>,
      %mul3A_434 = arith.mulf %gather3A_405, %get3A_433 : vector<16xf32>
      %add3A_435 = arith.addf %add3A_388, %mul3A_434 : vector<16xf32>
      %get3A_436 = arith.index_cast %scan3A_87 : i32 to index
      %get3A_437 = arith.constant 864 : index
      %get3A_438 = tpu.vector_load %arg16[%get3A_436, %get3A_437] {strides = array<i32>} : memref<32x1024xf32, #tpu.memory_space<vmem>>, vector<16xf32>,
      %mul3A_439 = arith.mulf %gather3A_405, %get3A_438 : vector<16xf32>
      %add3A_440 = arith.addf %add3A_393, %mul3A_439 : vector<16xf32>
      %get3A_441 = arith.index_cast %scan3A_87 : i32 to index
      %get3A_442 = arith.constant 880 : index
      %get3A_443 = tpu.vector_load %arg16[%get3A_441, %get3A_442] {strides = array<i32>} : memref<32x1024xf32, #tpu.memory_space<vmem>>, vector<16xf32>,
      %mul3A_444 = arith.mulf %gather3A_405, %get3A_443 : vector<16xf32>
      %add3A_445 = arith.addf %add3A_398, %mul3A_444 : vector<16xf32>
      %mul3A_446 = arith.constant 8 : i32
      %mul3A_447 = vector.broadcast %mul3A_446 : i32 to vector<16xi32>
      %mul3A_448 = arith.muli %gather3A, %mul3A_447 : vector<16xi32>
      %add3A_449 = arith.constant 7 : i32
      %add3A_450 = vector.broadcast %add3A_449 : i32 to vector<16xi32>
      %add3A_451 = arith.addi %mul3A_448, %add3A_450 : vector<16xi32>
      %gather3A_452 = tpu.vector_load_idx %arg20[%add3A_451] : memref<512xf32, #tpu.memory_space<vmem>>[vector<16xi32>], vector<16xf32>,
      %get3A_453 = arith.index_cast %scan3A_87 : i32 to index
      %get3A_454 = arith.constant 896 : index
      %get3A_455 = tpu.vector_load %arg16[%get3A_453, %get3A_454] {strides = array<i32>} : memref<32x1024xf32, #tpu.memory_space<vmem>>, vector<16xf32>,
      %mul3A_456 = arith.mulf %gather3A_452, %get3A_455 : vector<16xf32>
      %add3A_457 = arith.addf %add3A_410, %mul3A_456 : vector<16xf32>
      %get3A_458 = arith.index_cast %scan3A_87 : i32 to index
      %get3A_459 = arith.constant 912 : index
      %get3A_460 = tpu.vector_load %arg16[%get3A_458, %get3A_459] {strides = array<i32>} : memref<32x1024xf32, #tpu.memory_space<vmem>>, vector<16xf32>,
      %mul3A_461 = arith.mulf %gather3A_452, %get3A_460 : vector<16xf32>
      %add3A_462 = arith.addf %add3A_415, %mul3A_461 : vector<16xf32>
      %get3A_463 = arith.index_cast %scan3A_87 : i32 to index
      %get3A_464 = arith.constant 928 : index
      %get3A_465 = tpu.vector_load %arg16[%get3A_463, %get3A_464] {strides = array<i32>} : memref<32x1024xf32, #tpu.memory_space<vmem>>, vector<16xf32>,
      %mul3A_466 = arith.mulf %gather3A_452, %get3A_465 : vector<16xf32>
      %add3A_467 = arith.addf %add3A_420, %mul3A_466 : vector<16xf32>
      %get3A_468 = arith.index_cast %scan3A_87 : i32 to index
      %get3A_469 = arith.constant 944 : index
      %get3A_470 = tpu.vector_load %arg16[%get3A_468, %get3A_469] {strides = array<i32>} : memref<32x1024xf32, #tpu.memory_space<vmem>>, vector<16xf32>,
      %mul3A_471 = arith.mulf %gather3A_452, %get3A_470 : vector<16xf32>
      %add3A_472 = arith.addf %add3A_425, %mul3A_471 : vector<16xf32>
      %get3A_473 = arith.index_cast %scan3A_87 : i32 to index
      %get3A_474 = arith.constant 960 : index
      %get3A_475 = tpu.vector_load %arg16[%get3A_473, %get3A_474] {strides = array<i32>} : memref<32x1024xf32, #tpu.memory_space<vmem>>, vector<16xf32>,
      %mul3A_476 = arith.mulf %gather3A_452, %get3A_475 : vector<16xf32>
      %add3A_477 = arith.addf %add3A_430, %mul3A_476 : vector<16xf32>
      %get3A_478 = arith.index_cast %scan3A_87 : i32 to index
      %get3A_479 = arith.constant 976 : index
      %get3A_480 = tpu.vector_load %arg16[%get3A_478, %get3A_479] {strides = array<i32>} : memref<32x1024xf32, #tpu.memory_space<vmem>>, vector<16xf32>,
      %mul3A_481 = arith.mulf %gather3A_452, %get3A_480 : vector<16xf32>
      %add3A_482 = arith.addf %add3A_435, %mul3A_481 : vector<16xf32>
      %get3A_483 = arith.index_cast %scan3A_87 : i32 to index
      %get3A_484 = arith.constant 992 : index
      %get3A_485 = tpu.vector_load %arg16[%get3A_483, %get3A_484] {strides = array<i32>} : memref<32x1024xf32, #tpu.memory_space<vmem>>, vector<16xf32>,
      %mul3A_486 = arith.mulf %gather3A_452, %get3A_485 : vector<16xf32>
      %add3A_487 = arith.addf %add3A_440, %mul3A_486 : vector<16xf32>
      %get3A_488 = arith.index_cast %scan3A_87 : i32 to index
      %get3A_489 = arith.constant 1008 : index
      %get3A_490 = tpu.vector_load %arg16[%get3A_488, %get3A_489] {strides = array<i32>} : memref<32x1024xf32, #tpu.memory_space<vmem>>, vector<16xf32>,
      %mul3A_491 = arith.mulf %gather3A_452, %get3A_490 : vector<16xf32>
      %add3A_492 = arith.addf %add3A_445, %mul3A_491 : vector<16xf32>
      %mul3A_493 = arith.mulf %add3A_457, %bitcast3A : vector<16xf32>
      %swap3A_494 = arith.index_cast %scan3A_87 : i32 to index
      %swap3A_495 = arith.constant 0 : index
      %swap3A_496 = tpu.vector_load %arg18[%swap3A_494, %swap3A_495] {strides = array<i32>} : memref<32x128xf32, #tpu.memory_space<vmem>>, vector<16xf32>,
      tpu.vector_store %arg18[%swap3A_494, %swap3A_495], %mul3A_493 {strides = array<i32>} : memref<32x128xf32, #tpu.memory_space<vmem>>, vector<16xf32>,
      %mul3A_497 = arith.mulf %add3A_462, %bitcast3A : vector<16xf32>
      %swap3A_498 = arith.index_cast %scan3A_87 : i32 to index
      %swap3A_499 = arith.constant 16 : index
      %swap3A_500 = tpu.vector_load %arg18[%swap3A_498, %swap3A_499] {strides = array<i32>} : memref<32x128xf32, #tpu.memory_space<vmem>>, vector<16xf32>,
      tpu.vector_store %arg18[%swap3A_498, %swap3A_499], %mul3A_497 {strides = array<i32>} : memref<32x128xf32, #tpu.memory_space<vmem>>, vector<16xf32>,
      %mul3A_501 = arith.mulf %add3A_467, %bitcast3A : vector<16xf32>
      %swap3A_502 = arith.index_cast %scan3A_87 : i32 to index
      %swap3A_503 = arith.constant 32 : index
      %swap3A_504 = tpu.vector_load %arg18[%swap3A_502, %swap3A_503] {strides = array<i32>} : memref<32x128xf32, #tpu.memory_space<vmem>>, vector<16xf32>,
      tpu.vector_store %arg18[%swap3A_502, %swap3A_503], %mul3A_501 {strides = array<i32>} : memref<32x128xf32, #tpu.memory_space<vmem>>, vector<16xf32>,
      %mul3A_505 = arith.mulf %add3A_472, %bitcast3A : vector<16xf32>
      %swap3A_506 = arith.index_cast %scan3A_87 : i32 to index
      %swap3A_507 = arith.constant 48 : index
      %swap3A_508 = tpu.vector_load %arg18[%swap3A_506, %swap3A_507] {strides = array<i32>} : memref<32x128xf32, #tpu.memory_space<vmem>>, vector<16xf32>,
      tpu.vector_store %arg18[%swap3A_506, %swap3A_507], %mul3A_505 {strides = array<i32>} : memref<32x128xf32, #tpu.memory_space<vmem>>, vector<16xf32>,
      %mul3A_509 = arith.mulf %add3A_477, %bitcast3A : vector<16xf32>
      %swap3A_510 = arith.index_cast %scan3A_87 : i32 to index
      %swap3A_511 = arith.constant 64 : index
      %swap3A_512 = tpu.vector_load %arg18[%swap3A_510, %swap3A_511] {strides = array<i32>} : memref<32x128xf32, #tpu.memory_space<vmem>>, vector<16xf32>,
      tpu.vector_store %arg18[%swap3A_510, %swap3A_511], %mul3A_509 {strides = array<i32>} : memref<32x128xf32, #tpu.memory_space<vmem>>, vector<16xf32>,
      %mul3A_513 = arith.mulf %add3A_482, %bitcast3A : vector<16xf32>
      %swap3A_514 = arith.index_cast %scan3A_87 : i32 to index
      %swap3A_515 = arith.constant 80 : index
      %swap3A_516 = tpu.vector_load %arg18[%swap3A_514, %swap3A_515] {strides = array<i32>} : memref<32x128xf32, #tpu.memory_space<vmem>>, vector<16xf32>,
      tpu.vector_store %arg18[%swap3A_514, %swap3A_515], %mul3A_513 {strides = array<i32>} : memref<32x128xf32, #tpu.memory_space<vmem>>, vector<16xf32>,
      %mul3A_517 = arith.mulf %add3A_487, %bitcast3A : vector<16xf32>
      %swap3A_518 = arith.index_cast %scan3A_87 : i32 to index
      %swap3A_519 = arith.constant 96 : index
      %swap3A_520 = tpu.vector_load %arg18[%swap3A_518, %swap3A_519] {strides = array<i32>} : memref<32x128xf32, #tpu.memory_space<vmem>>, vector<16xf32>,
      tpu.vector_store %arg18[%swap3A_518, %swap3A_519], %mul3A_517 {strides = array<i32>} : memref<32x128xf32, #tpu.memory_space<vmem>>, vector<16xf32>,
      %mul3A_521 = arith.mulf %add3A_492, %bitcast3A : vector<16xf32>
      %swap3A_522 = arith.index_cast %scan3A_87 : i32 to index
      %swap3A_523 = arith.constant 112 : index
      %swap3A_524 = tpu.vector_load %arg18[%swap3A_522, %swap3A_523] {strides = array<i32>} : memref<32x128xf32, #tpu.memory_space<vmem>>, vector<16xf32>,
      tpu.vector_store %arg18[%swap3A_522, %swap3A_523], %mul3A_521 {strides = array<i32>} : memref<32x128xf32, #tpu.memory_space<vmem>>, vector<16xf32>,
    }
    %scan3A_56 = arith.constant 32 : i32
    %dma_wait3A_57 = arith.constant 0 : i32
    %dma_wait3A_58 = tpu.memref_slice %arg4[%dma_wait3A_57] : memref<320512xi32, #tpu.memory_space<hbm>> -> memref<32xi32, #tpu.memory_space<hbm>>
    %dma_wait3A_59 = arith.constant 0 : i32
    %dma_wait3A_60 = tpu.memref_slice %arg4[%dma_wait3A_59] : memref<320512xi32, #tpu.memory_space<hbm>> -> memref<32xi32, #tpu.memory_space<hbm>>
    tpu.wait_dma2 semaphore(%arg24 : memref<!tpu.dma_semaphore, #tpu.memory_space<semaphore_mem>>) src(%dma_wait3A_60 : memref<32xi32, #tpu.memory_space<hbm>>) dst(%arg12 : memref<32xi32, #tpu.memory_space<vmem>>)
    %dma_start3A_61 = arith.constant 0 : i32
    %dma_start3A_62 = arith.constant 0 : i32
    %dma_start3A_63 = tpu.memref_slice %arg21[%dma_start3A_61, %dma_start3A_62] : memref<5120x128xf32, #tpu.memory_space<vmem_shared>> -> memref<5120x128xf32, #tpu.memory_space<vmem_shared>>
    tpu.enqueue_indirect_dma source(%arg18 : memref<32x128xf32, #tpu.memory_space<vmem>>) target(%dma_start3A_63 : memref<5120x128xf32, #tpu.memory_space<vmem_shared>>) offsets(%arg12 : memref<32xi32, #tpu.memory_space<vmem>>) semaphore(%arg26 : memref<!tpu.dma_semaphore, #tpu.memory_space<semaphore_mem>>) {add = true}
    %dma_wait3A_64 = arith.constant 0 : i32
    %dma_wait3A_65 = arith.constant 0 : i32
    %dma_wait3A_66 = tpu.memref_slice %arg21[%dma_wait3A_64, %dma_wait3A_65] : memref<5120x128xf32, #tpu.memory_space<vmem_shared>> -> memref<5120x128xf32, #tpu.memory_space<vmem_shared>>
    tpu.wait_indirect_dma semaphore(%arg26 : memref<!tpu.dma_semaphore, #tpu.memory_space<semaphore_mem>>) src(%arg18 : memref<32x128xf32, #tpu.memory_space<vmem>>) dst(%dma_wait3A_66 : memref<5120x128xf32, #tpu.memory_space<vmem_shared>>)
    %dma_wait3A_67 = arith.constant 0 : i32
    %dma_wait3A_68 = arith.constant 0 : i32
    %dma_wait3A_69 = tpu.memref_slice %arg21[%dma_wait3A_67, %dma_wait3A_68] : memref<5120x128xf32, #tpu.memory_space<vmem_shared>> -> memref<5120x128xf32, #tpu.memory_space<vmem_shared>>
    tpu.wait_indirect_dma semaphore(%arg27 : memref<!tpu.dma_semaphore, #tpu.memory_space<semaphore_mem>>) src(%arg19 : memref<32x128xf32, #tpu.memory_space<vmem>>) dst(%dma_wait3A_69 : memref<5120x128xf32, #tpu.memory_space<vmem_shared>>)
    %dma_wait3A_70 = arith.constant 0 : i32
    %dma_wait3A_71 = arith.constant 0 : i32
    %dma_wait3A_72 = arith.constant 0 : i32
    %dma_wait3A_73 = tpu.memref_slice %arg5[%add3A, %dma_wait3A_70, %dma_wait3A_71, %dma_wait3A_72] : memref<32x313x2x32xi32, #tpu.memory_space<hbm>> -> memref<1x1x2x32xi32, #tpu.memory_space<hbm>>
    %dma_wait3A_74 = tpu.memref_squeeze %dma_wait3A_73 : memref<1x1x2x32xi32, #tpu.memory_space<hbm>> -> memref<2x32xi32, #tpu.memory_space<hbm>>
    %dma_wait3A_75 = arith.constant 0 : i32
    %dma_wait3A_76 = arith.constant 0 : i32
    %dma_wait3A_77 = tpu.memref_slice %arg5[%add3A, %dma_wait3A_70, %dma_wait3A_75, %dma_wait3A_76] : memref<32x313x2x32xi32, #tpu.memory_space<hbm>> -> memref<1x1x2x32xi32, #tpu.memory_space<hbm>>
    %dma_wait3A_78 = tpu.memref_squeeze %dma_wait3A_77 : memref<1x1x2x32xi32, #tpu.memory_space<hbm>> -> memref<2x32xi32, #tpu.memory_space<hbm>>
    tpu.wait_dma2 semaphore(%arg29 : memref<!tpu.dma_semaphore, #tpu.memory_space<semaphore_mem>>) src(%dma_wait3A_78 : memref<2x32xi32, #tpu.memory_space<hbm>>) dst(%arg11 : memref<2x32xi32, #tpu.memory_space<vmem>>)
    %barrier3A_79 = arith.constant 0 : index
    tpu.barrier barrier_id(%barrier3A_79)
    %mul3A_80 = arith.constant 320 : i32
    %mul3A_81 = arith.muli %arg1, %mul3A_80 : i32
    %mul3A_82 = arith.constant 5120 : i32
    %mul3A_83 = arith.muli %arg0, %mul3A_82 : i32
    %mul3A_84 = arith.constant 320 : i32
    %mul3A_85 = arith.muli %arg1, %mul3A_84 : i32
    %add3A_86 = arith.addi %mul3A_83, %mul3A_85 : i32
    "tpu.region"() ({
      %run_scoped3A_87 = tpu.sem_alloc : memref<!tpu.dma_semaphore, #tpu.memory_space<semaphore_mem>>
      %dma_start3A_88 = arith.constant 0 : i32
      %dma_start3A_89 = tpu.memref_slice %arg8[%add3A_86, %dma_start3A_88] : memref<10240x128xf32, #tpu.memory_space<hbm>> -> memref<320x128xf32, #tpu.memory_space<hbm>>
      %dma_start3A_90 = arith.constant 0 : i32
      %dma_start3A_91 = tpu.memref_slice %arg21[%mul3A_81, %dma_start3A_90] : memref<5120x128xf32, #tpu.memory_space<vmem_shared>> -> memref<320x128xf32, #tpu.memory_space<vmem_shared>>
      tpu.enqueue_dma source(%dma_start3A_91 : memref<320x128xf32, #tpu.memory_space<vmem_shared>>) target(%dma_start3A_89 : memref<320x128xf32, #tpu.memory_space<hbm>>) target_semaphore(%run_scoped3A_87 : memref<!tpu.dma_semaphore, #tpu.memory_space<semaphore_mem>>)
      %dma_wait3A_92 = arith.constant 0 : i32
      %dma_wait3A_93 = tpu.memref_slice %arg8[%add3A_86, %dma_wait3A_92] : memref<10240x128xf32, #tpu.memory_space<hbm>> -> memref<320x128xf32, #tpu.memory_space<hbm>>
      %dma_wait3A_94 = arith.constant 0 : i32
      %dma_wait3A_95 = tpu.memref_slice %arg21[%mul3A_81, %dma_wait3A_94] : memref<5120x128xf32, #tpu.memory_space<vmem_shared>> -> memref<320x128xf32, #tpu.memory_space<vmem_shared>>
      tpu.wait_dma2 semaphore(%run_scoped3A_87 : memref<!tpu.dma_semaphore, #tpu.memory_space<semaphore_mem>>) src(%dma_wait3A_95 : memref<320x128xf32, #tpu.memory_space<vmem_shared>>) dst(%dma_wait3A_93 : memref<320x128xf32, #tpu.memory_space<hbm>>)
      tpu.yield
    }) : () -> ()
    return
  }
}

#map = affine_map<(d0, d1) -> (0, 0)>
#map1 = affine_map<(d0, d1) -> (0)>
#map2 = affine_map<(d0, d1) -> (0, 0, 0, 0)>
module attributes {stable_mosaic.version = 14 : i64} {
  func.func @k(%arg0: i32, %arg1: i32, %arg2: memref<5000x1024xf32, #tpu.memory_space<hbm>>, %arg3: memref<160768xi32, #tpu.memory_space<hbm>>, %arg4: memref<160768xi32, #tpu.memory_space<hbm>>, %arg5: memref<32x157x2x32xi32, #tpu.memory_space<hbm>>, %arg6: memref<512xf32, #tpu.memory_space<hbm>>, %arg7: memref<160x128xf32, #tpu.memory_space<hbm>>, %arg8: memref<5120x128xf32, #tpu.memory_space<hbm>>, %arg9: memref<5024xi32, #tpu.memory_space<vmem>>, %arg10: memref<2x32xi32, #tpu.memory_space<vmem>>, %arg11: memref<2x32xi32, #tpu.memory_space<vmem>>, %arg12: memref<32xi32, #tpu.memory_space<vmem>>, %arg13: memref<32xi32, #tpu.memory_space<vmem>>, %arg14: memref<32xi32, #tpu.memory_space<vmem>>, %arg15: memref<32xi32, #tpu.memory_space<vmem>>, %arg16: memref<32x1024xf32, #tpu.memory_space<vmem>>, %arg17: memref<32x1024xf32, #tpu.memory_space<vmem>>, %arg18: memref<32x128xf32, #tpu.memory_space<vmem>>, %arg19: memref<32x128xf32, #tpu.memory_space<vmem>>, %arg20: memref<512xf32, #tpu.memory_space<vmem>>, %arg21: memref<2560x128xf32, #tpu.memory_space<vmem_shared>>, %arg22: memref<!tpu.dma_semaphore, #tpu.memory_space<semaphore_mem>>, %arg23: memref<!tpu.dma_semaphore, #tpu.memory_space<semaphore_mem>>, %arg24: memref<!tpu.dma_semaphore, #tpu.memory_space<semaphore_mem>>, %arg25: memref<!tpu.dma_semaphore, #tpu.memory_space<semaphore_mem>>, %arg26: memref<!tpu.dma_semaphore, #tpu.memory_space<semaphore_mem>>, %arg27: memref<!tpu.dma_semaphore, #tpu.memory_space<semaphore_mem>>, %arg28: memref<!tpu.dma_semaphore, #tpu.memory_space<semaphore_mem>>, %arg29: memref<!tpu.dma_semaphore, #tpu.memory_space<semaphore_mem>>) attributes {dimension_semantics = [#tpu.dimension_semantics<core_parallel>, #tpu.dimension_semantics<subcore_parallel>], iteration_bounds = array<i64: 2, 16>, scalar_prefetch = 0 : i64, scratch_operands = 21 : i64, tpu.core_type = #tpu.core_type<sc_vector_subcore>, window_params = [{transform_indices = #map}, {transform_indices = #map1}, {transform_indices = #map1}, {transform_indices = #map2}, {transform_indices = #map1}, {transform_indices = #map}, {transform_indices = #map}]} {
    %mul3A = arith.constant 16 : i32
    %mul3A_0 = arith.muli %arg0, %mul3A : i32
    %add3A = arith.addi %mul3A_0, %arg1 : i32
    %mul3A_1 = arith.constant 160 : i32
    %mul3A_2 = arith.muli %arg1, %mul3A_1 : i32
    "tpu.region"() ({
      %run_scoped3A_87 = tpu.sem_alloc : memref<!tpu.dma_semaphore, #tpu.memory_space<semaphore_mem>>
      %dma_start3A_88 = arith.constant 0 : i32
      %dma_start3A_89 = tpu.memref_slice %arg21[%mul3A_2, %dma_start3A_88] : memref<2560x128xf32, #tpu.memory_space<vmem_shared>> -> memref<160x128xf32, #tpu.memory_space<vmem_shared>>
      tpu.enqueue_dma source(%arg7 : memref<160x128xf32, #tpu.memory_space<hbm>>) target(%dma_start3A_89 : memref<160x128xf32, #tpu.memory_space<vmem_shared>>) target_semaphore(%run_scoped3A_87 : memref<!tpu.dma_semaphore, #tpu.memory_space<semaphore_mem>>)
      %dma_wait3A_90 = arith.constant 0 : i32
      %dma_wait3A_91 = tpu.memref_slice %arg21[%mul3A_2, %dma_wait3A_90] : memref<2560x128xf32, #tpu.memory_space<vmem_shared>> -> memref<160x128xf32, #tpu.memory_space<vmem_shared>>
      tpu.wait_dma2 semaphore(%run_scoped3A_87 : memref<!tpu.dma_semaphore, #tpu.memory_space<semaphore_mem>>) src(%arg7 : memref<160x128xf32, #tpu.memory_space<hbm>>) dst(%dma_wait3A_91 : memref<160x128xf32, #tpu.memory_space<vmem_shared>>)
      tpu.yield
    }) : () -> ()
    "tpu.region"() ({
      %run_scoped3A_87 = tpu.sem_alloc : memref<!tpu.dma_semaphore, #tpu.memory_space<semaphore_mem>>
      tpu.enqueue_dma source(%arg6 : memref<512xf32, #tpu.memory_space<hbm>>) target(%arg20 : memref<512xf32, #tpu.memory_space<vmem>>) target_semaphore(%run_scoped3A_87 : memref<!tpu.dma_semaphore, #tpu.memory_space<semaphore_mem>>)
      tpu.wait_dma2 semaphore(%run_scoped3A_87 : memref<!tpu.dma_semaphore, #tpu.memory_space<semaphore_mem>>) src(%arg6 : memref<512xf32, #tpu.memory_space<hbm>>) dst(%arg20 : memref<512xf32, #tpu.memory_space<vmem>>)
      tpu.yield
    }) : () -> ()
    %mul3A_3 = arith.constant 5024 : i32
    %mul3A_4 = arith.muli %add3A, %mul3A_3 : i32
    "tpu.region"() ({
      %run_scoped3A_87 = tpu.sem_alloc : memref<!tpu.dma_semaphore, #tpu.memory_space<semaphore_mem>>
      %dma_start3A_88 = tpu.memref_slice %arg3[%mul3A_4] : memref<160768xi32, #tpu.memory_space<hbm>> -> memref<5024xi32, #tpu.memory_space<hbm>>
      %dma_start3A_89 = tpu.memref_slice %arg3[%mul3A_4] : memref<160768xi32, #tpu.memory_space<hbm>> -> memref<5024xi32, #tpu.memory_space<hbm>>
      tpu.enqueue_dma source(%dma_start3A_89 : memref<5024xi32, #tpu.memory_space<hbm>>) target(%arg9 : memref<5024xi32, #tpu.memory_space<vmem>>) target_semaphore(%run_scoped3A_87 : memref<!tpu.dma_semaphore, #tpu.memory_space<semaphore_mem>>)
      %dma_wait3A_90 = tpu.memref_slice %arg3[%mul3A_4] : memref<160768xi32, #tpu.memory_space<hbm>> -> memref<5024xi32, #tpu.memory_space<hbm>>
      %dma_wait3A_91 = tpu.memref_slice %arg3[%mul3A_4] : memref<160768xi32, #tpu.memory_space<hbm>> -> memref<5024xi32, #tpu.memory_space<hbm>>
      tpu.wait_dma2 semaphore(%run_scoped3A_87 : memref<!tpu.dma_semaphore, #tpu.memory_space<semaphore_mem>>) src(%dma_wait3A_91 : memref<5024xi32, #tpu.memory_space<hbm>>) dst(%arg9 : memref<5024xi32, #tpu.memory_space<vmem>>)
      tpu.yield
    }) : () -> ()
    %run_scoped3A = arith.constant 0 : i32
    "tpu.region"() ({
      %run_scoped3A_87 = tpu.sem_alloc : memref<!tpu.dma_semaphore, #tpu.memory_space<semaphore_mem>>
      %dma_start3A_88 = arith.constant 0 : i32
      %dma_start3A_89 = arith.constant 0 : i32
      %dma_start3A_90 = tpu.memref_slice %arg5[%add3A, %run_scoped3A, %dma_start3A_88, %dma_start3A_89] : memref<32x157x2x32xi32, #tpu.memory_space<hbm>> -> memref<1x1x2x32xi32, #tpu.memory_space<hbm>>
      %dma_start3A_91 = tpu.memref_squeeze %dma_start3A_90 : memref<1x1x2x32xi32, #tpu.memory_space<hbm>> -> memref<2x32xi32, #tpu.memory_space<hbm>>
      %dma_start3A_92 = arith.constant 0 : i32
      %dma_start3A_93 = arith.constant 0 : i32
      %dma_start3A_94 = tpu.memref_slice %arg5[%add3A, %run_scoped3A, %dma_start3A_92, %dma_start3A_93] : memref<32x157x2x32xi32, #tpu.memory_space<hbm>> -> memref<1x1x2x32xi32, #tpu.memory_space<hbm>>
      %dma_start3A_95 = tpu.memref_squeeze %dma_start3A_94 : memref<1x1x2x32xi32, #tpu.memory_space<hbm>> -> memref<2x32xi32, #tpu.memory_space<hbm>>
      tpu.enqueue_dma source(%dma_start3A_95 : memref<2x32xi32, #tpu.memory_space<hbm>>) target(%arg10 : memref<2x32xi32, #tpu.memory_space<vmem>>) target_semaphore(%run_scoped3A_87 : memref<!tpu.dma_semaphore, #tpu.memory_space<semaphore_mem>>)
      %dma_wait3A_96 = arith.constant 0 : i32
      %dma_wait3A_97 = arith.constant 0 : i32
      %dma_wait3A_98 = tpu.memref_slice %arg5[%add3A, %run_scoped3A, %dma_wait3A_96, %dma_wait3A_97] : memref<32x157x2x32xi32, #tpu.memory_space<hbm>> -> memref<1x1x2x32xi32, #tpu.memory_space<hbm>>
      %dma_wait3A_99 = tpu.memref_squeeze %dma_wait3A_98 : memref<1x1x2x32xi32, #tpu.memory_space<hbm>> -> memref<2x32xi32, #tpu.memory_space<hbm>>
      %dma_wait3A_100 = arith.constant 0 : i32
      %dma_wait3A_101 = arith.constant 0 : i32
      %dma_wait3A_102 = tpu.memref_slice %arg5[%add3A, %run_scoped3A, %dma_wait3A_100, %dma_wait3A_101] : memref<32x157x2x32xi32, #tpu.memory_space<hbm>> -> memref<1x1x2x32xi32, #tpu.memory_space<hbm>>
      %dma_wait3A_103 = tpu.memref_squeeze %dma_wait3A_102 : memref<1x1x2x32xi32, #tpu.memory_space<hbm>> -> memref<2x32xi32, #tpu.memory_space<hbm>>
      tpu.wait_dma2 semaphore(%run_scoped3A_87 : memref<!tpu.dma_semaphore, #tpu.memory_space<semaphore_mem>>) src(%dma_wait3A_103 : memref<2x32xi32, #tpu.memory_space<hbm>>) dst(%arg10 : memref<2x32xi32, #tpu.memory_space<vmem>>)
      tpu.yield
    }) : () -> ()
    %barrier3A = arith.constant 0 : index
    tpu.barrier barrier_id(%barrier3A)
    %get3A = arith.constant 0 : index
    %get3A_5 = tpu.vector_load %arg9[%get3A] {strides = array<i32>} : memref<5024xi32, #tpu.memory_space<vmem>>, vector<16xi32>,
    %swap3A = arith.constant 0 : index
    %swap3A_6 = tpu.vector_load %arg14[%swap3A] {strides = array<i32>} : memref<32xi32, #tpu.memory_space<vmem>>, vector<16xi32>,
    tpu.vector_store %arg14[%swap3A], %get3A_5 {strides = array<i32>} : memref<32xi32, #tpu.memory_space<vmem>>, vector<16xi32>,
    %get3A_7 = arith.constant 16 : index
    %get3A_8 = tpu.vector_load %arg9[%get3A_7] {strides = array<i32>} : memref<5024xi32, #tpu.memory_space<vmem>>, vector<16xi32>,
    %swap3A_9 = arith.constant 16 : index
    %swap3A_10 = tpu.vector_load %arg14[%swap3A_9] {strides = array<i32>} : memref<32xi32, #tpu.memory_space<vmem>>, vector<16xi32>,
    tpu.vector_store %arg14[%swap3A_9], %get3A_8 {strides = array<i32>} : memref<32xi32, #tpu.memory_space<vmem>>, vector<16xi32>,
    %dma_start3A = arith.constant 0 : i32
    %dma_start3A_11 = arith.constant 0 : i32
    %dma_start3A_12 = tpu.memref_slice %arg2[%dma_start3A, %dma_start3A_11] : memref<5000x1024xf32, #tpu.memory_space<hbm>> -> memref<5000x1024xf32, #tpu.memory_space<hbm>>
    tpu.enqueue_indirect_dma source(%dma_start3A_12 : memref<5000x1024xf32, #tpu.memory_space<hbm>>) target(%arg16 : memref<32x1024xf32, #tpu.memory_space<vmem>>) offsets(%arg14 : memref<32xi32, #tpu.memory_space<vmem>>) semaphore(%arg22 : memref<!tpu.dma_semaphore, #tpu.memory_space<semaphore_mem>>)
    %scan3A = arith.constant 0 : i32
    %scan3A_13 = arith.constant 0 : i32
    %scan3A_14 = arith.constant 78 : i32
    %scan3A_15 = arith.addi %scan3A_13, %scan3A_14 : i32
    %scan3A_16 = arith.constant 1 : i32
    scf.for %scan3A_87 = %scan3A_13 to %scan3A_15 step %scan3A_16  : i32 {
      %mul3A_88 = arith.constant 2 : i32
      %mul3A_89 = arith.muli %mul3A_88, %scan3A_87 : i32
      %dma_wait3A_90 = arith.constant 0 : i32
      %dma_wait3A_91 = arith.constant 0 : i32
      %dma_wait3A_92 = tpu.memref_slice %arg2[%dma_wait3A_90, %dma_wait3A_91] : memref<5000x1024xf32, #tpu.memory_space<hbm>> -> memref<32x1024xf32, #tpu.memory_space<hbm>>
      %dma_wait3A_93 = arith.constant 0 : i32
      %dma_wait3A_94 = arith.constant 0 : i32
      %dma_wait3A_95 = tpu.memref_slice %arg2[%dma_wait3A_93, %dma_wait3A_94] : memref<5000x1024xf32, #tpu.memory_space<hbm>> -> memref<32x1024xf32, #tpu.memory_space<hbm>>
      tpu.wait_dma2 semaphore(%arg22 : memref<!tpu.dma_semaphore, #tpu.memory_space<semaphore_mem>>) src(%dma_wait3A_95 : memref<32x1024xf32, #tpu.memory_space<hbm>>) dst(%arg16 : memref<32x1024xf32, #tpu.memory_space<vmem>>)
      %add3A_96 = arith.constant 1 : i32
      %add3A_97 = arith.addi %mul3A_89, %add3A_96 : i32
      %mul3A_98 = arith.constant 32 : i32
      %mul3A_99 = arith.muli %add3A_97, %mul3A_98 : i32
      %add3A_100 = arith.constant 0 : i32
      %add3A_101 = arith.addi %mul3A_99, %add3A_100 : i32
      %get3A_102 = arith.index_cast %add3A_101 : i32 to index
      %get3A_103 = tpu.vector_load %arg9[%get3A_102] {strides = array<i32>} : memref<5024xi32, #tpu.memory_space<vmem>>, vector<16xi32>,
      %swap3A_104 = arith.constant 0 : index
      %swap3A_105 = tpu.vector_load %arg15[%swap3A_104] {strides = array<i32>} : memref<32xi32, #tpu.memory_space<vmem>>, vector<16xi32>,
      tpu.vector_store %arg15[%swap3A_104], %get3A_103 {strides = array<i32>} : memref<32xi32, #tpu.memory_space<vmem>>, vector<16xi32>,
      %mul3A_106 = arith.constant 32 : i32
      %mul3A_107 = arith.muli %add3A_97, %mul3A_106 : i32
      %add3A_108 = arith.constant 16 : i32
      %add3A_109 = arith.addi %mul3A_107, %add3A_108 : i32
      %get3A_110 = arith.index_cast %add3A_109 : i32 to index
      %get3A_111 = tpu.vector_load %arg9[%get3A_110] {strides = array<i32>} : memref<5024xi32, #tpu.memory_space<vmem>>, vector<16xi32>,
      %swap3A_112 = arith.constant 16 : index
      %swap3A_113 = tpu.vector_load %arg15[%swap3A_112] {strides = array<i32>} : memref<32xi32, #tpu.memory_space<vmem>>, vector<16xi32>,
      tpu.vector_store %arg15[%swap3A_112], %get3A_111 {strides = array<i32>} : memref<32xi32, #tpu.memory_space<vmem>>, vector<16xi32>,
      %dma_start3A_114 = arith.constant 0 : i32
      %dma_start3A_115 = arith.constant 0 : i32
      %dma_start3A_116 = tpu.memref_slice %arg2[%dma_start3A_114, %dma_start3A_115] : memref<5000x1024xf32, #tpu.memory_space<hbm>> -> memref<5000x1024xf32, #tpu.memory_space<hbm>>
      tpu.enqueue_indirect_dma source(%dma_start3A_116 : memref<5000x1024xf32, #tpu.memory_space<hbm>>) target(%arg17 : memref<32x1024xf32, #tpu.memory_space<vmem>>) offsets(%arg15 : memref<32xi32, #tpu.memory_space<vmem>>) semaphore(%arg23 : memref<!tpu.dma_semaphore, #tpu.memory_space<semaphore_mem>>)
      %gt3A = arith.constant 0 : i32
      %gt3A_117 = arith.cmpi sgt, %scan3A_87, %gt3A : i32
      %convert_element_type3A = arith.extui %gt3A_117 : i1 to i32
      %cond3A = arith.constant 0 : i32
      %cond3A_118 = arith.cmpi ne, %convert_element_type3A, %cond3A : i32
      scf.if %cond3A_118 {
        %dma_wait3A_229 = arith.constant 0 : i32
        %dma_wait3A_230 = arith.constant 0 : i32
        %dma_wait3A_231 = tpu.memref_slice %arg21[%dma_wait3A_229, %dma_wait3A_230] : memref<2560x128xf32, #tpu.memory_space<vmem_shared>> -> memref<2560x128xf32, #tpu.memory_space<vmem_shared>>
        tpu.wait_indirect_dma semaphore(%arg26 : memref<!tpu.dma_semaphore, #tpu.memory_space<semaphore_mem>>) src(%arg18 : memref<32x128xf32, #tpu.memory_space<vmem>>) dst(%dma_wait3A_231 : memref<2560x128xf32, #tpu.memory_space<vmem_shared>>)
      } else {
      }
      %mul3A_119 = arith.constant 5024 : i32
      %mul3A_120 = arith.muli %add3A, %mul3A_119 : i32
      %mul3A_121 = arith.constant 32 : i32
      %mul3A_122 = arith.muli %mul3A_89, %mul3A_121 : i32
      %add3A_123 = arith.addi %mul3A_120, %mul3A_122 : i32
      %dma_start3A_124 = tpu.memref_slice %arg4[%add3A_123] : memref<160768xi32, #tpu.memory_space<hbm>> -> memref<32xi32, #tpu.memory_space<hbm>>
      %dma_start3A_125 = tpu.memref_slice %arg4[%add3A_123] : memref<160768xi32, #tpu.memory_space<hbm>> -> memref<32xi32, #tpu.memory_space<hbm>>
      tpu.enqueue_dma source(%dma_start3A_125 : memref<32xi32, #tpu.memory_space<hbm>>) target(%arg12 : memref<32xi32, #tpu.memory_space<vmem>>) target_semaphore(%arg24 : memref<!tpu.dma_semaphore, #tpu.memory_space<semaphore_mem>>)
      %add3A_126 = arith.constant 1 : i32
      %add3A_127 = arith.addi %mul3A_89, %add3A_126 : i32
      %min3A_128 = arith.constant 156 : i32
      %min3A_129 = arith.minsi %add3A_127, %min3A_128 : i32
      %dma_start3A_130 = arith.constant 0 : i32
      %dma_start3A_131 = arith.constant 0 : i32
      %dma_start3A_132 = tpu.memref_slice %arg5[%add3A, %min3A_129, %dma_start3A_130, %dma_start3A_131] : memref<32x157x2x32xi32, #tpu.memory_space<hbm>> -> memref<1x1x2x32xi32, #tpu.memory_space<hbm>>
      %dma_start3A_133 = tpu.memref_squeeze %dma_start3A_132 : memref<1x1x2x32xi32, #tpu.memory_space<hbm>> -> memref<2x32xi32, #tpu.memory_space<hbm>>
      %dma_start3A_134 = arith.constant 0 : i32
      %dma_start3A_135 = arith.constant 0 : i32
      %dma_start3A_136 = tpu.memref_slice %arg5[%add3A, %min3A_129, %dma_start3A_134, %dma_start3A_135] : memref<32x157x2x32xi32, #tpu.memory_space<hbm>> -> memref<1x1x2x32xi32, #tpu.memory_space<hbm>>
      %dma_start3A_137 = tpu.memref_squeeze %dma_start3A_136 : memref<1x1x2x32xi32, #tpu.memory_space<hbm>> -> memref<2x32xi32, #tpu.memory_space<hbm>>
      tpu.enqueue_dma source(%dma_start3A_137 : memref<2x32xi32, #tpu.memory_space<hbm>>) target(%arg11 : memref<2x32xi32, #tpu.memory_space<vmem>>) target_semaphore(%arg29 : memref<!tpu.dma_semaphore, #tpu.memory_space<semaphore_mem>>)
      %gt3A_138 = arith.constant 0 : i32
      %gt3A_139 = arith.cmpi sgt, %mul3A_89, %gt3A_138 : i32
      %convert_element_type3A_140 = arith.extui %gt3A_139 : i1 to i32
      %cond3A_141 = arith.constant 0 : i32
      %cond3A_142 = arith.cmpi ne, %convert_element_type3A_140, %cond3A_141 : i32
      scf.if %cond3A_142 {
        %dma_wait3A_229 = arith.constant 0 : i32
        %dma_wait3A_230 = arith.constant 0 : i32
        %dma_wait3A_231 = arith.constant 0 : i32
        %dma_wait3A_232 = tpu.memref_slice %arg5[%add3A, %dma_wait3A_229, %dma_wait3A_230, %dma_wait3A_231] : memref<32x157x2x32xi32, #tpu.memory_space<hbm>> -> memref<1x1x2x32xi32, #tpu.memory_space<hbm>>
        %dma_wait3A_233 = tpu.memref_squeeze %dma_wait3A_232 : memref<1x1x2x32xi32, #tpu.memory_space<hbm>> -> memref<2x32xi32, #tpu.memory_space<hbm>>
        %dma_wait3A_234 = arith.constant 0 : i32
        %dma_wait3A_235 = arith.constant 0 : i32
        %dma_wait3A_236 = tpu.memref_slice %arg5[%add3A, %dma_wait3A_229, %dma_wait3A_234, %dma_wait3A_235] : memref<32x157x2x32xi32, #tpu.memory_space<hbm>> -> memref<1x1x2x32xi32, #tpu.memory_space<hbm>>
        %dma_wait3A_237 = tpu.memref_squeeze %dma_wait3A_236 : memref<1x1x2x32xi32, #tpu.memory_space<hbm>> -> memref<2x32xi32, #tpu.memory_space<hbm>>
        tpu.wait_dma2 semaphore(%arg28 : memref<!tpu.dma_semaphore, #tpu.memory_space<semaphore_mem>>) src(%dma_wait3A_237 : memref<2x32xi32, #tpu.memory_space<hbm>>) dst(%arg10 : memref<2x32xi32, #tpu.memory_space<vmem>>)
      } else {
      }
      %scan3A_143 = arith.constant 0 : i32
      %scan3A_144 = arith.constant 0 : i32
      %scan3A_145 = arith.constant 32 : i32
      %scan3A_146 = arith.addi %scan3A_144, %scan3A_145 : i32
      %scan3A_147 = arith.constant 1 : i32
      scf.for %scan3A_229 = %scan3A_144 to %scan3A_146 step %scan3A_147  : i32 {
        %broadcast_in_dim3A = arith.constant 0 : i32
        %broadcast_in_dim3A_230 = vector.broadcast %broadcast_in_dim3A : i32 to vector<16xi32>
        %add3A_231 = vector.broadcast %scan3A_229 : i32 to vector<16xi32>
        %add3A_232 = arith.addi %broadcast_in_dim3A_230, %add3A_231 : vector<16xi32>
        %mul3A_233 = arith.constant 0 : i32
        %mul3A_234 = vector.broadcast %mul3A_233 : i32 to vector<16xi32>
        %mul3A_235 = arith.muli %add3A_232, %mul3A_234 : vector<16xi32>
        %gather3A = tpu.vector_load_idx %arg10[%mul3A_235, %add3A_232] : memref<2x32xi32, #tpu.memory_space<vmem>>[vector<16xi32>, vector<16xi32>], vector<16xi32>,
        %mul3A_236 = arith.constant 0 : i32
        %mul3A_237 = vector.broadcast %mul3A_236 : i32 to vector<16xi32>
        %mul3A_238 = arith.muli %add3A_232, %mul3A_237 : vector<16xi32>
        %add3A_239 = arith.constant 1 : i32
        %add3A_240 = vector.broadcast %add3A_239 : i32 to vector<16xi32>
        %add3A_241 = arith.addi %mul3A_238, %add3A_240 : vector<16xi32>
        %gather3A_242 = tpu.vector_load_idx %arg10[%add3A_241, %add3A_232] : memref<2x32xi32, #tpu.memory_space<vmem>>[vector<16xi32>, vector<16xi32>], vector<16xi32>,
        %bitcast3A = vector.bitcast %gather3A_242 : vector<16xi32> to vector<16xf32>
        %broadcast_in_dim3A_243 = arith.constant 0.000000e+00 : f32
        %broadcast_in_dim3A_244 = vector.broadcast %broadcast_in_dim3A_243 : f32 to vector<16xf32>
        %broadcast_in_dim3A_245 = arith.constant 0.000000e+00 : f32
        %broadcast_in_dim3A_246 = vector.broadcast %broadcast_in_dim3A_245 : f32 to vector<16xf32>
        %broadcast_in_dim3A_247 = arith.constant 0.000000e+00 : f32
        %broadcast_in_dim3A_248 = vector.broadcast %broadcast_in_dim3A_247 : f32 to vector<16xf32>
        %broadcast_in_dim3A_249 = arith.constant 0.000000e+00 : f32
        %broadcast_in_dim3A_250 = vector.broadcast %broadcast_in_dim3A_249 : f32 to vector<16xf32>
        %broadcast_in_dim3A_251 = arith.constant 0.000000e+00 : f32
        %broadcast_in_dim3A_252 = vector.broadcast %broadcast_in_dim3A_251 : f32 to vector<16xf32>
        %broadcast_in_dim3A_253 = arith.constant 0.000000e+00 : f32
        %broadcast_in_dim3A_254 = vector.broadcast %broadcast_in_dim3A_253 : f32 to vector<16xf32>
        %broadcast_in_dim3A_255 = arith.constant 0.000000e+00 : f32
        %broadcast_in_dim3A_256 = vector.broadcast %broadcast_in_dim3A_255 : f32 to vector<16xf32>
        %broadcast_in_dim3A_257 = arith.constant 0.000000e+00 : f32
        %broadcast_in_dim3A_258 = vector.broadcast %broadcast_in_dim3A_257 : f32 to vector<16xf32>
        %mul3A_259 = arith.constant 8 : i32
        %mul3A_260 = vector.broadcast %mul3A_259 : i32 to vector<16xi32>
        %mul3A_261 = arith.muli %gather3A, %mul3A_260 : vector<16xi32>
        %add3A_262 = arith.constant 0 : i32
        %add3A_263 = vector.broadcast %add3A_262 : i32 to vector<16xi32>
        %add3A_264 = arith.addi %mul3A_261, %add3A_263 : vector<16xi32>
        %gather3A_265 = tpu.vector_load_idx %arg20[%add3A_264] : memref<512xf32, #tpu.memory_space<vmem>>[vector<16xi32>], vector<16xf32>,
        %get3A_266 = arith.index_cast %scan3A_229 : i32 to index
        %get3A_267 = arith.constant 0 : index
        %get3A_268 = tpu.vector_load %arg16[%get3A_266, %get3A_267] {strides = array<i32>} : memref<32x1024xf32, #tpu.memory_space<vmem>>, vector<16xf32>,
        %mul3A_269 = arith.mulf %gather3A_265, %get3A_268 : vector<16xf32>
        %add3A_270 = arith.addf %broadcast_in_dim3A_244, %mul3A_269 : vector<16xf32>
        %get3A_271 = arith.index_cast %scan3A_229 : i32 to index
        %get3A_272 = arith.constant 16 : index
        %get3A_273 = tpu.vector_load %arg16[%get3A_271, %get3A_272] {strides = array<i32>} : memref<32x1024xf32, #tpu.memory_space<vmem>>, vector<16xf32>,
        %mul3A_274 = arith.mulf %gather3A_265, %get3A_273 : vector<16xf32>
        %add3A_275 = arith.addf %broadcast_in_dim3A_246, %mul3A_274 : vector<16xf32>
        %get3A_276 = arith.index_cast %scan3A_229 : i32 to index
        %get3A_277 = arith.constant 32 : index
        %get3A_278 = tpu.vector_load %arg16[%get3A_276, %get3A_277] {strides = array<i32>} : memref<32x1024xf32, #tpu.memory_space<vmem>>, vector<16xf32>,
        %mul3A_279 = arith.mulf %gather3A_265, %get3A_278 : vector<16xf32>
        %add3A_280 = arith.addf %broadcast_in_dim3A_248, %mul3A_279 : vector<16xf32>
        %get3A_281 = arith.index_cast %scan3A_229 : i32 to index
        %get3A_282 = arith.constant 48 : index
        %get3A_283 = tpu.vector_load %arg16[%get3A_281, %get3A_282] {strides = array<i32>} : memref<32x1024xf32, #tpu.memory_space<vmem>>, vector<16xf32>,
        %mul3A_284 = arith.mulf %gather3A_265, %get3A_283 : vector<16xf32>
        %add3A_285 = arith.addf %broadcast_in_dim3A_250, %mul3A_284 : vector<16xf32>
        %get3A_286 = arith.index_cast %scan3A_229 : i32 to index
        %get3A_287 = arith.constant 64 : index
        %get3A_288 = tpu.vector_load %arg16[%get3A_286, %get3A_287] {strides = array<i32>} : memref<32x1024xf32, #tpu.memory_space<vmem>>, vector<16xf32>,
        %mul3A_289 = arith.mulf %gather3A_265, %get3A_288 : vector<16xf32>
        %add3A_290 = arith.addf %broadcast_in_dim3A_252, %mul3A_289 : vector<16xf32>
        %get3A_291 = arith.index_cast %scan3A_229 : i32 to index
        %get3A_292 = arith.constant 80 : index
        %get3A_293 = tpu.vector_load %arg16[%get3A_291, %get3A_292] {strides = array<i32>} : memref<32x1024xf32, #tpu.memory_space<vmem>>, vector<16xf32>,
        %mul3A_294 = arith.mulf %gather3A_265, %get3A_293 : vector<16xf32>
        %add3A_295 = arith.addf %broadcast_in_dim3A_254, %mul3A_294 : vector<16xf32>
        %get3A_296 = arith.index_cast %scan3A_229 : i32 to index
        %get3A_297 = arith.constant 96 : index
        %get3A_298 = tpu.vector_load %arg16[%get3A_296, %get3A_297] {strides = array<i32>} : memref<32x1024xf32, #tpu.memory_space<vmem>>, vector<16xf32>,
        %mul3A_299 = arith.mulf %gather3A_265, %get3A_298 : vector<16xf32>
        %add3A_300 = arith.addf %broadcast_in_dim3A_256, %mul3A_299 : vector<16xf32>
        %get3A_301 = arith.index_cast %scan3A_229 : i32 to index
        %get3A_302 = arith.constant 112 : index
        %get3A_303 = tpu.vector_load %arg16[%get3A_301, %get3A_302] {strides = array<i32>} : memref<32x1024xf32, #tpu.memory_space<vmem>>, vector<16xf32>,
        %mul3A_304 = arith.mulf %gather3A_265, %get3A_303 : vector<16xf32>
        %add3A_305 = arith.addf %broadcast_in_dim3A_258, %mul3A_304 : vector<16xf32>
        %mul3A_306 = arith.constant 8 : i32
        %mul3A_307 = vector.broadcast %mul3A_306 : i32 to vector<16xi32>
        %mul3A_308 = arith.muli %gather3A, %mul3A_307 : vector<16xi32>
        %add3A_309 = arith.constant 1 : i32
        %add3A_310 = vector.broadcast %add3A_309 : i32 to vector<16xi32>
        %add3A_311 = arith.addi %mul3A_308, %add3A_310 : vector<16xi32>
        %gather3A_312 = tpu.vector_load_idx %arg20[%add3A_311] : memref<512xf32, #tpu.memory_space<vmem>>[vector<16xi32>], vector<16xf32>,
        %get3A_313 = arith.index_cast %scan3A_229 : i32 to index
        %get3A_314 = arith.constant 128 : index
        %get3A_315 = tpu.vector_load %arg16[%get3A_313, %get3A_314] {strides = array<i32>} : memref<32x1024xf32, #tpu.memory_space<vmem>>, vector<16xf32>,
        %mul3A_316 = arith.mulf %gather3A_312, %get3A_315 : vector<16xf32>
        %add3A_317 = arith.addf %add3A_270, %mul3A_316 : vector<16xf32>
        %get3A_318 = arith.index_cast %scan3A_229 : i32 to index
        %get3A_319 = arith.constant 144 : index
        %get3A_320 = tpu.vector_load %arg16[%get3A_318, %get3A_319] {strides = array<i32>} : memref<32x1024xf32, #tpu.memory_space<vmem>>, vector<16xf32>,
        %mul3A_321 = arith.mulf %gather3A_312, %get3A_320 : vector<16xf32>
        %add3A_322 = arith.addf %add3A_275, %mul3A_321 : vector<16xf32>
        %get3A_323 = arith.index_cast %scan3A_229 : i32 to index
        %get3A_324 = arith.constant 160 : index
        %get3A_325 = tpu.vector_load %arg16[%get3A_323, %get3A_324] {strides = array<i32>} : memref<32x1024xf32, #tpu.memory_space<vmem>>, vector<16xf32>,
        %mul3A_326 = arith.mulf %gather3A_312, %get3A_325 : vector<16xf32>
        %add3A_327 = arith.addf %add3A_280, %mul3A_326 : vector<16xf32>
        %get3A_328 = arith.index_cast %scan3A_229 : i32 to index
        %get3A_329 = arith.constant 176 : index
        %get3A_330 = tpu.vector_load %arg16[%get3A_328, %get3A_329] {strides = array<i32>} : memref<32x1024xf32, #tpu.memory_space<vmem>>, vector<16xf32>,
        %mul3A_331 = arith.mulf %gather3A_312, %get3A_330 : vector<16xf32>
        %add3A_332 = arith.addf %add3A_285, %mul3A_331 : vector<16xf32>
        %get3A_333 = arith.index_cast %scan3A_229 : i32 to index
        %get3A_334 = arith.constant 192 : index
        %get3A_335 = tpu.vector_load %arg16[%get3A_333, %get3A_334] {strides = array<i32>} : memref<32x1024xf32, #tpu.memory_space<vmem>>, vector<16xf32>,
        %mul3A_336 = arith.mulf %gather3A_312, %get3A_335 : vector<16xf32>
        %add3A_337 = arith.addf %add3A_290, %mul3A_336 : vector<16xf32>
        %get3A_338 = arith.index_cast %scan3A_229 : i32 to index
        %get3A_339 = arith.constant 208 : index
        %get3A_340 = tpu.vector_load %arg16[%get3A_338, %get3A_339] {strides = array<i32>} : memref<32x1024xf32, #tpu.memory_space<vmem>>, vector<16xf32>,
        %mul3A_341 = arith.mulf %gather3A_312, %get3A_340 : vector<16xf32>
        %add3A_342 = arith.addf %add3A_295, %mul3A_341 : vector<16xf32>
        %get3A_343 = arith.index_cast %scan3A_229 : i32 to index
        %get3A_344 = arith.constant 224 : index
        %get3A_345 = tpu.vector_load %arg16[%get3A_343, %get3A_344] {strides = array<i32>} : memref<32x1024xf32, #tpu.memory_space<vmem>>, vector<16xf32>,
        %mul3A_346 = arith.mulf %gather3A_312, %get3A_345 : vector<16xf32>
        %add3A_347 = arith.addf %add3A_300, %mul3A_346 : vector<16xf32>
        %get3A_348 = arith.index_cast %scan3A_229 : i32 to index
        %get3A_349 = arith.constant 240 : index
        %get3A_350 = tpu.vector_load %arg16[%get3A_348, %get3A_349] {strides = array<i32>} : memref<32x1024xf32, #tpu.memory_space<vmem>>, vector<16xf32>,
        %mul3A_351 = arith.mulf %gather3A_312, %get3A_350 : vector<16xf32>
        %add3A_352 = arith.addf %add3A_305, %mul3A_351 : vector<16xf32>
        %mul3A_353 = arith.constant 8 : i32
        %mul3A_354 = vector.broadcast %mul3A_353 : i32 to vector<16xi32>
        %mul3A_355 = arith.muli %gather3A, %mul3A_354 : vector<16xi32>
        %add3A_356 = arith.constant 2 : i32
        %add3A_357 = vector.broadcast %add3A_356 : i32 to vector<16xi32>
        %add3A_358 = arith.addi %mul3A_355, %add3A_357 : vector<16xi32>
        %gather3A_359 = tpu.vector_load_idx %arg20[%add3A_358] : memref<512xf32, #tpu.memory_space<vmem>>[vector<16xi32>], vector<16xf32>,
        %get3A_360 = arith.index_cast %scan3A_229 : i32 to index
        %get3A_361 = arith.constant 256 : index
        %get3A_362 = tpu.vector_load %arg16[%get3A_360, %get3A_361] {strides = array<i32>} : memref<32x1024xf32, #tpu.memory_space<vmem>>, vector<16xf32>,
        %mul3A_363 = arith.mulf %gather3A_359, %get3A_362 : vector<16xf32>
        %add3A_364 = arith.addf %add3A_317, %mul3A_363 : vector<16xf32>
        %get3A_365 = arith.index_cast %scan3A_229 : i32 to index
        %get3A_366 = arith.constant 272 : index
        %get3A_367 = tpu.vector_load %arg16[%get3A_365, %get3A_366] {strides = array<i32>} : memref<32x1024xf32, #tpu.memory_space<vmem>>, vector<16xf32>,
        %mul3A_368 = arith.mulf %gather3A_359, %get3A_367 : vector<16xf32>
        %add3A_369 = arith.addf %add3A_322, %mul3A_368 : vector<16xf32>
        %get3A_370 = arith.index_cast %scan3A_229 : i32 to index
        %get3A_371 = arith.constant 288 : index
        %get3A_372 = tpu.vector_load %arg16[%get3A_370, %get3A_371] {strides = array<i32>} : memref<32x1024xf32, #tpu.memory_space<vmem>>, vector<16xf32>,
        %mul3A_373 = arith.mulf %gather3A_359, %get3A_372 : vector<16xf32>
        %add3A_374 = arith.addf %add3A_327, %mul3A_373 : vector<16xf32>
        %get3A_375 = arith.index_cast %scan3A_229 : i32 to index
        %get3A_376 = arith.constant 304 : index
        %get3A_377 = tpu.vector_load %arg16[%get3A_375, %get3A_376] {strides = array<i32>} : memref<32x1024xf32, #tpu.memory_space<vmem>>, vector<16xf32>,
        %mul3A_378 = arith.mulf %gather3A_359, %get3A_377 : vector<16xf32>
        %add3A_379 = arith.addf %add3A_332, %mul3A_378 : vector<16xf32>
        %get3A_380 = arith.index_cast %scan3A_229 : i32 to index
        %get3A_381 = arith.constant 320 : index
        %get3A_382 = tpu.vector_load %arg16[%get3A_380, %get3A_381] {strides = array<i32>} : memref<32x1024xf32, #tpu.memory_space<vmem>>, vector<16xf32>,
        %mul3A_383 = arith.mulf %gather3A_359, %get3A_382 : vector<16xf32>
        %add3A_384 = arith.addf %add3A_337, %mul3A_383 : vector<16xf32>
        %get3A_385 = arith.index_cast %scan3A_229 : i32 to index
        %get3A_386 = arith.constant 336 : index
        %get3A_387 = tpu.vector_load %arg16[%get3A_385, %get3A_386] {strides = array<i32>} : memref<32x1024xf32, #tpu.memory_space<vmem>>, vector<16xf32>,
        %mul3A_388 = arith.mulf %gather3A_359, %get3A_387 : vector<16xf32>
        %add3A_389 = arith.addf %add3A_342, %mul3A_388 : vector<16xf32>
        %get3A_390 = arith.index_cast %scan3A_229 : i32 to index
        %get3A_391 = arith.constant 352 : index
        %get3A_392 = tpu.vector_load %arg16[%get3A_390, %get3A_391] {strides = array<i32>} : memref<32x1024xf32, #tpu.memory_space<vmem>>, vector<16xf32>,
        %mul3A_393 = arith.mulf %gather3A_359, %get3A_392 : vector<16xf32>
        %add3A_394 = arith.addf %add3A_347, %mul3A_393 : vector<16xf32>
        %get3A_395 = arith.index_cast %scan3A_229 : i32 to index
        %get3A_396 = arith.constant 368 : index
        %get3A_397 = tpu.vector_load %arg16[%get3A_395, %get3A_396] {strides = array<i32>} : memref<32x1024xf32, #tpu.memory_space<vmem>>, vector<16xf32>,
        %mul3A_398 = arith.mulf %gather3A_359, %get3A_397 : vector<16xf32>
        %add3A_399 = arith.addf %add3A_352, %mul3A_398 : vector<16xf32>
        %mul3A_400 = arith.constant 8 : i32
        %mul3A_401 = vector.broadcast %mul3A_400 : i32 to vector<16xi32>
        %mul3A_402 = arith.muli %gather3A, %mul3A_401 : vector<16xi32>
        %add3A_403 = arith.constant 3 : i32
        %add3A_404 = vector.broadcast %add3A_403 : i32 to vector<16xi32>
        %add3A_405 = arith.addi %mul3A_402, %add3A_404 : vector<16xi32>
        %gather3A_406 = tpu.vector_load_idx %arg20[%add3A_405] : memref<512xf32, #tpu.memory_space<vmem>>[vector<16xi32>], vector<16xf32>,
        %get3A_407 = arith.index_cast %scan3A_229 : i32 to index
        %get3A_408 = arith.constant 384 : index
        %get3A_409 = tpu.vector_load %arg16[%get3A_407, %get3A_408] {strides = array<i32>} : memref<32x1024xf32, #tpu.memory_space<vmem>>, vector<16xf32>,
        %mul3A_410 = arith.mulf %gather3A_406, %get3A_409 : vector<16xf32>
        %add3A_411 = arith.addf %add3A_364, %mul3A_410 : vector<16xf32>
        %get3A_412 = arith.index_cast %scan3A_229 : i32 to index
        %get3A_413 = arith.constant 400 : index
        %get3A_414 = tpu.vector_load %arg16[%get3A_412, %get3A_413] {strides = array<i32>} : memref<32x1024xf32, #tpu.memory_space<vmem>>, vector<16xf32>,
        %mul3A_415 = arith.mulf %gather3A_406, %get3A_414 : vector<16xf32>
        %add3A_416 = arith.addf %add3A_369, %mul3A_415 : vector<16xf32>
        %get3A_417 = arith.index_cast %scan3A_229 : i32 to index
        %get3A_418 = arith.constant 416 : index
        %get3A_419 = tpu.vector_load %arg16[%get3A_417, %get3A_418] {strides = array<i32>} : memref<32x1024xf32, #tpu.memory_space<vmem>>, vector<16xf32>,
        %mul3A_420 = arith.mulf %gather3A_406, %get3A_419 : vector<16xf32>
        %add3A_421 = arith.addf %add3A_374, %mul3A_420 : vector<16xf32>
        %get3A_422 = arith.index_cast %scan3A_229 : i32 to index
        %get3A_423 = arith.constant 432 : index
        %get3A_424 = tpu.vector_load %arg16[%get3A_422, %get3A_423] {strides = array<i32>} : memref<32x1024xf32, #tpu.memory_space<vmem>>, vector<16xf32>,
        %mul3A_425 = arith.mulf %gather3A_406, %get3A_424 : vector<16xf32>
        %add3A_426 = arith.addf %add3A_379, %mul3A_425 : vector<16xf32>
        %get3A_427 = arith.index_cast %scan3A_229 : i32 to index
        %get3A_428 = arith.constant 448 : index
        %get3A_429 = tpu.vector_load %arg16[%get3A_427, %get3A_428] {strides = array<i32>} : memref<32x1024xf32, #tpu.memory_space<vmem>>, vector<16xf32>,
        %mul3A_430 = arith.mulf %gather3A_406, %get3A_429 : vector<16xf32>
        %add3A_431 = arith.addf %add3A_384, %mul3A_430 : vector<16xf32>
        %get3A_432 = arith.index_cast %scan3A_229 : i32 to index
        %get3A_433 = arith.constant 464 : index
        %get3A_434 = tpu.vector_load %arg16[%get3A_432, %get3A_433] {strides = array<i32>} : memref<32x1024xf32, #tpu.memory_space<vmem>>, vector<16xf32>,
        %mul3A_435 = arith.mulf %gather3A_406, %get3A_434 : vector<16xf32>
        %add3A_436 = arith.addf %add3A_389, %mul3A_435 : vector<16xf32>
        %get3A_437 = arith.index_cast %scan3A_229 : i32 to index
        %get3A_438 = arith.constant 480 : index
        %get3A_439 = tpu.vector_load %arg16[%get3A_437, %get3A_438] {strides = array<i32>} : memref<32x1024xf32, #tpu.memory_space<vmem>>, vector<16xf32>,
        %mul3A_440 = arith.mulf %gather3A_406, %get3A_439 : vector<16xf32>
        %add3A_441 = arith.addf %add3A_394, %mul3A_440 : vector<16xf32>
        %get3A_442 = arith.index_cast %scan3A_229 : i32 to index
        %get3A_443 = arith.constant 496 : index
        %get3A_444 = tpu.vector_load %arg16[%get3A_442, %get3A_443] {strides = array<i32>} : memref<32x1024xf32, #tpu.memory_space<vmem>>, vector<16xf32>,
        %mul3A_445 = arith.mulf %gather3A_406, %get3A_444 : vector<16xf32>
        %add3A_446 = arith.addf %add3A_399, %mul3A_445 : vector<16xf32>
        %mul3A_447 = arith.constant 8 : i32
        %mul3A_448 = vector.broadcast %mul3A_447 : i32 to vector<16xi32>
        %mul3A_449 = arith.muli %gather3A, %mul3A_448 : vector<16xi32>
        %add3A_450 = arith.constant 4 : i32
        %add3A_451 = vector.broadcast %add3A_450 : i32 to vector<16xi32>
        %add3A_452 = arith.addi %mul3A_449, %add3A_451 : vector<16xi32>
        %gather3A_453 = tpu.vector_load_idx %arg20[%add3A_452] : memref<512xf32, #tpu.memory_space<vmem>>[vector<16xi32>], vector<16xf32>,
        %get3A_454 = arith.index_cast %scan3A_229 : i32 to index
        %get3A_455 = arith.constant 512 : index
        %get3A_456 = tpu.vector_load %arg16[%get3A_454, %get3A_455] {strides = array<i32>} : memref<32x1024xf32, #tpu.memory_space<vmem>>, vector<16xf32>,
        %mul3A_457 = arith.mulf %gather3A_453, %get3A_456 : vector<16xf32>
        %add3A_458 = arith.addf %add3A_411, %mul3A_457 : vector<16xf32>
        %get3A_459 = arith.index_cast %scan3A_229 : i32 to index
        %get3A_460 = arith.constant 528 : index
        %get3A_461 = tpu.vector_load %arg16[%get3A_459, %get3A_460] {strides = array<i32>} : memref<32x1024xf32, #tpu.memory_space<vmem>>, vector<16xf32>,
        %mul3A_462 = arith.mulf %gather3A_453, %get3A_461 : vector<16xf32>
        %add3A_463 = arith.addf %add3A_416, %mul3A_462 : vector<16xf32>
        %get3A_464 = arith.index_cast %scan3A_229 : i32 to index
        %get3A_465 = arith.constant 544 : index
        %get3A_466 = tpu.vector_load %arg16[%get3A_464, %get3A_465] {strides = array<i32>} : memref<32x1024xf32, #tpu.memory_space<vmem>>, vector<16xf32>,
        %mul3A_467 = arith.mulf %gather3A_453, %get3A_466 : vector<16xf32>
        %add3A_468 = arith.addf %add3A_421, %mul3A_467 : vector<16xf32>
        %get3A_469 = arith.index_cast %scan3A_229 : i32 to index
        %get3A_470 = arith.constant 560 : index
        %get3A_471 = tpu.vector_load %arg16[%get3A_469, %get3A_470] {strides = array<i32>} : memref<32x1024xf32, #tpu.memory_space<vmem>>, vector<16xf32>,
        %mul3A_472 = arith.mulf %gather3A_453, %get3A_471 : vector<16xf32>
        %add3A_473 = arith.addf %add3A_426, %mul3A_472 : vector<16xf32>
        %get3A_474 = arith.index_cast %scan3A_229 : i32 to index
        %get3A_475 = arith.constant 576 : index
        %get3A_476 = tpu.vector_load %arg16[%get3A_474, %get3A_475] {strides = array<i32>} : memref<32x1024xf32, #tpu.memory_space<vmem>>, vector<16xf32>,
        %mul3A_477 = arith.mulf %gather3A_453, %get3A_476 : vector<16xf32>
        %add3A_478 = arith.addf %add3A_431, %mul3A_477 : vector<16xf32>
        %get3A_479 = arith.index_cast %scan3A_229 : i32 to index
        %get3A_480 = arith.constant 592 : index
        %get3A_481 = tpu.vector_load %arg16[%get3A_479, %get3A_480] {strides = array<i32>} : memref<32x1024xf32, #tpu.memory_space<vmem>>, vector<16xf32>,
        %mul3A_482 = arith.mulf %gather3A_453, %get3A_481 : vector<16xf32>
        %add3A_483 = arith.addf %add3A_436, %mul3A_482 : vector<16xf32>
        %get3A_484 = arith.index_cast %scan3A_229 : i32 to index
        %get3A_485 = arith.constant 608 : index
        %get3A_486 = tpu.vector_load %arg16[%get3A_484, %get3A_485] {strides = array<i32>} : memref<32x1024xf32, #tpu.memory_space<vmem>>, vector<16xf32>,
        %mul3A_487 = arith.mulf %gather3A_453, %get3A_486 : vector<16xf32>
        %add3A_488 = arith.addf %add3A_441, %mul3A_487 : vector<16xf32>
        %get3A_489 = arith.index_cast %scan3A_229 : i32 to index
        %get3A_490 = arith.constant 624 : index
        %get3A_491 = tpu.vector_load %arg16[%get3A_489, %get3A_490] {strides = array<i32>} : memref<32x1024xf32, #tpu.memory_space<vmem>>, vector<16xf32>,
        %mul3A_492 = arith.mulf %gather3A_453, %get3A_491 : vector<16xf32>
        %add3A_493 = arith.addf %add3A_446, %mul3A_492 : vector<16xf32>
        %mul3A_494 = arith.constant 8 : i32
        %mul3A_495 = vector.broadcast %mul3A_494 : i32 to vector<16xi32>
        %mul3A_496 = arith.muli %gather3A, %mul3A_495 : vector<16xi32>
        %add3A_497 = arith.constant 5 : i32
        %add3A_498 = vector.broadcast %add3A_497 : i32 to vector<16xi32>
        %add3A_499 = arith.addi %mul3A_496, %add3A_498 : vector<16xi32>
        %gather3A_500 = tpu.vector_load_idx %arg20[%add3A_499] : memref<512xf32, #tpu.memory_space<vmem>>[vector<16xi32>], vector<16xf32>,
        %get3A_501 = arith.index_cast %scan3A_229 : i32 to index
        %get3A_502 = arith.constant 640 : index
        %get3A_503 = tpu.vector_load %arg16[%get3A_501, %get3A_502] {strides = array<i32>} : memref<32x1024xf32, #tpu.memory_space<vmem>>, vector<16xf32>,
        %mul3A_504 = arith.mulf %gather3A_500, %get3A_503 : vector<16xf32>
        %add3A_505 = arith.addf %add3A_458, %mul3A_504 : vector<16xf32>
        %get3A_506 = arith.index_cast %scan3A_229 : i32 to index
        %get3A_507 = arith.constant 656 : index
        %get3A_508 = tpu.vector_load %arg16[%get3A_506, %get3A_507] {strides = array<i32>} : memref<32x1024xf32, #tpu.memory_space<vmem>>, vector<16xf32>,
        %mul3A_509 = arith.mulf %gather3A_500, %get3A_508 : vector<16xf32>
        %add3A_510 = arith.addf %add3A_463, %mul3A_509 : vector<16xf32>
        %get3A_511 = arith.index_cast %scan3A_229 : i32 to index
        %get3A_512 = arith.constant 672 : index
        %get3A_513 = tpu.vector_load %arg16[%get3A_511, %get3A_512] {strides = array<i32>} : memref<32x1024xf32, #tpu.memory_space<vmem>>, vector<16xf32>,
        %mul3A_514 = arith.mulf %gather3A_500, %get3A_513 : vector<16xf32>
        %add3A_515 = arith.addf %add3A_468, %mul3A_514 : vector<16xf32>
        %get3A_516 = arith.index_cast %scan3A_229 : i32 to index
        %get3A_517 = arith.constant 688 : index
        %get3A_518 = tpu.vector_load %arg16[%get3A_516, %get3A_517] {strides = array<i32>} : memref<32x1024xf32, #tpu.memory_space<vmem>>, vector<16xf32>,
        %mul3A_519 = arith.mulf %gather3A_500, %get3A_518 : vector<16xf32>
        %add3A_520 = arith.addf %add3A_473, %mul3A_519 : vector<16xf32>
        %get3A_521 = arith.index_cast %scan3A_229 : i32 to index
        %get3A_522 = arith.constant 704 : index
        %get3A_523 = tpu.vector_load %arg16[%get3A_521, %get3A_522] {strides = array<i32>} : memref<32x1024xf32, #tpu.memory_space<vmem>>, vector<16xf32>,
        %mul3A_524 = arith.mulf %gather3A_500, %get3A_523 : vector<16xf32>
        %add3A_525 = arith.addf %add3A_478, %mul3A_524 : vector<16xf32>
        %get3A_526 = arith.index_cast %scan3A_229 : i32 to index
        %get3A_527 = arith.constant 720 : index
        %get3A_528 = tpu.vector_load %arg16[%get3A_526, %get3A_527] {strides = array<i32>} : memref<32x1024xf32, #tpu.memory_space<vmem>>, vector<16xf32>,
        %mul3A_529 = arith.mulf %gather3A_500, %get3A_528 : vector<16xf32>
        %add3A_530 = arith.addf %add3A_483, %mul3A_529 : vector<16xf32>
        %get3A_531 = arith.index_cast %scan3A_229 : i32 to index
        %get3A_532 = arith.constant 736 : index
        %get3A_533 = tpu.vector_load %arg16[%get3A_531, %get3A_532] {strides = array<i32>} : memref<32x1024xf32, #tpu.memory_space<vmem>>, vector<16xf32>,
        %mul3A_534 = arith.mulf %gather3A_500, %get3A_533 : vector<16xf32>
        %add3A_535 = arith.addf %add3A_488, %mul3A_534 : vector<16xf32>
        %get3A_536 = arith.index_cast %scan3A_229 : i32 to index
        %get3A_537 = arith.constant 752 : index
        %get3A_538 = tpu.vector_load %arg16[%get3A_536, %get3A_537] {strides = array<i32>} : memref<32x1024xf32, #tpu.memory_space<vmem>>, vector<16xf32>,
        %mul3A_539 = arith.mulf %gather3A_500, %get3A_538 : vector<16xf32>
        %add3A_540 = arith.addf %add3A_493, %mul3A_539 : vector<16xf32>
        %mul3A_541 = arith.constant 8 : i32
        %mul3A_542 = vector.broadcast %mul3A_541 : i32 to vector<16xi32>
        %mul3A_543 = arith.muli %gather3A, %mul3A_542 : vector<16xi32>
        %add3A_544 = arith.constant 6 : i32
        %add3A_545 = vector.broadcast %add3A_544 : i32 to vector<16xi32>
        %add3A_546 = arith.addi %mul3A_543, %add3A_545 : vector<16xi32>
        %gather3A_547 = tpu.vector_load_idx %arg20[%add3A_546] : memref<512xf32, #tpu.memory_space<vmem>>[vector<16xi32>], vector<16xf32>,
        %get3A_548 = arith.index_cast %scan3A_229 : i32 to index
        %get3A_549 = arith.constant 768 : index
        %get3A_550 = tpu.vector_load %arg16[%get3A_548, %get3A_549] {strides = array<i32>} : memref<32x1024xf32, #tpu.memory_space<vmem>>, vector<16xf32>,
        %mul3A_551 = arith.mulf %gather3A_547, %get3A_550 : vector<16xf32>
        %add3A_552 = arith.addf %add3A_505, %mul3A_551 : vector<16xf32>
        %get3A_553 = arith.index_cast %scan3A_229 : i32 to index
        %get3A_554 = arith.constant 784 : index
        %get3A_555 = tpu.vector_load %arg16[%get3A_553, %get3A_554] {strides = array<i32>} : memref<32x1024xf32, #tpu.memory_space<vmem>>, vector<16xf32>,
        %mul3A_556 = arith.mulf %gather3A_547, %get3A_555 : vector<16xf32>
        %add3A_557 = arith.addf %add3A_510, %mul3A_556 : vector<16xf32>
        %get3A_558 = arith.index_cast %scan3A_229 : i32 to index
        %get3A_559 = arith.constant 800 : index
        %get3A_560 = tpu.vector_load %arg16[%get3A_558, %get3A_559] {strides = array<i32>} : memref<32x1024xf32, #tpu.memory_space<vmem>>, vector<16xf32>,
        %mul3A_561 = arith.mulf %gather3A_547, %get3A_560 : vector<16xf32>
        %add3A_562 = arith.addf %add3A_515, %mul3A_561 : vector<16xf32>
        %get3A_563 = arith.index_cast %scan3A_229 : i32 to index
        %get3A_564 = arith.constant 816 : index
        %get3A_565 = tpu.vector_load %arg16[%get3A_563, %get3A_564] {strides = array<i32>} : memref<32x1024xf32, #tpu.memory_space<vmem>>, vector<16xf32>,
        %mul3A_566 = arith.mulf %gather3A_547, %get3A_565 : vector<16xf32>
        %add3A_567 = arith.addf %add3A_520, %mul3A_566 : vector<16xf32>
        %get3A_568 = arith.index_cast %scan3A_229 : i32 to index
        %get3A_569 = arith.constant 832 : index
        %get3A_570 = tpu.vector_load %arg16[%get3A_568, %get3A_569] {strides = array<i32>} : memref<32x1024xf32, #tpu.memory_space<vmem>>, vector<16xf32>,
        %mul3A_571 = arith.mulf %gather3A_547, %get3A_570 : vector<16xf32>
        %add3A_572 = arith.addf %add3A_525, %mul3A_571 : vector<16xf32>
        %get3A_573 = arith.index_cast %scan3A_229 : i32 to index
        %get3A_574 = arith.constant 848 : index
        %get3A_575 = tpu.vector_load %arg16[%get3A_573, %get3A_574] {strides = array<i32>} : memref<32x1024xf32, #tpu.memory_space<vmem>>, vector<16xf32>,
        %mul3A_576 = arith.mulf %gather3A_547, %get3A_575 : vector<16xf32>
        %add3A_577 = arith.addf %add3A_530, %mul3A_576 : vector<16xf32>
        %get3A_578 = arith.index_cast %scan3A_229 : i32 to index
        %get3A_579 = arith.constant 864 : index
        %get3A_580 = tpu.vector_load %arg16[%get3A_578, %get3A_579] {strides = array<i32>} : memref<32x1024xf32, #tpu.memory_space<vmem>>, vector<16xf32>,
        %mul3A_581 = arith.mulf %gather3A_547, %get3A_580 : vector<16xf32>
        %add3A_582 = arith.addf %add3A_535, %mul3A_581 : vector<16xf32>
        %get3A_583 = arith.index_cast %scan3A_229 : i32 to index
        %get3A_584 = arith.constant 880 : index
        %get3A_585 = tpu.vector_load %arg16[%get3A_583, %get3A_584] {strides = array<i32>} : memref<32x1024xf32, #tpu.memory_space<vmem>>, vector<16xf32>,
        %mul3A_586 = arith.mulf %gather3A_547, %get3A_585 : vector<16xf32>
        %add3A_587 = arith.addf %add3A_540, %mul3A_586 : vector<16xf32>
        %mul3A_588 = arith.constant 8 : i32
        %mul3A_589 = vector.broadcast %mul3A_588 : i32 to vector<16xi32>
        %mul3A_590 = arith.muli %gather3A, %mul3A_589 : vector<16xi32>
        %add3A_591 = arith.constant 7 : i32
        %add3A_592 = vector.broadcast %add3A_591 : i32 to vector<16xi32>
        %add3A_593 = arith.addi %mul3A_590, %add3A_592 : vector<16xi32>
        %gather3A_594 = tpu.vector_load_idx %arg20[%add3A_593] : memref<512xf32, #tpu.memory_space<vmem>>[vector<16xi32>], vector<16xf32>,
        %get3A_595 = arith.index_cast %scan3A_229 : i32 to index
        %get3A_596 = arith.constant 896 : index
        %get3A_597 = tpu.vector_load %arg16[%get3A_595, %get3A_596] {strides = array<i32>} : memref<32x1024xf32, #tpu.memory_space<vmem>>, vector<16xf32>,
        %mul3A_598 = arith.mulf %gather3A_594, %get3A_597 : vector<16xf32>
        %add3A_599 = arith.addf %add3A_552, %mul3A_598 : vector<16xf32>
        %get3A_600 = arith.index_cast %scan3A_229 : i32 to index
        %get3A_601 = arith.constant 912 : index
        %get3A_602 = tpu.vector_load %arg16[%get3A_600, %get3A_601] {strides = array<i32>} : memref<32x1024xf32, #tpu.memory_space<vmem>>, vector<16xf32>,
        %mul3A_603 = arith.mulf %gather3A_594, %get3A_602 : vector<16xf32>
        %add3A_604 = arith.addf %add3A_557, %mul3A_603 : vector<16xf32>
        %get3A_605 = arith.index_cast %scan3A_229 : i32 to index
        %get3A_606 = arith.constant 928 : index
        %get3A_607 = tpu.vector_load %arg16[%get3A_605, %get3A_606] {strides = array<i32>} : memref<32x1024xf32, #tpu.memory_space<vmem>>, vector<16xf32>,
        %mul3A_608 = arith.mulf %gather3A_594, %get3A_607 : vector<16xf32>
        %add3A_609 = arith.addf %add3A_562, %mul3A_608 : vector<16xf32>
        %get3A_610 = arith.index_cast %scan3A_229 : i32 to index
        %get3A_611 = arith.constant 944 : index
        %get3A_612 = tpu.vector_load %arg16[%get3A_610, %get3A_611] {strides = array<i32>} : memref<32x1024xf32, #tpu.memory_space<vmem>>, vector<16xf32>,
        %mul3A_613 = arith.mulf %gather3A_594, %get3A_612 : vector<16xf32>
        %add3A_614 = arith.addf %add3A_567, %mul3A_613 : vector<16xf32>
        %get3A_615 = arith.index_cast %scan3A_229 : i32 to index
        %get3A_616 = arith.constant 960 : index
        %get3A_617 = tpu.vector_load %arg16[%get3A_615, %get3A_616] {strides = array<i32>} : memref<32x1024xf32, #tpu.memory_space<vmem>>, vector<16xf32>,
        %mul3A_618 = arith.mulf %gather3A_594, %get3A_617 : vector<16xf32>
        %add3A_619 = arith.addf %add3A_572, %mul3A_618 : vector<16xf32>
        %get3A_620 = arith.index_cast %scan3A_229 : i32 to index
        %get3A_621 = arith.constant 976 : index
        %get3A_622 = tpu.vector_load %arg16[%get3A_620, %get3A_621] {strides = array<i32>} : memref<32x1024xf32, #tpu.memory_space<vmem>>, vector<16xf32>,
        %mul3A_623 = arith.mulf %gather3A_594, %get3A_622 : vector<16xf32>
        %add3A_624 = arith.addf %add3A_577, %mul3A_623 : vector<16xf32>
        %get3A_625 = arith.index_cast %scan3A_229 : i32 to index
        %get3A_626 = arith.constant 992 : index
        %get3A_627 = tpu.vector_load %arg16[%get3A_625, %get3A_626] {strides = array<i32>} : memref<32x1024xf32, #tpu.memory_space<vmem>>, vector<16xf32>,
        %mul3A_628 = arith.mulf %gather3A_594, %get3A_627 : vector<16xf32>
        %add3A_629 = arith.addf %add3A_582, %mul3A_628 : vector<16xf32>
        %get3A_630 = arith.index_cast %scan3A_229 : i32 to index
        %get3A_631 = arith.constant 1008 : index
        %get3A_632 = tpu.vector_load %arg16[%get3A_630, %get3A_631] {strides = array<i32>} : memref<32x1024xf32, #tpu.memory_space<vmem>>, vector<16xf32>,
        %mul3A_633 = arith.mulf %gather3A_594, %get3A_632 : vector<16xf32>
        %add3A_634 = arith.addf %add3A_587, %mul3A_633 : vector<16xf32>
        %mul3A_635 = arith.mulf %add3A_599, %bitcast3A : vector<16xf32>
        %swap3A_636 = arith.index_cast %scan3A_229 : i32 to index
        %swap3A_637 = arith.constant 0 : index
        %swap3A_638 = tpu.vector_load %arg18[%swap3A_636, %swap3A_637] {strides = array<i32>} : memref<32x128xf32, #tpu.memory_space<vmem>>, vector<16xf32>,
        tpu.vector_store %arg18[%swap3A_636, %swap3A_637], %mul3A_635 {strides = array<i32>} : memref<32x128xf32, #tpu.memory_space<vmem>>, vector<16xf32>,
        %mul3A_639 = arith.mulf %add3A_604, %bitcast3A : vector<16xf32>
        %swap3A_640 = arith.index_cast %scan3A_229 : i32 to index
        %swap3A_641 = arith.constant 16 : index
        %swap3A_642 = tpu.vector_load %arg18[%swap3A_640, %swap3A_641] {strides = array<i32>} : memref<32x128xf32, #tpu.memory_space<vmem>>, vector<16xf32>,
        tpu.vector_store %arg18[%swap3A_640, %swap3A_641], %mul3A_639 {strides = array<i32>} : memref<32x128xf32, #tpu.memory_space<vmem>>, vector<16xf32>,
        %mul3A_643 = arith.mulf %add3A_609, %bitcast3A : vector<16xf32>
        %swap3A_644 = arith.index_cast %scan3A_229 : i32 to index
        %swap3A_645 = arith.constant 32 : index
        %swap3A_646 = tpu.vector_load %arg18[%swap3A_644, %swap3A_645] {strides = array<i32>} : memref<32x128xf32, #tpu.memory_space<vmem>>, vector<16xf32>,
        tpu.vector_store %arg18[%swap3A_644, %swap3A_645], %mul3A_643 {strides = array<i32>} : memref<32x128xf32, #tpu.memory_space<vmem>>, vector<16xf32>,
        %mul3A_647 = arith.mulf %add3A_614, %bitcast3A : vector<16xf32>
        %swap3A_648 = arith.index_cast %scan3A_229 : i32 to index
        %swap3A_649 = arith.constant 48 : index
        %swap3A_650 = tpu.vector_load %arg18[%swap3A_648, %swap3A_649] {strides = array<i32>} : memref<32x128xf32, #tpu.memory_space<vmem>>, vector<16xf32>,
        tpu.vector_store %arg18[%swap3A_648, %swap3A_649], %mul3A_647 {strides = array<i32>} : memref<32x128xf32, #tpu.memory_space<vmem>>, vector<16xf32>,
        %mul3A_651 = arith.mulf %add3A_619, %bitcast3A : vector<16xf32>
        %swap3A_652 = arith.index_cast %scan3A_229 : i32 to index
        %swap3A_653 = arith.constant 64 : index
        %swap3A_654 = tpu.vector_load %arg18[%swap3A_652, %swap3A_653] {strides = array<i32>} : memref<32x128xf32, #tpu.memory_space<vmem>>, vector<16xf32>,
        tpu.vector_store %arg18[%swap3A_652, %swap3A_653], %mul3A_651 {strides = array<i32>} : memref<32x128xf32, #tpu.memory_space<vmem>>, vector<16xf32>,
        %mul3A_655 = arith.mulf %add3A_624, %bitcast3A : vector<16xf32>
        %swap3A_656 = arith.index_cast %scan3A_229 : i32 to index
        %swap3A_657 = arith.constant 80 : index
        %swap3A_658 = tpu.vector_load %arg18[%swap3A_656, %swap3A_657] {strides = array<i32>} : memref<32x128xf32, #tpu.memory_space<vmem>>, vector<16xf32>,
        tpu.vector_store %arg18[%swap3A_656, %swap3A_657], %mul3A_655 {strides = array<i32>} : memref<32x128xf32, #tpu.memory_space<vmem>>, vector<16xf32>,
        %mul3A_659 = arith.mulf %add3A_629, %bitcast3A : vector<16xf32>
        %swap3A_660 = arith.index_cast %scan3A_229 : i32 to index
        %swap3A_661 = arith.constant 96 : index
        %swap3A_662 = tpu.vector_load %arg18[%swap3A_660, %swap3A_661] {strides = array<i32>} : memref<32x128xf32, #tpu.memory_space<vmem>>, vector<16xf32>,
        tpu.vector_store %arg18[%swap3A_660, %swap3A_661], %mul3A_659 {strides = array<i32>} : memref<32x128xf32, #tpu.memory_space<vmem>>, vector<16xf32>,
        %mul3A_663 = arith.mulf %add3A_634, %bitcast3A : vector<16xf32>
        %swap3A_664 = arith.index_cast %scan3A_229 : i32 to index
        %swap3A_665 = arith.constant 112 : index
        %swap3A_666 = tpu.vector_load %arg18[%swap3A_664, %swap3A_665] {strides = array<i32>} : memref<32x128xf32, #tpu.memory_space<vmem>>, vector<16xf32>,
        tpu.vector_store %arg18[%swap3A_664, %swap3A_665], %mul3A_663 {strides = array<i32>} : memref<32x128xf32, #tpu.memory_space<vmem>>, vector<16xf32>,
      }
      %scan3A_148 = arith.constant 32 : i32
      %dma_wait3A_149 = arith.constant 0 : i32
      %dma_wait3A_150 = tpu.memref_slice %arg4[%dma_wait3A_149] : memref<160768xi32, #tpu.memory_space<hbm>> -> memref<32xi32, #tpu.memory_space<hbm>>
      %dma_wait3A_151 = arith.constant 0 : i32
      %dma_wait3A_152 = tpu.memref_slice %arg4[%dma_wait3A_151] : memref<160768xi32, #tpu.memory_space<hbm>> -> memref<32xi32, #tpu.memory_space<hbm>>
      tpu.wait_dma2 semaphore(%arg24 : memref<!tpu.dma_semaphore, #tpu.memory_space<semaphore_mem>>) src(%dma_wait3A_152 : memref<32xi32, #tpu.memory_space<hbm>>) dst(%arg12 : memref<32xi32, #tpu.memory_space<vmem>>)
      %dma_start3A_153 = arith.constant 0 : i32
      %dma_start3A_154 = arith.constant 0 : i32
      %dma_start3A_155 = tpu.memref_slice %arg21[%dma_start3A_153, %dma_start3A_154] : memref<2560x128xf32, #tpu.memory_space<vmem_shared>> -> memref<2560x128xf32, #tpu.memory_space<vmem_shared>>
      tpu.enqueue_indirect_dma source(%arg18 : memref<32x128xf32, #tpu.memory_space<vmem>>) target(%dma_start3A_155 : memref<2560x128xf32, #tpu.memory_space<vmem_shared>>) offsets(%arg12 : memref<32xi32, #tpu.memory_space<vmem>>) semaphore(%arg26 : memref<!tpu.dma_semaphore, #tpu.memory_space<semaphore_mem>>) {add = true}
      %dma_wait3A_156 = arith.constant 0 : i32
      %dma_wait3A_157 = arith.constant 0 : i32
      %dma_wait3A_158 = tpu.memref_slice %arg2[%dma_wait3A_156, %dma_wait3A_157] : memref<5000x1024xf32, #tpu.memory_space<hbm>> -> memref<32x1024xf32, #tpu.memory_space<hbm>>
      %dma_wait3A_159 = arith.constant 0 : i32
      %dma_wait3A_160 = arith.constant 0 : i32
      %dma_wait3A_161 = tpu.memref_slice %arg2[%dma_wait3A_159, %dma_wait3A_160] : memref<5000x1024xf32, #tpu.memory_space<hbm>> -> memref<32x1024xf32, #tpu.memory_space<hbm>>
      tpu.wait_dma2 semaphore(%arg23 : memref<!tpu.dma_semaphore, #tpu.memory_space<semaphore_mem>>) src(%dma_wait3A_161 : memref<32x1024xf32, #tpu.memory_space<hbm>>) dst(%arg17 : memref<32x1024xf32, #tpu.memory_space<vmem>>)
      %add3A_162 = arith.constant 2 : i32
      %add3A_163 = arith.addi %mul3A_89, %add3A_162 : i32
      %min3A_164 = arith.constant 156 : i32
      %min3A_165 = arith.minsi %add3A_163, %min3A_164 : i32
      %mul3A_166 = arith.constant 32 : i32
      %mul3A_167 = arith.muli %min3A_165, %mul3A_166 : i32
      %add3A_168 = arith.constant 0 : i32
      %add3A_169 = arith.addi %mul3A_167, %add3A_168 : i32
      %get3A_170 = arith.index_cast %add3A_169 : i32 to index
      %get3A_171 = tpu.vector_load %arg9[%get3A_170] {strides = array<i32>} : memref<5024xi32, #tpu.memory_space<vmem>>, vector<16xi32>,
      %swap3A_172 = arith.constant 0 : index
      %swap3A_173 = tpu.vector_load %arg14[%swap3A_172] {strides = array<i32>} : memref<32xi32, #tpu.memory_space<vmem>>, vector<16xi32>,
      tpu.vector_store %arg14[%swap3A_172], %get3A_171 {strides = array<i32>} : memref<32xi32, #tpu.memory_space<vmem>>, vector<16xi32>,
      %mul3A_174 = arith.constant 32 : i32
      %mul3A_175 = arith.muli %min3A_165, %mul3A_174 : i32
      %add3A_176 = arith.constant 16 : i32
      %add3A_177 = arith.addi %mul3A_175, %add3A_176 : i32
      %get3A_178 = arith.index_cast %add3A_177 : i32 to index
      %get3A_179 = tpu.vector_load %arg9[%get3A_178] {strides = array<i32>} : memref<5024xi32, #tpu.memory_space<vmem>>, vector<16xi32>,
      %swap3A_180 = arith.constant 16 : index
      %swap3A_181 = tpu.vector_load %arg14[%swap3A_180] {strides = array<i32>} : memref<32xi32, #tpu.memory_space<vmem>>, vector<16xi32>,
      tpu.vector_store %arg14[%swap3A_180], %get3A_179 {strides = array<i32>} : memref<32xi32, #tpu.memory_space<vmem>>, vector<16xi32>,
      %dma_start3A_182 = arith.constant 0 : i32
      %dma_start3A_183 = arith.constant 0 : i32
      %dma_start3A_184 = tpu.memref_slice %arg2[%dma_start3A_182, %dma_start3A_183] : memref<5000x1024xf32, #tpu.memory_space<hbm>> -> memref<5000x1024xf32, #tpu.memory_space<hbm>>
      tpu.enqueue_indirect_dma source(%dma_start3A_184 : memref<5000x1024xf32, #tpu.memory_space<hbm>>) target(%arg16 : memref<32x1024xf32, #tpu.memory_space<vmem>>) offsets(%arg14 : memref<32xi32, #tpu.memory_space<vmem>>) semaphore(%arg22 : memref<!tpu.dma_semaphore, #tpu.memory_space<semaphore_mem>>)
      %add3A_185 = arith.constant 1 : i32
      %add3A_186 = arith.addi %mul3A_89, %add3A_185 : i32
      %gt3A_187 = arith.constant 0 : i32
      %gt3A_188 = arith.cmpi sgt, %scan3A_87, %gt3A_187 : i32
      %convert_element_type3A_189 = arith.extui %gt3A_188 : i1 to i32
      %cond3A_190 = arith.constant 0 : i32
      %cond3A_191 = arith.cmpi ne, %convert_element_type3A_189, %cond3A_190 : i32
      scf.if %cond3A_191 {
        %dma_wait3A_229 = arith.constant 0 : i32
        %dma_wait3A_230 = arith.constant 0 : i32
        %dma_wait3A_231 = tpu.memref_slice %arg21[%dma_wait3A_229, %dma_wait3A_230] : memref<2560x128xf32, #tpu.memory_space<vmem_shared>> -> memref<2560x128xf32, #tpu.memory_space<vmem_shared>>
        tpu.wait_indirect_dma semaphore(%arg27 : memref<!tpu.dma_semaphore, #tpu.memory_space<semaphore_mem>>) src(%arg19 : memref<32x128xf32, #tpu.memory_space<vmem>>) dst(%dma_wait3A_231 : memref<2560x128xf32, #tpu.memory_space<vmem_shared>>)
      } else {
      }
      %mul3A_192 = arith.constant 5024 : i32
      %mul3A_193 = arith.muli %add3A, %mul3A_192 : i32
      %mul3A_194 = arith.constant 32 : i32
      %mul3A_195 = arith.muli %add3A_186, %mul3A_194 : i32
      %add3A_196 = arith.addi %mul3A_193, %mul3A_195 : i32
      %dma_start3A_197 = tpu.memref_slice %arg4[%add3A_196] : memref<160768xi32, #tpu.memory_space<hbm>> -> memref<32xi32, #tpu.memory_space<hbm>>
      %dma_start3A_198 = tpu.memref_slice %arg4[%add3A_196] : memref<160768xi32, #tpu.memory_space<hbm>> -> memref<32xi32, #tpu.memory_space<hbm>>
      tpu.enqueue_dma source(%dma_start3A_198 : memref<32xi32, #tpu.memory_space<hbm>>) target(%arg13 : memref<32xi32, #tpu.memory_space<vmem>>) target_semaphore(%arg25 : memref<!tpu.dma_semaphore, #tpu.memory_space<semaphore_mem>>)
      %add3A_199 = arith.constant 1 : i32
      %add3A_200 = arith.addi %add3A_186, %add3A_199 : i32
      %min3A_201 = arith.constant 156 : i32
      %min3A_202 = arith.minsi %add3A_200, %min3A_201 : i32
      %dma_start3A_203 = arith.constant 0 : i32
      %dma_start3A_204 = arith.constant 0 : i32
      %dma_start3A_205 = tpu.memref_slice %arg5[%add3A, %min3A_202, %dma_start3A_203, %dma_start3A_204] : memref<32x157x2x32xi32, #tpu.memory_space<hbm>> -> memref<1x1x2x32xi32, #tpu.memory_space<hbm>>
      %dma_start3A_206 = tpu.memref_squeeze %dma_start3A_205 : memref<1x1x2x32xi32, #tpu.memory_space<hbm>> -> memref<2x32xi32, #tpu.memory_space<hbm>>
      %dma_start3A_207 = arith.constant 0 : i32
      %dma_start3A_208 = arith.constant 0 : i32
      %dma_start3A_209 = tpu.memref_slice %arg5[%add3A, %min3A_202, %dma_start3A_207, %dma_start3A_208] : memref<32x157x2x32xi32, #tpu.memory_space<hbm>> -> memref<1x1x2x32xi32, #tpu.memory_space<hbm>>
      %dma_start3A_210 = tpu.memref_squeeze %dma_start3A_209 : memref<1x1x2x32xi32, #tpu.memory_space<hbm>> -> memref<2x32xi32, #tpu.memory_space<hbm>>
      tpu.enqueue_dma source(%dma_start3A_210 : memref<2x32xi32, #tpu.memory_space<hbm>>) target(%arg10 : memref<2x32xi32, #tpu.memory_space<vmem>>) target_semaphore(%arg28 : memref<!tpu.dma_semaphore, #tpu.memory_space<semaphore_mem>>)
      %gt3A_211 = arith.constant 0 : i32
      %gt3A_212 = arith.cmpi sgt, %add3A_186, %gt3A_211 : i32
      %convert_element_type3A_213 = arith.extui %gt3A_212 : i1 to i32
      %cond3A_214 = arith.constant 0 : i32
      %cond3A_215 = arith.cmpi ne, %convert_element_type3A_213, %cond3A_214 : i32
      scf.if %cond3A_215 {
        %dma_wait3A_229 = arith.constant 0 : i32
        %dma_wait3A_230 = arith.constant 0 : i32
        %dma_wait3A_231 = arith.constant 0 : i32
        %dma_wait3A_232 = tpu.memref_slice %arg5[%add3A, %dma_wait3A_229, %dma_wait3A_230, %dma_wait3A_231] : memref<32x157x2x32xi32, #tpu.memory_space<hbm>> -> memref<1x1x2x32xi32, #tpu.memory_space<hbm>>
        %dma_wait3A_233 = tpu.memref_squeeze %dma_wait3A_232 : memref<1x1x2x32xi32, #tpu.memory_space<hbm>> -> memref<2x32xi32, #tpu.memory_space<hbm>>
        %dma_wait3A_234 = arith.constant 0 : i32
        %dma_wait3A_235 = arith.constant 0 : i32
        %dma_wait3A_236 = tpu.memref_slice %arg5[%add3A, %dma_wait3A_229, %dma_wait3A_234, %dma_wait3A_235] : memref<32x157x2x32xi32, #tpu.memory_space<hbm>> -> memref<1x1x2x32xi32, #tpu.memory_space<hbm>>
        %dma_wait3A_237 = tpu.memref_squeeze %dma_wait3A_236 : memref<1x1x2x32xi32, #tpu.memory_space<hbm>> -> memref<2x32xi32, #tpu.memory_space<hbm>>
        tpu.wait_dma2 semaphore(%arg29 : memref<!tpu.dma_semaphore, #tpu.memory_space<semaphore_mem>>) src(%dma_wait3A_237 : memref<2x32xi32, #tpu.memory_space<hbm>>) dst(%arg11 : memref<2x32xi32, #tpu.memory_space<vmem>>)
      } else {
      }
      %scan3A_216 = arith.constant 0 : i32
      %scan3A_217 = arith.constant 0 : i32
      %scan3A_218 = arith.constant 32 : i32
      %scan3A_219 = arith.addi %scan3A_217, %scan3A_218 : i32
      %scan3A_220 = arith.constant 1 : i32
      scf.for %scan3A_229 = %scan3A_217 to %scan3A_219 step %scan3A_220  : i32 {
        %broadcast_in_dim3A = arith.constant 0 : i32
        %broadcast_in_dim3A_230 = vector.broadcast %broadcast_in_dim3A : i32 to vector<16xi32>
        %add3A_231 = vector.broadcast %scan3A_229 : i32 to vector<16xi32>
        %add3A_232 = arith.addi %broadcast_in_dim3A_230, %add3A_231 : vector<16xi32>
        %mul3A_233 = arith.constant 0 : i32
        %mul3A_234 = vector.broadcast %mul3A_233 : i32 to vector<16xi32>
        %mul3A_235 = arith.muli %add3A_232, %mul3A_234 : vector<16xi32>
        %gather3A = tpu.vector_load_idx %arg11[%mul3A_235, %add3A_232] : memref<2x32xi32, #tpu.memory_space<vmem>>[vector<16xi32>, vector<16xi32>], vector<16xi32>,
        %mul3A_236 = arith.constant 0 : i32
        %mul3A_237 = vector.broadcast %mul3A_236 : i32 to vector<16xi32>
        %mul3A_238 = arith.muli %add3A_232, %mul3A_237 : vector<16xi32>
        %add3A_239 = arith.constant 1 : i32
        %add3A_240 = vector.broadcast %add3A_239 : i32 to vector<16xi32>
        %add3A_241 = arith.addi %mul3A_238, %add3A_240 : vector<16xi32>
        %gather3A_242 = tpu.vector_load_idx %arg11[%add3A_241, %add3A_232] : memref<2x32xi32, #tpu.memory_space<vmem>>[vector<16xi32>, vector<16xi32>], vector<16xi32>,
        %bitcast3A = vector.bitcast %gather3A_242 : vector<16xi32> to vector<16xf32>
        %broadcast_in_dim3A_243 = arith.constant 0.000000e+00 : f32
        %broadcast_in_dim3A_244 = vector.broadcast %broadcast_in_dim3A_243 : f32 to vector<16xf32>
        %broadcast_in_dim3A_245 = arith.constant 0.000000e+00 : f32
        %broadcast_in_dim3A_246 = vector.broadcast %broadcast_in_dim3A_245 : f32 to vector<16xf32>
        %broadcast_in_dim3A_247 = arith.constant 0.000000e+00 : f32
        %broadcast_in_dim3A_248 = vector.broadcast %broadcast_in_dim3A_247 : f32 to vector<16xf32>
        %broadcast_in_dim3A_249 = arith.constant 0.000000e+00 : f32
        %broadcast_in_dim3A_250 = vector.broadcast %broadcast_in_dim3A_249 : f32 to vector<16xf32>
        %broadcast_in_dim3A_251 = arith.constant 0.000000e+00 : f32
        %broadcast_in_dim3A_252 = vector.broadcast %broadcast_in_dim3A_251 : f32 to vector<16xf32>
        %broadcast_in_dim3A_253 = arith.constant 0.000000e+00 : f32
        %broadcast_in_dim3A_254 = vector.broadcast %broadcast_in_dim3A_253 : f32 to vector<16xf32>
        %broadcast_in_dim3A_255 = arith.constant 0.000000e+00 : f32
        %broadcast_in_dim3A_256 = vector.broadcast %broadcast_in_dim3A_255 : f32 to vector<16xf32>
        %broadcast_in_dim3A_257 = arith.constant 0.000000e+00 : f32
        %broadcast_in_dim3A_258 = vector.broadcast %broadcast_in_dim3A_257 : f32 to vector<16xf32>
        %mul3A_259 = arith.constant 8 : i32
        %mul3A_260 = vector.broadcast %mul3A_259 : i32 to vector<16xi32>
        %mul3A_261 = arith.muli %gather3A, %mul3A_260 : vector<16xi32>
        %add3A_262 = arith.constant 0 : i32
        %add3A_263 = vector.broadcast %add3A_262 : i32 to vector<16xi32>
        %add3A_264 = arith.addi %mul3A_261, %add3A_263 : vector<16xi32>
        %gather3A_265 = tpu.vector_load_idx %arg20[%add3A_264] : memref<512xf32, #tpu.memory_space<vmem>>[vector<16xi32>], vector<16xf32>,
        %get3A_266 = arith.index_cast %scan3A_229 : i32 to index
        %get3A_267 = arith.constant 0 : index
        %get3A_268 = tpu.vector_load %arg17[%get3A_266, %get3A_267] {strides = array<i32>} : memref<32x1024xf32, #tpu.memory_space<vmem>>, vector<16xf32>,
        %mul3A_269 = arith.mulf %gather3A_265, %get3A_268 : vector<16xf32>
        %add3A_270 = arith.addf %broadcast_in_dim3A_244, %mul3A_269 : vector<16xf32>
        %get3A_271 = arith.index_cast %scan3A_229 : i32 to index
        %get3A_272 = arith.constant 16 : index
        %get3A_273 = tpu.vector_load %arg17[%get3A_271, %get3A_272] {strides = array<i32>} : memref<32x1024xf32, #tpu.memory_space<vmem>>, vector<16xf32>,
        %mul3A_274 = arith.mulf %gather3A_265, %get3A_273 : vector<16xf32>
        %add3A_275 = arith.addf %broadcast_in_dim3A_246, %mul3A_274 : vector<16xf32>
        %get3A_276 = arith.index_cast %scan3A_229 : i32 to index
        %get3A_277 = arith.constant 32 : index
        %get3A_278 = tpu.vector_load %arg17[%get3A_276, %get3A_277] {strides = array<i32>} : memref<32x1024xf32, #tpu.memory_space<vmem>>, vector<16xf32>,
        %mul3A_279 = arith.mulf %gather3A_265, %get3A_278 : vector<16xf32>
        %add3A_280 = arith.addf %broadcast_in_dim3A_248, %mul3A_279 : vector<16xf32>
        %get3A_281 = arith.index_cast %scan3A_229 : i32 to index
        %get3A_282 = arith.constant 48 : index
        %get3A_283 = tpu.vector_load %arg17[%get3A_281, %get3A_282] {strides = array<i32>} : memref<32x1024xf32, #tpu.memory_space<vmem>>, vector<16xf32>,
        %mul3A_284 = arith.mulf %gather3A_265, %get3A_283 : vector<16xf32>
        %add3A_285 = arith.addf %broadcast_in_dim3A_250, %mul3A_284 : vector<16xf32>
        %get3A_286 = arith.index_cast %scan3A_229 : i32 to index
        %get3A_287 = arith.constant 64 : index
        %get3A_288 = tpu.vector_load %arg17[%get3A_286, %get3A_287] {strides = array<i32>} : memref<32x1024xf32, #tpu.memory_space<vmem>>, vector<16xf32>,
        %mul3A_289 = arith.mulf %gather3A_265, %get3A_288 : vector<16xf32>
        %add3A_290 = arith.addf %broadcast_in_dim3A_252, %mul3A_289 : vector<16xf32>
        %get3A_291 = arith.index_cast %scan3A_229 : i32 to index
        %get3A_292 = arith.constant 80 : index
        %get3A_293 = tpu.vector_load %arg17[%get3A_291, %get3A_292] {strides = array<i32>} : memref<32x1024xf32, #tpu.memory_space<vmem>>, vector<16xf32>,
        %mul3A_294 = arith.mulf %gather3A_265, %get3A_293 : vector<16xf32>
        %add3A_295 = arith.addf %broadcast_in_dim3A_254, %mul3A_294 : vector<16xf32>
        %get3A_296 = arith.index_cast %scan3A_229 : i32 to index
        %get3A_297 = arith.constant 96 : index
        %get3A_298 = tpu.vector_load %arg17[%get3A_296, %get3A_297] {strides = array<i32>} : memref<32x1024xf32, #tpu.memory_space<vmem>>, vector<16xf32>,
        %mul3A_299 = arith.mulf %gather3A_265, %get3A_298 : vector<16xf32>
        %add3A_300 = arith.addf %broadcast_in_dim3A_256, %mul3A_299 : vector<16xf32>
        %get3A_301 = arith.index_cast %scan3A_229 : i32 to index
        %get3A_302 = arith.constant 112 : index
        %get3A_303 = tpu.vector_load %arg17[%get3A_301, %get3A_302] {strides = array<i32>} : memref<32x1024xf32, #tpu.memory_space<vmem>>, vector<16xf32>,
        %mul3A_304 = arith.mulf %gather3A_265, %get3A_303 : vector<16xf32>
        %add3A_305 = arith.addf %broadcast_in_dim3A_258, %mul3A_304 : vector<16xf32>
        %mul3A_306 = arith.constant 8 : i32
        %mul3A_307 = vector.broadcast %mul3A_306 : i32 to vector<16xi32>
        %mul3A_308 = arith.muli %gather3A, %mul3A_307 : vector<16xi32>
        %add3A_309 = arith.constant 1 : i32
        %add3A_310 = vector.broadcast %add3A_309 : i32 to vector<16xi32>
        %add3A_311 = arith.addi %mul3A_308, %add3A_310 : vector<16xi32>
        %gather3A_312 = tpu.vector_load_idx %arg20[%add3A_311] : memref<512xf32, #tpu.memory_space<vmem>>[vector<16xi32>], vector<16xf32>,
        %get3A_313 = arith.index_cast %scan3A_229 : i32 to index
        %get3A_314 = arith.constant 128 : index
        %get3A_315 = tpu.vector_load %arg17[%get3A_313, %get3A_314] {strides = array<i32>} : memref<32x1024xf32, #tpu.memory_space<vmem>>, vector<16xf32>,
        %mul3A_316 = arith.mulf %gather3A_312, %get3A_315 : vector<16xf32>
        %add3A_317 = arith.addf %add3A_270, %mul3A_316 : vector<16xf32>
        %get3A_318 = arith.index_cast %scan3A_229 : i32 to index
        %get3A_319 = arith.constant 144 : index
        %get3A_320 = tpu.vector_load %arg17[%get3A_318, %get3A_319] {strides = array<i32>} : memref<32x1024xf32, #tpu.memory_space<vmem>>, vector<16xf32>,
        %mul3A_321 = arith.mulf %gather3A_312, %get3A_320 : vector<16xf32>
        %add3A_322 = arith.addf %add3A_275, %mul3A_321 : vector<16xf32>
        %get3A_323 = arith.index_cast %scan3A_229 : i32 to index
        %get3A_324 = arith.constant 160 : index
        %get3A_325 = tpu.vector_load %arg17[%get3A_323, %get3A_324] {strides = array<i32>} : memref<32x1024xf32, #tpu.memory_space<vmem>>, vector<16xf32>,
        %mul3A_326 = arith.mulf %gather3A_312, %get3A_325 : vector<16xf32>
        %add3A_327 = arith.addf %add3A_280, %mul3A_326 : vector<16xf32>
        %get3A_328 = arith.index_cast %scan3A_229 : i32 to index
        %get3A_329 = arith.constant 176 : index
        %get3A_330 = tpu.vector_load %arg17[%get3A_328, %get3A_329] {strides = array<i32>} : memref<32x1024xf32, #tpu.memory_space<vmem>>, vector<16xf32>,
        %mul3A_331 = arith.mulf %gather3A_312, %get3A_330 : vector<16xf32>
        %add3A_332 = arith.addf %add3A_285, %mul3A_331 : vector<16xf32>
        %get3A_333 = arith.index_cast %scan3A_229 : i32 to index
        %get3A_334 = arith.constant 192 : index
        %get3A_335 = tpu.vector_load %arg17[%get3A_333, %get3A_334] {strides = array<i32>} : memref<32x1024xf32, #tpu.memory_space<vmem>>, vector<16xf32>,
        %mul3A_336 = arith.mulf %gather3A_312, %get3A_335 : vector<16xf32>
        %add3A_337 = arith.addf %add3A_290, %mul3A_336 : vector<16xf32>
        %get3A_338 = arith.index_cast %scan3A_229 : i32 to index
        %get3A_339 = arith.constant 208 : index
        %get3A_340 = tpu.vector_load %arg17[%get3A_338, %get3A_339] {strides = array<i32>} : memref<32x1024xf32, #tpu.memory_space<vmem>>, vector<16xf32>,
        %mul3A_341 = arith.mulf %gather3A_312, %get3A_340 : vector<16xf32>
        %add3A_342 = arith.addf %add3A_295, %mul3A_341 : vector<16xf32>
        %get3A_343 = arith.index_cast %scan3A_229 : i32 to index
        %get3A_344 = arith.constant 224 : index
        %get3A_345 = tpu.vector_load %arg17[%get3A_343, %get3A_344] {strides = array<i32>} : memref<32x1024xf32, #tpu.memory_space<vmem>>, vector<16xf32>,
        %mul3A_346 = arith.mulf %gather3A_312, %get3A_345 : vector<16xf32>
        %add3A_347 = arith.addf %add3A_300, %mul3A_346 : vector<16xf32>
        %get3A_348 = arith.index_cast %scan3A_229 : i32 to index
        %get3A_349 = arith.constant 240 : index
        %get3A_350 = tpu.vector_load %arg17[%get3A_348, %get3A_349] {strides = array<i32>} : memref<32x1024xf32, #tpu.memory_space<vmem>>, vector<16xf32>,
        %mul3A_351 = arith.mulf %gather3A_312, %get3A_350 : vector<16xf32>
        %add3A_352 = arith.addf %add3A_305, %mul3A_351 : vector<16xf32>
        %mul3A_353 = arith.constant 8 : i32
        %mul3A_354 = vector.broadcast %mul3A_353 : i32 to vector<16xi32>
        %mul3A_355 = arith.muli %gather3A, %mul3A_354 : vector<16xi32>
        %add3A_356 = arith.constant 2 : i32
        %add3A_357 = vector.broadcast %add3A_356 : i32 to vector<16xi32>
        %add3A_358 = arith.addi %mul3A_355, %add3A_357 : vector<16xi32>
        %gather3A_359 = tpu.vector_load_idx %arg20[%add3A_358] : memref<512xf32, #tpu.memory_space<vmem>>[vector<16xi32>], vector<16xf32>,
        %get3A_360 = arith.index_cast %scan3A_229 : i32 to index
        %get3A_361 = arith.constant 256 : index
        %get3A_362 = tpu.vector_load %arg17[%get3A_360, %get3A_361] {strides = array<i32>} : memref<32x1024xf32, #tpu.memory_space<vmem>>, vector<16xf32>,
        %mul3A_363 = arith.mulf %gather3A_359, %get3A_362 : vector<16xf32>
        %add3A_364 = arith.addf %add3A_317, %mul3A_363 : vector<16xf32>
        %get3A_365 = arith.index_cast %scan3A_229 : i32 to index
        %get3A_366 = arith.constant 272 : index
        %get3A_367 = tpu.vector_load %arg17[%get3A_365, %get3A_366] {strides = array<i32>} : memref<32x1024xf32, #tpu.memory_space<vmem>>, vector<16xf32>,
        %mul3A_368 = arith.mulf %gather3A_359, %get3A_367 : vector<16xf32>
        %add3A_369 = arith.addf %add3A_322, %mul3A_368 : vector<16xf32>
        %get3A_370 = arith.index_cast %scan3A_229 : i32 to index
        %get3A_371 = arith.constant 288 : index
        %get3A_372 = tpu.vector_load %arg17[%get3A_370, %get3A_371] {strides = array<i32>} : memref<32x1024xf32, #tpu.memory_space<vmem>>, vector<16xf32>,
        %mul3A_373 = arith.mulf %gather3A_359, %get3A_372 : vector<16xf32>
        %add3A_374 = arith.addf %add3A_327, %mul3A_373 : vector<16xf32>
        %get3A_375 = arith.index_cast %scan3A_229 : i32 to index
        %get3A_376 = arith.constant 304 : index
        %get3A_377 = tpu.vector_load %arg17[%get3A_375, %get3A_376] {strides = array<i32>} : memref<32x1024xf32, #tpu.memory_space<vmem>>, vector<16xf32>,
        %mul3A_378 = arith.mulf %gather3A_359, %get3A_377 : vector<16xf32>
        %add3A_379 = arith.addf %add3A_332, %mul3A_378 : vector<16xf32>
        %get3A_380 = arith.index_cast %scan3A_229 : i32 to index
        %get3A_381 = arith.constant 320 : index
        %get3A_382 = tpu.vector_load %arg17[%get3A_380, %get3A_381] {strides = array<i32>} : memref<32x1024xf32, #tpu.memory_space<vmem>>, vector<16xf32>,
        %mul3A_383 = arith.mulf %gather3A_359, %get3A_382 : vector<16xf32>
        %add3A_384 = arith.addf %add3A_337, %mul3A_383 : vector<16xf32>
        %get3A_385 = arith.index_cast %scan3A_229 : i32 to index
        %get3A_386 = arith.constant 336 : index
        %get3A_387 = tpu.vector_load %arg17[%get3A_385, %get3A_386] {strides = array<i32>} : memref<32x1024xf32, #tpu.memory_space<vmem>>, vector<16xf32>,
        %mul3A_388 = arith.mulf %gather3A_359, %get3A_387 : vector<16xf32>
        %add3A_389 = arith.addf %add3A_342, %mul3A_388 : vector<16xf32>
        %get3A_390 = arith.index_cast %scan3A_229 : i32 to index
        %get3A_391 = arith.constant 352 : index
        %get3A_392 = tpu.vector_load %arg17[%get3A_390, %get3A_391] {strides = array<i32>} : memref<32x1024xf32, #tpu.memory_space<vmem>>, vector<16xf32>,
        %mul3A_393 = arith.mulf %gather3A_359, %get3A_392 : vector<16xf32>
        %add3A_394 = arith.addf %add3A_347, %mul3A_393 : vector<16xf32>
        %get3A_395 = arith.index_cast %scan3A_229 : i32 to index
        %get3A_396 = arith.constant 368 : index
        %get3A_397 = tpu.vector_load %arg17[%get3A_395, %get3A_396] {strides = array<i32>} : memref<32x1024xf32, #tpu.memory_space<vmem>>, vector<16xf32>,
        %mul3A_398 = arith.mulf %gather3A_359, %get3A_397 : vector<16xf32>
        %add3A_399 = arith.addf %add3A_352, %mul3A_398 : vector<16xf32>
        %mul3A_400 = arith.constant 8 : i32
        %mul3A_401 = vector.broadcast %mul3A_400 : i32 to vector<16xi32>
        %mul3A_402 = arith.muli %gather3A, %mul3A_401 : vector<16xi32>
        %add3A_403 = arith.constant 3 : i32
        %add3A_404 = vector.broadcast %add3A_403 : i32 to vector<16xi32>
        %add3A_405 = arith.addi %mul3A_402, %add3A_404 : vector<16xi32>
        %gather3A_406 = tpu.vector_load_idx %arg20[%add3A_405] : memref<512xf32, #tpu.memory_space<vmem>>[vector<16xi32>], vector<16xf32>,
        %get3A_407 = arith.index_cast %scan3A_229 : i32 to index
        %get3A_408 = arith.constant 384 : index
        %get3A_409 = tpu.vector_load %arg17[%get3A_407, %get3A_408] {strides = array<i32>} : memref<32x1024xf32, #tpu.memory_space<vmem>>, vector<16xf32>,
        %mul3A_410 = arith.mulf %gather3A_406, %get3A_409 : vector<16xf32>
        %add3A_411 = arith.addf %add3A_364, %mul3A_410 : vector<16xf32>
        %get3A_412 = arith.index_cast %scan3A_229 : i32 to index
        %get3A_413 = arith.constant 400 : index
        %get3A_414 = tpu.vector_load %arg17[%get3A_412, %get3A_413] {strides = array<i32>} : memref<32x1024xf32, #tpu.memory_space<vmem>>, vector<16xf32>,
        %mul3A_415 = arith.mulf %gather3A_406, %get3A_414 : vector<16xf32>
        %add3A_416 = arith.addf %add3A_369, %mul3A_415 : vector<16xf32>
        %get3A_417 = arith.index_cast %scan3A_229 : i32 to index
        %get3A_418 = arith.constant 416 : index
        %get3A_419 = tpu.vector_load %arg17[%get3A_417, %get3A_418] {strides = array<i32>} : memref<32x1024xf32, #tpu.memory_space<vmem>>, vector<16xf32>,
        %mul3A_420 = arith.mulf %gather3A_406, %get3A_419 : vector<16xf32>
        %add3A_421 = arith.addf %add3A_374, %mul3A_420 : vector<16xf32>
        %get3A_422 = arith.index_cast %scan3A_229 : i32 to index
        %get3A_423 = arith.constant 432 : index
        %get3A_424 = tpu.vector_load %arg17[%get3A_422, %get3A_423] {strides = array<i32>} : memref<32x1024xf32, #tpu.memory_space<vmem>>, vector<16xf32>,
        %mul3A_425 = arith.mulf %gather3A_406, %get3A_424 : vector<16xf32>
        %add3A_426 = arith.addf %add3A_379, %mul3A_425 : vector<16xf32>
        %get3A_427 = arith.index_cast %scan3A_229 : i32 to index
        %get3A_428 = arith.constant 448 : index
        %get3A_429 = tpu.vector_load %arg17[%get3A_427, %get3A_428] {strides = array<i32>} : memref<32x1024xf32, #tpu.memory_space<vmem>>, vector<16xf32>,
        %mul3A_430 = arith.mulf %gather3A_406, %get3A_429 : vector<16xf32>
        %add3A_431 = arith.addf %add3A_384, %mul3A_430 : vector<16xf32>
        %get3A_432 = arith.index_cast %scan3A_229 : i32 to index
        %get3A_433 = arith.constant 464 : index
        %get3A_434 = tpu.vector_load %arg17[%get3A_432, %get3A_433] {strides = array<i32>} : memref<32x1024xf32, #tpu.memory_space<vmem>>, vector<16xf32>,
        %mul3A_435 = arith.mulf %gather3A_406, %get3A_434 : vector<16xf32>
        %add3A_436 = arith.addf %add3A_389, %mul3A_435 : vector<16xf32>
        %get3A_437 = arith.index_cast %scan3A_229 : i32 to index
        %get3A_438 = arith.constant 480 : index
        %get3A_439 = tpu.vector_load %arg17[%get3A_437, %get3A_438] {strides = array<i32>} : memref<32x1024xf32, #tpu.memory_space<vmem>>, vector<16xf32>,
        %mul3A_440 = arith.mulf %gather3A_406, %get3A_439 : vector<16xf32>
        %add3A_441 = arith.addf %add3A_394, %mul3A_440 : vector<16xf32>
        %get3A_442 = arith.index_cast %scan3A_229 : i32 to index
        %get3A_443 = arith.constant 496 : index
        %get3A_444 = tpu.vector_load %arg17[%get3A_442, %get3A_443] {strides = array<i32>} : memref<32x1024xf32, #tpu.memory_space<vmem>>, vector<16xf32>,
        %mul3A_445 = arith.mulf %gather3A_406, %get3A_444 : vector<16xf32>
        %add3A_446 = arith.addf %add3A_399, %mul3A_445 : vector<16xf32>
        %mul3A_447 = arith.constant 8 : i32
        %mul3A_448 = vector.broadcast %mul3A_447 : i32 to vector<16xi32>
        %mul3A_449 = arith.muli %gather3A, %mul3A_448 : vector<16xi32>
        %add3A_450 = arith.constant 4 : i32
        %add3A_451 = vector.broadcast %add3A_450 : i32 to vector<16xi32>
        %add3A_452 = arith.addi %mul3A_449, %add3A_451 : vector<16xi32>
        %gather3A_453 = tpu.vector_load_idx %arg20[%add3A_452] : memref<512xf32, #tpu.memory_space<vmem>>[vector<16xi32>], vector<16xf32>,
        %get3A_454 = arith.index_cast %scan3A_229 : i32 to index
        %get3A_455 = arith.constant 512 : index
        %get3A_456 = tpu.vector_load %arg17[%get3A_454, %get3A_455] {strides = array<i32>} : memref<32x1024xf32, #tpu.memory_space<vmem>>, vector<16xf32>,
        %mul3A_457 = arith.mulf %gather3A_453, %get3A_456 : vector<16xf32>
        %add3A_458 = arith.addf %add3A_411, %mul3A_457 : vector<16xf32>
        %get3A_459 = arith.index_cast %scan3A_229 : i32 to index
        %get3A_460 = arith.constant 528 : index
        %get3A_461 = tpu.vector_load %arg17[%get3A_459, %get3A_460] {strides = array<i32>} : memref<32x1024xf32, #tpu.memory_space<vmem>>, vector<16xf32>,
        %mul3A_462 = arith.mulf %gather3A_453, %get3A_461 : vector<16xf32>
        %add3A_463 = arith.addf %add3A_416, %mul3A_462 : vector<16xf32>
        %get3A_464 = arith.index_cast %scan3A_229 : i32 to index
        %get3A_465 = arith.constant 544 : index
        %get3A_466 = tpu.vector_load %arg17[%get3A_464, %get3A_465] {strides = array<i32>} : memref<32x1024xf32, #tpu.memory_space<vmem>>, vector<16xf32>,
        %mul3A_467 = arith.mulf %gather3A_453, %get3A_466 : vector<16xf32>
        %add3A_468 = arith.addf %add3A_421, %mul3A_467 : vector<16xf32>
        %get3A_469 = arith.index_cast %scan3A_229 : i32 to index
        %get3A_470 = arith.constant 560 : index
        %get3A_471 = tpu.vector_load %arg17[%get3A_469, %get3A_470] {strides = array<i32>} : memref<32x1024xf32, #tpu.memory_space<vmem>>, vector<16xf32>,
        %mul3A_472 = arith.mulf %gather3A_453, %get3A_471 : vector<16xf32>
        %add3A_473 = arith.addf %add3A_426, %mul3A_472 : vector<16xf32>
        %get3A_474 = arith.index_cast %scan3A_229 : i32 to index
        %get3A_475 = arith.constant 576 : index
        %get3A_476 = tpu.vector_load %arg17[%get3A_474, %get3A_475] {strides = array<i32>} : memref<32x1024xf32, #tpu.memory_space<vmem>>, vector<16xf32>,
        %mul3A_477 = arith.mulf %gather3A_453, %get3A_476 : vector<16xf32>
        %add3A_478 = arith.addf %add3A_431, %mul3A_477 : vector<16xf32>
        %get3A_479 = arith.index_cast %scan3A_229 : i32 to index
        %get3A_480 = arith.constant 592 : index
        %get3A_481 = tpu.vector_load %arg17[%get3A_479, %get3A_480] {strides = array<i32>} : memref<32x1024xf32, #tpu.memory_space<vmem>>, vector<16xf32>,
        %mul3A_482 = arith.mulf %gather3A_453, %get3A_481 : vector<16xf32>
        %add3A_483 = arith.addf %add3A_436, %mul3A_482 : vector<16xf32>
        %get3A_484 = arith.index_cast %scan3A_229 : i32 to index
        %get3A_485 = arith.constant 608 : index
        %get3A_486 = tpu.vector_load %arg17[%get3A_484, %get3A_485] {strides = array<i32>} : memref<32x1024xf32, #tpu.memory_space<vmem>>, vector<16xf32>,
        %mul3A_487 = arith.mulf %gather3A_453, %get3A_486 : vector<16xf32>
        %add3A_488 = arith.addf %add3A_441, %mul3A_487 : vector<16xf32>
        %get3A_489 = arith.index_cast %scan3A_229 : i32 to index
        %get3A_490 = arith.constant 624 : index
        %get3A_491 = tpu.vector_load %arg17[%get3A_489, %get3A_490] {strides = array<i32>} : memref<32x1024xf32, #tpu.memory_space<vmem>>, vector<16xf32>,
        %mul3A_492 = arith.mulf %gather3A_453, %get3A_491 : vector<16xf32>
        %add3A_493 = arith.addf %add3A_446, %mul3A_492 : vector<16xf32>
        %mul3A_494 = arith.constant 8 : i32
        %mul3A_495 = vector.broadcast %mul3A_494 : i32 to vector<16xi32>
        %mul3A_496 = arith.muli %gather3A, %mul3A_495 : vector<16xi32>
        %add3A_497 = arith.constant 5 : i32
        %add3A_498 = vector.broadcast %add3A_497 : i32 to vector<16xi32>
        %add3A_499 = arith.addi %mul3A_496, %add3A_498 : vector<16xi32>
        %gather3A_500 = tpu.vector_load_idx %arg20[%add3A_499] : memref<512xf32, #tpu.memory_space<vmem>>[vector<16xi32>], vector<16xf32>,
        %get3A_501 = arith.index_cast %scan3A_229 : i32 to index
        %get3A_502 = arith.constant 640 : index
        %get3A_503 = tpu.vector_load %arg17[%get3A_501, %get3A_502] {strides = array<i32>} : memref<32x1024xf32, #tpu.memory_space<vmem>>, vector<16xf32>,
        %mul3A_504 = arith.mulf %gather3A_500, %get3A_503 : vector<16xf32>
        %add3A_505 = arith.addf %add3A_458, %mul3A_504 : vector<16xf32>
        %get3A_506 = arith.index_cast %scan3A_229 : i32 to index
        %get3A_507 = arith.constant 656 : index
        %get3A_508 = tpu.vector_load %arg17[%get3A_506, %get3A_507] {strides = array<i32>} : memref<32x1024xf32, #tpu.memory_space<vmem>>, vector<16xf32>,
        %mul3A_509 = arith.mulf %gather3A_500, %get3A_508 : vector<16xf32>
        %add3A_510 = arith.addf %add3A_463, %mul3A_509 : vector<16xf32>
        %get3A_511 = arith.index_cast %scan3A_229 : i32 to index
        %get3A_512 = arith.constant 672 : index
        %get3A_513 = tpu.vector_load %arg17[%get3A_511, %get3A_512] {strides = array<i32>} : memref<32x1024xf32, #tpu.memory_space<vmem>>, vector<16xf32>,
        %mul3A_514 = arith.mulf %gather3A_500, %get3A_513 : vector<16xf32>
        %add3A_515 = arith.addf %add3A_468, %mul3A_514 : vector<16xf32>
        %get3A_516 = arith.index_cast %scan3A_229 : i32 to index
        %get3A_517 = arith.constant 688 : index
        %get3A_518 = tpu.vector_load %arg17[%get3A_516, %get3A_517] {strides = array<i32>} : memref<32x1024xf32, #tpu.memory_space<vmem>>, vector<16xf32>,
        %mul3A_519 = arith.mulf %gather3A_500, %get3A_518 : vector<16xf32>
        %add3A_520 = arith.addf %add3A_473, %mul3A_519 : vector<16xf32>
        %get3A_521 = arith.index_cast %scan3A_229 : i32 to index
        %get3A_522 = arith.constant 704 : index
        %get3A_523 = tpu.vector_load %arg17[%get3A_521, %get3A_522] {strides = array<i32>} : memref<32x1024xf32, #tpu.memory_space<vmem>>, vector<16xf32>,
        %mul3A_524 = arith.mulf %gather3A_500, %get3A_523 : vector<16xf32>
        %add3A_525 = arith.addf %add3A_478, %mul3A_524 : vector<16xf32>
        %get3A_526 = arith.index_cast %scan3A_229 : i32 to index
        %get3A_527 = arith.constant 720 : index
        %get3A_528 = tpu.vector_load %arg17[%get3A_526, %get3A_527] {strides = array<i32>} : memref<32x1024xf32, #tpu.memory_space<vmem>>, vector<16xf32>,
        %mul3A_529 = arith.mulf %gather3A_500, %get3A_528 : vector<16xf32>
        %add3A_530 = arith.addf %add3A_483, %mul3A_529 : vector<16xf32>
        %get3A_531 = arith.index_cast %scan3A_229 : i32 to index
        %get3A_532 = arith.constant 736 : index
        %get3A_533 = tpu.vector_load %arg17[%get3A_531, %get3A_532] {strides = array<i32>} : memref<32x1024xf32, #tpu.memory_space<vmem>>, vector<16xf32>,
        %mul3A_534 = arith.mulf %gather3A_500, %get3A_533 : vector<16xf32>
        %add3A_535 = arith.addf %add3A_488, %mul3A_534 : vector<16xf32>
        %get3A_536 = arith.index_cast %scan3A_229 : i32 to index
        %get3A_537 = arith.constant 752 : index
        %get3A_538 = tpu.vector_load %arg17[%get3A_536, %get3A_537] {strides = array<i32>} : memref<32x1024xf32, #tpu.memory_space<vmem>>, vector<16xf32>,
        %mul3A_539 = arith.mulf %gather3A_500, %get3A_538 : vector<16xf32>
        %add3A_540 = arith.addf %add3A_493, %mul3A_539 : vector<16xf32>
        %mul3A_541 = arith.constant 8 : i32
        %mul3A_542 = vector.broadcast %mul3A_541 : i32 to vector<16xi32>
        %mul3A_543 = arith.muli %gather3A, %mul3A_542 : vector<16xi32>
        %add3A_544 = arith.constant 6 : i32
        %add3A_545 = vector.broadcast %add3A_544 : i32 to vector<16xi32>
        %add3A_546 = arith.addi %mul3A_543, %add3A_545 : vector<16xi32>
        %gather3A_547 = tpu.vector_load_idx %arg20[%add3A_546] : memref<512xf32, #tpu.memory_space<vmem>>[vector<16xi32>], vector<16xf32>,
        %get3A_548 = arith.index_cast %scan3A_229 : i32 to index
        %get3A_549 = arith.constant 768 : index
        %get3A_550 = tpu.vector_load %arg17[%get3A_548, %get3A_549] {strides = array<i32>} : memref<32x1024xf32, #tpu.memory_space<vmem>>, vector<16xf32>,
        %mul3A_551 = arith.mulf %gather3A_547, %get3A_550 : vector<16xf32>
        %add3A_552 = arith.addf %add3A_505, %mul3A_551 : vector<16xf32>
        %get3A_553 = arith.index_cast %scan3A_229 : i32 to index
        %get3A_554 = arith.constant 784 : index
        %get3A_555 = tpu.vector_load %arg17[%get3A_553, %get3A_554] {strides = array<i32>} : memref<32x1024xf32, #tpu.memory_space<vmem>>, vector<16xf32>,
        %mul3A_556 = arith.mulf %gather3A_547, %get3A_555 : vector<16xf32>
        %add3A_557 = arith.addf %add3A_510, %mul3A_556 : vector<16xf32>
        %get3A_558 = arith.index_cast %scan3A_229 : i32 to index
        %get3A_559 = arith.constant 800 : index
        %get3A_560 = tpu.vector_load %arg17[%get3A_558, %get3A_559] {strides = array<i32>} : memref<32x1024xf32, #tpu.memory_space<vmem>>, vector<16xf32>,
        %mul3A_561 = arith.mulf %gather3A_547, %get3A_560 : vector<16xf32>
        %add3A_562 = arith.addf %add3A_515, %mul3A_561 : vector<16xf32>
        %get3A_563 = arith.index_cast %scan3A_229 : i32 to index
        %get3A_564 = arith.constant 816 : index
        %get3A_565 = tpu.vector_load %arg17[%get3A_563, %get3A_564] {strides = array<i32>} : memref<32x1024xf32, #tpu.memory_space<vmem>>, vector<16xf32>,
        %mul3A_566 = arith.mulf %gather3A_547, %get3A_565 : vector<16xf32>
        %add3A_567 = arith.addf %add3A_520, %mul3A_566 : vector<16xf32>
        %get3A_568 = arith.index_cast %scan3A_229 : i32 to index
        %get3A_569 = arith.constant 832 : index
        %get3A_570 = tpu.vector_load %arg17[%get3A_568, %get3A_569] {strides = array<i32>} : memref<32x1024xf32, #tpu.memory_space<vmem>>, vector<16xf32>,
        %mul3A_571 = arith.mulf %gather3A_547, %get3A_570 : vector<16xf32>
        %add3A_572 = arith.addf %add3A_525, %mul3A_571 : vector<16xf32>
        %get3A_573 = arith.index_cast %scan3A_229 : i32 to index
        %get3A_574 = arith.constant 848 : index
        %get3A_575 = tpu.vector_load %arg17[%get3A_573, %get3A_574] {strides = array<i32>} : memref<32x1024xf32, #tpu.memory_space<vmem>>, vector<16xf32>,
        %mul3A_576 = arith.mulf %gather3A_547, %get3A_575 : vector<16xf32>
        %add3A_577 = arith.addf %add3A_530, %mul3A_576 : vector<16xf32>
        %get3A_578 = arith.index_cast %scan3A_229 : i32 to index
        %get3A_579 = arith.constant 864 : index
        %get3A_580 = tpu.vector_load %arg17[%get3A_578, %get3A_579] {strides = array<i32>} : memref<32x1024xf32, #tpu.memory_space<vmem>>, vector<16xf32>,
        %mul3A_581 = arith.mulf %gather3A_547, %get3A_580 : vector<16xf32>
        %add3A_582 = arith.addf %add3A_535, %mul3A_581 : vector<16xf32>
        %get3A_583 = arith.index_cast %scan3A_229 : i32 to index
        %get3A_584 = arith.constant 880 : index
        %get3A_585 = tpu.vector_load %arg17[%get3A_583, %get3A_584] {strides = array<i32>} : memref<32x1024xf32, #tpu.memory_space<vmem>>, vector<16xf32>,
        %mul3A_586 = arith.mulf %gather3A_547, %get3A_585 : vector<16xf32>
        %add3A_587 = arith.addf %add3A_540, %mul3A_586 : vector<16xf32>
        %mul3A_588 = arith.constant 8 : i32
        %mul3A_589 = vector.broadcast %mul3A_588 : i32 to vector<16xi32>
        %mul3A_590 = arith.muli %gather3A, %mul3A_589 : vector<16xi32>
        %add3A_591 = arith.constant 7 : i32
        %add3A_592 = vector.broadcast %add3A_591 : i32 to vector<16xi32>
        %add3A_593 = arith.addi %mul3A_590, %add3A_592 : vector<16xi32>
        %gather3A_594 = tpu.vector_load_idx %arg20[%add3A_593] : memref<512xf32, #tpu.memory_space<vmem>>[vector<16xi32>], vector<16xf32>,
        %get3A_595 = arith.index_cast %scan3A_229 : i32 to index
        %get3A_596 = arith.constant 896 : index
        %get3A_597 = tpu.vector_load %arg17[%get3A_595, %get3A_596] {strides = array<i32>} : memref<32x1024xf32, #tpu.memory_space<vmem>>, vector<16xf32>,
        %mul3A_598 = arith.mulf %gather3A_594, %get3A_597 : vector<16xf32>
        %add3A_599 = arith.addf %add3A_552, %mul3A_598 : vector<16xf32>
        %get3A_600 = arith.index_cast %scan3A_229 : i32 to index
        %get3A_601 = arith.constant 912 : index
        %get3A_602 = tpu.vector_load %arg17[%get3A_600, %get3A_601] {strides = array<i32>} : memref<32x1024xf32, #tpu.memory_space<vmem>>, vector<16xf32>,
        %mul3A_603 = arith.mulf %gather3A_594, %get3A_602 : vector<16xf32>
        %add3A_604 = arith.addf %add3A_557, %mul3A_603 : vector<16xf32>
        %get3A_605 = arith.index_cast %scan3A_229 : i32 to index
        %get3A_606 = arith.constant 928 : index
        %get3A_607 = tpu.vector_load %arg17[%get3A_605, %get3A_606] {strides = array<i32>} : memref<32x1024xf32, #tpu.memory_space<vmem>>, vector<16xf32>,
        %mul3A_608 = arith.mulf %gather3A_594, %get3A_607 : vector<16xf32>
        %add3A_609 = arith.addf %add3A_562, %mul3A_608 : vector<16xf32>
        %get3A_610 = arith.index_cast %scan3A_229 : i32 to index
        %get3A_611 = arith.constant 944 : index
        %get3A_612 = tpu.vector_load %arg17[%get3A_610, %get3A_611] {strides = array<i32>} : memref<32x1024xf32, #tpu.memory_space<vmem>>, vector<16xf32>,
        %mul3A_613 = arith.mulf %gather3A_594, %get3A_612 : vector<16xf32>
        %add3A_614 = arith.addf %add3A_567, %mul3A_613 : vector<16xf32>
        %get3A_615 = arith.index_cast %scan3A_229 : i32 to index
        %get3A_616 = arith.constant 960 : index
        %get3A_617 = tpu.vector_load %arg17[%get3A_615, %get3A_616] {strides = array<i32>} : memref<32x1024xf32, #tpu.memory_space<vmem>>, vector<16xf32>,
        %mul3A_618 = arith.mulf %gather3A_594, %get3A_617 : vector<16xf32>
        %add3A_619 = arith.addf %add3A_572, %mul3A_618 : vector<16xf32>
        %get3A_620 = arith.index_cast %scan3A_229 : i32 to index
        %get3A_621 = arith.constant 976 : index
        %get3A_622 = tpu.vector_load %arg17[%get3A_620, %get3A_621] {strides = array<i32>} : memref<32x1024xf32, #tpu.memory_space<vmem>>, vector<16xf32>,
        %mul3A_623 = arith.mulf %gather3A_594, %get3A_622 : vector<16xf32>
        %add3A_624 = arith.addf %add3A_577, %mul3A_623 : vector<16xf32>
        %get3A_625 = arith.index_cast %scan3A_229 : i32 to index
        %get3A_626 = arith.constant 992 : index
        %get3A_627 = tpu.vector_load %arg17[%get3A_625, %get3A_626] {strides = array<i32>} : memref<32x1024xf32, #tpu.memory_space<vmem>>, vector<16xf32>,
        %mul3A_628 = arith.mulf %gather3A_594, %get3A_627 : vector<16xf32>
        %add3A_629 = arith.addf %add3A_582, %mul3A_628 : vector<16xf32>
        %get3A_630 = arith.index_cast %scan3A_229 : i32 to index
        %get3A_631 = arith.constant 1008 : index
        %get3A_632 = tpu.vector_load %arg17[%get3A_630, %get3A_631] {strides = array<i32>} : memref<32x1024xf32, #tpu.memory_space<vmem>>, vector<16xf32>,
        %mul3A_633 = arith.mulf %gather3A_594, %get3A_632 : vector<16xf32>
        %add3A_634 = arith.addf %add3A_587, %mul3A_633 : vector<16xf32>
        %mul3A_635 = arith.mulf %add3A_599, %bitcast3A : vector<16xf32>
        %swap3A_636 = arith.index_cast %scan3A_229 : i32 to index
        %swap3A_637 = arith.constant 0 : index
        %swap3A_638 = tpu.vector_load %arg19[%swap3A_636, %swap3A_637] {strides = array<i32>} : memref<32x128xf32, #tpu.memory_space<vmem>>, vector<16xf32>,
        tpu.vector_store %arg19[%swap3A_636, %swap3A_637], %mul3A_635 {strides = array<i32>} : memref<32x128xf32, #tpu.memory_space<vmem>>, vector<16xf32>,
        %mul3A_639 = arith.mulf %add3A_604, %bitcast3A : vector<16xf32>
        %swap3A_640 = arith.index_cast %scan3A_229 : i32 to index
        %swap3A_641 = arith.constant 16 : index
        %swap3A_642 = tpu.vector_load %arg19[%swap3A_640, %swap3A_641] {strides = array<i32>} : memref<32x128xf32, #tpu.memory_space<vmem>>, vector<16xf32>,
        tpu.vector_store %arg19[%swap3A_640, %swap3A_641], %mul3A_639 {strides = array<i32>} : memref<32x128xf32, #tpu.memory_space<vmem>>, vector<16xf32>,
        %mul3A_643 = arith.mulf %add3A_609, %bitcast3A : vector<16xf32>
        %swap3A_644 = arith.index_cast %scan3A_229 : i32 to index
        %swap3A_645 = arith.constant 32 : index
        %swap3A_646 = tpu.vector_load %arg19[%swap3A_644, %swap3A_645] {strides = array<i32>} : memref<32x128xf32, #tpu.memory_space<vmem>>, vector<16xf32>,
        tpu.vector_store %arg19[%swap3A_644, %swap3A_645], %mul3A_643 {strides = array<i32>} : memref<32x128xf32, #tpu.memory_space<vmem>>, vector<16xf32>,
        %mul3A_647 = arith.mulf %add3A_614, %bitcast3A : vector<16xf32>
        %swap3A_648 = arith.index_cast %scan3A_229 : i32 to index
        %swap3A_649 = arith.constant 48 : index
        %swap3A_650 = tpu.vector_load %arg19[%swap3A_648, %swap3A_649] {strides = array<i32>} : memref<32x128xf32, #tpu.memory_space<vmem>>, vector<16xf32>,
        tpu.vector_store %arg19[%swap3A_648, %swap3A_649], %mul3A_647 {strides = array<i32>} : memref<32x128xf32, #tpu.memory_space<vmem>>, vector<16xf32>,
        %mul3A_651 = arith.mulf %add3A_619, %bitcast3A : vector<16xf32>
        %swap3A_652 = arith.index_cast %scan3A_229 : i32 to index
        %swap3A_653 = arith.constant 64 : index
        %swap3A_654 = tpu.vector_load %arg19[%swap3A_652, %swap3A_653] {strides = array<i32>} : memref<32x128xf32, #tpu.memory_space<vmem>>, vector<16xf32>,
        tpu.vector_store %arg19[%swap3A_652, %swap3A_653], %mul3A_651 {strides = array<i32>} : memref<32x128xf32, #tpu.memory_space<vmem>>, vector<16xf32>,
        %mul3A_655 = arith.mulf %add3A_624, %bitcast3A : vector<16xf32>
        %swap3A_656 = arith.index_cast %scan3A_229 : i32 to index
        %swap3A_657 = arith.constant 80 : index
        %swap3A_658 = tpu.vector_load %arg19[%swap3A_656, %swap3A_657] {strides = array<i32>} : memref<32x128xf32, #tpu.memory_space<vmem>>, vector<16xf32>,
        tpu.vector_store %arg19[%swap3A_656, %swap3A_657], %mul3A_655 {strides = array<i32>} : memref<32x128xf32, #tpu.memory_space<vmem>>, vector<16xf32>,
        %mul3A_659 = arith.mulf %add3A_629, %bitcast3A : vector<16xf32>
        %swap3A_660 = arith.index_cast %scan3A_229 : i32 to index
        %swap3A_661 = arith.constant 96 : index
        %swap3A_662 = tpu.vector_load %arg19[%swap3A_660, %swap3A_661] {strides = array<i32>} : memref<32x128xf32, #tpu.memory_space<vmem>>, vector<16xf32>,
        tpu.vector_store %arg19[%swap3A_660, %swap3A_661], %mul3A_659 {strides = array<i32>} : memref<32x128xf32, #tpu.memory_space<vmem>>, vector<16xf32>,
        %mul3A_663 = arith.mulf %add3A_634, %bitcast3A : vector<16xf32>
        %swap3A_664 = arith.index_cast %scan3A_229 : i32 to index
        %swap3A_665 = arith.constant 112 : index
        %swap3A_666 = tpu.vector_load %arg19[%swap3A_664, %swap3A_665] {strides = array<i32>} : memref<32x128xf32, #tpu.memory_space<vmem>>, vector<16xf32>,
        tpu.vector_store %arg19[%swap3A_664, %swap3A_665], %mul3A_663 {strides = array<i32>} : memref<32x128xf32, #tpu.memory_space<vmem>>, vector<16xf32>,
      }
      %scan3A_221 = arith.constant 32 : i32
      %dma_wait3A_222 = arith.constant 0 : i32
      %dma_wait3A_223 = tpu.memref_slice %arg4[%dma_wait3A_222] : memref<160768xi32, #tpu.memory_space<hbm>> -> memref<32xi32, #tpu.memory_space<hbm>>
      %dma_wait3A_224 = arith.constant 0 : i32
      %dma_wait3A_225 = tpu.memref_slice %arg4[%dma_wait3A_224] : memref<160768xi32, #tpu.memory_space<hbm>> -> memref<32xi32, #tpu.memory_space<hbm>>
      tpu.wait_dma2 semaphore(%arg25 : memref<!tpu.dma_semaphore, #tpu.memory_space<semaphore_mem>>) src(%dma_wait3A_225 : memref<32xi32, #tpu.memory_space<hbm>>) dst(%arg13 : memref<32xi32, #tpu.memory_space<vmem>>)
      %dma_start3A_226 = arith.constant 0 : i32
      %dma_start3A_227 = arith.constant 0 : i32
      %dma_start3A_228 = tpu.memref_slice %arg21[%dma_start3A_226, %dma_start3A_227] : memref<2560x128xf32, #tpu.memory_space<vmem_shared>> -> memref<2560x128xf32, #tpu.memory_space<vmem_shared>>
      tpu.enqueue_indirect_dma source(%arg19 : memref<32x128xf32, #tpu.memory_space<vmem>>) target(%dma_start3A_228 : memref<2560x128xf32, #tpu.memory_space<vmem_shared>>) offsets(%arg13 : memref<32xi32, #tpu.memory_space<vmem>>) semaphore(%arg27 : memref<!tpu.dma_semaphore, #tpu.memory_space<semaphore_mem>>) {add = true}
    }
    %scan3A_17 = arith.constant 78 : i32
    %dma_wait3A = arith.constant 0 : i32
    %dma_wait3A_18 = arith.constant 0 : i32
    %dma_wait3A_19 = tpu.memref_slice %arg2[%dma_wait3A, %dma_wait3A_18] : memref<5000x1024xf32, #tpu.memory_space<hbm>> -> memref<32x1024xf32, #tpu.memory_space<hbm>>
    %dma_wait3A_20 = arith.constant 0 : i32
    %dma_wait3A_21 = arith.constant 0 : i32
    %dma_wait3A_22 = tpu.memref_slice %arg2[%dma_wait3A_20, %dma_wait3A_21] : memref<5000x1024xf32, #tpu.memory_space<hbm>> -> memref<32x1024xf32, #tpu.memory_space<hbm>>
    tpu.wait_dma2 semaphore(%arg22 : memref<!tpu.dma_semaphore, #tpu.memory_space<semaphore_mem>>) src(%dma_wait3A_22 : memref<32x1024xf32, #tpu.memory_space<hbm>>) dst(%arg16 : memref<32x1024xf32, #tpu.memory_space<vmem>>)
    %dma_wait3A_23 = arith.constant 0 : i32
    %dma_wait3A_24 = arith.constant 0 : i32
    %dma_wait3A_25 = tpu.memref_slice %arg21[%dma_wait3A_23, %dma_wait3A_24] : memref<2560x128xf32, #tpu.memory_space<vmem_shared>> -> memref<2560x128xf32, #tpu.memory_space<vmem_shared>>
    tpu.wait_indirect_dma semaphore(%arg26 : memref<!tpu.dma_semaphore, #tpu.memory_space<semaphore_mem>>) src(%arg18 : memref<32x128xf32, #tpu.memory_space<vmem>>) dst(%dma_wait3A_25 : memref<2560x128xf32, #tpu.memory_space<vmem_shared>>)
    %mul3A_26 = arith.constant 5024 : i32
    %mul3A_27 = arith.muli %add3A, %mul3A_26 : i32
    %add3A_28 = arith.constant 4992 : i32
    %add3A_29 = arith.addi %mul3A_27, %add3A_28 : i32
    %dma_start3A_30 = tpu.memref_slice %arg4[%add3A_29] : memref<160768xi32, #tpu.memory_space<hbm>> -> memref<32xi32, #tpu.memory_space<hbm>>
    %dma_start3A_31 = tpu.memref_slice %arg4[%add3A_29] : memref<160768xi32, #tpu.memory_space<hbm>> -> memref<32xi32, #tpu.memory_space<hbm>>
    tpu.enqueue_dma source(%dma_start3A_31 : memref<32xi32, #tpu.memory_space<hbm>>) target(%arg12 : memref<32xi32, #tpu.memory_space<vmem>>) target_semaphore(%arg24 : memref<!tpu.dma_semaphore, #tpu.memory_space<semaphore_mem>>)
    %min3A = arith.constant 157 : i32
    %min3A_32 = arith.constant 156 : i32
    %min3A_33 = arith.minsi %min3A, %min3A_32 : i32
    %dma_start3A_34 = arith.constant 0 : i32
    %dma_start3A_35 = arith.constant 0 : i32
    %dma_start3A_36 = tpu.memref_slice %arg5[%add3A, %min3A_33, %dma_start3A_34, %dma_start3A_35] : memref<32x157x2x32xi32, #tpu.memory_space<hbm>> -> memref<1x1x2x32xi32, #tpu.memory_space<hbm>>
    %dma_start3A_37 = tpu.memref_squeeze %dma_start3A_36 : memref<1x1x2x32xi32, #tpu.memory_space<hbm>> -> memref<2x32xi32, #tpu.memory_space<hbm>>
    %dma_start3A_38 = arith.constant 0 : i32
    %dma_start3A_39 = arith.constant 0 : i32
    %dma_start3A_40 = tpu.memref_slice %arg5[%add3A, %min3A_33, %dma_start3A_38, %dma_start3A_39] : memref<32x157x2x32xi32, #tpu.memory_space<hbm>> -> memref<1x1x2x32xi32, #tpu.memory_space<hbm>>
    %dma_start3A_41 = tpu.memref_squeeze %dma_start3A_40 : memref<1x1x2x32xi32, #tpu.memory_space<hbm>> -> memref<2x32xi32, #tpu.memory_space<hbm>>
    tpu.enqueue_dma source(%dma_start3A_41 : memref<2x32xi32, #tpu.memory_space<hbm>>) target(%arg11 : memref<2x32xi32, #tpu.memory_space<vmem>>) target_semaphore(%arg29 : memref<!tpu.dma_semaphore, #tpu.memory_space<semaphore_mem>>)
    %dma_wait3A_42 = arith.constant 0 : i32
    %dma_wait3A_43 = arith.constant 0 : i32
    %dma_wait3A_44 = arith.constant 0 : i32
    %dma_wait3A_45 = tpu.memref_slice %arg5[%add3A, %dma_wait3A_42, %dma_wait3A_43, %dma_wait3A_44] : memref<32x157x2x32xi32, #tpu.memory_space<hbm>> -> memref<1x1x2x32xi32, #tpu.memory_space<hbm>>
    %dma_wait3A_46 = tpu.memref_squeeze %dma_wait3A_45 : memref<1x1x2x32xi32, #tpu.memory_space<hbm>> -> memref<2x32xi32, #tpu.memory_space<hbm>>
    %dma_wait3A_47 = arith.constant 0 : i32
    %dma_wait3A_48 = arith.constant 0 : i32
    %dma_wait3A_49 = tpu.memref_slice %arg5[%add3A, %dma_wait3A_42, %dma_wait3A_47, %dma_wait3A_48] : memref<32x157x2x32xi32, #tpu.memory_space<hbm>> -> memref<1x1x2x32xi32, #tpu.memory_space<hbm>>
    %dma_wait3A_50 = tpu.memref_squeeze %dma_wait3A_49 : memref<1x1x2x32xi32, #tpu.memory_space<hbm>> -> memref<2x32xi32, #tpu.memory_space<hbm>>
    tpu.wait_dma2 semaphore(%arg28 : memref<!tpu.dma_semaphore, #tpu.memory_space<semaphore_mem>>) src(%dma_wait3A_50 : memref<2x32xi32, #tpu.memory_space<hbm>>) dst(%arg10 : memref<2x32xi32, #tpu.memory_space<vmem>>)
    %scan3A_51 = arith.constant 0 : i32
    %scan3A_52 = arith.constant 0 : i32
    %scan3A_53 = arith.constant 32 : i32
    %scan3A_54 = arith.addi %scan3A_52, %scan3A_53 : i32
    %scan3A_55 = arith.constant 1 : i32
    scf.for %scan3A_87 = %scan3A_52 to %scan3A_54 step %scan3A_55  : i32 {
      %broadcast_in_dim3A = arith.constant 0 : i32
      %broadcast_in_dim3A_88 = vector.broadcast %broadcast_in_dim3A : i32 to vector<16xi32>
      %add3A_89 = vector.broadcast %scan3A_87 : i32 to vector<16xi32>
      %add3A_90 = arith.addi %broadcast_in_dim3A_88, %add3A_89 : vector<16xi32>
      %mul3A_91 = arith.constant 0 : i32
      %mul3A_92 = vector.broadcast %mul3A_91 : i32 to vector<16xi32>
      %mul3A_93 = arith.muli %add3A_90, %mul3A_92 : vector<16xi32>
      %gather3A = tpu.vector_load_idx %arg10[%mul3A_93, %add3A_90] : memref<2x32xi32, #tpu.memory_space<vmem>>[vector<16xi32>, vector<16xi32>], vector<16xi32>,
      %mul3A_94 = arith.constant 0 : i32
      %mul3A_95 = vector.broadcast %mul3A_94 : i32 to vector<16xi32>
      %mul3A_96 = arith.muli %add3A_90, %mul3A_95 : vector<16xi32>
      %add3A_97 = arith.constant 1 : i32
      %add3A_98 = vector.broadcast %add3A_97 : i32 to vector<16xi32>
      %add3A_99 = arith.addi %mul3A_96, %add3A_98 : vector<16xi32>
      %gather3A_100 = tpu.vector_load_idx %arg10[%add3A_99, %add3A_90] : memref<2x32xi32, #tpu.memory_space<vmem>>[vector<16xi32>, vector<16xi32>], vector<16xi32>,
      %bitcast3A = vector.bitcast %gather3A_100 : vector<16xi32> to vector<16xf32>
      %broadcast_in_dim3A_101 = arith.constant 0.000000e+00 : f32
      %broadcast_in_dim3A_102 = vector.broadcast %broadcast_in_dim3A_101 : f32 to vector<16xf32>
      %broadcast_in_dim3A_103 = arith.constant 0.000000e+00 : f32
      %broadcast_in_dim3A_104 = vector.broadcast %broadcast_in_dim3A_103 : f32 to vector<16xf32>
      %broadcast_in_dim3A_105 = arith.constant 0.000000e+00 : f32
      %broadcast_in_dim3A_106 = vector.broadcast %broadcast_in_dim3A_105 : f32 to vector<16xf32>
      %broadcast_in_dim3A_107 = arith.constant 0.000000e+00 : f32
      %broadcast_in_dim3A_108 = vector.broadcast %broadcast_in_dim3A_107 : f32 to vector<16xf32>
      %broadcast_in_dim3A_109 = arith.constant 0.000000e+00 : f32
      %broadcast_in_dim3A_110 = vector.broadcast %broadcast_in_dim3A_109 : f32 to vector<16xf32>
      %broadcast_in_dim3A_111 = arith.constant 0.000000e+00 : f32
      %broadcast_in_dim3A_112 = vector.broadcast %broadcast_in_dim3A_111 : f32 to vector<16xf32>
      %broadcast_in_dim3A_113 = arith.constant 0.000000e+00 : f32
      %broadcast_in_dim3A_114 = vector.broadcast %broadcast_in_dim3A_113 : f32 to vector<16xf32>
      %broadcast_in_dim3A_115 = arith.constant 0.000000e+00 : f32
      %broadcast_in_dim3A_116 = vector.broadcast %broadcast_in_dim3A_115 : f32 to vector<16xf32>
      %mul3A_117 = arith.constant 8 : i32
      %mul3A_118 = vector.broadcast %mul3A_117 : i32 to vector<16xi32>
      %mul3A_119 = arith.muli %gather3A, %mul3A_118 : vector<16xi32>
      %add3A_120 = arith.constant 0 : i32
      %add3A_121 = vector.broadcast %add3A_120 : i32 to vector<16xi32>
      %add3A_122 = arith.addi %mul3A_119, %add3A_121 : vector<16xi32>
      %gather3A_123 = tpu.vector_load_idx %arg20[%add3A_122] : memref<512xf32, #tpu.memory_space<vmem>>[vector<16xi32>], vector<16xf32>,
      %get3A_124 = arith.index_cast %scan3A_87 : i32 to index
      %get3A_125 = arith.constant 0 : index
      %get3A_126 = tpu.vector_load %arg16[%get3A_124, %get3A_125] {strides = array<i32>} : memref<32x1024xf32, #tpu.memory_space<vmem>>, vector<16xf32>,
      %mul3A_127 = arith.mulf %gather3A_123, %get3A_126 : vector<16xf32>
      %add3A_128 = arith.addf %broadcast_in_dim3A_102, %mul3A_127 : vector<16xf32>
      %get3A_129 = arith.index_cast %scan3A_87 : i32 to index
      %get3A_130 = arith.constant 16 : index
      %get3A_131 = tpu.vector_load %arg16[%get3A_129, %get3A_130] {strides = array<i32>} : memref<32x1024xf32, #tpu.memory_space<vmem>>, vector<16xf32>,
      %mul3A_132 = arith.mulf %gather3A_123, %get3A_131 : vector<16xf32>
      %add3A_133 = arith.addf %broadcast_in_dim3A_104, %mul3A_132 : vector<16xf32>
      %get3A_134 = arith.index_cast %scan3A_87 : i32 to index
      %get3A_135 = arith.constant 32 : index
      %get3A_136 = tpu.vector_load %arg16[%get3A_134, %get3A_135] {strides = array<i32>} : memref<32x1024xf32, #tpu.memory_space<vmem>>, vector<16xf32>,
      %mul3A_137 = arith.mulf %gather3A_123, %get3A_136 : vector<16xf32>
      %add3A_138 = arith.addf %broadcast_in_dim3A_106, %mul3A_137 : vector<16xf32>
      %get3A_139 = arith.index_cast %scan3A_87 : i32 to index
      %get3A_140 = arith.constant 48 : index
      %get3A_141 = tpu.vector_load %arg16[%get3A_139, %get3A_140] {strides = array<i32>} : memref<32x1024xf32, #tpu.memory_space<vmem>>, vector<16xf32>,
      %mul3A_142 = arith.mulf %gather3A_123, %get3A_141 : vector<16xf32>
      %add3A_143 = arith.addf %broadcast_in_dim3A_108, %mul3A_142 : vector<16xf32>
      %get3A_144 = arith.index_cast %scan3A_87 : i32 to index
      %get3A_145 = arith.constant 64 : index
      %get3A_146 = tpu.vector_load %arg16[%get3A_144, %get3A_145] {strides = array<i32>} : memref<32x1024xf32, #tpu.memory_space<vmem>>, vector<16xf32>,
      %mul3A_147 = arith.mulf %gather3A_123, %get3A_146 : vector<16xf32>
      %add3A_148 = arith.addf %broadcast_in_dim3A_110, %mul3A_147 : vector<16xf32>
      %get3A_149 = arith.index_cast %scan3A_87 : i32 to index
      %get3A_150 = arith.constant 80 : index
      %get3A_151 = tpu.vector_load %arg16[%get3A_149, %get3A_150] {strides = array<i32>} : memref<32x1024xf32, #tpu.memory_space<vmem>>, vector<16xf32>,
      %mul3A_152 = arith.mulf %gather3A_123, %get3A_151 : vector<16xf32>
      %add3A_153 = arith.addf %broadcast_in_dim3A_112, %mul3A_152 : vector<16xf32>
      %get3A_154 = arith.index_cast %scan3A_87 : i32 to index
      %get3A_155 = arith.constant 96 : index
      %get3A_156 = tpu.vector_load %arg16[%get3A_154, %get3A_155] {strides = array<i32>} : memref<32x1024xf32, #tpu.memory_space<vmem>>, vector<16xf32>,
      %mul3A_157 = arith.mulf %gather3A_123, %get3A_156 : vector<16xf32>
      %add3A_158 = arith.addf %broadcast_in_dim3A_114, %mul3A_157 : vector<16xf32>
      %get3A_159 = arith.index_cast %scan3A_87 : i32 to index
      %get3A_160 = arith.constant 112 : index
      %get3A_161 = tpu.vector_load %arg16[%get3A_159, %get3A_160] {strides = array<i32>} : memref<32x1024xf32, #tpu.memory_space<vmem>>, vector<16xf32>,
      %mul3A_162 = arith.mulf %gather3A_123, %get3A_161 : vector<16xf32>
      %add3A_163 = arith.addf %broadcast_in_dim3A_116, %mul3A_162 : vector<16xf32>
      %mul3A_164 = arith.constant 8 : i32
      %mul3A_165 = vector.broadcast %mul3A_164 : i32 to vector<16xi32>
      %mul3A_166 = arith.muli %gather3A, %mul3A_165 : vector<16xi32>
      %add3A_167 = arith.constant 1 : i32
      %add3A_168 = vector.broadcast %add3A_167 : i32 to vector<16xi32>
      %add3A_169 = arith.addi %mul3A_166, %add3A_168 : vector<16xi32>
      %gather3A_170 = tpu.vector_load_idx %arg20[%add3A_169] : memref<512xf32, #tpu.memory_space<vmem>>[vector<16xi32>], vector<16xf32>,
      %get3A_171 = arith.index_cast %scan3A_87 : i32 to index
      %get3A_172 = arith.constant 128 : index
      %get3A_173 = tpu.vector_load %arg16[%get3A_171, %get3A_172] {strides = array<i32>} : memref<32x1024xf32, #tpu.memory_space<vmem>>, vector<16xf32>,
      %mul3A_174 = arith.mulf %gather3A_170, %get3A_173 : vector<16xf32>
      %add3A_175 = arith.addf %add3A_128, %mul3A_174 : vector<16xf32>
      %get3A_176 = arith.index_cast %scan3A_87 : i32 to index
      %get3A_177 = arith.constant 144 : index
      %get3A_178 = tpu.vector_load %arg16[%get3A_176, %get3A_177] {strides = array<i32>} : memref<32x1024xf32, #tpu.memory_space<vmem>>, vector<16xf32>,
      %mul3A_179 = arith.mulf %gather3A_170, %get3A_178 : vector<16xf32>
      %add3A_180 = arith.addf %add3A_133, %mul3A_179 : vector<16xf32>
      %get3A_181 = arith.index_cast %scan3A_87 : i32 to index
      %get3A_182 = arith.constant 160 : index
      %get3A_183 = tpu.vector_load %arg16[%get3A_181, %get3A_182] {strides = array<i32>} : memref<32x1024xf32, #tpu.memory_space<vmem>>, vector<16xf32>,
      %mul3A_184 = arith.mulf %gather3A_170, %get3A_183 : vector<16xf32>
      %add3A_185 = arith.addf %add3A_138, %mul3A_184 : vector<16xf32>
      %get3A_186 = arith.index_cast %scan3A_87 : i32 to index
      %get3A_187 = arith.constant 176 : index
      %get3A_188 = tpu.vector_load %arg16[%get3A_186, %get3A_187] {strides = array<i32>} : memref<32x1024xf32, #tpu.memory_space<vmem>>, vector<16xf32>,
      %mul3A_189 = arith.mulf %gather3A_170, %get3A_188 : vector<16xf32>
      %add3A_190 = arith.addf %add3A_143, %mul3A_189 : vector<16xf32>
      %get3A_191 = arith.index_cast %scan3A_87 : i32 to index
      %get3A_192 = arith.constant 192 : index
      %get3A_193 = tpu.vector_load %arg16[%get3A_191, %get3A_192] {strides = array<i32>} : memref<32x1024xf32, #tpu.memory_space<vmem>>, vector<16xf32>,
      %mul3A_194 = arith.mulf %gather3A_170, %get3A_193 : vector<16xf32>
      %add3A_195 = arith.addf %add3A_148, %mul3A_194 : vector<16xf32>
      %get3A_196 = arith.index_cast %scan3A_87 : i32 to index
      %get3A_197 = arith.constant 208 : index
      %get3A_198 = tpu.vector_load %arg16[%get3A_196, %get3A_197] {strides = array<i32>} : memref<32x1024xf32, #tpu.memory_space<vmem>>, vector<16xf32>,
      %mul3A_199 = arith.mulf %gather3A_170, %get3A_198 : vector<16xf32>
      %add3A_200 = arith.addf %add3A_153, %mul3A_199 : vector<16xf32>
      %get3A_201 = arith.index_cast %scan3A_87 : i32 to index
      %get3A_202 = arith.constant 224 : index
      %get3A_203 = tpu.vector_load %arg16[%get3A_201, %get3A_202] {strides = array<i32>} : memref<32x1024xf32, #tpu.memory_space<vmem>>, vector<16xf32>,
      %mul3A_204 = arith.mulf %gather3A_170, %get3A_203 : vector<16xf32>
      %add3A_205 = arith.addf %add3A_158, %mul3A_204 : vector<16xf32>
      %get3A_206 = arith.index_cast %scan3A_87 : i32 to index
      %get3A_207 = arith.constant 240 : index
      %get3A_208 = tpu.vector_load %arg16[%get3A_206, %get3A_207] {strides = array<i32>} : memref<32x1024xf32, #tpu.memory_space<vmem>>, vector<16xf32>,
      %mul3A_209 = arith.mulf %gather3A_170, %get3A_208 : vector<16xf32>
      %add3A_210 = arith.addf %add3A_163, %mul3A_209 : vector<16xf32>
      %mul3A_211 = arith.constant 8 : i32
      %mul3A_212 = vector.broadcast %mul3A_211 : i32 to vector<16xi32>
      %mul3A_213 = arith.muli %gather3A, %mul3A_212 : vector<16xi32>
      %add3A_214 = arith.constant 2 : i32
      %add3A_215 = vector.broadcast %add3A_214 : i32 to vector<16xi32>
      %add3A_216 = arith.addi %mul3A_213, %add3A_215 : vector<16xi32>
      %gather3A_217 = tpu.vector_load_idx %arg20[%add3A_216] : memref<512xf32, #tpu.memory_space<vmem>>[vector<16xi32>], vector<16xf32>,
      %get3A_218 = arith.index_cast %scan3A_87 : i32 to index
      %get3A_219 = arith.constant 256 : index
      %get3A_220 = tpu.vector_load %arg16[%get3A_218, %get3A_219] {strides = array<i32>} : memref<32x1024xf32, #tpu.memory_space<vmem>>, vector<16xf32>,
      %mul3A_221 = arith.mulf %gather3A_217, %get3A_220 : vector<16xf32>
      %add3A_222 = arith.addf %add3A_175, %mul3A_221 : vector<16xf32>
      %get3A_223 = arith.index_cast %scan3A_87 : i32 to index
      %get3A_224 = arith.constant 272 : index
      %get3A_225 = tpu.vector_load %arg16[%get3A_223, %get3A_224] {strides = array<i32>} : memref<32x1024xf32, #tpu.memory_space<vmem>>, vector<16xf32>,
      %mul3A_226 = arith.mulf %gather3A_217, %get3A_225 : vector<16xf32>
      %add3A_227 = arith.addf %add3A_180, %mul3A_226 : vector<16xf32>
      %get3A_228 = arith.index_cast %scan3A_87 : i32 to index
      %get3A_229 = arith.constant 288 : index
      %get3A_230 = tpu.vector_load %arg16[%get3A_228, %get3A_229] {strides = array<i32>} : memref<32x1024xf32, #tpu.memory_space<vmem>>, vector<16xf32>,
      %mul3A_231 = arith.mulf %gather3A_217, %get3A_230 : vector<16xf32>
      %add3A_232 = arith.addf %add3A_185, %mul3A_231 : vector<16xf32>
      %get3A_233 = arith.index_cast %scan3A_87 : i32 to index
      %get3A_234 = arith.constant 304 : index
      %get3A_235 = tpu.vector_load %arg16[%get3A_233, %get3A_234] {strides = array<i32>} : memref<32x1024xf32, #tpu.memory_space<vmem>>, vector<16xf32>,
      %mul3A_236 = arith.mulf %gather3A_217, %get3A_235 : vector<16xf32>
      %add3A_237 = arith.addf %add3A_190, %mul3A_236 : vector<16xf32>
      %get3A_238 = arith.index_cast %scan3A_87 : i32 to index
      %get3A_239 = arith.constant 320 : index
      %get3A_240 = tpu.vector_load %arg16[%get3A_238, %get3A_239] {strides = array<i32>} : memref<32x1024xf32, #tpu.memory_space<vmem>>, vector<16xf32>,
      %mul3A_241 = arith.mulf %gather3A_217, %get3A_240 : vector<16xf32>
      %add3A_242 = arith.addf %add3A_195, %mul3A_241 : vector<16xf32>
      %get3A_243 = arith.index_cast %scan3A_87 : i32 to index
      %get3A_244 = arith.constant 336 : index
      %get3A_245 = tpu.vector_load %arg16[%get3A_243, %get3A_244] {strides = array<i32>} : memref<32x1024xf32, #tpu.memory_space<vmem>>, vector<16xf32>,
      %mul3A_246 = arith.mulf %gather3A_217, %get3A_245 : vector<16xf32>
      %add3A_247 = arith.addf %add3A_200, %mul3A_246 : vector<16xf32>
      %get3A_248 = arith.index_cast %scan3A_87 : i32 to index
      %get3A_249 = arith.constant 352 : index
      %get3A_250 = tpu.vector_load %arg16[%get3A_248, %get3A_249] {strides = array<i32>} : memref<32x1024xf32, #tpu.memory_space<vmem>>, vector<16xf32>,
      %mul3A_251 = arith.mulf %gather3A_217, %get3A_250 : vector<16xf32>
      %add3A_252 = arith.addf %add3A_205, %mul3A_251 : vector<16xf32>
      %get3A_253 = arith.index_cast %scan3A_87 : i32 to index
      %get3A_254 = arith.constant 368 : index
      %get3A_255 = tpu.vector_load %arg16[%get3A_253, %get3A_254] {strides = array<i32>} : memref<32x1024xf32, #tpu.memory_space<vmem>>, vector<16xf32>,
      %mul3A_256 = arith.mulf %gather3A_217, %get3A_255 : vector<16xf32>
      %add3A_257 = arith.addf %add3A_210, %mul3A_256 : vector<16xf32>
      %mul3A_258 = arith.constant 8 : i32
      %mul3A_259 = vector.broadcast %mul3A_258 : i32 to vector<16xi32>
      %mul3A_260 = arith.muli %gather3A, %mul3A_259 : vector<16xi32>
      %add3A_261 = arith.constant 3 : i32
      %add3A_262 = vector.broadcast %add3A_261 : i32 to vector<16xi32>
      %add3A_263 = arith.addi %mul3A_260, %add3A_262 : vector<16xi32>
      %gather3A_264 = tpu.vector_load_idx %arg20[%add3A_263] : memref<512xf32, #tpu.memory_space<vmem>>[vector<16xi32>], vector<16xf32>,
      %get3A_265 = arith.index_cast %scan3A_87 : i32 to index
      %get3A_266 = arith.constant 384 : index
      %get3A_267 = tpu.vector_load %arg16[%get3A_265, %get3A_266] {strides = array<i32>} : memref<32x1024xf32, #tpu.memory_space<vmem>>, vector<16xf32>,
      %mul3A_268 = arith.mulf %gather3A_264, %get3A_267 : vector<16xf32>
      %add3A_269 = arith.addf %add3A_222, %mul3A_268 : vector<16xf32>
      %get3A_270 = arith.index_cast %scan3A_87 : i32 to index
      %get3A_271 = arith.constant 400 : index
      %get3A_272 = tpu.vector_load %arg16[%get3A_270, %get3A_271] {strides = array<i32>} : memref<32x1024xf32, #tpu.memory_space<vmem>>, vector<16xf32>,
      %mul3A_273 = arith.mulf %gather3A_264, %get3A_272 : vector<16xf32>
      %add3A_274 = arith.addf %add3A_227, %mul3A_273 : vector<16xf32>
      %get3A_275 = arith.index_cast %scan3A_87 : i32 to index
      %get3A_276 = arith.constant 416 : index
      %get3A_277 = tpu.vector_load %arg16[%get3A_275, %get3A_276] {strides = array<i32>} : memref<32x1024xf32, #tpu.memory_space<vmem>>, vector<16xf32>,
      %mul3A_278 = arith.mulf %gather3A_264, %get3A_277 : vector<16xf32>
      %add3A_279 = arith.addf %add3A_232, %mul3A_278 : vector<16xf32>
      %get3A_280 = arith.index_cast %scan3A_87 : i32 to index
      %get3A_281 = arith.constant 432 : index
      %get3A_282 = tpu.vector_load %arg16[%get3A_280, %get3A_281] {strides = array<i32>} : memref<32x1024xf32, #tpu.memory_space<vmem>>, vector<16xf32>,
      %mul3A_283 = arith.mulf %gather3A_264, %get3A_282 : vector<16xf32>
      %add3A_284 = arith.addf %add3A_237, %mul3A_283 : vector<16xf32>
      %get3A_285 = arith.index_cast %scan3A_87 : i32 to index
      %get3A_286 = arith.constant 448 : index
      %get3A_287 = tpu.vector_load %arg16[%get3A_285, %get3A_286] {strides = array<i32>} : memref<32x1024xf32, #tpu.memory_space<vmem>>, vector<16xf32>,
      %mul3A_288 = arith.mulf %gather3A_264, %get3A_287 : vector<16xf32>
      %add3A_289 = arith.addf %add3A_242, %mul3A_288 : vector<16xf32>
      %get3A_290 = arith.index_cast %scan3A_87 : i32 to index
      %get3A_291 = arith.constant 464 : index
      %get3A_292 = tpu.vector_load %arg16[%get3A_290, %get3A_291] {strides = array<i32>} : memref<32x1024xf32, #tpu.memory_space<vmem>>, vector<16xf32>,
      %mul3A_293 = arith.mulf %gather3A_264, %get3A_292 : vector<16xf32>
      %add3A_294 = arith.addf %add3A_247, %mul3A_293 : vector<16xf32>
      %get3A_295 = arith.index_cast %scan3A_87 : i32 to index
      %get3A_296 = arith.constant 480 : index
      %get3A_297 = tpu.vector_load %arg16[%get3A_295, %get3A_296] {strides = array<i32>} : memref<32x1024xf32, #tpu.memory_space<vmem>>, vector<16xf32>,
      %mul3A_298 = arith.mulf %gather3A_264, %get3A_297 : vector<16xf32>
      %add3A_299 = arith.addf %add3A_252, %mul3A_298 : vector<16xf32>
      %get3A_300 = arith.index_cast %scan3A_87 : i32 to index
      %get3A_301 = arith.constant 496 : index
      %get3A_302 = tpu.vector_load %arg16[%get3A_300, %get3A_301] {strides = array<i32>} : memref<32x1024xf32, #tpu.memory_space<vmem>>, vector<16xf32>,
      %mul3A_303 = arith.mulf %gather3A_264, %get3A_302 : vector<16xf32>
      %add3A_304 = arith.addf %add3A_257, %mul3A_303 : vector<16xf32>
      %mul3A_305 = arith.constant 8 : i32
      %mul3A_306 = vector.broadcast %mul3A_305 : i32 to vector<16xi32>
      %mul3A_307 = arith.muli %gather3A, %mul3A_306 : vector<16xi32>
      %add3A_308 = arith.constant 4 : i32
      %add3A_309 = vector.broadcast %add3A_308 : i32 to vector<16xi32>
      %add3A_310 = arith.addi %mul3A_307, %add3A_309 : vector<16xi32>
      %gather3A_311 = tpu.vector_load_idx %arg20[%add3A_310] : memref<512xf32, #tpu.memory_space<vmem>>[vector<16xi32>], vector<16xf32>,
      %get3A_312 = arith.index_cast %scan3A_87 : i32 to index
      %get3A_313 = arith.constant 512 : index
      %get3A_314 = tpu.vector_load %arg16[%get3A_312, %get3A_313] {strides = array<i32>} : memref<32x1024xf32, #tpu.memory_space<vmem>>, vector<16xf32>,
      %mul3A_315 = arith.mulf %gather3A_311, %get3A_314 : vector<16xf32>
      %add3A_316 = arith.addf %add3A_269, %mul3A_315 : vector<16xf32>
      %get3A_317 = arith.index_cast %scan3A_87 : i32 to index
      %get3A_318 = arith.constant 528 : index
      %get3A_319 = tpu.vector_load %arg16[%get3A_317, %get3A_318] {strides = array<i32>} : memref<32x1024xf32, #tpu.memory_space<vmem>>, vector<16xf32>,
      %mul3A_320 = arith.mulf %gather3A_311, %get3A_319 : vector<16xf32>
      %add3A_321 = arith.addf %add3A_274, %mul3A_320 : vector<16xf32>
      %get3A_322 = arith.index_cast %scan3A_87 : i32 to index
      %get3A_323 = arith.constant 544 : index
      %get3A_324 = tpu.vector_load %arg16[%get3A_322, %get3A_323] {strides = array<i32>} : memref<32x1024xf32, #tpu.memory_space<vmem>>, vector<16xf32>,
      %mul3A_325 = arith.mulf %gather3A_311, %get3A_324 : vector<16xf32>
      %add3A_326 = arith.addf %add3A_279, %mul3A_325 : vector<16xf32>
      %get3A_327 = arith.index_cast %scan3A_87 : i32 to index
      %get3A_328 = arith.constant 560 : index
      %get3A_329 = tpu.vector_load %arg16[%get3A_327, %get3A_328] {strides = array<i32>} : memref<32x1024xf32, #tpu.memory_space<vmem>>, vector<16xf32>,
      %mul3A_330 = arith.mulf %gather3A_311, %get3A_329 : vector<16xf32>
      %add3A_331 = arith.addf %add3A_284, %mul3A_330 : vector<16xf32>
      %get3A_332 = arith.index_cast %scan3A_87 : i32 to index
      %get3A_333 = arith.constant 576 : index
      %get3A_334 = tpu.vector_load %arg16[%get3A_332, %get3A_333] {strides = array<i32>} : memref<32x1024xf32, #tpu.memory_space<vmem>>, vector<16xf32>,
      %mul3A_335 = arith.mulf %gather3A_311, %get3A_334 : vector<16xf32>
      %add3A_336 = arith.addf %add3A_289, %mul3A_335 : vector<16xf32>
      %get3A_337 = arith.index_cast %scan3A_87 : i32 to index
      %get3A_338 = arith.constant 592 : index
      %get3A_339 = tpu.vector_load %arg16[%get3A_337, %get3A_338] {strides = array<i32>} : memref<32x1024xf32, #tpu.memory_space<vmem>>, vector<16xf32>,
      %mul3A_340 = arith.mulf %gather3A_311, %get3A_339 : vector<16xf32>
      %add3A_341 = arith.addf %add3A_294, %mul3A_340 : vector<16xf32>
      %get3A_342 = arith.index_cast %scan3A_87 : i32 to index
      %get3A_343 = arith.constant 608 : index
      %get3A_344 = tpu.vector_load %arg16[%get3A_342, %get3A_343] {strides = array<i32>} : memref<32x1024xf32, #tpu.memory_space<vmem>>, vector<16xf32>,
      %mul3A_345 = arith.mulf %gather3A_311, %get3A_344 : vector<16xf32>
      %add3A_346 = arith.addf %add3A_299, %mul3A_345 : vector<16xf32>
      %get3A_347 = arith.index_cast %scan3A_87 : i32 to index
      %get3A_348 = arith.constant 624 : index
      %get3A_349 = tpu.vector_load %arg16[%get3A_347, %get3A_348] {strides = array<i32>} : memref<32x1024xf32, #tpu.memory_space<vmem>>, vector<16xf32>,
      %mul3A_350 = arith.mulf %gather3A_311, %get3A_349 : vector<16xf32>
      %add3A_351 = arith.addf %add3A_304, %mul3A_350 : vector<16xf32>
      %mul3A_352 = arith.constant 8 : i32
      %mul3A_353 = vector.broadcast %mul3A_352 : i32 to vector<16xi32>
      %mul3A_354 = arith.muli %gather3A, %mul3A_353 : vector<16xi32>
      %add3A_355 = arith.constant 5 : i32
      %add3A_356 = vector.broadcast %add3A_355 : i32 to vector<16xi32>
      %add3A_357 = arith.addi %mul3A_354, %add3A_356 : vector<16xi32>
      %gather3A_358 = tpu.vector_load_idx %arg20[%add3A_357] : memref<512xf32, #tpu.memory_space<vmem>>[vector<16xi32>], vector<16xf32>,
      %get3A_359 = arith.index_cast %scan3A_87 : i32 to index
      %get3A_360 = arith.constant 640 : index
      %get3A_361 = tpu.vector_load %arg16[%get3A_359, %get3A_360] {strides = array<i32>} : memref<32x1024xf32, #tpu.memory_space<vmem>>, vector<16xf32>,
      %mul3A_362 = arith.mulf %gather3A_358, %get3A_361 : vector<16xf32>
      %add3A_363 = arith.addf %add3A_316, %mul3A_362 : vector<16xf32>
      %get3A_364 = arith.index_cast %scan3A_87 : i32 to index
      %get3A_365 = arith.constant 656 : index
      %get3A_366 = tpu.vector_load %arg16[%get3A_364, %get3A_365] {strides = array<i32>} : memref<32x1024xf32, #tpu.memory_space<vmem>>, vector<16xf32>,
      %mul3A_367 = arith.mulf %gather3A_358, %get3A_366 : vector<16xf32>
      %add3A_368 = arith.addf %add3A_321, %mul3A_367 : vector<16xf32>
      %get3A_369 = arith.index_cast %scan3A_87 : i32 to index
      %get3A_370 = arith.constant 672 : index
      %get3A_371 = tpu.vector_load %arg16[%get3A_369, %get3A_370] {strides = array<i32>} : memref<32x1024xf32, #tpu.memory_space<vmem>>, vector<16xf32>,
      %mul3A_372 = arith.mulf %gather3A_358, %get3A_371 : vector<16xf32>
      %add3A_373 = arith.addf %add3A_326, %mul3A_372 : vector<16xf32>
      %get3A_374 = arith.index_cast %scan3A_87 : i32 to index
      %get3A_375 = arith.constant 688 : index
      %get3A_376 = tpu.vector_load %arg16[%get3A_374, %get3A_375] {strides = array<i32>} : memref<32x1024xf32, #tpu.memory_space<vmem>>, vector<16xf32>,
      %mul3A_377 = arith.mulf %gather3A_358, %get3A_376 : vector<16xf32>
      %add3A_378 = arith.addf %add3A_331, %mul3A_377 : vector<16xf32>
      %get3A_379 = arith.index_cast %scan3A_87 : i32 to index
      %get3A_380 = arith.constant 704 : index
      %get3A_381 = tpu.vector_load %arg16[%get3A_379, %get3A_380] {strides = array<i32>} : memref<32x1024xf32, #tpu.memory_space<vmem>>, vector<16xf32>,
      %mul3A_382 = arith.mulf %gather3A_358, %get3A_381 : vector<16xf32>
      %add3A_383 = arith.addf %add3A_336, %mul3A_382 : vector<16xf32>
      %get3A_384 = arith.index_cast %scan3A_87 : i32 to index
      %get3A_385 = arith.constant 720 : index
      %get3A_386 = tpu.vector_load %arg16[%get3A_384, %get3A_385] {strides = array<i32>} : memref<32x1024xf32, #tpu.memory_space<vmem>>, vector<16xf32>,
      %mul3A_387 = arith.mulf %gather3A_358, %get3A_386 : vector<16xf32>
      %add3A_388 = arith.addf %add3A_341, %mul3A_387 : vector<16xf32>
      %get3A_389 = arith.index_cast %scan3A_87 : i32 to index
      %get3A_390 = arith.constant 736 : index
      %get3A_391 = tpu.vector_load %arg16[%get3A_389, %get3A_390] {strides = array<i32>} : memref<32x1024xf32, #tpu.memory_space<vmem>>, vector<16xf32>,
      %mul3A_392 = arith.mulf %gather3A_358, %get3A_391 : vector<16xf32>
      %add3A_393 = arith.addf %add3A_346, %mul3A_392 : vector<16xf32>
      %get3A_394 = arith.index_cast %scan3A_87 : i32 to index
      %get3A_395 = arith.constant 752 : index
      %get3A_396 = tpu.vector_load %arg16[%get3A_394, %get3A_395] {strides = array<i32>} : memref<32x1024xf32, #tpu.memory_space<vmem>>, vector<16xf32>,
      %mul3A_397 = arith.mulf %gather3A_358, %get3A_396 : vector<16xf32>
      %add3A_398 = arith.addf %add3A_351, %mul3A_397 : vector<16xf32>
      %mul3A_399 = arith.constant 8 : i32
      %mul3A_400 = vector.broadcast %mul3A_399 : i32 to vector<16xi32>
      %mul3A_401 = arith.muli %gather3A, %mul3A_400 : vector<16xi32>
      %add3A_402 = arith.constant 6 : i32
      %add3A_403 = vector.broadcast %add3A_402 : i32 to vector<16xi32>
      %add3A_404 = arith.addi %mul3A_401, %add3A_403 : vector<16xi32>
      %gather3A_405 = tpu.vector_load_idx %arg20[%add3A_404] : memref<512xf32, #tpu.memory_space<vmem>>[vector<16xi32>], vector<16xf32>,
      %get3A_406 = arith.index_cast %scan3A_87 : i32 to index
      %get3A_407 = arith.constant 768 : index
      %get3A_408 = tpu.vector_load %arg16[%get3A_406, %get3A_407] {strides = array<i32>} : memref<32x1024xf32, #tpu.memory_space<vmem>>, vector<16xf32>,
      %mul3A_409 = arith.mulf %gather3A_405, %get3A_408 : vector<16xf32>
      %add3A_410 = arith.addf %add3A_363, %mul3A_409 : vector<16xf32>
      %get3A_411 = arith.index_cast %scan3A_87 : i32 to index
      %get3A_412 = arith.constant 784 : index
      %get3A_413 = tpu.vector_load %arg16[%get3A_411, %get3A_412] {strides = array<i32>} : memref<32x1024xf32, #tpu.memory_space<vmem>>, vector<16xf32>,
      %mul3A_414 = arith.mulf %gather3A_405, %get3A_413 : vector<16xf32>
      %add3A_415 = arith.addf %add3A_368, %mul3A_414 : vector<16xf32>
      %get3A_416 = arith.index_cast %scan3A_87 : i32 to index
      %get3A_417 = arith.constant 800 : index
      %get3A_418 = tpu.vector_load %arg16[%get3A_416, %get3A_417] {strides = array<i32>} : memref<32x1024xf32, #tpu.memory_space<vmem>>, vector<16xf32>,
      %mul3A_419 = arith.mulf %gather3A_405, %get3A_418 : vector<16xf32>
      %add3A_420 = arith.addf %add3A_373, %mul3A_419 : vector<16xf32>
      %get3A_421 = arith.index_cast %scan3A_87 : i32 to index
      %get3A_422 = arith.constant 816 : index
      %get3A_423 = tpu.vector_load %arg16[%get3A_421, %get3A_422] {strides = array<i32>} : memref<32x1024xf32, #tpu.memory_space<vmem>>, vector<16xf32>,
      %mul3A_424 = arith.mulf %gather3A_405, %get3A_423 : vector<16xf32>
      %add3A_425 = arith.addf %add3A_378, %mul3A_424 : vector<16xf32>
      %get3A_426 = arith.index_cast %scan3A_87 : i32 to index
      %get3A_427 = arith.constant 832 : index
      %get3A_428 = tpu.vector_load %arg16[%get3A_426, %get3A_427] {strides = array<i32>} : memref<32x1024xf32, #tpu.memory_space<vmem>>, vector<16xf32>,
      %mul3A_429 = arith.mulf %gather3A_405, %get3A_428 : vector<16xf32>
      %add3A_430 = arith.addf %add3A_383, %mul3A_429 : vector<16xf32>
      %get3A_431 = arith.index_cast %scan3A_87 : i32 to index
      %get3A_432 = arith.constant 848 : index
      %get3A_433 = tpu.vector_load %arg16[%get3A_431, %get3A_432] {strides = array<i32>} : memref<32x1024xf32, #tpu.memory_space<vmem>>, vector<16xf32>,
      %mul3A_434 = arith.mulf %gather3A_405, %get3A_433 : vector<16xf32>
      %add3A_435 = arith.addf %add3A_388, %mul3A_434 : vector<16xf32>
      %get3A_436 = arith.index_cast %scan3A_87 : i32 to index
      %get3A_437 = arith.constant 864 : index
      %get3A_438 = tpu.vector_load %arg16[%get3A_436, %get3A_437] {strides = array<i32>} : memref<32x1024xf32, #tpu.memory_space<vmem>>, vector<16xf32>,
      %mul3A_439 = arith.mulf %gather3A_405, %get3A_438 : vector<16xf32>
      %add3A_440 = arith.addf %add3A_393, %mul3A_439 : vector<16xf32>
      %get3A_441 = arith.index_cast %scan3A_87 : i32 to index
      %get3A_442 = arith.constant 880 : index
      %get3A_443 = tpu.vector_load %arg16[%get3A_441, %get3A_442] {strides = array<i32>} : memref<32x1024xf32, #tpu.memory_space<vmem>>, vector<16xf32>,
      %mul3A_444 = arith.mulf %gather3A_405, %get3A_443 : vector<16xf32>
      %add3A_445 = arith.addf %add3A_398, %mul3A_444 : vector<16xf32>
      %mul3A_446 = arith.constant 8 : i32
      %mul3A_447 = vector.broadcast %mul3A_446 : i32 to vector<16xi32>
      %mul3A_448 = arith.muli %gather3A, %mul3A_447 : vector<16xi32>
      %add3A_449 = arith.constant 7 : i32
      %add3A_450 = vector.broadcast %add3A_449 : i32 to vector<16xi32>
      %add3A_451 = arith.addi %mul3A_448, %add3A_450 : vector<16xi32>
      %gather3A_452 = tpu.vector_load_idx %arg20[%add3A_451] : memref<512xf32, #tpu.memory_space<vmem>>[vector<16xi32>], vector<16xf32>,
      %get3A_453 = arith.index_cast %scan3A_87 : i32 to index
      %get3A_454 = arith.constant 896 : index
      %get3A_455 = tpu.vector_load %arg16[%get3A_453, %get3A_454] {strides = array<i32>} : memref<32x1024xf32, #tpu.memory_space<vmem>>, vector<16xf32>,
      %mul3A_456 = arith.mulf %gather3A_452, %get3A_455 : vector<16xf32>
      %add3A_457 = arith.addf %add3A_410, %mul3A_456 : vector<16xf32>
      %get3A_458 = arith.index_cast %scan3A_87 : i32 to index
      %get3A_459 = arith.constant 912 : index
      %get3A_460 = tpu.vector_load %arg16[%get3A_458, %get3A_459] {strides = array<i32>} : memref<32x1024xf32, #tpu.memory_space<vmem>>, vector<16xf32>,
      %mul3A_461 = arith.mulf %gather3A_452, %get3A_460 : vector<16xf32>
      %add3A_462 = arith.addf %add3A_415, %mul3A_461 : vector<16xf32>
      %get3A_463 = arith.index_cast %scan3A_87 : i32 to index
      %get3A_464 = arith.constant 928 : index
      %get3A_465 = tpu.vector_load %arg16[%get3A_463, %get3A_464] {strides = array<i32>} : memref<32x1024xf32, #tpu.memory_space<vmem>>, vector<16xf32>,
      %mul3A_466 = arith.mulf %gather3A_452, %get3A_465 : vector<16xf32>
      %add3A_467 = arith.addf %add3A_420, %mul3A_466 : vector<16xf32>
      %get3A_468 = arith.index_cast %scan3A_87 : i32 to index
      %get3A_469 = arith.constant 944 : index
      %get3A_470 = tpu.vector_load %arg16[%get3A_468, %get3A_469] {strides = array<i32>} : memref<32x1024xf32, #tpu.memory_space<vmem>>, vector<16xf32>,
      %mul3A_471 = arith.mulf %gather3A_452, %get3A_470 : vector<16xf32>
      %add3A_472 = arith.addf %add3A_425, %mul3A_471 : vector<16xf32>
      %get3A_473 = arith.index_cast %scan3A_87 : i32 to index
      %get3A_474 = arith.constant 960 : index
      %get3A_475 = tpu.vector_load %arg16[%get3A_473, %get3A_474] {strides = array<i32>} : memref<32x1024xf32, #tpu.memory_space<vmem>>, vector<16xf32>,
      %mul3A_476 = arith.mulf %gather3A_452, %get3A_475 : vector<16xf32>
      %add3A_477 = arith.addf %add3A_430, %mul3A_476 : vector<16xf32>
      %get3A_478 = arith.index_cast %scan3A_87 : i32 to index
      %get3A_479 = arith.constant 976 : index
      %get3A_480 = tpu.vector_load %arg16[%get3A_478, %get3A_479] {strides = array<i32>} : memref<32x1024xf32, #tpu.memory_space<vmem>>, vector<16xf32>,
      %mul3A_481 = arith.mulf %gather3A_452, %get3A_480 : vector<16xf32>
      %add3A_482 = arith.addf %add3A_435, %mul3A_481 : vector<16xf32>
      %get3A_483 = arith.index_cast %scan3A_87 : i32 to index
      %get3A_484 = arith.constant 992 : index
      %get3A_485 = tpu.vector_load %arg16[%get3A_483, %get3A_484] {strides = array<i32>} : memref<32x1024xf32, #tpu.memory_space<vmem>>, vector<16xf32>,
      %mul3A_486 = arith.mulf %gather3A_452, %get3A_485 : vector<16xf32>
      %add3A_487 = arith.addf %add3A_440, %mul3A_486 : vector<16xf32>
      %get3A_488 = arith.index_cast %scan3A_87 : i32 to index
      %get3A_489 = arith.constant 1008 : index
      %get3A_490 = tpu.vector_load %arg16[%get3A_488, %get3A_489] {strides = array<i32>} : memref<32x1024xf32, #tpu.memory_space<vmem>>, vector<16xf32>,
      %mul3A_491 = arith.mulf %gather3A_452, %get3A_490 : vector<16xf32>
      %add3A_492 = arith.addf %add3A_445, %mul3A_491 : vector<16xf32>
      %mul3A_493 = arith.mulf %add3A_457, %bitcast3A : vector<16xf32>
      %swap3A_494 = arith.index_cast %scan3A_87 : i32 to index
      %swap3A_495 = arith.constant 0 : index
      %swap3A_496 = tpu.vector_load %arg18[%swap3A_494, %swap3A_495] {strides = array<i32>} : memref<32x128xf32, #tpu.memory_space<vmem>>, vector<16xf32>,
      tpu.vector_store %arg18[%swap3A_494, %swap3A_495], %mul3A_493 {strides = array<i32>} : memref<32x128xf32, #tpu.memory_space<vmem>>, vector<16xf32>,
      %mul3A_497 = arith.mulf %add3A_462, %bitcast3A : vector<16xf32>
      %swap3A_498 = arith.index_cast %scan3A_87 : i32 to index
      %swap3A_499 = arith.constant 16 : index
      %swap3A_500 = tpu.vector_load %arg18[%swap3A_498, %swap3A_499] {strides = array<i32>} : memref<32x128xf32, #tpu.memory_space<vmem>>, vector<16xf32>,
      tpu.vector_store %arg18[%swap3A_498, %swap3A_499], %mul3A_497 {strides = array<i32>} : memref<32x128xf32, #tpu.memory_space<vmem>>, vector<16xf32>,
      %mul3A_501 = arith.mulf %add3A_467, %bitcast3A : vector<16xf32>
      %swap3A_502 = arith.index_cast %scan3A_87 : i32 to index
      %swap3A_503 = arith.constant 32 : index
      %swap3A_504 = tpu.vector_load %arg18[%swap3A_502, %swap3A_503] {strides = array<i32>} : memref<32x128xf32, #tpu.memory_space<vmem>>, vector<16xf32>,
      tpu.vector_store %arg18[%swap3A_502, %swap3A_503], %mul3A_501 {strides = array<i32>} : memref<32x128xf32, #tpu.memory_space<vmem>>, vector<16xf32>,
      %mul3A_505 = arith.mulf %add3A_472, %bitcast3A : vector<16xf32>
      %swap3A_506 = arith.index_cast %scan3A_87 : i32 to index
      %swap3A_507 = arith.constant 48 : index
      %swap3A_508 = tpu.vector_load %arg18[%swap3A_506, %swap3A_507] {strides = array<i32>} : memref<32x128xf32, #tpu.memory_space<vmem>>, vector<16xf32>,
      tpu.vector_store %arg18[%swap3A_506, %swap3A_507], %mul3A_505 {strides = array<i32>} : memref<32x128xf32, #tpu.memory_space<vmem>>, vector<16xf32>,
      %mul3A_509 = arith.mulf %add3A_477, %bitcast3A : vector<16xf32>
      %swap3A_510 = arith.index_cast %scan3A_87 : i32 to index
      %swap3A_511 = arith.constant 64 : index
      %swap3A_512 = tpu.vector_load %arg18[%swap3A_510, %swap3A_511] {strides = array<i32>} : memref<32x128xf32, #tpu.memory_space<vmem>>, vector<16xf32>,
      tpu.vector_store %arg18[%swap3A_510, %swap3A_511], %mul3A_509 {strides = array<i32>} : memref<32x128xf32, #tpu.memory_space<vmem>>, vector<16xf32>,
      %mul3A_513 = arith.mulf %add3A_482, %bitcast3A : vector<16xf32>
      %swap3A_514 = arith.index_cast %scan3A_87 : i32 to index
      %swap3A_515 = arith.constant 80 : index
      %swap3A_516 = tpu.vector_load %arg18[%swap3A_514, %swap3A_515] {strides = array<i32>} : memref<32x128xf32, #tpu.memory_space<vmem>>, vector<16xf32>,
      tpu.vector_store %arg18[%swap3A_514, %swap3A_515], %mul3A_513 {strides = array<i32>} : memref<32x128xf32, #tpu.memory_space<vmem>>, vector<16xf32>,
      %mul3A_517 = arith.mulf %add3A_487, %bitcast3A : vector<16xf32>
      %swap3A_518 = arith.index_cast %scan3A_87 : i32 to index
      %swap3A_519 = arith.constant 96 : index
      %swap3A_520 = tpu.vector_load %arg18[%swap3A_518, %swap3A_519] {strides = array<i32>} : memref<32x128xf32, #tpu.memory_space<vmem>>, vector<16xf32>,
      tpu.vector_store %arg18[%swap3A_518, %swap3A_519], %mul3A_517 {strides = array<i32>} : memref<32x128xf32, #tpu.memory_space<vmem>>, vector<16xf32>,
      %mul3A_521 = arith.mulf %add3A_492, %bitcast3A : vector<16xf32>
      %swap3A_522 = arith.index_cast %scan3A_87 : i32 to index
      %swap3A_523 = arith.constant 112 : index
      %swap3A_524 = tpu.vector_load %arg18[%swap3A_522, %swap3A_523] {strides = array<i32>} : memref<32x128xf32, #tpu.memory_space<vmem>>, vector<16xf32>,
      tpu.vector_store %arg18[%swap3A_522, %swap3A_523], %mul3A_521 {strides = array<i32>} : memref<32x128xf32, #tpu.memory_space<vmem>>, vector<16xf32>,
    }
    %scan3A_56 = arith.constant 32 : i32
    %dma_wait3A_57 = arith.constant 0 : i32
    %dma_wait3A_58 = tpu.memref_slice %arg4[%dma_wait3A_57] : memref<160768xi32, #tpu.memory_space<hbm>> -> memref<32xi32, #tpu.memory_space<hbm>>
    %dma_wait3A_59 = arith.constant 0 : i32
    %dma_wait3A_60 = tpu.memref_slice %arg4[%dma_wait3A_59] : memref<160768xi32, #tpu.memory_space<hbm>> -> memref<32xi32, #tpu.memory_space<hbm>>
    tpu.wait_dma2 semaphore(%arg24 : memref<!tpu.dma_semaphore, #tpu.memory_space<semaphore_mem>>) src(%dma_wait3A_60 : memref<32xi32, #tpu.memory_space<hbm>>) dst(%arg12 : memref<32xi32, #tpu.memory_space<vmem>>)
    %dma_start3A_61 = arith.constant 0 : i32
    %dma_start3A_62 = arith.constant 0 : i32
    %dma_start3A_63 = tpu.memref_slice %arg21[%dma_start3A_61, %dma_start3A_62] : memref<2560x128xf32, #tpu.memory_space<vmem_shared>> -> memref<2560x128xf32, #tpu.memory_space<vmem_shared>>
    tpu.enqueue_indirect_dma source(%arg18 : memref<32x128xf32, #tpu.memory_space<vmem>>) target(%dma_start3A_63 : memref<2560x128xf32, #tpu.memory_space<vmem_shared>>) offsets(%arg12 : memref<32xi32, #tpu.memory_space<vmem>>) semaphore(%arg26 : memref<!tpu.dma_semaphore, #tpu.memory_space<semaphore_mem>>) {add = true}
    %dma_wait3A_64 = arith.constant 0 : i32
    %dma_wait3A_65 = arith.constant 0 : i32
    %dma_wait3A_66 = tpu.memref_slice %arg21[%dma_wait3A_64, %dma_wait3A_65] : memref<2560x128xf32, #tpu.memory_space<vmem_shared>> -> memref<2560x128xf32, #tpu.memory_space<vmem_shared>>
    tpu.wait_indirect_dma semaphore(%arg26 : memref<!tpu.dma_semaphore, #tpu.memory_space<semaphore_mem>>) src(%arg18 : memref<32x128xf32, #tpu.memory_space<vmem>>) dst(%dma_wait3A_66 : memref<2560x128xf32, #tpu.memory_space<vmem_shared>>)
    %dma_wait3A_67 = arith.constant 0 : i32
    %dma_wait3A_68 = arith.constant 0 : i32
    %dma_wait3A_69 = tpu.memref_slice %arg21[%dma_wait3A_67, %dma_wait3A_68] : memref<2560x128xf32, #tpu.memory_space<vmem_shared>> -> memref<2560x128xf32, #tpu.memory_space<vmem_shared>>
    tpu.wait_indirect_dma semaphore(%arg27 : memref<!tpu.dma_semaphore, #tpu.memory_space<semaphore_mem>>) src(%arg19 : memref<32x128xf32, #tpu.memory_space<vmem>>) dst(%dma_wait3A_69 : memref<2560x128xf32, #tpu.memory_space<vmem_shared>>)
    %dma_wait3A_70 = arith.constant 0 : i32
    %dma_wait3A_71 = arith.constant 0 : i32
    %dma_wait3A_72 = arith.constant 0 : i32
    %dma_wait3A_73 = tpu.memref_slice %arg5[%add3A, %dma_wait3A_70, %dma_wait3A_71, %dma_wait3A_72] : memref<32x157x2x32xi32, #tpu.memory_space<hbm>> -> memref<1x1x2x32xi32, #tpu.memory_space<hbm>>
    %dma_wait3A_74 = tpu.memref_squeeze %dma_wait3A_73 : memref<1x1x2x32xi32, #tpu.memory_space<hbm>> -> memref<2x32xi32, #tpu.memory_space<hbm>>
    %dma_wait3A_75 = arith.constant 0 : i32
    %dma_wait3A_76 = arith.constant 0 : i32
    %dma_wait3A_77 = tpu.memref_slice %arg5[%add3A, %dma_wait3A_70, %dma_wait3A_75, %dma_wait3A_76] : memref<32x157x2x32xi32, #tpu.memory_space<hbm>> -> memref<1x1x2x32xi32, #tpu.memory_space<hbm>>
    %dma_wait3A_78 = tpu.memref_squeeze %dma_wait3A_77 : memref<1x1x2x32xi32, #tpu.memory_space<hbm>> -> memref<2x32xi32, #tpu.memory_space<hbm>>
    tpu.wait_dma2 semaphore(%arg29 : memref<!tpu.dma_semaphore, #tpu.memory_space<semaphore_mem>>) src(%dma_wait3A_78 : memref<2x32xi32, #tpu.memory_space<hbm>>) dst(%arg11 : memref<2x32xi32, #tpu.memory_space<vmem>>)
    %barrier3A_79 = arith.constant 0 : index
    tpu.barrier barrier_id(%barrier3A_79)
    %mul3A_80 = arith.constant 160 : i32
    %mul3A_81 = arith.muli %arg1, %mul3A_80 : i32
    %mul3A_82 = arith.constant 2560 : i32
    %mul3A_83 = arith.muli %arg0, %mul3A_82 : i32
    %mul3A_84 = arith.constant 160 : i32
    %mul3A_85 = arith.muli %arg1, %mul3A_84 : i32
    %add3A_86 = arith.addi %mul3A_83, %mul3A_85 : i32
    "tpu.region"() ({
      %run_scoped3A_87 = tpu.sem_alloc : memref<!tpu.dma_semaphore, #tpu.memory_space<semaphore_mem>>
      %dma_start3A_88 = arith.constant 0 : i32
      %dma_start3A_89 = tpu.memref_slice %arg8[%add3A_86, %dma_start3A_88] : memref<5120x128xf32, #tpu.memory_space<hbm>> -> memref<160x128xf32, #tpu.memory_space<hbm>>
      %dma_start3A_90 = arith.constant 0 : i32
      %dma_start3A_91 = tpu.memref_slice %arg21[%mul3A_81, %dma_start3A_90] : memref<2560x128xf32, #tpu.memory_space<vmem_shared>> -> memref<160x128xf32, #tpu.memory_space<vmem_shared>>
      tpu.enqueue_dma source(%dma_start3A_91 : memref<160x128xf32, #tpu.memory_space<vmem_shared>>) target(%dma_start3A_89 : memref<160x128xf32, #tpu.memory_space<hbm>>) target_semaphore(%run_scoped3A_87 : memref<!tpu.dma_semaphore, #tpu.memory_space<semaphore_mem>>)
      %dma_wait3A_92 = arith.constant 0 : i32
      %dma_wait3A_93 = tpu.memref_slice %arg8[%add3A_86, %dma_wait3A_92] : memref<5120x128xf32, #tpu.memory_space<hbm>> -> memref<160x128xf32, #tpu.memory_space<hbm>>
      %dma_wait3A_94 = arith.constant 0 : i32
      %dma_wait3A_95 = tpu.memref_slice %arg21[%mul3A_81, %dma_wait3A_94] : memref<2560x128xf32, #tpu.memory_space<vmem_shared>> -> memref<160x128xf32, #tpu.memory_space<vmem_shared>>
      tpu.wait_dma2 semaphore(%run_scoped3A_87 : memref<!tpu.dma_semaphore, #tpu.memory_space<semaphore_mem>>) src(%dma_wait3A_95 : memref<160x128xf32, #tpu.memory_space<vmem_shared>>) dst(%dma_wait3A_93 : memref<160x128xf32, #tpu.memory_space<hbm>>)
      tpu.yield
    }) : () -> ()
    return
  }
}

module attributes {stable_mosaic.version = 14 : i64} {
  func.func @body(%arg0: i32, %arg1: i32, %arg2: memref<1000x128xf32, #tpu.memory_space<vmem>>, %arg3: memref<1x128x128xf32, #tpu.memory_space<vmem>>, %arg4: memref<1000x128xf32, #tpu.memory_space<vmem>>) attributes {dimension_semantics = [#tpu.dimension_semantics<arbitrary>, #tpu.dimension_semantics<arbitrary>], iteration_bounds = array<i64: 10, 8>, scalar_prefetch = 0 : i64, scratch_operands = 0 : i64, tpu.core_type = #tpu.core_type<tc>, window_params = [{transform_indices = @transform_0, window_bounds = array<i64: 1000, 128>}, {transform_indices = @transform_1, window_bounds = array<i64: 1, 128, 128>}, {transform_indices = @transform_2, window_bounds = array<i64: 1000, 128>}]} {
    %get3A = arith.constant 0 : index
    %get3A_0 = arith.constant 0 : index
    %get3A_1 = vector.load %arg2[%get3A, %get3A_0] : memref<1000x128xf32, #tpu.memory_space<vmem>>, vector<1000x128xf32>
    %get3A_2 = arith.constant 0 : index
    %get3A_3 = arith.constant 0 : index
    %get3A_4 = arith.constant 0 : index
    %get3A_5 = vector.load %arg3[%get3A_2, %get3A_3, %get3A_4] : memref<1x128x128xf32, #tpu.memory_space<vmem>>, vector<1x128x128xf32>
    %get3A_6 = vector.shape_cast %get3A_5 : vector<1x128x128xf32> to vector<128x128xf32>
    %dot_general3A = arith.constant dense<0.000000e+00> : vector<1000x128xf32>
    %dot_general3A_7 = tpu.matmul %get3A_1, %get3A_6, %dot_general3A {dimension_numbers = #tpu.dot_dimension_numbers<[1], [0], [0], [1], [0, 0, 1, 1], [], []>, transpose_lhs_hint = false} : vector<1000x128xf32>, vector<128x128xf32>, vector<1000x128xf32> -> vector<1000x128xf32>
    %swap3A = arith.constant 0 : index
    %swap3A_8 = arith.constant 0 : index
    %swap3A_9 = vector.load %arg4[%swap3A, %swap3A_8] : memref<1000x128xf32, #tpu.memory_space<vmem>>, vector<1000x128xf32>
    tpu.vector_store %arg4[%swap3A, %swap3A_8], %dot_general3A_7 {strides = array<i32>} : memref<1000x128xf32, #tpu.memory_space<vmem>>, vector<1000x128xf32>,
    return
  }
  func.func @transform_0(%arg0: i32, %arg1: i32) -> (i32, i32) {
    %c0_i32 = arith.constant 0 : i32
    %c0_i32_0 = arith.constant 0 : i32
    return %arg0, %c0_i32 : i32, i32
  }
  func.func @transform_1(%arg0: i32, %arg1: i32) -> (i32, i32, i32) {
    %c0_i32 = arith.constant 0 : i32
    %c0_i32_0 = arith.constant 0 : i32
    %c0_i32_1 = arith.constant 0 : i32
    return %arg1, %c0_i32, %c0_i32_0 : i32, i32, i32
  }
  func.func @transform_2(%arg0: i32, %arg1: i32) -> (i32, i32) {
    %c0_i32 = arith.constant 0 : i32
    return %arg0, %arg1 : i32, i32
  }
}

module attributes {stable_mosaic.version = 14 : i64} {
  func.func @body(%arg0: i32, %arg1: i32, %arg2: memref<2x1000x128xf32, #tpu.memory_space<vmem>>, %arg3: memref<1x128xf32, #tpu.memory_space<vmem>>, %arg4: memref<1x128x128xf32, #tpu.memory_space<vmem>>, %arg5: memref<1000x128xf32, #tpu.memory_space<vmem>>) attributes {dimension_semantics = [#tpu.dimension_semantics<arbitrary>, #tpu.dimension_semantics<arbitrary>], iteration_bounds = array<i64: 5, 8>, scalar_prefetch = 0 : i64, scratch_operands = 0 : i64, tpu.core_type = #tpu.core_type<tc>, window_params = [{transform_indices = @transform_0, window_bounds = array<i64: 2, 1000, 128>}, {pipeline_mode = #tpu.pipeline_mode<synchronous>, transform_indices = @transform_1, window_bounds = array<i64: 1, 128>}, {transform_indices = @transform_2, window_bounds = array<i64: 1, 128, 128>}, {transform_indices = @transform_3, window_bounds = array<i64: 1000, 128>}]} {
    %get3A = arith.constant 0 : index
    %get3A_0 = arith.constant 0 : index
    %get3A_1 = arith.constant 0 : index
    %get3A_2 = vector.load %arg2[%get3A, %get3A_0, %get3A_1] : memref<2x1000x128xf32, #tpu.memory_space<vmem>>, vector<1x1000x128xf32>
    %get3A_3 = vector.shape_cast %get3A_2 : vector<1x1000x128xf32> to vector<1000x128xf32>
    %get3A_4 = arith.constant 1 : index
    %get3A_5 = arith.constant 0 : index
    %get3A_6 = arith.constant 0 : index
    %get3A_7 = vector.load %arg2[%get3A_4, %get3A_5, %get3A_6] : memref<2x1000x128xf32, #tpu.memory_space<vmem>>, vector<1x1000x128xf32>
    %get3A_8 = vector.shape_cast %get3A_7 : vector<1x1000x128xf32> to vector<1000x128xf32>
    %add3A = arith.addf %get3A_3, %get3A_8 : vector<1000x128xf32>
    %get3A_9 = arith.constant 0 : index
    %get3A_10 = arith.constant 0 : index
    %get3A_11 = vector.load %arg3[%get3A_9, %get3A_10] : memref<1x128xf32, #tpu.memory_space<vmem>>, vector<1x128xf32>
    %add3A_12 = vector.broadcast %get3A_11 : vector<1x128xf32> to vector<1000x128xf32>
    %add3A_13 = arith.addf %add3A, %add3A_12 : vector<1000x128xf32>
    %max3A = arith.constant 0.000000e+00 : f32
    %max3A_14 = vector.broadcast %max3A : f32 to vector<1000x128xf32>
    %max3A_15 = arith.maximumf %add3A_13, %max3A_14 : vector<1000x128xf32>
    %get3A_16 = arith.constant 0 : index
    %get3A_17 = arith.constant 0 : index
    %get3A_18 = arith.constant 0 : index
    %get3A_19 = vector.load %arg4[%get3A_16, %get3A_17, %get3A_18] : memref<1x128x128xf32, #tpu.memory_space<vmem>>, vector<1x128x128xf32>
    %get3A_20 = vector.shape_cast %get3A_19 : vector<1x128x128xf32> to vector<128x128xf32>
    %dot_general3A = arith.constant dense<0.000000e+00> : vector<1000x128xf32>
    %dot_general3A_21 = tpu.matmul %max3A_15, %get3A_20, %dot_general3A {dimension_numbers = #tpu.dot_dimension_numbers<[1], [0], [0], [1], [0, 0, 1, 1], [], []>, transpose_lhs_hint = false} : vector<1000x128xf32>, vector<128x128xf32>, vector<1000x128xf32> -> vector<1000x128xf32>
    %swap3A = arith.constant 0 : index
    %swap3A_22 = arith.constant 0 : index
    %swap3A_23 = vector.load %arg5[%swap3A, %swap3A_22] : memref<1000x128xf32, #tpu.memory_space<vmem>>, vector<1000x128xf32>
    tpu.vector_store %arg5[%swap3A, %swap3A_22], %dot_general3A_21 {strides = array<i32>} : memref<1000x128xf32, #tpu.memory_space<vmem>>, vector<1000x128xf32>,
    return
  }
  func.func @transform_0(%arg0: i32, %arg1: i32) -> (i32, i32, i32) {
    %c0_i32 = arith.constant 0 : i32
    %c0_i32_0 = arith.constant 0 : i32
    %c0_i32_1 = arith.constant 0 : i32
    return %c0_i32, %arg0, %c0_i32_0 : i32, i32, i32
  }
  func.func @transform_1(%arg0: i32, %arg1: i32) -> (i32, i32) {
    %c0_i32 = arith.constant 0 : i32
    %c0_i32_0 = arith.constant 0 : i32
    %c0_i32_1 = arith.constant 0 : i32
    return %c0_i32, %c0_i32_0 : i32, i32
  }
  func.func @transform_2(%arg0: i32, %arg1: i32) -> (i32, i32, i32) {
    %c0_i32 = arith.constant 0 : i32
    %c0_i32_0 = arith.constant 0 : i32
    %c0_i32_1 = arith.constant 0 : i32
    return %arg1, %c0_i32, %c0_i32_0 : i32, i32, i32
  }
  func.func @transform_3(%arg0: i32, %arg1: i32) -> (i32, i32) {
    %c0_i32 = arith.constant 0 : i32
    return %arg0, %arg1 : i32, i32
  }
}

module attributes {stable_mosaic.version = 14 : i64} {
  func.func @body(%arg0: i32, %arg1: memref<2x2500x128xf32, #tpu.memory_space<vmem>>, %arg2: memref<1x128xf32, #tpu.memory_space<vmem>>, %arg3: memref<2500x128xf32, #tpu.memory_space<vmem>>) attributes {dimension_semantics = [#tpu.dimension_semantics<arbitrary>], iteration_bounds = array<i64: 1>, scalar_prefetch = 0 : i64, scratch_operands = 0 : i64, tpu.core_type = #tpu.core_type<tc>, window_params = [{transform_indices = @transform_0, window_bounds = array<i64: 2, 2500, 128>}, {pipeline_mode = #tpu.pipeline_mode<synchronous>, transform_indices = @transform_1, window_bounds = array<i64: 1, 128>}, {transform_indices = @transform_2, window_bounds = array<i64: 2500, 128>}]} {
    %get3A = arith.constant 0 : index
    %get3A_0 = arith.constant 0 : index
    %get3A_1 = arith.constant 0 : index
    %get3A_2 = vector.load %arg1[%get3A, %get3A_0, %get3A_1] : memref<2x2500x128xf32, #tpu.memory_space<vmem>>, vector<1x2500x128xf32>
    %get3A_3 = vector.shape_cast %get3A_2 : vector<1x2500x128xf32> to vector<2500x128xf32>
    %get3A_4 = arith.constant 1 : index
    %get3A_5 = arith.constant 0 : index
    %get3A_6 = arith.constant 0 : index
    %get3A_7 = vector.load %arg1[%get3A_4, %get3A_5, %get3A_6] : memref<2x2500x128xf32, #tpu.memory_space<vmem>>, vector<1x2500x128xf32>
    %get3A_8 = vector.shape_cast %get3A_7 : vector<1x2500x128xf32> to vector<2500x128xf32>
    %add3A = arith.addf %get3A_3, %get3A_8 : vector<2500x128xf32>
    %get3A_9 = arith.constant 0 : index
    %get3A_10 = arith.constant 0 : index
    %get3A_11 = vector.load %arg2[%get3A_9, %get3A_10] : memref<1x128xf32, #tpu.memory_space<vmem>>, vector<1x128xf32>
    %add3A_12 = vector.broadcast %get3A_11 : vector<1x128xf32> to vector<2500x128xf32>
    %add3A_13 = arith.addf %add3A, %add3A_12 : vector<2500x128xf32>
    %swap3A = arith.constant 0 : index
    %swap3A_14 = arith.constant 0 : index
    %swap3A_15 = vector.load %arg3[%swap3A, %swap3A_14] : memref<2500x128xf32, #tpu.memory_space<vmem>>, vector<2500x128xf32>
    tpu.vector_store %arg3[%swap3A, %swap3A_14], %add3A_13 {strides = array<i32>} : memref<2500x128xf32, #tpu.memory_space<vmem>>, vector<2500x128xf32>,
    return
  }
  func.func @transform_0(%arg0: i32) -> (i32, i32, i32) {
    %c0_i32 = arith.constant 0 : i32
    %c0_i32_0 = arith.constant 0 : i32
    %c0_i32_1 = arith.constant 0 : i32
    return %c0_i32, %arg0, %c0_i32_0 : i32, i32, i32
  }
  func.func @transform_1(%arg0: i32) -> (i32, i32) {
    %c0_i32 = arith.constant 0 : i32
    %c0_i32_0 = arith.constant 0 : i32
    %c0_i32_1 = arith.constant 0 : i32
    return %c0_i32, %c0_i32_0 : i32, i32
  }
  func.func @transform_2(%arg0: i32) -> (i32, i32) {
    %c0_i32 = arith.constant 0 : i32
    %c0_i32_0 = arith.constant 0 : i32
    return %arg0, %c0_i32 : i32, i32
  }
}

</mosaic_0001>

<sc_bundles>
// kernel: kernel.11.cloned.1.call-start
scs
__scs_entry_jumppad:
0x0: {  	(pc) =	sbr.rel $0x88, $3  }
0x1: {  	(tag) =	ssettag $0x0;
	lr =	simm.s32 $0x1  }
0x2: {  	[smem:$0x3F91] =	sst lr;
	_ =	strace $0xD0000000  }
0x3: {  	_ = 	snop  }
0x4: {  	_ = 	snop  }
0x5: {  	_ = 	snop  }
0x6: {  	_ = 	snop  }
0x7: {  	_ = 	snop  }
__scs_overlays_trampoline_lowered:
0x8: {  	[smem:$0x3FA0] =	sst s0  }
0x9: {  	[smem:$0x3FA1] =	sst s1  }
0xa: {  	[smem:$0x3FA2] =	sst s2  }
0xb: {  	[smem:$0x3FA3] =	sst s3  }
0xc: {  	[smem:$0x3FA4] =	sst s4  }
0xd: {  	[smem:$0x3FA5] =	sst s5  }
0xe: {  	[smem:$0x3FA6] =	sst s6  }
0xf: {  	[smem:$0x3FA7] =	sst s7  }
0x10: {  	[smem:$0x3FA8] =	sst s8  }
0x11: {  	[smem:$0x3FA9] =	sst s9;
	s0 =	simm.s32 @!p0 $0x0  }
0x12: {  	s1 =	sld [smem:$0x3F8F];
	s0 =	simm.s32 @p0 $0x1  }
0x13: {  	[smem:$0x3FAA] =	sst s0;
	s0 =	simm.s32 @!p1 $0x0  }
0x14: {  	s2 =	sld [smem:$0x3F8E];
	s0 =	simm.s32 @p1 $0x1  }
0x15: {  	[smem:$0x3FAB] =	sst s0;
	s0 =	simm.s32 @!p2 $0x0  }
0x16: {  	s3 =	sld [smem:$0x3FDB];
	s0 =	simm.s32 @p2 $0x1  }
0x17: {  	s4 =	simm.s32 $0x1BF5;
	[smem:$0x3FAD] =	sst s0  }
0x18: {  	s0 =	sld [smem:$0x3F90];
	_ =	swait.ge [sflag:s4], $0x0  }
0x19: {  	s7 =	sld [smem:$0x3F91]  }
0x1a: {  	s8 =	sadd.s32 $0xFFFFE003, lr  }
0x1b: {  	s9 =	sadd.s32 $0xFFFFFEF7, lr;
	s5 =	simm.s32 $0xFFFFFFFF;
	p2 =	slt.u32 s8, $0xFFFFF086  }
0x1c: {  	p1 =	slt.u32 s9, $0xF7A;
	s5 =	simm.s32 @!p2 $0x0  }
0x1d: {  	s5 =	simm.s32 @p1 $0x1;
	p0 =	seq.s32 s7, s2  }
0x1e: {  	s7 =	smul.u32 @!p0 $0xF7A, s2;
	p2 =	seq.s32 @!p0 s5, $0x0  }
0x1f: {  	s9 =	smul.u32 $0xF7A, s1;
	s8 =	simm.s32 @!p0 $0x1BF5;
	p2 =	por !p2, p0  }
0x20: {  	[sflag:s8] =	ssyncset.s32 @!p0 $0xFFFFF086;
	s6 =	sadd.s32 @!p0 s3, s7;
	s7 =	simm.s32 @!p0 $0x108  }
0x21: {  	s3 =	sadd.s32 s3, s9;
	s6 =	sadd.s32 @!p0 $0x88, s6;
	s7 =	simm.s32 @p2 $0x1082  }
0x22: {  	[simem:s7], [sflag:s8] =	dma.local @!p0 [hbm:s6], $0xF7A  }
0x23: {  	s9 =	sor.u32 $0xD0000000, s2;
	s6 =	simm.s32 $0x108;
	_ =	swait.ge @!p0 [sflag:s8], $0x0  }
0x24: {  	s3 =	sadd.s32 $0x88, s3;
	s6 =	simm.s32 @!p1 $0x1082;
	[sflag:s4] =	ssyncset.s32 $0xFFFFF086  }
0x25: {  	[simem:s6], [sflag:s4] =	dma.local [hbm:s3], $0xF7A  }
0x26: {  	[smem:$0x3F91] =	sst s1;
	(tag) =	ssettag s2;
	_ =	strace s9  }
0x27: {  	s1 =	sld [smem:$0x3FA1]  }
0x28: {  	s2 =	sld [smem:$0x3FA2]  }
0x29: {  	s4 =	sld [smem:$0x3FA4]  }
0x2a: {  	p0 =	seq.s32 s5, $0x0;
	s5 =	sld [smem:$0x3FA5]  }
0x2b: {  	s6 =	sld [smem:$0x3FA6]  }
0x2c: {  	s7 =	sld [smem:$0x3FA7]  }
0x2d: {  	s3 =	simm.s32 $0x108;
	s8 =	sld [smem:$0x3FA8]  }
0x2e: {  	s3 =	simm.s32 @!p0 $0x1082;
	s9 =	sld [smem:$0x3FA9]  }
0x2f: {  	lr =	sadd.s32 s0, s3;
	s0 =	sld [smem:$0x3FA0]  }
0x30: {  	s3 =	sld [smem:$0x3FA3]  }
0x31: {  	[smem:$0x3FAC] =	sst s10  }
0x32: {  	s10 =	sld [smem:$0x3FAA];
	_ =	sdelay $0x3  }
0x33: {  	p0 =	seq.s32 s10, $0x1;
	s10 =	sld [smem:$0x3FAC];
	_ =	sdelay $0x3  }
0x34: {  	[smem:$0x3FAC] =	sst s10  }
0x35: {  	s10 =	sld [smem:$0x3FAB];
	_ =	sdelay $0x3  }
0x36: {  	p1 =	seq.s32 s10, $0x1;
	s10 =	sld [smem:$0x3FAC];
	_ =	sdelay $0x3  }
0x37: {  	[smem:$0x3FAC] =	sst s10  }
0x38: {  	s10 =	sld [smem:$0x3FAD]  }
0x39: {  	_ = 	snop;
	(pc) =	sbr.ind lr, $3  }
0x3a: {  	_ = 	snop  }
0x3b: {  	_ = 	snop  }
0x3c: {  	p2 =	seq.s32 s10, $0x1;
	s10 =	sld [smem:$0x3FAC]  }
0x3d: {  	_ =	shalt  }
0x3e: {  	_ =	shalt  }
0x3f: {  	_ =	shalt  }
0x40: {  	_ =	shalt  }
0x41: {  	_ =	shalt  }
0x42: {  	_ =	shalt  }
0x43: {  	_ =	shalt  }
0x44: {  	_ =	shalt  }
0x45: {  	_ =	shalt  }
0x46: {  	_ =	shalt  }
0x47: {  	_ =	shalt  }
0x48: {  	_ =	shalt  }
0x49: {  	_ =	shalt  }
0x4a: {  	_ =	shalt  }
0x4b: {  	_ =	shalt  }
0x4c: {  	_ =	shalt  }
0x4d: {  	_ =	shalt  }
0x4e: {  	_ =	shalt  }
0x4f: {  	_ =	shalt  }
0x50: {  	_ =	shalt  }
0x51: {  	_ =	shalt  }
0x52: {  	_ =	shalt  }
0x53: {  	_ =	shalt  }
0x54: {  	_ =	shalt  }
0x55: {  	_ =	shalt  }
0x56: {  	_ =	shalt  }
0x57: {  	_ =	shalt  }
0x58: {  	_ =	shalt  }
0x59: {  	_ =	shalt  }
0x5a: {  	_ =	shalt  }
0x5b: {  	_ =	shalt  }
0x5c: {  	_ =	shalt  }
0x5d: {  	_ =	shalt  }
0x5e: {  	_ =	shalt  }
0x5f: {  	_ =	shalt  }
0x60: {  	_ =	shalt  }
0x61: {  	_ =	shalt  }
0x62: {  	_ =	shalt  }
0x63: {  	_ =	shalt  }
0x64: {  	_ =	shalt  }
0x65: {  	_ =	shalt  }
0x66: {  	_ =	shalt  }
0x67: {  	_ =	shalt  }
0x68: {  	_ =	shalt  }
0x69: {  	_ =	shalt  }
0x6a: {  	_ =	shalt  }
0x6b: {  	_ =	shalt  }
0x6c: {  	_ =	shalt  }
0x6d: {  	_ =	shalt  }
0x6e: {  	_ =	shalt  }
0x6f: {  	_ =	shalt  }
0x70: {  	_ =	shalt  }
0x71: {  	_ =	shalt  }
0x72: {  	_ =	shalt  }
0x73: {  	_ =	shalt  }
0x74: {  	_ =	shalt  }
0x75: {  	_ =	shalt  }
0x76: {  	_ =	shalt  }
0x77: {  	_ =	shalt  }
0x78: {  	_ =	shalt  }
0x79: {  	_ =	shalt  }
0x7a: {  	_ =	shalt  }
0x7b: {  	_ =	shalt  }
0x7c: {  	_ =	shalt  }
0x7d: {  	_ =	shalt  }
0x7e: {  	_ =	shalt  }
0x7f: {  	_ =	shalt  }
0x80: {  	_ =	shalt  }
0x81: {  	_ =	shalt  }
0x82: {  	_ =	shalt  }
0x83: {  	_ =	shalt  }
0x84: {  	_ =	shalt  }
0x85: {  	_ =	shalt  }
0x86: {  	_ =	shalt  }
0x87: {  	_ =	shalt  }
.Lfunc_end0:
.L_simem_size_0:
called_computation.1_lowered:
.L_overlay_start_0:
0x88: {  	s2 =	sld [smem:$0x3FD9]  }
0x89: {  	s3 =	sld [smem:$0x3FFE];
	_ =	sdelay $0x1  }
0x8a: {  	s1 =	srdreg.scid  }
0x8b: {  	s0 =	sand.u32 $0x1, s1  }
0x8c: {  	s17 =	sshll.u32 s0, $0xA;
	s2 =	sadd.s32 s3, s2  }
0x8d: {  	s2 =	sadd.s32 s2, s17  }
0x8e: {  	[smem:$0x3FB8] =	sst s2  }
0x8f: {  	_ = 	snop  }
0x90: {  	s2 =	sld [smem:$0x3FD0];
	(tm) =	ssettm $0x1  }
0x91: {  	s18 =	sld [smem:$0x3FFB];
	_ =	sdelay $0x3  }
0x92: {  	_ =	strace s18  }
0x93: {  	s3 =	sld [smem:$0x3FFC];
	_ =	sdelay $0x3  }
0x94: {  	_ =	strace s3  }
0x95: {  	s3 =	sld [smem:$0x3FFD];
	_ =	sdelay $0x3  }
0x96: {  	_ =	strace s3  }
0x97: {  	_ =	strace $0x8FFFFFFF  }
0x98: {  	s19 =	sld [smem:$0x3FDB];
	_ =	sdelay $0x1  }
0x99: {  	s4 =	simm.s32 $_scs_section_size  }
0x9a: {  	s5 =	simm.s32 $_size__tile_overlayer_lowered;
	s6 =	simm.s32 $_tile_overlayer_lowered  }
0x9b: {  	s22 =	simm.s32 $0x1BFF;
	s21 =	sshll.u32 s6, $0x1;
	s3 =	sadd.s32 s4, s19  }
0x9c: {  	s7 =	simm.s32 $0x0;
	s20 =	sshll.u32 s5, $0x1;
	s5 =	sadd.s32 s21, s3  }
0x9d: {  	[timem:s7], [sflag:s22] =	dma.local [hbm:s5], s20  }
0x9e: {  	_ =	swait.ge [sflag:s22], s20  }
0x9f: {  	s4 =	ssub.s32 $0x0, s20;
	[sflag:s22] =	ssyncset.done $0x0  }
0xa0: {  	[sflag:s22] =	ssyncadd.s32 s4;
	_ =	sdelay $0x1  }
0xa1: {  	s23 =	simm.s32 $0x1B8B  }
0xa2: {  	_ =	swait.ge [sflag:s23], $0x1  }
0xa3: {  	[sflag:s23] =	ssyncset.done $0x0  }
0xa4: {  	s25 =	simm.s32 $0x1B8E;
	s24 =	sld [smem:$0x3FFE];
	[sflag:s23] =	ssyncadd.s32 $0xFFFFFFFF  }
0xa5: {  	s26 =	simm.s32 $execute0_lowered;
	[smem:$0x3FD2] =	sst s25  }
0xa6: {  	s5 =	sshll.u32 s26, $0x1;
	_ =	strace $0x80000049;
	[dreg:$0x1] =	wrdreg $0xFFFFFFFF  }
0xa7: {  	s28 =	simm.s32 $_size_execute0_lowered;
	s3 =	sadd.s32 s3, s5;
	[dreg:$0x0] =	wrdreg $0x0  }
0xa8: {  	s5 =	sshll.u32 s28, $0x1;
	[dreg:$0x2] =	wrdreg s3  }
0xa9: {  	[dreg:$0x3] =	wrdreg s5  }
0xaa: {  	[dreg:$0x4] =	wrdreg $0xC0  }
0xab: {  	_ =	task [dreg:s7], $0x5FFFF  }
0xac: {  	[dreg:$0x1] =	wrdreg $0xFFFFFFFF  }
0xad: {  	[dreg:$0x0] =	wrdreg $0x60  }
0xae: {  	[dreg:$0x2] =	wrdreg s24  }
0xaf: {  	[dreg:$0x3] =	wrdreg s2  }
0xb0: {  	[dreg:$0x4] =	wrdreg $0x14D800  }
0xb1: {  	[dreg:$0x5] =	wrdreg $0x9  }
0xb2: {  	_ =	task.clear_ibuf [dreg:s7], $0x6FFFF;
	_ =	strace $0x90000049  }
0xb3: {  	s29 =	simm.s32 $0x9;
	_ =	strace $0x8000004B  }
0xb4: {  	_ =	swait.ge [sflag:s29], $0x1  }
0xb5: {  	[sflag:s29] =	ssyncadd.s32 $0xFFFFFFFF  }
0xb6: {  	_ =	strace $0x9000004B  }
0xb7: {  	_ =	sfence  }
0xb8: {  	s30 =	sld [smem:$0x0];
	_ =	sdelay $0x2  }
0xb9: {  	s31 =	sshll.u32 s1, $0xD;
	s1 =	sshrl.u32 s1, $0x2  }
0xba: {  	s3 =	sand.u32 $0x4000, s31;
	s1 =	sadd.s32 s1, s30  }
0xbb: {  	s0 =	sor.u32 s3, s0;
	s1 =	sshll.u32 s1, $0x11  }
0xbc: {  	s0 =	sor.u32 s1, s0  }
0xbd: {  	s0 =	sadd.s32 $0x8F2B, s0  }
0xbe: {  	[sflag:s0] =	ssyncadd.remote.s32 $0x1  }
0xbf: {  	_ =	sfence.sel $0xFFFF  }
0xc0: {  	[dreg:$0x0] =	wrdreg $0xFFFFFFFF;
	(pc) =	sbr.abs _section_cstart, $3  }
0xc1: {  	[dreg:$0x1] =	wrdreg $0xFFFFFFFF  }
0xc2: {  	_ =	task.clear_ibuf [dreg:s7], $0x2FFFF;
	_ =	strace $0x9FFFFFFF  }
0xc3: {  	(tm) =	ssettm $0x7FFFFFFF  }
tec
execute0_lowered:
.L_overlay_start_1:
0x0: {  	(tag) =	ssettag $0x1  }
0x1: {  	s0 =	rddreg [dreg:$0x0]  }
0x2: {  	s1 =	rddreg [dreg:$0x1]  }
0x3: {  	s2 =	rddreg [dreg:$0x2]  }
0x4: {  	s3 =	simm.s32 $0x0;
	s4 =	srdreg.scid;
	s13 =	stileid.u32  }
0x5: {  	s29 =	simm.s32 $0x2;
	s30 =	simm.s32 $0x2A00;
	s31 =	simm.s32 $0x8  }
0x6: {  	[smem:$0x7FF] =	sst s3;
	s7 =	sand.u32 $0x1, s4;
	s8 =	smul.u32 $0x1400, s13  }
0x7: {  	s4 =	sadd.s32 $0x82800, s0;
	s5 =	sadd.s32 $0x2A400, s0;
	s6 =	sadd.s32 $0x34400, s0  }
0x8: {  	s10 =	sadd.s32 $0x34200, s0;
	s17 =	sadd.s32 $0x1E00, s0;
	s11 =	smul.u32 $0x28000, s13  }
0x9: {  	s20 =	sshll.u32 s13, $0x6;
	s14 =	sadd.s32 $0x82900, s0;
	s15 =	sadd.s32 $0x82A00, s0  }
0xa: {  	s16 =	sadd.s32 $0x82B00, s0;
	_ =	strace $0x8000004A;
	s9 =	smul.u32 $0x14000, s7  }
0xb: {  	[dreg:$0x4] =	wrdreg s10;
	s18 =	sshll.u32 s7, $0x4;
	s7 =	ssub.s32 $0x2, s7  }
0xc: {  	[dreg:$0x5] =	wrdreg s17;
	s19 =	sor.u32 s13, s18;
	s12 =	sshrl.u32 s7, $0x1  }
0xd: {  	s11 =	sshrl.u32 s11, $0x2;
	s8 =	sadd.s32 s8, s9;
	s9 =	smul.u32 $0x2720, s19  }
0xe: {  	s13 =	simm.s32 $0x0;
	s7 =	ssub.s32 s7, s12;
	s10 =	smul.u32 $0x13900, s19  }
0xf: {  	s11 =	sadd.s32 s11, s2;
	s12 =	sor.u32 $0x1C09, s20;
	s8 =	sadd.s32 s8, s0  }
0x10: {  	s28 =	smax.u32 s7, $0x1;
	s7 =	sshrl.u32 s11, $0x3;
	s11 =	simm.s32 $0x1  }
0x11: {  	s0 =	simm.s32 $0x4;
	[dreg:$0x6] =	wrdreg s12;
	s21 =	sshrl.u32 s9, $0x3  }
0x12: {  	s22 =	sshrl.u32 s10, $0x3;
	s26 =	sadd.s32 $0x1BB000, s8;
	[dreg:$0xc] =	wrdreg s28  }
0x13: {  	s8 =	simm.s32 $0x9;
	[dreg:$0xd] =	wrdreg s7;
	s1 =	sadd.s32 s1, s21  }
0x14: {  	s17 =	sadd.s32 s6, s22;
	s23 =	sadd.s32 s5, s21;
	[dreg:$0xb] =	wrdreg s26  }
0x15: {  	s21 =	simm.s32 $0x2980;
	s22 =	simm.s32 $0x2880;
	[dreg:$0x7] =	wrdreg s1  }
0x16: {  	v2 =	vlaneseq.u32;
	s26 =	simm.s32 $0x20;
	s24 =	sadd.s32 $0x4E0, s23;
	[dreg:$0x8] =	wrdreg s17  }
0x17: {  	vm0 =	vmmov $0xffff;
	v1 =	vshrl.u32 v2, $0x3;
	s25 =	sadd.s32 $0x2700, s17;
	s23 =	simm.s32 $0x14B80;
	[dreg:$0x9] =	wrdreg s24  }
0x18: {  	v0 =	vand.u32 $0x7, v2;
	v2 =	vor.u32 $0x8, v2;
	v1 =	vmul.u32 $0x8, v1;
	[dreg:$0xa] =	wrdreg s25;
	s24 =	simm.s32 $0x2780;
	s25 =	simm.s32 $0x3  }
.LBB2_1:
0x19: {  	[dreg:$0xe] =	wrdreg s13  }
0x1a: {  	s1 =	rddreg [dreg:$0x5]  }
0x1b: {  	[spmem:s7], [sflag:s12] =	dma.local [hbm:s1], $0x1400  }
0x1c: {  	_ =	swait.ge [sflag:s8], $0x1400  }
0x1d: {  	[sflag:s8] =	ssyncset.done $0x0  }
0x1e: {  	s20 =	rddreg [dreg:$0x4];
	[sflag:s8] =	ssyncadd.s32 $0xFFFFEC00  }
0x1f: {  	[tilespmem:s23], [sflag:$0x9] =	stream.linear.gather [hbm4b:s20+s3], $0x200, $0x38;
	[tilespmem:$0x1ED80] =	vst v63  }
0x20: {  	_ =	swait.ge [sflag:s8], $0x200  }
0x21: {  	[sflag:s8] =	ssyncset.done $0x0  }
0x22: {  	s28 =	rddreg [dreg:$0x7];
	[sflag:s8] =	ssyncadd.s32 $0xFFFFFE00  }
0x23: {  	[tilespmem:s3], [sflag:$0x9] =	stream.linear.gather [hbm4b:s28+s3], $0x2720, $0x38;
	[tilespmem:$0x1ED80] =	vst v63  }
0x24: {  	_ =	swait.ge [sflag:s8], $0x2720  }
0x25: {  	[sflag:s8] =	ssyncset.done $0x0  }
0x26: {  	s7 =	rddreg [dreg:$0x8];
	[sflag:s8] =	ssyncadd.s32 $0xFFFFD8E0  }
0x27: {  	[tilespmem:s24], [sflag:$0x9] =	stream.linear.gather [hbm4b:s7+s3], $0x100, $0x38;
	[tilespmem:$0x1ED80] =	vst v63  }
0x28: {  	_ =	swait.ge [sflag:s8], $0x100  }
0x29: {  	[sflag:s8] =	ssyncset.done $0x0  }
0x2a: {  	[sflag:s8] =	ssyncadd.s32 $0xFFFFFF00  }
0x2b: {  	[bflag:$0x0] =	sbarrier.arrive $0xFFFF  }
0x2c: {  	v3 =	vld [tilespmem:$0x0];
	_ =	sdelay $0x4  }
0x2d: {  	v4 =	vshll.u32 v3, $0x3  }
0x2e: {  	v5 =	vand.u32 $0x7, v3;
	v4 =	vand.u32 $0xFFFFFFC0, v4  }
0x2f: {  	v4 =	vor.u32 v5, v4  }
0x30: {  	v5 =	vperm.xlane v4, v0  }
0x31: {  	v6 =	vld [tilespmem:$0x10]  }
0x32: {  	v5 =	vadd.s32 v1, v5;
	_ =	sdelay $0x2  }
0x33: {  	[tilespmem:$0x2A80] =	vst v3  }
0x34: {  	s12 =	simm.s32 $0x2B80;
	[tilespmem:$0x2A90] =	vst v6  }
0x35: {  	[tilespmem:s12], [sflag:$0x1] =	stream.indirect_vreg.gather [hbm4b:s4+s3], $0x80, v5, vm0, $0xb8;
	[tilespmem:$0x1ED80] =	vst v63  }
0x36: {  	s13 =	simm.s32 $0x3380;
	v3 =	vperm.xlane v4, v2  }
0x37: {  	[tilespmem:s13], [sflag:$0x1] =	stream.indirect_vreg.gather [hbm4b:s14+s3], $0x80, v5, vm0, $0xb8;
	[tilespmem:$0x1ED80] =	vst v63  }
0x38: {  	s17 =	simm.s32 $0x3B80;
	v3 =	vadd.s32 v1, v3  }
0x39: {  	[tilespmem:s17], [sflag:$0x1] =	stream.indirect_vreg.gather [hbm4b:s15+s3], $0x80, v5, vm0, $0xb8;
	[tilespmem:$0x1ED80] =	vst v63  }
0x3a: {  	s18 =	simm.s32 $0x4380  }
0x3b: {  	[tilespmem:s18], [sflag:$0x1] =	stream.indirect_vreg.gather [hbm4b:s16+s3], $0x80, v5, vm0, $0xb8;
	[tilespmem:$0x1ED80] =	vst v63  }
0x3c: {  	s19 =	simm.s32 $0x4B80  }
0x3d: {  	[tilespmem:s19], [sflag:$0x1] =	stream.indirect_vreg.gather [hbm4b:s4+s3], $0x80, v3, vm0, $0xb8;
	[tilespmem:$0x1ED80] =	vst v63  }
0x3e: {  	s20 =	simm.s32 $0x5380  }
0x3f: {  	[tilespmem:s20], [sflag:$0x1] =	stream.indirect_vreg.gather [hbm4b:s14+s3], $0x80, v3, vm0, $0xb8;
	[tilespmem:$0x1ED80] =	vst v63  }
0x40: {  	s28 =	simm.s32 $0x5B80  }
0x41: {  	[tilespmem:s28], [sflag:$0x1] =	stream.indirect_vreg.gather [hbm4b:s15+s3], $0x80, v3, vm0, $0xb8;
	[tilespmem:$0x1ED80] =	vst v63  }
0x42: {  	s7 =	simm.s32 $0x6380  }
0x43: {  	[tilespmem:s7], [sflag:$0x1] =	stream.indirect_vreg.gather [hbm4b:s16+s3], $0x80, v3, vm0, $0xb8;
	[tilespmem:$0x1ED80] =	vst v63  }
0x44: {  	v3 =	vld [tilespmem:$0x2A90];
	_ =	sdelay $0x4  }
0x45: {  	v63 =	vshll.u32 v3, $0x3  }
0x46: {  	v3 =	vand.u32 $0x7, v3;
	v4 =	vand.u32 $0xFFFFFFC0, v63  }
0x47: {  	v3 =	vor.u32 v3, v4  }
0x48: {  	v4 =	vperm.xlane v3, v0;
	_ =	sdelay $0x1  }
0x49: {  	v4 =	vadd.s32 v1, v4;
	_ =	sdelay $0x3  }
0x4a: {  	s8 =	simm.s32 $0x6B80  }
0x4b: {  	[tilespmem:s8], [sflag:$0x1] =	stream.indirect_vreg.gather [hbm4b:s4+s3], $0x80, v4, vm0, $0xb8;
	[tilespmem:$0x1ED80] =	vst v63  }
0x4c: {  	s12 =	simm.s32 $0x7380;
	v3 =	vperm.xlane v3, v2  }
0x4d: {  	[tilespmem:s12], [sflag:$0x1] =	stream.indirect_vreg.gather [hbm4b:s14+s3], $0x80, v4, vm0, $0xb8;
	[tilespmem:$0x1ED80] =	vst v63  }
0x4e: {  	s13 =	simm.s32 $0x7B80;
	v3 =	vadd.s32 v1, v3  }
0x4f: {  	[tilespmem:s13], [sflag:$0x1] =	stream.indirect_vreg.gather [hbm4b:s15+s3], $0x80, v4, vm0, $0xb8;
	[tilespmem:$0x1ED80] =	vst v63  }
0x50: {  	s17 =	simm.s32 $0x8380  }
0x51: {  	[tilespmem:s17], [sflag:$0x1] =	stream.indirect_vreg.gather [hbm4b:s16+s3], $0x80, v4, vm0, $0xb8;
	[tilespmem:$0x1ED80] =	vst v63  }
0x52: {  	s18 =	simm.s32 $0x8B80  }
0x53: {  	[tilespmem:s18], [sflag:$0x1] =	stream.indirect_vreg.gather [hbm4b:s4+s3], $0x80, v3, vm0, $0xb8;
	[tilespmem:$0x1ED80] =	vst v63  }
0x54: {  	s19 =	simm.s32 $0x9380  }
0x55: {  	[tilespmem:s19], [sflag:$0x1] =	stream.indirect_vreg.gather [hbm4b:s14+s3], $0x80, v3, vm0, $0xb8;
	[tilespmem:$0x1ED80] =	vst v63  }
0x56: {  	s20 =	simm.s32 $0x9B80  }
0x57: {  	[tilespmem:s20], [sflag:$0x1] =	stream.indirect_vreg.gather [hbm4b:s15+s3], $0x80, v3, vm0, $0xb8;
	[tilespmem:$0x1ED80] =	vst v63  }
0x58: {  	s28 =	simm.s32 $0xA380;
	s7 =	simm.s32 $0x0  }
0x59: {  	[tilespmem:s28], [sflag:$0x1] =	stream.indirect_vreg.gather [hbm4b:s16+s3], $0x80, v3, vm0, $0xb8;
	[tilespmem:$0x1ED80] =	vst v63  }
.LBB2_2:
0x5a: {  	_ =	swait.ge [sflag:s11], $0x8000  }
0x5b: {  	s1 =	sshllo.u32 s7, $0x1;
	[sflag:s11] =	ssyncset.done $0x0  }
0x5c: {  	s8 =	sshll.u32 s1, $0x5;
	[sflag:s11] =	ssyncadd.s32 $0xFFFF8000  }
0x5d: {  	v3 =	vld [tilespmem:s8+$0x0];
	_ =	sdelay $0x4  }
0x5e: {  	v4 =	vshll.u32 v3, $0x3  }
0x5f: {  	v5 =	vand.u32 $0x7, v3;
	v4 =	vand.u32 $0xFFFFFFC0, v4  }
0x60: {  	v4 =	vor.u32 v5, v4  }
0x61: {  	[tilespmem:$0x2B00] =	vst v3;
	v3 =	vperm.xlane v4, v0  }
0x62: {  	v62 =	vld [tilespmem:s8+$0x10]  }
0x63: {  	v3 =	vadd.s32 v1, v3;
	_ =	sdelay $0x3  }
0x64: {  	s12 =	simm.s32 $0xAB80;
	[tilespmem:$0x2B10] =	vst v62  }
0x65: {  	[tilespmem:s12], [sflag:$0x2] =	stream.indirect_vreg.gather [hbm4b:s4+s3], $0x80, v3, vm0, $0xb8;
	[tilespmem:$0x1ED80] =	vst v63  }
0x66: {  	s18 =	simm.s32 $0xB380;
	v4 =	vperm.xlane v4, v2  }
0x67: {  	[tilespmem:s18], [sflag:$0x2] =	stream.indirect_vreg.gather [hbm4b:s14+s3], $0x80, v3, vm0, $0xb8;
	[tilespmem:$0x1ED80] =	vst v63  }
0x68: {  	s19 =	simm.s32 $0xBB80;
	v4 =	vadd.s32 v1, v4  }
0x69: {  	[tilespmem:s19], [sflag:$0x2] =	stream.indirect_vreg.gather [hbm4b:s15+s3], $0x80, v3, vm0, $0xb8;
	[tilespmem:$0x1ED80] =	vst v63  }
0x6a: {  	s20 =	simm.s32 $0xC380  }
0x6b: {  	[tilespmem:s20], [sflag:$0x2] =	stream.indirect_vreg.gather [hbm4b:s16+s3], $0x80, v3, vm0, $0xb8;
	[tilespmem:$0x1ED80] =	vst v63  }
0x6c: {  	s28 =	simm.s32 $0xCB80  }
0x6d: {  	[tilespmem:s28], [sflag:$0x2] =	stream.indirect_vreg.gather [hbm4b:s4+s3], $0x80, v4, vm0, $0xb8;
	[tilespmem:$0x1ED80] =	vst v63  }
0x6e: {  	s13 =	simm.s32 $0xD380  }
0x6f: {  	[tilespmem:s13], [sflag:$0x2] =	stream.indirect_vreg.gather [hbm4b:s14+s3], $0x80, v4, vm0, $0xb8;
	[tilespmem:$0x1ED80] =	vst v63  }
0x70: {  	s17 =	simm.s32 $0xDB80  }
0x71: {  	[tilespmem:s17], [sflag:$0x2] =	stream.indirect_vreg.gather [hbm4b:s15+s3], $0x80, v4, vm0, $0xb8;
	[tilespmem:$0x1ED80] =	vst v63  }
0x72: {  	s18 =	simm.s32 $0xE380  }
0x73: {  	[tilespmem:s18], [sflag:$0x2] =	stream.indirect_vreg.gather [hbm4b:s16+s3], $0x80, v4, vm0, $0xb8;
	[tilespmem:$0x1ED80] =	vst v63  }
0x74: {  	v3 =	vld [tilespmem:$0x2B10];
	_ =	sdelay $0x4  }
0x75: {  	v63 =	vshll.u32 v3, $0x3  }
0x76: {  	v3 =	vand.u32 $0x7, v3;
	v4 =	vand.u32 $0xFFFFFFC0, v63  }
0x77: {  	v3 =	vor.u32 v3, v4  }
0x78: {  	v4 =	vperm.xlane v3, v0;
	_ =	sdelay $0x1  }
0x79: {  	v4 =	vadd.s32 v1, v4;
	_ =	sdelay $0x3  }
0x7a: {  	s19 =	simm.s32 $0xEB80  }
0x7b: {  	[tilespmem:s19], [sflag:$0x2] =	stream.indirect_vreg.gather [hbm4b:s4+s3], $0x80, v4, vm0, $0xb8;
	[tilespmem:$0x1ED80] =	vst v63  }
0x7c: {  	s20 =	simm.s32 $0xF380;
	v3 =	vperm.xlane v3, v2  }
0x7d: {  	[tilespmem:s20], [sflag:$0x2] =	stream.indirect_vreg.gather [hbm4b:s14+s3], $0x80, v4, vm0, $0xb8;
	[tilespmem:$0x1ED80] =	vst v63  }
0x7e: {  	s28 =	simm.s32 $0xFB80;
	v3 =	vadd.s32 v1, v3  }
0x7f: {  	[tilespmem:s28], [sflag:$0x2] =	stream.indirect_vreg.gather [hbm4b:s15+s3], $0x80, v4, vm0, $0xb8;
	[tilespmem:$0x1ED80] =	vst v63  }
0x80: {  	s13 =	simm.s32 $0x10380  }
0x81: {  	[tilespmem:s13], [sflag:$0x2] =	stream.indirect_vreg.gather [hbm4b:s16+s3], $0x80, v4, vm0, $0xb8;
	[tilespmem:$0x1ED80] =	vst v63  }
0x82: {  	s17 =	simm.s32 $0x10B80  }
0x83: {  	[tilespmem:s17], [sflag:$0x2] =	stream.indirect_vreg.gather [hbm4b:s4+s3], $0x80, v3, vm0, $0xb8;
	[tilespmem:$0x1ED80] =	vst v63  }
0x84: {  	s18 =	simm.s32 $0x11380  }
0x85: {  	[tilespmem:s18], [sflag:$0x2] =	stream.indirect_vreg.gather [hbm4b:s14+s3], $0x80, v3, vm0, $0xb8;
	[tilespmem:$0x1ED80] =	vst v63  }
0x86: {  	p0 =	seq.s32 s7, $0x0;
	s19 =	simm.s32 $0x11B80  }
0x87: {  	[tilespmem:s19], [sflag:$0x2] =	stream.indirect_vreg.gather [hbm4b:s15+s3], $0x80, v3, vm0, $0xb8;
	[tilespmem:$0x1ED80] =	vst v63  }
0x88: {  	s12 =	simm.s32 @!p0 $0x5;
	s20 =	simm.s32 $0x12380;
	s13 =	sshll.u32 s7, $0x6  }
0x89: {  	[tilespmem:s20], [sflag:$0x2] =	stream.indirect_vreg.gather [hbm4b:s16+s3], $0x80, v3, vm0, $0xb8;
	[tilespmem:$0x1ED80] =	vst v63  }
0x8a: {  	s1 =	sshll.u32 s1, $0x8;
	s13 =	sadd.s32 s9, s13;
	_ =	swait.ge @!p0 [sflag:s12], $0x1000  }
0x8b: {  	s1 =	sadd.s32 s10, s1;
	s13 =	sshrl.u32 s13, $0x3;
	[sflag:s12] =	ssyncset.done @!p0 $0x0  }
0x8c: {  	s1 =	sshrl.u32 s1, $0x3;
	s28 =	sadd.s32 s5, s13;
	[sflag:s12] =	ssyncadd.s32 @!p0 $0xFFFFF000  }
0x8d: {  	[tilespmem:s21], [sflag:$0x3] =	stream.linear.gather [hbm4b:s28+s3], $0x20, $0x38;
	[tilespmem:$0x1ED80] =	vst v63  }
0x8e: {  	s1 =	sadd.s32 s6, s1  }
0x8f: {  	[tilespmem:s22], [sflag:$0x8] =	stream.linear.gather [hbm4b:s1+s3], $0x100, $0x38;
	[tilespmem:$0x1ED80] =	vst v63  }
0x90: {  	s1 =	simm.s32 @!p0 $0x7  }
0x91: {  	s17 =	simm.s32 $0x0;
	s18 =	simm.s32 $0x12BC0;
	_ =	swait.ge @!p0 [sflag:s1], $0x100  }
0x92: {  	s19 =	simm.s32 $0x0;
	s20 =	simm.s32 $0x0;
	[sflag:s1] =	ssyncset.done @!p0 $0x0  }
0x93: {  	s12 =	sshll.u32 s7, $0x1;
	[sflag:s1] =	ssyncadd.s32 @!p0 $0xFFFFFF00;
	s1 =	simm.s32 $0x0  }
.LBB2_3:
0x94: {  	s13 =	sand.u32 $0x6000, s19;
	s28 =	sand.u32 $0x380, s17  }
0x95: {  	s13 =	sor.u32 s28, s13  }
0x96: {  	v6 =	vld [tilespmem:s13+$0x2B80]  }
0x97: {  	v7 =	vld [tilespmem:s13+$0x2B90]  }
0x98: {  	v8 =	vld [tilespmem:s13+$0x2BA0]  }
0x99: {  	v9 =	vld [tilespmem:s13+$0x2BB0]  }
0x9a: {  	v11 =	vld [tilespmem:s13+$0x2BC0]  }
0x9b: {  	v12 =	vld [tilespmem:s13+$0x2BD0]  }
0x9c: {  	v13 =	vld [tilespmem:s13+$0x2BE0]  }
0x9d: {  	v14 =	vld [tilespmem:s13+$0x2BF0]  }
0x9e: {  	v15 =	vld [tilespmem:s13+$0x2F80]  }
0x9f: {  	v16 =	vld [tilespmem:s13+$0x2F90]  }
0xa0: {  	v17 =	vld [tilespmem:s13+$0x2FA0]  }
0xa1: {  	v18 =	vld [tilespmem:s13+$0x2FB0]  }
0xa2: {  	v3 =	vmov s20;
	v20 =	vld [tilespmem:s13+$0x2FC0]  }
0xa3: {  	v21 =	vld [tilespmem:s13+$0x2FD0]  }
0xa4: {  	v22 =	vld [tilespmem:s13+$0x2FE0]  }
0xa5: {  	v23 =	vld [tilespmem:s13+$0x2FF0]  }
0xa6: {  	v24 =	vld [tilespmem:s13+$0x3380]  }
0xa7: {  	v4 =	vld.idx.msk [tilespmem:v3+s24+$0x0], $0xffff  }
0xa8: {  	v25 =	vld [tilespmem:s13+$0x3390]  }
0xa9: {  	v26 =	vld [tilespmem:s13+$0x33A0]  }
0xaa: {  	v27 =	vld [tilespmem:s13+$0x33B0]  }
0xab: {  	v29 =	vld [tilespmem:s13+$0x33C0]  }
0xac: {  	v30 =	vld [tilespmem:s13+$0x33D0];
	v4 =	vshll.u32 v4, $0x3  }
0xad: {  	v31 =	vld [tilespmem:s13+$0x33E0]  }
0xae: {  	v32 =	vld [tilespmem:s13+$0x33F0]  }
0xaf: {  	v33 =	vld [tilespmem:s13+$0x3780]  }
0xb0: {  	v34 =	vld [tilespmem:s13+$0x3790];
	v10 =	vor.u32 $0x1, v4  }
0xb1: {  	v5 =	vld.idx.msk [tilespmem:v4+s23+$0x0], $0xffff  }
0xb2: {  	v35 =	vld [tilespmem:s13+$0x37A0]  }
0xb3: {  	v36 =	vld [tilespmem:s13+$0x37B0]  }
0xb4: {  	v38 =	vld [tilespmem:s13+$0x37C0];
	v19 =	vor.u32 $0x2, v4  }
0xb5: {  	v10 =	vld.idx.msk [tilespmem:v10+s23+$0x0], $0xffff  }
0xb6: {  	v39 =	vld [tilespmem:s13+$0x37D0];
	v6 =	vmul.f32 v6, v5;
	v7 =	vmul.f32 v7, v5  }
0xb7: {  	v40 =	vld [tilespmem:s13+$0x37E0];
	v3 =	vor.u32 $0x80, v3;
	v8 =	vmul.f32 v8, v5;
	v9 =	vmul.f32 v9, v5  }
0xb8: {  	v41 =	vld [tilespmem:s13+$0x37F0];
	v28 =	vor.u32 $0x3, v4;
	v11 =	vmul.f32 v11, v5;
	v12 =	vmul.f32 v12, v5  }
0xb9: {  	v37 =	vor.u32 $0x4, v4;
	v19 =	vld.idx.msk [tilespmem:v19+s23+$0x0], $0xffff;
	v13 =	vmul.f32 v13, v5;
	v5 =	vmul.f32 v14, v5  }
0xba: {  	v43 =	vld [tilespmem:s13+$0x3FB0];
	v15 =	vmul.f32 v15, v10;
	v16 =	vmul.f32 v16, v10  }
0xbb: {  	v47 =	vld [tilespmem:s13+$0x3FC0];
	v48 =	vmul.f32 v17, v10;
	v49 =	vmul.f32 v18, v10  }
0xbc: {  	v3 =	vld.idx.msk [tilespmem:v3+s24+$0x0], $0xffff;
	v50 =	vmul.f32 v20, v10;
	v51 =	vmul.f32 v21, v10  }
0xbd: {  	v28 =	vld.idx.msk [tilespmem:v28+s23+$0x0], $0xffff;
	v53 =	vmul.f32 v22, v10;
	v10 =	vmul.f32 v23, v10  }
0xbe: {  	v52 =	vor.u32 $0x5, v4;
	v37 =	vld.idx.msk [tilespmem:v37+s23+$0x0], $0xffff;
	v54 =	vmul.f32 v24, v19;
	v55 =	vmul.f32 v25, v19  }
0xbf: {  	v44 =	vor.u32 $0x6, v4;
	v14 =	vld [tilespmem:s13+$0x3BA0];
	v56 =	vmul.f32 v26, v19;
	v57 =	vmul.f32 v27, v19  }
0xc0: {  	v4 =	vor.u32 $0x7, v4;
	v18 =	vld [tilespmem:s13+$0x3B80];
	v58 =	vmul.f32 v29, v19;
	v59 =	vmul.f32 v30, v19  }
0xc1: {  	v20 =	vld [tilespmem:s13+$0x3B90];
	v60 =	vmul.f32 v31, v19;
	v6 =	vadd.f32 $0.0e+00, v6;
	v7 =	vadd.f32 $0.0e+00, v7  }
0xc2: {  	v22 =	vld [tilespmem:s13+$0x3BC0];
	v19 =	vmul.f32 v32, v19;
	v8 =	vadd.f32 $0.0e+00, v8;
	v9 =	vadd.f32 $0.0e+00, v9  }
0xc3: {  	v24 =	vld [tilespmem:s13+$0x3BD0];
	v62 =	vmul.f32 v33, v28;
	v11 =	vadd.f32 $0.0e+00, v11;
	v12 =	vadd.f32 $0.0e+00, v12  }
0xc4: {  	v21 =	vld [tilespmem:s13+$0x3BE0];
	v63 =	vmul.f32 v34, v28;
	v13 =	vadd.f32 $0.0e+00, v13;
	v5 =	vadd.f32 $0.0e+00, v5  }
0xc5: {  	v23 =	vld [tilespmem:s13+$0x3BF0];
	v42 =	vmul.f32 v35, v28;
	v6 =	vadd.f32 v15, v6;
	v7 =	vadd.f32 v16, v7  }
0xc6: {  	v17 =	vld.idx.msk [tilespmem:v52+s23+$0x0], $0xffff;
	v45 =	vmul.f32 v36, v28;
	v8 =	vadd.f32 v48, v8;
	v9 =	vadd.f32 v49, v9  }
0xc7: {  	v26 =	vld [tilespmem:s13+$0x3F80];
	v46 =	vmul.f32 v38, v28;
	v11 =	vadd.f32 v50, v11;
	v12 =	vadd.f32 v51, v12  }
0xc8: {  	v52 =	vmul.f32 v41, v28;
	v30 =	vld [tilespmem:s13+$0x43D0];
	v13 =	vadd.f32 v53, v13;
	v5 =	vadd.f32 v10, v5  }
0xc9: {  	v16 =	vld [tilespmem:s13+$0x3BB0];
	v48 =	vmul.f32 v39, v28;
	v6 =	vadd.f32 v54, v6;
	v7 =	vadd.f32 v55, v7  }
0xca: {  	v49 =	vld [tilespmem:s13+$0x3FD0];
	v50 =	vmul.f32 v40, v28;
	v8 =	vadd.f32 v56, v8;
	v9 =	vadd.f32 v57, v9  }
0xcb: {  	v51 =	vld [tilespmem:s13+$0x3FE0];
	v14 =	vmul.f32 v14, v37;
	v10 =	vadd.f32 v58, v11;
	v61 =	vadd.f32 v59, v12  }
0xcc: {  	v53 =	vld [tilespmem:s13+$0x3FF0];
	v13 =	vadd.f32 v60, v13;
	v18 =	vmul.f32 v18, v37;
	v54 =	vmul.f32 v20, v37  }
0xcd: {  	v12 =	vld [tilespmem:s13+$0x3F90];
	v5 =	vadd.f32 v19, v5;
	v58 =	vmul.f32 v22, v37;
	v59 =	vmul.f32 v24, v37  }
0xce: {  	v19 =	vld [tilespmem:s13+$0x3FA0];
	v21 =	vmul.f32 v21, v37;
	v23 =	vmul.f32 v23, v37;
	v6 =	vadd.f32 v62, v6  }
0xcf: {  	v55 =	vld.idx.msk [tilespmem:v44+s23+$0x0], $0xffff;
	v34 =	vmul.f32 v43, v17;
	v7 =	vadd.f32 v63, v7;
	v8 =	vadd.f32 v42, v8  }
0xd0: {  	v56 =	vld [tilespmem:s13+$0x4380];
	v36 =	vmul.f32 v47, v17;
	v9 =	vadd.f32 v45, v9;
	v10 =	vadd.f32 v46, v10  }
0xd1: {  	v57 =	vld [tilespmem:s13+$0x4390];
	v11 =	vadd.f32 v48, v61;
	v13 =	vadd.f32 v50, v13;
	v62 =	vmul.f32 v26, v17  }
0xd2: {  	v60 =	vld [tilespmem:s13+$0x43A0];
	v5 =	vadd.f32 v52, v5;
	v16 =	vmul.f32 v16, v37;
	v37 =	vmul.f32 v49, v17  }
0xd3: {  	v35 =	vld [tilespmem:s13+$0x43E0];
	v39 =	vmul.f32 v51, v17;
	v6 =	vadd.f32 v18, v6;
	v7 =	vadd.f32 v54, v7  }
0xd4: {  	s28 =	sand.u32 $0x7, s1;
	v38 =	vld [tilespmem:s13+$0x43F0];
	v40 =	vmul.f32 v53, v17;
	v8 =	vadd.f32 v14, v8;
	v10 =	vadd.f32 v58, v10  }
0xd5: {  	s28 =	sshll.u32 s28, $0x7;
	v61 =	vld [tilespmem:s13+$0x43B0];
	v11 =	vadd.f32 v59, v11;
	v13 =	vadd.f32 v21, v13;
	v12 =	vmul.f32 v12, v17  }
0xd6: {  	v63 =	vld [tilespmem:s13+$0x43C0];
	s13 =	sadd.s32 s28, s19;
	v5 =	vadd.f32 v23, v5;
	v33 =	vmul.f32 v19, v17;
	v42 =	vmul.f32 v56, v55  }
0xd7: {  	v4 =	vld.idx.msk [tilespmem:v4+s23+$0x0], $0xffff;
	s28 =	sor.u32 $0x1C00, s13;
	v9 =	vadd.f32 v16, v9;
	v14 =	vmul.f32 v57, v55;
	v44 =	vmul.f32 v60, v55  }
0xd8: {  	v41 =	vld [tilespmem:s28+$0x2B80];
	s28 =	sor.u32 $0x1C10, s13;
	v49 =	vmul.f32 v30, v55;
	v6 =	vadd.f32 v62, v6;
	v10 =	vadd.f32 v36, v10  }
0xd9: {  	v43 =	vld [tilespmem:s28+$0x2B80];
	s28 =	sor.u32 $0x1C20, s13;
	v51 =	vmul.f32 v35, v55;
	v11 =	vadd.f32 v37, v11;
	v13 =	vadd.f32 v39, v13  }
0xda: {  	v53 =	vmul.f32 v38, v55;
	v5 =	vadd.f32 v40, v5;
	v46 =	vld [tilespmem:s28+$0x2B80];
	s28 =	sor.u32 $0x1C30, s13;
	v7 =	vadd.f32 v12, v7  }
0xdb: {  	v8 =	vadd.f32 v33, v8;
	v9 =	vadd.f32 v34, v9;
	v45 =	vmul.f32 v61, v55;
	v48 =	vld [tilespmem:s28+$0x2B80];
	s28 =	sor.u32 $0x1C40, s13  }
0xdc: {  	v47 =	vmul.f32 v63, v55;
	v6 =	vadd.f32 v42, v6;
	v50 =	vld [tilespmem:s28+$0x2B80];
	s28 =	sor.u32 $0x1C50, s13;
	v11 =	vadd.f32 v49, v11  }
0xdd: {  	v13 =	vadd.f32 v51, v13;
	v5 =	vadd.f32 v53, v5;
	v17 =	vmul.f32 v41, v4;
	v52 =	vld [tilespmem:s28+$0x2B80];
	s28 =	sor.u32 $0x1C60, s13  }
0xde: {  	v7 =	vadd.f32 v14, v7;
	v8 =	vadd.f32 v44, v8;
	s13 =	sor.u32 $0x1C70, s13;
	v18 =	vmul.f32 v43, v4;
	v54 =	vld [tilespmem:s28+$0x2B80]  }
0xdf: {  	v9 =	vadd.f32 v45, v9;
	v56 =	vld [tilespmem:s13+$0x2B80];
	v6 =	vadd.f32 v17, v6;
	v55 =	vmul.f32 v46, v4  }
0xe0: {  	v10 =	vadd.f32 v47, v10;
	v7 =	vadd.f32 v18, v7;
	v57 =	vmul.f32 v48, v4  }
0xe1: {  	v8 =	vadd.f32 v55, v8;
	v58 =	vmul.f32 v50, v4;
	v6 =	vmul.f32 v3, v6  }
0xe2: {  	v9 =	vadd.f32 v57, v9;
	v59 =	vmul.f32 v52, v4;
	v7 =	vmul.f32 v3, v7  }
0xe3: {  	v10 =	vadd.f32 v58, v10;
	[tilespmem:s18+$0xFFFFFFC0] =	vst v6;
	v60 =	vmul.f32 v54, v4;
	v8 =	vmul.f32 v3, v8  }
0xe4: {  	v4 =	vmul.f32 v56, v4;
	v11 =	vadd.f32 v59, v11;
	[tilespmem:s18+$0xFFFFFFD0] =	vst v7;
	v61 =	vmul.f32 v3, v9  }
0xe5: {  	p1 =	sne.s32 s20, $0x1F;
	v6 =	vadd.f32 v60, v13;
	[tilespmem:s18+$0xFFFFFFE0] =	vst v8;
	v62 =	vmul.f32 v3, v10  }
.Ltmp0:
0xe6: {  	v4 =	vadd.f32 v4, v5;
	[tilespmem:s18+$0xFFFFFFF0] =	vst v61;
	v63 =	vmul.f32 v3, v11;
	(pc) =	sbr.rel @p1 .LBB2_3-.Ltmp0, $4  }
0xe7: {  	[tilespmem:s18+$0x0] =	vst v62;
	v6 =	vmul.f32 v3, v6  }
0xe8: {  	v3 =	vmul.f32 v3, v4;
	[tilespmem:s18+$0x10] =	vst v63  }
0xe9: {  	s17 =	sadd.s32 $0x80, s17;
	s20 =	sadd.s32 $0x1, s20;
	[tilespmem:s18+$0x20] =	vst v6  }
0xea: {  	s1 =	sadd.s32 $0x1, s1;
	s19 =	sadd.s32 $0x400, s19;
	[tilespmem:s18+$0x30] =	vst v3;
	s18 =	sadd.s32 $0x80, s18  }
0xeb: {  	_ =	swait.ge [sflag:s25], $0x20  }
0xec: {  	[sflag:s25] =	ssyncset.done $0x0  }
0xed: {  	s1 =	simm.s32 $0x12B80;
	[sflag:s25] =	ssyncadd.s32 $0xFFFFFFE0  }
0xee: {  	[spmem:s2] =	stream.indirect.scatter.add.f32 [tilespmem:s1], [sflag:$0x5], $0x80, s21, s26, $0xb8;
	[tilespmem:$0x1ED80] =	vst v63  }
0xef: {  	s1 =	sadd.s32 $0x2, s12;
	_ =	swait.ge [sflag:s29], $0x8000  }
0xf0: {  	s12 =	sshll.u32 s1, $0x5;
	[sflag:s29] =	ssyncset.done $0x0  }
0xf1: {  	s12 =	sand.u32 $0x3FFFFFE0, s12;
	[sflag:s29] =	ssyncadd.s32 $0xFFFF8000  }
0xf2: {  	v3 =	vld [tilespmem:s12+$0x0];
	_ =	sdelay $0x4  }
0xf3: {  	v4 =	vshll.u32 v3, $0x3  }
0xf4: {  	v5 =	vand.u32 $0x7, v3;
	v4 =	vand.u32 $0xFFFFFFC0, v4  }
0xf5: {  	v4 =	vor.u32 v5, v4  }
0xf6: {  	[tilespmem:$0x2A80] =	vst v3;
	v3 =	vperm.xlane v4, v0  }
0xf7: {  	v62 =	vld [tilespmem:s12+$0x10]  }
0xf8: {  	v3 =	vadd.s32 v1, v3;
	_ =	sdelay $0x3  }
0xf9: {  	s17 =	simm.s32 $0x2B80;
	[tilespmem:$0x2A90] =	vst v62  }
0xfa: {  	[tilespmem:s17], [sflag:$0x1] =	stream.indirect_vreg.gather [hbm4b:s4+s3], $0x80, v3, vm0, $0xb8;
	[tilespmem:$0x1ED80] =	vst v63  }
0xfb: {  	s18 =	simm.s32 $0x3380;
	v4 =	vperm.xlane v4, v2  }
0xfc: {  	[tilespmem:s18], [sflag:$0x1] =	stream.indirect_vreg.gather [hbm4b:s14+s3], $0x80, v3, vm0, $0xb8;
	[tilespmem:$0x1ED80] =	vst v63  }
0xfd: {  	s19 =	simm.s32 $0x3B80;
	v4 =	vadd.s32 v1, v4  }
0xfe: {  	[tilespmem:s19], [sflag:$0x1] =	stream.indirect_vreg.gather [hbm4b:s15+s3], $0x80, v3, vm0, $0xb8;
	[tilespmem:$0x1ED80] =	vst v63  }
0xff: {  	s20 =	simm.s32 $0x4380  }
0x100: {  	[tilespmem:s20], [sflag:$0x1] =	stream.indirect_vreg.gather [hbm4b:s16+s3], $0x80, v3, vm0, $0xb8;
	[tilespmem:$0x1ED80] =	vst v63  }
0x101: {  	s28 =	simm.s32 $0x4B80  }
0x102: {  	[tilespmem:s28], [sflag:$0x1] =	stream.indirect_vreg.gather [hbm4b:s4+s3], $0x80, v4, vm0, $0xb8;
	[tilespmem:$0x1ED80] =	vst v63  }
0x103: {  	s13 =	simm.s32 $0x5380  }
0x104: {  	[tilespmem:s13], [sflag:$0x1] =	stream.indirect_vreg.gather [hbm4b:s14+s3], $0x80, v4, vm0, $0xb8;
	[tilespmem:$0x1ED80] =	vst v63  }
0x105: {  	s17 =	simm.s32 $0x5B80  }
0x106: {  	[tilespmem:s17], [sflag:$0x1] =	stream.indirect_vreg.gather [hbm4b:s15+s3], $0x80, v4, vm0, $0xb8;
	[tilespmem:$0x1ED80] =	vst v63  }
0x107: {  	s18 =	simm.s32 $0x6380  }
0x108: {  	[tilespmem:s18], [sflag:$0x1] =	stream.indirect_vreg.gather [hbm4b:s16+s3], $0x80, v4, vm0, $0xb8;
	[tilespmem:$0x1ED80] =	vst v63  }
0x109: {  	v3 =	vld [tilespmem:$0x2A90];
	_ =	sdelay $0x4  }
0x10a: {  	v63 =	vshll.u32 v3, $0x3  }
0x10b: {  	v3 =	vand.u32 $0x7, v3;
	v4 =	vand.u32 $0xFFFFFFC0, v63  }
0x10c: {  	v3 =	vor.u32 v3, v4  }
0x10d: {  	v4 =	vperm.xlane v3, v0;
	_ =	sdelay $0x1  }
0x10e: {  	v4 =	vadd.s32 v1, v4;
	_ =	sdelay $0x3  }
0x10f: {  	s19 =	simm.s32 $0x6B80  }
0x110: {  	[tilespmem:s19], [sflag:$0x1] =	stream.indirect_vreg.gather [hbm4b:s4+s3], $0x80, v4, vm0, $0xb8;
	[tilespmem:$0x1ED80] =	vst v63  }
0x111: {  	s20 =	simm.s32 $0x7380;
	v3 =	vperm.xlane v3, v2  }
0x112: {  	[tilespmem:s20], [sflag:$0x1] =	stream.indirect_vreg.gather [hbm4b:s14+s3], $0x80, v4, vm0, $0xb8;
	[tilespmem:$0x1ED80] =	vst v63  }
0x113: {  	s28 =	simm.s32 $0x7B80;
	v3 =	vadd.s32 v1, v3  }
0x114: {  	[tilespmem:s28], [sflag:$0x1] =	stream.indirect_vreg.gather [hbm4b:s15+s3], $0x80, v4, vm0, $0xb8;
	[tilespmem:$0x1ED80] =	vst v63  }
0x115: {  	s13 =	simm.s32 $0x8380  }
0x116: {  	[tilespmem:s13], [sflag:$0x1] =	stream.indirect_vreg.gather [hbm4b:s16+s3], $0x80, v4, vm0, $0xb8;
	[tilespmem:$0x1ED80] =	vst v63  }
0x117: {  	s17 =	simm.s32 $0x8B80  }
0x118: {  	[tilespmem:s17], [sflag:$0x1] =	stream.indirect_vreg.gather [hbm4b:s4+s3], $0x80, v3, vm0, $0xb8;
	[tilespmem:$0x1ED80] =	vst v63  }
0x119: {  	s18 =	simm.s32 $0x9380  }
0x11a: {  	[tilespmem:s18], [sflag:$0x1] =	stream.indirect_vreg.gather [hbm4b:s14+s3], $0x80, v3, vm0, $0xb8;
	[tilespmem:$0x1ED80] =	vst v63  }
0x11b: {  	s19 =	simm.s32 $0x9B80  }
0x11c: {  	[tilespmem:s19], [sflag:$0x1] =	stream.indirect_vreg.gather [hbm4b:s15+s3], $0x80, v3, vm0, $0xb8;
	[tilespmem:$0x1ED80] =	vst v63  }
0x11d: {  	s1 =	sshll.u32 s1, $0x8;
	s12 =	simm.s32 @!p0 $0x6;
	s20 =	simm.s32 $0xA380  }
0x11e: {  	[tilespmem:s20], [sflag:$0x1] =	stream.indirect_vreg.gather [hbm4b:s16+s3], $0x80, v3, vm0, $0xb8;
	[tilespmem:$0x1ED80] =	vst v63  }
0x11f: {  	s8 =	sadd.s32 s9, s8;
	s1 =	sadd.s32 s10, s1;
	_ =	swait.ge @!p0 [sflag:s12], $0x1000  }
0x120: {  	s8 =	sshrl.u32 s8, $0x3;
	s1 =	sshrl.u32 s1, $0x3;
	[sflag:s12] =	ssyncset.done @!p0 $0x0  }
0x121: {  	s28 =	sadd.s32 s5, s8;
	s8 =	simm.s32 $0x0;
	[sflag:s12] =	ssyncadd.s32 @!p0 $0xFFFFF000  }
0x122: {  	[tilespmem:s30], [sflag:$0x4] =	stream.linear.gather [hbm4b:s28+s8], $0x20, $0x38;
	[tilespmem:$0x1ED80] =	vst v63  }
0x123: {  	s1 =	sadd.s32 s6, s1  }
0x124: {  	[tilespmem:s24], [sflag:$0x7] =	stream.linear.gather [hbm4b:s1+s8], $0x100, $0x38;
	[tilespmem:$0x1ED80] =	vst v63  }
0x125: {  	_ =	swait.ge [sflag:s31], $0x100  }
0x126: {  	s17 =	simm.s32 $0x0;
	s18 =	simm.s32 $0x0;
	[sflag:s31] =	ssyncset.done $0x0  }
0x127: {  	s12 =	simm.s32 $0x13BC0;
	s1 =	simm.s32 $0x0;
	[sflag:s31] =	ssyncadd.s32 $0xFFFFFF00  }
.LBB2_5:
0x128: {  	s13 =	sand.u32 $0x6000, s17;
	s19 =	sand.u32 $0x380, s8  }
0x129: {  	s13 =	sor.u32 s19, s13  }
0x12a: {  	v6 =	vld [tilespmem:s13+$0xAB80]  }
0x12b: {  	v7 =	vld [tilespmem:s13+$0xAB90]  }
0x12c: {  	v8 =	vld [tilespmem:s13+$0xABA0]  }
0x12d: {  	v9 =	vld [tilespmem:s13+$0xABB0]  }
0x12e: {  	v11 =	vld [tilespmem:s13+$0xABC0]  }
0x12f: {  	v12 =	vld [tilespmem:s13+$0xABD0]  }
0x130: {  	v13 =	vld [tilespmem:s13+$0xABE0]  }
0x131: {  	v14 =	vld [tilespmem:s13+$0xABF0]  }
0x132: {  	v15 =	vld [tilespmem:s13+$0xAF80]  }
0x133: {  	v16 =	vld [tilespmem:s13+$0xAF90]  }
0x134: {  	v17 =	vld [tilespmem:s13+$0xAFA0]  }
0x135: {  	v18 =	vld [tilespmem:s13+$0xAFB0]  }
0x136: {  	v3 =	vmov s18;
	v20 =	vld [tilespmem:s13+$0xAFC0]  }
0x137: {  	v21 =	vld [tilespmem:s13+$0xAFD0]  }
0x138: {  	v22 =	vld [tilespmem:s13+$0xAFE0]  }
0x139: {  	v23 =	vld [tilespmem:s13+$0xAFF0]  }
0x13a: {  	v24 =	vld [tilespmem:s13+$0xB380]  }
0x13b: {  	v4 =	vld.idx.msk [tilespmem:v3+s22+$0x0], $0xffff  }
0x13c: {  	v25 =	vld [tilespmem:s13+$0xB390]  }
0x13d: {  	v26 =	vld [tilespmem:s13+$0xB3A0]  }
0x13e: {  	v27 =	vld [tilespmem:s13+$0xB3B0]  }
0x13f: {  	v29 =	vld [tilespmem:s13+$0xB3C0]  }
0x140: {  	v30 =	vld [tilespmem:s13+$0xB3D0];
	v4 =	vshll.u32 v4, $0x3  }
0x141: {  	v31 =	vld [tilespmem:s13+$0xB3E0]  }
0x142: {  	v32 =	vld [tilespmem:s13+$0xB3F0]  }
0x143: {  	v33 =	vld [tilespmem:s13+$0xB780]  }
0x144: {  	v34 =	vld [tilespmem:s13+$0xB790];
	v10 =	vor.u32 $0x1, v4  }
0x145: {  	v5 =	vld.idx.msk [tilespmem:v4+s23+$0x0], $0xffff  }
0x146: {  	v35 =	vld [tilespmem:s13+$0xB7A0]  }
0x147: {  	v36 =	vld [tilespmem:s13+$0xB7B0]  }
0x148: {  	v38 =	vld [tilespmem:s13+$0xB7C0];
	v19 =	vor.u32 $0x2, v4  }
0x149: {  	v10 =	vld.idx.msk [tilespmem:v10+s23+$0x0], $0xffff  }
0x14a: {  	v39 =	vld [tilespmem:s13+$0xB7D0];
	v6 =	vmul.f32 v6, v5;
	v7 =	vmul.f32 v7, v5  }
0x14b: {  	v40 =	vld [tilespmem:s13+$0xB7E0];
	v3 =	vor.u32 $0x80, v3;
	v8 =	vmul.f32 v8, v5;
	v9 =	vmul.f32 v9, v5  }
0x14c: {  	v41 =	vld [tilespmem:s13+$0xB7F0];
	v28 =	vor.u32 $0x3, v4;
	v11 =	vmul.f32 v11, v5;
	v12 =	vmul.f32 v12, v5  }
0x14d: {  	v37 =	vor.u32 $0x4, v4;
	v19 =	vld.idx.msk [tilespmem:v19+s23+$0x0], $0xffff;
	v13 =	vmul.f32 v13, v5;
	v5 =	vmul.f32 v14, v5  }
0x14e: {  	v43 =	vld [tilespmem:s13+$0xBFB0];
	v15 =	vmul.f32 v15, v10;
	v16 =	vmul.f32 v16, v10  }
0x14f: {  	v47 =	vld [tilespmem:s13+$0xBFC0];
	v48 =	vmul.f32 v17, v10;
	v49 =	vmul.f32 v18, v10  }
0x150: {  	v3 =	vld.idx.msk [tilespmem:v3+s22+$0x0], $0xffff;
	v50 =	vmul.f32 v20, v10;
	v51 =	vmul.f32 v21, v10  }
0x151: {  	v28 =	vld.idx.msk [tilespmem:v28+s23+$0x0], $0xffff;
	v53 =	vmul.f32 v22, v10;
	v10 =	vmul.f32 v23, v10  }
0x152: {  	v52 =	vor.u32 $0x5, v4;
	v37 =	vld.idx.msk [tilespmem:v37+s23+$0x0], $0xffff;
	v54 =	vmul.f32 v24, v19;
	v55 =	vmul.f32 v25, v19  }
0x153: {  	v44 =	vor.u32 $0x6, v4;
	v14 =	vld [tilespmem:s13+$0xBBA0];
	v56 =	vmul.f32 v26, v19;
	v57 =	vmul.f32 v27, v19  }
0x154: {  	v4 =	vor.u32 $0x7, v4;
	v18 =	vld [tilespmem:s13+$0xBB80];
	v58 =	vmul.f32 v29, v19;
	v59 =	vmul.f32 v30, v19  }
0x155: {  	v20 =	vld [tilespmem:s13+$0xBB90];
	v60 =	vmul.f32 v31, v19;
	v6 =	vadd.f32 $0.0e+00, v6;
	v7 =	vadd.f32 $0.0e+00, v7  }
0x156: {  	v22 =	vld [tilespmem:s13+$0xBBC0];
	v19 =	vmul.f32 v32, v19;
	v8 =	vadd.f32 $0.0e+00, v8;
	v9 =	vadd.f32 $0.0e+00, v9  }
0x157: {  	v24 =	vld [tilespmem:s13+$0xBBD0];
	v62 =	vmul.f32 v33, v28;
	v11 =	vadd.f32 $0.0e+00, v11;
	v12 =	vadd.f32 $0.0e+00, v12  }
0x158: {  	v21 =	vld [tilespmem:s13+$0xBBE0];
	v63 =	vmul.f32 v34, v28;
	v13 =	vadd.f32 $0.0e+00, v13;
	v5 =	vadd.f32 $0.0e+00, v5  }
0x159: {  	v23 =	vld [tilespmem:s13+$0xBBF0];
	v42 =	vmul.f32 v35, v28;
	v6 =	vadd.f32 v15, v6;
	v7 =	vadd.f32 v16, v7  }
0x15a: {  	v17 =	vld.idx.msk [tilespmem:v52+s23+$0x0], $0xffff;
	v45 =	vmul.f32 v36, v28;
	v8 =	vadd.f32 v48, v8;
	v9 =	vadd.f32 v49, v9  }
0x15b: {  	v26 =	vld [tilespmem:s13+$0xBF80];
	v46 =	vmul.f32 v38, v28;
	v11 =	vadd.f32 v50, v11;
	v12 =	vadd.f32 v51, v12  }
0x15c: {  	v52 =	vmul.f32 v41, v28;
	v30 =	vld [tilespmem:s13+$0xC3D0];
	v13 =	vadd.f32 v53, v13;
	v5 =	vadd.f32 v10, v5  }
0x15d: {  	v16 =	vld [tilespmem:s13+$0xBBB0];
	v48 =	vmul.f32 v39, v28;
	v6 =	vadd.f32 v54, v6;
	v7 =	vadd.f32 v55, v7  }
0x15e: {  	v49 =	vld [tilespmem:s13+$0xBFD0];
	v50 =	vmul.f32 v40, v28;
	v8 =	vadd.f32 v56, v8;
	v9 =	vadd.f32 v57, v9  }
0x15f: {  	v51 =	vld [tilespmem:s13+$0xBFE0];
	v14 =	vmul.f32 v14, v37;
	v10 =	vadd.f32 v58, v11;
	v61 =	vadd.f32 v59, v12  }
0x160: {  	v53 =	vld [tilespmem:s13+$0xBFF0];
	v13 =	vadd.f32 v60, v13;
	v18 =	vmul.f32 v18, v37;
	v54 =	vmul.f32 v20, v37  }
0x161: {  	v12 =	vld [tilespmem:s13+$0xBF90];
	v5 =	vadd.f32 v19, v5;
	v58 =	vmul.f32 v22, v37;
	v59 =	vmul.f32 v24, v37  }
0x162: {  	v19 =	vld [tilespmem:s13+$0xBFA0];
	v21 =	vmul.f32 v21, v37;
	v23 =	vmul.f32 v23, v37;
	v6 =	vadd.f32 v62, v6  }
0x163: {  	v55 =	vld.idx.msk [tilespmem:v44+s23+$0x0], $0xffff;
	v34 =	vmul.f32 v43, v17;
	v7 =	vadd.f32 v63, v7;
	v8 =	vadd.f32 v42, v8  }
0x164: {  	v56 =	vld [tilespmem:s13+$0xC380];
	v36 =	vmul.f32 v47, v17;
	v9 =	vadd.f32 v45, v9;
	v10 =	vadd.f32 v46, v10  }
0x165: {  	v57 =	vld [tilespmem:s13+$0xC390];
	v11 =	vadd.f32 v48, v61;
	v13 =	vadd.f32 v50, v13;
	v62 =	vmul.f32 v26, v17  }
0x166: {  	v60 =	vld [tilespmem:s13+$0xC3A0];
	v5 =	vadd.f32 v52, v5;
	v16 =	vmul.f32 v16, v37;
	v37 =	vmul.f32 v49, v17  }
0x167: {  	v35 =	vld [tilespmem:s13+$0xC3E0];
	v39 =	vmul.f32 v51, v17;
	v6 =	vadd.f32 v18, v6;
	v7 =	vadd.f32 v54, v7  }
0x168: {  	s28 =	sand.u32 $0x7, s1;
	v38 =	vld [tilespmem:s13+$0xC3F0];
	v40 =	vmul.f32 v53, v17;
	v8 =	vadd.f32 v14, v8;
	v10 =	vadd.f32 v58, v10  }
0x169: {  	s19 =	sshll.u32 s28, $0x7;
	v61 =	vld [tilespmem:s13+$0xC3B0];
	v11 =	vadd.f32 v59, v11;
	v13 =	vadd.f32 v21, v13;
	v12 =	vmul.f32 v12, v17  }
0x16a: {  	v63 =	vld [tilespmem:s13+$0xC3C0];
	s13 =	sadd.s32 s19, s17;
	v5 =	vadd.f32 v23, v5;
	v33 =	vmul.f32 v19, v17;
	v42 =	vmul.f32 v56, v55  }
0x16b: {  	v4 =	vld.idx.msk [tilespmem:v4+s23+$0x0], $0xffff;
	s19 =	sor.u32 $0x1C00, s13;
	v9 =	vadd.f32 v16, v9;
	v14 =	vmul.f32 v57, v55;
	v44 =	vmul.f32 v60, v55  }
0x16c: {  	s20 =	sor.u32 $0x1C10, s13;
	v41 =	vld [tilespmem:s19+$0xAB80];
	v49 =	vmul.f32 v30, v55;
	v6 =	vadd.f32 v62, v6;
	v10 =	vadd.f32 v36, v10  }
0x16d: {  	s28 =	sor.u32 $0x1C20, s13;
	v43 =	vld [tilespmem:s20+$0xAB80];
	v51 =	vmul.f32 v35, v55;
	v11 =	vadd.f32 v37, v11;
	v13 =	vadd.f32 v39, v13  }
0x16e: {  	v46 =	vld [tilespmem:s28+$0xAB80];
	s20 =	sor.u32 $0x1C30, s13;
	v53 =	vmul.f32 v38, v55;
	v5 =	vadd.f32 v40, v5;
	v7 =	vadd.f32 v12, v7  }
0x16f: {  	s28 =	sor.u32 $0x1C40, s13;
	v48 =	vld [tilespmem:s20+$0xAB80];
	v8 =	vadd.f32 v33, v8;
	v9 =	vadd.f32 v34, v9;
	v45 =	vmul.f32 v61, v55  }
0x170: {  	v50 =	vld [tilespmem:s28+$0xAB80];
	s20 =	sor.u32 $0x1C50, s13;
	v47 =	vmul.f32 v63, v55;
	v6 =	vadd.f32 v42, v6;
	v11 =	vadd.f32 v49, v11  }
0x171: {  	s28 =	sor.u32 $0x1C60, s13;
	v52 =	vld [tilespmem:s20+$0xAB80];
	v13 =	vadd.f32 v51, v13;
	v5 =	vadd.f32 v53, v5;
	v17 =	vmul.f32 v41, v4  }
0x172: {  	s13 =	sor.u32 $0x1C70, s13;
	v54 =	vld [tilespmem:s28+$0xAB80];
	v7 =	vadd.f32 v14, v7;
	v8 =	vadd.f32 v44, v8;
	v18 =	vmul.f32 v43, v4  }
0x173: {  	v56 =	vld [tilespmem:s13+$0xAB80];
	v9 =	vadd.f32 v45, v9;
	v55 =	vmul.f32 v46, v4;
	v6 =	vadd.f32 v17, v6  }
0x174: {  	v10 =	vadd.f32 v47, v10;
	v57 =	vmul.f32 v48, v4;
	v7 =	vadd.f32 v18, v7  }
0x175: {  	v58 =	vmul.f32 v50, v4;
	v8 =	vadd.f32 v55, v8;
	v6 =	vmul.f32 v3, v6  }
0x176: {  	v59 =	vmul.f32 v52, v4;
	v9 =	vadd.f32 v57, v9;
	v7 =	vmul.f32 v3, v7  }
0x177: {  	v60 =	vmul.f32 v54, v4;
	v10 =	vadd.f32 v58, v10;
	v8 =	vmul.f32 v3, v8;
	[tilespmem:s12+$0xFFFFFFC0] =	vst v6  }
0x178: {  	v4 =	vmul.f32 v56, v4;
	v11 =	vadd.f32 v59, v11;
	v61 =	vmul.f32 v3, v9;
	[tilespmem:s12+$0xFFFFFFD0] =	vst v7  }
0x179: {  	p0 =	sne.s32 s18, $0x1F;
	v62 =	vmul.f32 v3, v10;
	v6 =	vadd.f32 v60, v13;
	[tilespmem:s12+$0xFFFFFFE0] =	vst v8  }
.Ltmp1:
0x17a: {  	v4 =	vadd.f32 v4, v5;
	v63 =	vmul.f32 v3, v11;
	[tilespmem:s12+$0xFFFFFFF0] =	vst v61;
	(pc) =	sbr.rel @p0 .LBB2_5-.Ltmp1, $4  }
0x17b: {  	[tilespmem:s12+$0x0] =	vst v62;
	v6 =	vmul.f32 v3, v6  }
0x17c: {  	[tilespmem:s12+$0x10] =	vst v63;
	v3 =	vmul.f32 v3, v4  }
0x17d: {  	s1 =	sadd.s32 $0x1, s1;
	s8 =	sadd.s32 $0x80, s8;
	[tilespmem:s12+$0x20] =	vst v6  }
0x17e: {  	s18 =	sadd.s32 $0x1, s18;
	s17 =	sadd.s32 $0x400, s17;
	[tilespmem:s12+$0x30] =	vst v3;
	s12 =	sadd.s32 $0x80, s12  }
0x17f: {  	s7 =	sadd.s32 $0x1, s7  }
0x180: {  	p0 =	sne.s32 s7, $0x9C  }
.Ltmp2:
0x181: {  	_ = 	snop;
	(pc) =	sbr.rel @p0 .LBB2_2-.Ltmp2, $4  }
0x182: {  	_ =	swait.ge [sflag:s0], $0x20  }
0x183: {  	[sflag:s0] =	ssyncset.done $0x0  }
0x184: {  	s1 =	simm.s32 $0x13B80;
	[sflag:s0] =	ssyncadd.s32 $0xFFFFFFE0  }
0x185: {  	[spmem:s2] =	stream.indirect.scatter.add.f32 [tilespmem:s1], [sflag:$0x6], $0x80, s30, s26, $0xb8;
	[tilespmem:$0x1ED80] =	vst v63  }
0x186: {  	_ =	swait.ge [sflag:s11], $0x8000  }
0x187: {  	[sflag:s11] =	ssyncset.done $0x0  }
0x188: {  	s19 =	simm.s32 $0x5;
	[sflag:s11] =	ssyncadd.s32 $0xFFFF8000  }
0x189: {  	_ =	swait.ge [sflag:s19], $0x1000  }
0x18a: {  	[sflag:s19] =	ssyncset.done $0x0  }
0x18b: {  	s7 =	simm.s32 $0x0;
	s1 =	rddreg [dreg:$0x9];
	[sflag:s19] =	ssyncadd.s32 $0xFFFFF000  }
0x18c: {  	[tilespmem:s21], [sflag:$0x3] =	stream.linear.gather [hbm4b:s1+s7], $0x20, $0x38;
	[tilespmem:$0x1ED80] =	vst v63  }
0x18d: {  	s28 =	simm.s32 $0x7;
	s20 =	rddreg [dreg:$0xa]  }
0x18e: {  	[tilespmem:s22], [sflag:$0x8] =	stream.linear.gather [hbm4b:s20+s7], $0x100, $0x38;
	[tilespmem:$0x1ED80] =	vst v63  }
0x18f: {  	_ =	swait.ge [sflag:s28], $0x100  }
0x190: {  	s8 =	simm.s32 $0x12BC0;
	s12 =	simm.s32 $0x0;
	[sflag:s28] =	ssyncset.done $0x0  }
0x191: {  	s17 =	simm.s32 $0x0;
	s1 =	simm.s32 $0x0;
	[sflag:s28] =	ssyncadd.s32 $0xFFFFFF00  }
.LBB2_8:
0x192: {  	s13 =	sand.u32 $0x6000, s12;
	s18 =	sand.u32 $0x380, s7  }
0x193: {  	s13 =	sor.u32 s18, s13  }
0x194: {  	v6 =	vld [tilespmem:s13+$0x2B80]  }
0x195: {  	v7 =	vld [tilespmem:s13+$0x2B90]  }
0x196: {  	v8 =	vld [tilespmem:s13+$0x2BA0]  }
0x197: {  	v9 =	vld [tilespmem:s13+$0x2BB0]  }
0x198: {  	v11 =	vld [tilespmem:s13+$0x2BC0]  }
0x199: {  	v12 =	vld [tilespmem:s13+$0x2BD0]  }
0x19a: {  	v13 =	vld [tilespmem:s13+$0x2BE0]  }
0x19b: {  	v14 =	vld [tilespmem:s13+$0x2BF0]  }
0x19c: {  	v15 =	vld [tilespmem:s13+$0x2F80]  }
0x19d: {  	v16 =	vld [tilespmem:s13+$0x2F90]  }
0x19e: {  	v17 =	vld [tilespmem:s13+$0x2FA0]  }
0x19f: {  	v18 =	vld [tilespmem:s13+$0x2FB0]  }
0x1a0: {  	v3 =	vmov s17;
	v20 =	vld [tilespmem:s13+$0x2FC0]  }
0x1a1: {  	v21 =	vld [tilespmem:s13+$0x2FD0]  }
0x1a2: {  	v22 =	vld [tilespmem:s13+$0x2FE0]  }
0x1a3: {  	v23 =	vld [tilespmem:s13+$0x2FF0]  }
0x1a4: {  	v24 =	vld [tilespmem:s13+$0x3380]  }
0x1a5: {  	v4 =	vld.idx.msk [tilespmem:v3+s24+$0x0], $0xffff  }
0x1a6: {  	v25 =	vld [tilespmem:s13+$0x3390]  }
0x1a7: {  	v26 =	vld [tilespmem:s13+$0x33A0]  }
0x1a8: {  	v27 =	vld [tilespmem:s13+$0x33B0]  }
0x1a9: {  	v29 =	vld [tilespmem:s13+$0x33C0]  }
0x1aa: {  	v30 =	vld [tilespmem:s13+$0x33D0];
	v4 =	vshll.u32 v4, $0x3  }
0x1ab: {  	v31 =	vld [tilespmem:s13+$0x33E0]  }
0x1ac: {  	v32 =	vld [tilespmem:s13+$0x33F0]  }
0x1ad: {  	v33 =	vld [tilespmem:s13+$0x3780]  }
0x1ae: {  	v34 =	vld [tilespmem:s13+$0x3790];
	v10 =	vor.u32 $0x1, v4  }
0x1af: {  	v5 =	vld.idx.msk [tilespmem:v4+s23+$0x0], $0xffff  }
0x1b0: {  	v35 =	vld [tilespmem:s13+$0x37A0]  }
0x1b1: {  	v36 =	vld [tilespmem:s13+$0x37B0]  }
0x1b2: {  	v38 =	vld [tilespmem:s13+$0x37C0];
	v19 =	vor.u32 $0x2, v4  }
0x1b3: {  	v10 =	vld.idx.msk [tilespmem:v10+s23+$0x0], $0xffff  }
0x1b4: {  	v39 =	vld [tilespmem:s13+$0x37D0];
	v6 =	vmul.f32 v6, v5;
	v7 =	vmul.f32 v7, v5  }
0x1b5: {  	v40 =	vld [tilespmem:s13+$0x37E0];
	v3 =	vor.u32 $0x80, v3;
	v8 =	vmul.f32 v8, v5;
	v9 =	vmul.f32 v9, v5  }
0x1b6: {  	v41 =	vld [tilespmem:s13+$0x37F0];
	v28 =	vor.u32 $0x3, v4;
	v11 =	vmul.f32 v11, v5;
	v12 =	vmul.f32 v12, v5  }
0x1b7: {  	v37 =	vor.u32 $0x4, v4;
	v19 =	vld.idx.msk [tilespmem:v19+s23+$0x0], $0xffff;
	v13 =	vmul.f32 v13, v5;
	v5 =	vmul.f32 v14, v5  }
0x1b8: {  	v43 =	vld [tilespmem:s13+$0x3FB0];
	v15 =	vmul.f32 v15, v10;
	v16 =	vmul.f32 v16, v10  }
0x1b9: {  	v47 =	vld [tilespmem:s13+$0x3FC0];
	v48 =	vmul.f32 v17, v10;
	v49 =	vmul.f32 v18, v10  }
0x1ba: {  	v3 =	vld.idx.msk [tilespmem:v3+s24+$0x0], $0xffff;
	v50 =	vmul.f32 v20, v10;
	v51 =	vmul.f32 v21, v10  }
0x1bb: {  	v28 =	vld.idx.msk [tilespmem:v28+s23+$0x0], $0xffff;
	v53 =	vmul.f32 v22, v10;
	v10 =	vmul.f32 v23, v10  }
0x1bc: {  	v52 =	vor.u32 $0x5, v4;
	v37 =	vld.idx.msk [tilespmem:v37+s23+$0x0], $0xffff;
	v54 =	vmul.f32 v24, v19;
	v55 =	vmul.f32 v25, v19  }
0x1bd: {  	v44 =	vor.u32 $0x6, v4;
	v14 =	vld [tilespmem:s13+$0x3BA0];
	v56 =	vmul.f32 v26, v19;
	v57 =	vmul.f32 v27, v19  }
0x1be: {  	v4 =	vor.u32 $0x7, v4;
	v18 =	vld [tilespmem:s13+$0x3B80];
	v58 =	vmul.f32 v29, v19;
	v59 =	vmul.f32 v30, v19  }
0x1bf: {  	v20 =	vld [tilespmem:s13+$0x3B90];
	v60 =	vmul.f32 v31, v19;
	v6 =	vadd.f32 $0.0e+00, v6;
	v7 =	vadd.f32 $0.0e+00, v7  }
0x1c0: {  	v22 =	vld [tilespmem:s13+$0x3BC0];
	v19 =	vmul.f32 v32, v19;
	v8 =	vadd.f32 $0.0e+00, v8;
	v9 =	vadd.f32 $0.0e+00, v9  }
0x1c1: {  	v24 =	vld [tilespmem:s13+$0x3BD0];
	v62 =	vmul.f32 v33, v28;
	v11 =	vadd.f32 $0.0e+00, v11;
	v12 =	vadd.f32 $0.0e+00, v12  }
0x1c2: {  	v21 =	vld [tilespmem:s13+$0x3BE0];
	v63 =	vmul.f32 v34, v28;
	v13 =	vadd.f32 $0.0e+00, v13;
	v5 =	vadd.f32 $0.0e+00, v5  }
0x1c3: {  	v23 =	vld [tilespmem:s13+$0x3BF0];
	v42 =	vmul.f32 v35, v28;
	v6 =	vadd.f32 v15, v6;
	v7 =	vadd.f32 v16, v7  }
0x1c4: {  	v17 =	vld.idx.msk [tilespmem:v52+s23+$0x0], $0xffff;
	v45 =	vmul.f32 v36, v28;
	v8 =	vadd.f32 v48, v8;
	v9 =	vadd.f32 v49, v9  }
0x1c5: {  	v26 =	vld [tilespmem:s13+$0x3F80];
	v46 =	vmul.f32 v38, v28;
	v11 =	vadd.f32 v50, v11;
	v12 =	vadd.f32 v51, v12  }
0x1c6: {  	v52 =	vmul.f32 v41, v28;
	v30 =	vld [tilespmem:s13+$0x43D0];
	v13 =	vadd.f32 v53, v13;
	v5 =	vadd.f32 v10, v5  }
0x1c7: {  	v16 =	vld [tilespmem:s13+$0x3BB0];
	v48 =	vmul.f32 v39, v28;
	v6 =	vadd.f32 v54, v6;
	v7 =	vadd.f32 v55, v7  }
0x1c8: {  	v49 =	vld [tilespmem:s13+$0x3FD0];
	v50 =	vmul.f32 v40, v28;
	v8 =	vadd.f32 v56, v8;
	v9 =	vadd.f32 v57, v9  }
0x1c9: {  	v51 =	vld [tilespmem:s13+$0x3FE0];
	v14 =	vmul.f32 v14, v37;
	v10 =	vadd.f32 v58, v11;
	v61 =	vadd.f32 v59, v12  }
0x1ca: {  	v53 =	vld [tilespmem:s13+$0x3FF0];
	v13 =	vadd.f32 v60, v13;
	v18 =	vmul.f32 v18, v37;
	v54 =	vmul.f32 v20, v37  }
0x1cb: {  	v12 =	vld [tilespmem:s13+$0x3F90];
	v5 =	vadd.f32 v19, v5;
	v58 =	vmul.f32 v22, v37;
	v59 =	vmul.f32 v24, v37  }
0x1cc: {  	v19 =	vld [tilespmem:s13+$0x3FA0];
	v21 =	vmul.f32 v21, v37;
	v23 =	vmul.f32 v23, v37;
	v6 =	vadd.f32 v62, v6  }
0x1cd: {  	v55 =	vld.idx.msk [tilespmem:v44+s23+$0x0], $0xffff;
	v34 =	vmul.f32 v43, v17;
	v7 =	vadd.f32 v63, v7;
	v8 =	vadd.f32 v42, v8  }
0x1ce: {  	v56 =	vld [tilespmem:s13+$0x4380];
	v36 =	vmul.f32 v47, v17;
	v9 =	vadd.f32 v45, v9;
	v10 =	vadd.f32 v46, v10  }
0x1cf: {  	v57 =	vld [tilespmem:s13+$0x4390];
	v11 =	vadd.f32 v48, v61;
	v13 =	vadd.f32 v50, v13;
	v62 =	vmul.f32 v26, v17  }
0x1d0: {  	v60 =	vld [tilespmem:s13+$0x43A0];
	v5 =	vadd.f32 v52, v5;
	v16 =	vmul.f32 v16, v37;
	v37 =	vmul.f32 v49, v17  }
0x1d1: {  	v35 =	vld [tilespmem:s13+$0x43E0];
	v39 =	vmul.f32 v51, v17;
	v6 =	vadd.f32 v18, v6;
	v7 =	vadd.f32 v54, v7  }
0x1d2: {  	s28 =	sand.u32 $0x7, s1;
	v38 =	vld [tilespmem:s13+$0x43F0];
	v40 =	vmul.f32 v53, v17;
	v8 =	vadd.f32 v14, v8;
	v10 =	vadd.f32 v58, v10  }
0x1d3: {  	s18 =	sshll.u32 s28, $0x7;
	v61 =	vld [tilespmem:s13+$0x43B0];
	v11 =	vadd.f32 v59, v11;
	v13 =	vadd.f32 v21, v13;
	v12 =	vmul.f32 v12, v17  }
0x1d4: {  	v63 =	vld [tilespmem:s13+$0x43C0];
	s13 =	sadd.s32 s18, s12;
	v5 =	vadd.f32 v23, v5;
	v33 =	vmul.f32 v19, v17;
	v42 =	vmul.f32 v56, v55  }
0x1d5: {  	v4 =	vld.idx.msk [tilespmem:v4+s23+$0x0], $0xffff;
	s18 =	sor.u32 $0x1C00, s13;
	v9 =	vadd.f32 v16, v9;
	v14 =	vmul.f32 v57, v55;
	v44 =	vmul.f32 v60, v55  }
0x1d6: {  	s20 =	sor.u32 $0x1C10, s13;
	v41 =	vld [tilespmem:s18+$0x2B80];
	v49 =	vmul.f32 v30, v55;
	v6 =	vadd.f32 v62, v6;
	v10 =	vadd.f32 v36, v10  }
0x1d7: {  	s28 =	sor.u32 $0x1C20, s13;
	v43 =	vld [tilespmem:s20+$0x2B80];
	v51 =	vmul.f32 v35, v55;
	v11 =	vadd.f32 v37, v11;
	v13 =	vadd.f32 v39, v13  }
0x1d8: {  	v46 =	vld [tilespmem:s28+$0x2B80];
	s20 =	sor.u32 $0x1C30, s13;
	v53 =	vmul.f32 v38, v55;
	v5 =	vadd.f32 v40, v5;
	v7 =	vadd.f32 v12, v7  }
0x1d9: {  	s28 =	sor.u32 $0x1C40, s13;
	v48 =	vld [tilespmem:s20+$0x2B80];
	v8 =	vadd.f32 v33, v8;
	v9 =	vadd.f32 v34, v9;
	v45 =	vmul.f32 v61, v55  }
0x1da: {  	v50 =	vld [tilespmem:s28+$0x2B80];
	s20 =	sor.u32 $0x1C50, s13;
	v47 =	vmul.f32 v63, v55;
	v6 =	vadd.f32 v42, v6;
	v11 =	vadd.f32 v49, v11  }
0x1db: {  	s28 =	sor.u32 $0x1C60, s13;
	v52 =	vld [tilespmem:s20+$0x2B80];
	v13 =	vadd.f32 v51, v13;
	v5 =	vadd.f32 v53, v5;
	v17 =	vmul.f32 v41, v4  }
0x1dc: {  	s13 =	sor.u32 $0x1C70, s13;
	v54 =	vld [tilespmem:s28+$0x2B80];
	v7 =	vadd.f32 v14, v7;
	v8 =	vadd.f32 v44, v8;
	v18 =	vmul.f32 v43, v4  }
0x1dd: {  	v56 =	vld [tilespmem:s13+$0x2B80];
	v9 =	vadd.f32 v45, v9;
	v55 =	vmul.f32 v46, v4;
	v6 =	vadd.f32 v17, v6  }
0x1de: {  	v10 =	vadd.f32 v47, v10;
	v57 =	vmul.f32 v48, v4;
	v7 =	vadd.f32 v18, v7  }
0x1df: {  	v58 =	vmul.f32 v50, v4;
	v8 =	vadd.f32 v55, v8;
	v6 =	vmul.f32 v3, v6  }
0x1e0: {  	v59 =	vmul.f32 v52, v4;
	v9 =	vadd.f32 v57, v9;
	v7 =	vmul.f32 v3, v7  }
0x1e1: {  	v60 =	vmul.f32 v54, v4;
	v10 =	vadd.f32 v58, v10;
	v8 =	vmul.f32 v3, v8;
	[tilespmem:s8+$0xFFFFFFC0] =	vst v6  }
0x1e2: {  	v4 =	vmul.f32 v56, v4;
	v11 =	vadd.f32 v59, v11;
	v61 =	vmul.f32 v3, v9;
	[tilespmem:s8+$0xFFFFFFD0] =	vst v7  }
0x1e3: {  	p0 =	sne.s32 s17, $0x1F;
	v62 =	vmul.f32 v3, v10;
	v6 =	vadd.f32 v60, v13;
	[tilespmem:s8+$0xFFFFFFE0] =	vst v8  }
.Ltmp3:
0x1e4: {  	v4 =	vadd.f32 v4, v5;
	v63 =	vmul.f32 v3, v11;
	[tilespmem:s8+$0xFFFFFFF0] =	vst v61;
	(pc) =	sbr.rel @p0 .LBB2_8-.Ltmp3, $4  }
0x1e5: {  	[tilespmem:s8+$0x0] =	vst v62;
	v6 =	vmul.f32 v3, v6  }
0x1e6: {  	[tilespmem:s8+$0x10] =	vst v63;
	v3 =	vmul.f32 v3, v4  }
0x1e7: {  	s1 =	sadd.s32 $0x1, s1;
	s7 =	sadd.s32 $0x80, s7;
	[tilespmem:s8+$0x20] =	vst v6  }
0x1e8: {  	s17 =	sadd.s32 $0x1, s17;
	s12 =	sadd.s32 $0x400, s12;
	[tilespmem:s8+$0x30] =	vst v3;
	s8 =	sadd.s32 $0x80, s8  }
0x1e9: {  	_ =	swait.ge [sflag:s25], $0x20  }
0x1ea: {  	[sflag:s25] =	ssyncset.done $0x0  }
0x1eb: {  	s1 =	simm.s32 $0x12B80;
	[sflag:s25] =	ssyncadd.s32 $0xFFFFFFE0  }
0x1ec: {  	[spmem:s2] =	stream.indirect.scatter.add.f32 [tilespmem:s1], [sflag:$0x5], $0x80, s21, s26, $0xb8;
	[tilespmem:$0x1ED80] =	vst v63  }
0x1ed: {  	_ =	swait.ge [sflag:s19], $0x1000  }
0x1ee: {  	[sflag:s19] =	ssyncset.done $0x0  }
0x1ef: {  	[sflag:s19] =	ssyncadd.s32 $0xFFFFF000;
	s19 =	simm.s32 $0x6  }
0x1f0: {  	_ =	swait.ge [sflag:s19], $0x1000  }
0x1f1: {  	[sflag:s19] =	ssyncset.done $0x0  }
0x1f2: {  	[sflag:s19] =	ssyncadd.s32 $0xFFFFF000  }
0x1f3: {  	_ =	swait.ge [sflag:s31], $0x100  }
0x1f4: {  	[sflag:s31] =	ssyncset.done $0x0  }
0x1f5: {  	[sflag:s31] =	ssyncadd.s32 $0xFFFFFF00  }
0x1f6: {  	[bflag:$0x0] =	sbarrier.arrive $0xFFFF  }
0x1f7: {  	s12 =	rddreg [dreg:$0x6]  }
0x1f8: {  	s20 =	rddreg [dreg:$0xb]  }
0x1f9: {  	s8 =	simm.s32 $0x9;
	s7 =	rddreg [dreg:$0xd]  }
0x1fa: {  	[hbm:s20], [sflag:s12] =	dma.local [spmem:s7], $0x1400  }
0x1fb: {  	_ =	swait.ge [sflag:s8], $0x1400  }
0x1fc: {  	s13 =	rddreg [dreg:$0xe]  }
0x1fd: {  	s28 =	rddreg [dreg:$0xc];
	s13 =	sadd.s32 $0x1, s13  }
0x1fe: {  	p0 =	sne.s32 s13, s28  }
.Ltmp4:
0x1ff: {  	_ = 	snop;
	(pc) =	sbr.rel @p0 .LBB2_1-.Ltmp4, $3  }
0x200: {  	_ =	sdelay $0x1  }
0x201: {  	[sflag:s8] =	ssyncset.done $0x0  }
0x202: {  	[sflag:s8] =	ssyncadd.s32 $0xFFFFEC00  }
0x203: {  	_ =	sfence.sel $0x180000  }
0x204: {  	[bflag:$0x0] =	sbarrier.arrive $0xFFFF  }
0x205: {  	_ =	strace $0x9000004A  }
0x206: {  	s0 =	stileid.u32;
	[bflag:$0x2] =	sbarrier.arrive $0xFFFF  }
0x207: {  	p0 =	sne.s32 s0, $0x0;
	s0 =	rddreg [dreg:$0x3]  }
0x208: {  	s0 =	sadd.s32 @!p0 $0x100000, s0  }
0x209: {  	[sflag:s0] =	ssyncadd.tile.s32 @!p0 $0x1;
	_ =	shalt  }
.Lfunc_end2:
_tile_overlayer_lowered:
.L_overlay_start_2:
0x20a: {  	(tag) =	ssettag $0x2  }
0x20b: {  	s0 =	rddreg [dreg:$0x0];
	s2 =	stileid.u32  }
0x20c: {  	s1 =	rddreg [dreg:$0x1];
	p0 =	sne.s32 s2, $0x0  }
0x20d: {  	s3 =	rddreg [dreg:$0x2];
	[bflag:$0x3] =	sbarrier.arrive $0xFFFF;
	s2 =	simm.s32 @!p0 $0x1C09  }
0x20e: {  	[timem:s3], [sflag:s2] =	dma.local @!p0 [hbm:s0], s1  }
0x20f: {  	s0 =	simm.s32 @!p0 $0x9  }
0x210: {  	_ =	swait.ge @!p0 [sflag:s0], s1  }
0x211: {  	s1 =	ssub.s32 @!p0 $0x0, s1;
	[sflag:s0] =	ssyncset.done @!p0 $0x0  }
0x212: {  	[sflag:s0] =	ssyncadd.s32 @!p0 s1  }
0x213: {  	[bflag:$0x3] =	sbarrier.arrive $0xFFFF  }
0x214: {  	_ =	shalt  }

// kernel: kernel.14.cloned.1.call-start
scs
__scs_entry_jumppad:
0x0: {  	(pc) =	sbr.rel $0x88, $3  }
0x1: {  	(tag) =	ssettag $0x0;
	lr =	simm.s32 $0x1  }
0x2: {  	[smem:$0x3F91] =	sst lr;
	_ =	strace $0xD0000000  }
0x3: {  	_ = 	snop  }
0x4: {  	_ = 	snop  }
0x5: {  	_ = 	snop  }
0x6: {  	_ = 	snop  }
0x7: {  	_ = 	snop  }
__scs_overlays_trampoline_lowered:
0x8: {  	[smem:$0x3FA0] =	sst s0  }
0x9: {  	[smem:$0x3FA1] =	sst s1  }
0xa: {  	[smem:$0x3FA2] =	sst s2  }
0xb: {  	[smem:$0x3FA3] =	sst s3  }
0xc: {  	[smem:$0x3FA4] =	sst s4  }
0xd: {  	[smem:$0x3FA5] =	sst s5  }
0xe: {  	[smem:$0x3FA6] =	sst s6  }
0xf: {  	[smem:$0x3FA7] =	sst s7  }
0x10: {  	[smem:$0x3FA8] =	sst s8  }
0x11: {  	[smem:$0x3FA9] =	sst s9;
	s0 =	simm.s32 @!p0 $0x0  }
0x12: {  	s1 =	sld [smem:$0x3F8F];
	s0 =	simm.s32 @p0 $0x1  }
0x13: {  	[smem:$0x3FAA] =	sst s0;
	s0 =	simm.s32 @!p1 $0x0  }
0x14: {  	s2 =	sld [smem:$0x3F8E];
	s0 =	simm.s32 @p1 $0x1  }
0x15: {  	[smem:$0x3FAB] =	sst s0;
	s0 =	simm.s32 @!p2 $0x0  }
0x16: {  	s3 =	sld [smem:$0x3FDB];
	s0 =	simm.s32 @p2 $0x1  }
0x17: {  	s4 =	simm.s32 $0x1BF5;
	[smem:$0x3FAD] =	sst s0  }
0x18: {  	s0 =	sld [smem:$0x3F90];
	_ =	swait.ge [sflag:s4], $0x0  }
0x19: {  	s7 =	sld [smem:$0x3F91]  }
0x1a: {  	s8 =	sadd.s32 $0xFFFFE003, lr  }
0x1b: {  	s9 =	sadd.s32 $0xFFFFFEF7, lr;
	s5 =	simm.s32 $0xFFFFFFFF;
	p2 =	slt.u32 s8, $0xFFFFF086  }
0x1c: {  	p1 =	slt.u32 s9, $0xF7A;
	s5 =	simm.s32 @!p2 $0x0  }
0x1d: {  	s5 =	simm.s32 @p1 $0x1;
	p0 =	seq.s32 s7, s2  }
0x1e: {  	s7 =	smul.u32 @!p0 $0xF7A, s2;
	p2 =	seq.s32 @!p0 s5, $0x0  }
0x1f: {  	s9 =	smul.u32 $0xF7A, s1;
	s8 =	simm.s32 @!p0 $0x1BF5;
	p2 =	por !p2, p0  }
0x20: {  	[sflag:s8] =	ssyncset.s32 @!p0 $0xFFFFF086;
	s6 =	sadd.s32 @!p0 s3, s7;
	s7 =	simm.s32 @!p0 $0x108  }
0x21: {  	s3 =	sadd.s32 s3, s9;
	s6 =	sadd.s32 @!p0 $0x88, s6;
	s7 =	simm.s32 @p2 $0x1082  }
0x22: {  	[simem:s7], [sflag:s8] =	dma.local @!p0 [hbm:s6], $0xF7A  }
0x23: {  	s9 =	sor.u32 $0xD0000000, s2;
	s6 =	simm.s32 $0x108;
	_ =	swait.ge @!p0 [sflag:s8], $0x0  }
0x24: {  	s3 =	sadd.s32 $0x88, s3;
	s6 =	simm.s32 @!p1 $0x1082;
	[sflag:s4] =	ssyncset.s32 $0xFFFFF086  }
0x25: {  	[simem:s6], [sflag:s4] =	dma.local [hbm:s3], $0xF7A  }
0x26: {  	[smem:$0x3F91] =	sst s1;
	(tag) =	ssettag s2;
	_ =	strace s9  }
0x27: {  	s1 =	sld [smem:$0x3FA1]  }
0x28: {  	s2 =	sld [smem:$0x3FA2]  }
0x29: {  	s4 =	sld [smem:$0x3FA4]  }
0x2a: {  	p0 =	seq.s32 s5, $0x0;
	s5 =	sld [smem:$0x3FA5]  }
0x2b: {  	s6 =	sld [smem:$0x3FA6]  }
0x2c: {  	s7 =	sld [smem:$0x3FA7]  }
0x2d: {  	s3 =	simm.s32 $0x108;
	s8 =	sld [smem:$0x3FA8]  }
0x2e: {  	s3 =	simm.s32 @!p0 $0x1082;
	s9 =	sld [smem:$0x3FA9]  }
0x2f: {  	lr =	sadd.s32 s0, s3;
	s0 =	sld [smem:$0x3FA0]  }
0x30: {  	s3 =	sld [smem:$0x3FA3]  }
0x31: {  	[smem:$0x3FAC] =	sst s10  }
0x32: {  	s10 =	sld [smem:$0x3FAA];
	_ =	sdelay $0x3  }
0x33: {  	p0 =	seq.s32 s10, $0x1;
	s10 =	sld [smem:$0x3FAC];
	_ =	sdelay $0x3  }
0x34: {  	[smem:$0x3FAC] =	sst s10  }
0x35: {  	s10 =	sld [smem:$0x3FAB];
	_ =	sdelay $0x3  }
0x36: {  	p1 =	seq.s32 s10, $0x1;
	s10 =	sld [smem:$0x3FAC];
	_ =	sdelay $0x3  }
0x37: {  	[smem:$0x3FAC] =	sst s10  }
0x38: {  	s10 =	sld [smem:$0x3FAD]  }
0x39: {  	_ = 	snop;
	(pc) =	sbr.ind lr, $3  }
0x3a: {  	_ = 	snop  }
0x3b: {  	_ = 	snop  }
0x3c: {  	p2 =	seq.s32 s10, $0x1;
	s10 =	sld [smem:$0x3FAC]  }
0x3d: {  	_ =	shalt  }
0x3e: {  	_ =	shalt  }
0x3f: {  	_ =	shalt  }
0x40: {  	_ =	shalt  }
0x41: {  	_ =	shalt  }
0x42: {  	_ =	shalt  }
0x43: {  	_ =	shalt  }
0x44: {  	_ =	shalt  }
0x45: {  	_ =	shalt  }
0x46: {  	_ =	shalt  }
0x47: {  	_ =	shalt  }
0x48: {  	_ =	shalt  }
0x49: {  	_ =	shalt  }
0x4a: {  	_ =	shalt  }
0x4b: {  	_ =	shalt  }
0x4c: {  	_ =	shalt  }
0x4d: {  	_ =	shalt  }
0x4e: {  	_ =	shalt  }
0x4f: {  	_ =	shalt  }
0x50: {  	_ =	shalt  }
0x51: {  	_ =	shalt  }
0x52: {  	_ =	shalt  }
0x53: {  	_ =	shalt  }
0x54: {  	_ =	shalt  }
0x55: {  	_ =	shalt  }
0x56: {  	_ =	shalt  }
0x57: {  	_ =	shalt  }
0x58: {  	_ =	shalt  }
0x59: {  	_ =	shalt  }
0x5a: {  	_ =	shalt  }
0x5b: {  	_ =	shalt  }
0x5c: {  	_ =	shalt  }
0x5d: {  	_ =	shalt  }
0x5e: {  	_ =	shalt  }
0x5f: {  	_ =	shalt  }
0x60: {  	_ =	shalt  }
0x61: {  	_ =	shalt  }
0x62: {  	_ =	shalt  }
0x63: {  	_ =	shalt  }
0x64: {  	_ =	shalt  }
0x65: {  	_ =	shalt  }
0x66: {  	_ =	shalt  }
0x67: {  	_ =	shalt  }
0x68: {  	_ =	shalt  }
0x69: {  	_ =	shalt  }
0x6a: {  	_ =	shalt  }
0x6b: {  	_ =	shalt  }
0x6c: {  	_ =	shalt  }
0x6d: {  	_ =	shalt  }
0x6e: {  	_ =	shalt  }
0x6f: {  	_ =	shalt  }
0x70: {  	_ =	shalt  }
0x71: {  	_ =	shalt  }
0x72: {  	_ =	shalt  }
0x73: {  	_ =	shalt  }
0x74: {  	_ =	shalt  }
0x75: {  	_ =	shalt  }
0x76: {  	_ =	shalt  }
0x77: {  	_ =	shalt  }
0x78: {  	_ =	shalt  }
0x79: {  	_ =	shalt  }
0x7a: {  	_ =	shalt  }
0x7b: {  	_ =	shalt  }
0x7c: {  	_ =	shalt  }
0x7d: {  	_ =	shalt  }
0x7e: {  	_ =	shalt  }
0x7f: {  	_ =	shalt  }
0x80: {  	_ =	shalt  }
0x81: {  	_ =	shalt  }
0x82: {  	_ =	shalt  }
0x83: {  	_ =	shalt  }
0x84: {  	_ =	shalt  }
0x85: {  	_ =	shalt  }
0x86: {  	_ =	shalt  }
0x87: {  	_ =	shalt  }
.Lfunc_end0:
.L_simem_size_0:
called_computation.2_lowered:
.L_overlay_start_0:
0x88: {  	s2 =	sld [smem:$0x3FD9]  }
0x89: {  	s3 =	sld [smem:$0x3FFE];
	_ =	sdelay $0x1  }
0x8a: {  	s1 =	srdreg.scid  }
0x8b: {  	s0 =	sand.u32 $0x1, s1  }
0x8c: {  	s17 =	sshll.u32 s0, $0xA;
	s2 =	sadd.s32 s3, s2  }
0x8d: {  	s2 =	sadd.s32 s2, s17  }
0x8e: {  	[smem:$0x3FB8] =	sst s2  }
0x8f: {  	_ = 	snop  }
0x90: {  	s2 =	sld [smem:$0x3FD0];
	(tm) =	ssettm $0x1  }
0x91: {  	s18 =	sld [smem:$0x3FFB];
	_ =	sdelay $0x3  }
0x92: {  	_ =	strace s18  }
0x93: {  	s3 =	sld [smem:$0x3FFC];
	_ =	sdelay $0x3  }
0x94: {  	_ =	strace s3  }
0x95: {  	s3 =	sld [smem:$0x3FFD];
	_ =	sdelay $0x3  }
0x96: {  	_ =	strace s3  }
0x97: {  	_ =	strace $0x8FFFFFFF  }
0x98: {  	s19 =	sld [smem:$0x3FDB];
	_ =	sdelay $0x1  }
0x99: {  	s4 =	simm.s32 $_scs_section_size  }
0x9a: {  	s5 =	simm.s32 $_size__tile_overlayer_lowered;
	s6 =	simm.s32 $_tile_overlayer_lowered  }
0x9b: {  	s22 =	simm.s32 $0x1BFF;
	s21 =	sshll.u32 s6, $0x1;
	s3 =	sadd.s32 s4, s19  }
0x9c: {  	s7 =	simm.s32 $0x0;
	s20 =	sshll.u32 s5, $0x1;
	s5 =	sadd.s32 s21, s3  }
0x9d: {  	[timem:s7], [sflag:s22] =	dma.local [hbm:s5], s20  }
0x9e: {  	_ =	swait.ge [sflag:s22], s20  }
0x9f: {  	s4 =	ssub.s32 $0x0, s20;
	[sflag:s22] =	ssyncset.done $0x0  }
0xa0: {  	[sflag:s22] =	ssyncadd.s32 s4;
	_ =	sdelay $0x1  }
0xa1: {  	s23 =	simm.s32 $0x1B8B  }
0xa2: {  	_ =	swait.ge [sflag:s23], $0x1  }
0xa3: {  	[sflag:s23] =	ssyncset.done $0x0  }
0xa4: {  	s25 =	simm.s32 $0x1B8E;
	s24 =	sld [smem:$0x3FFE];
	[sflag:s23] =	ssyncadd.s32 $0xFFFFFFFF  }
0xa5: {  	s26 =	simm.s32 $execute0_lowered;
	[smem:$0x3FD2] =	sst s25  }
0xa6: {  	s5 =	sshll.u32 s26, $0x1;
	_ =	strace $0x8000004C;
	[dreg:$0x1] =	wrdreg $0xFFFFFFFF  }
0xa7: {  	s28 =	simm.s32 $_size_execute0_lowered;
	s3 =	sadd.s32 s3, s5;
	[dreg:$0x0] =	wrdreg $0x0  }
0xa8: {  	s5 =	sshll.u32 s28, $0x1;
	[dreg:$0x2] =	wrdreg s3  }
0xa9: {  	[dreg:$0x3] =	wrdreg s5  }
0xaa: {  	[dreg:$0x4] =	wrdreg $0xC0  }
0xab: {  	_ =	task [dreg:s7], $0x5FFFF  }
0xac: {  	[dreg:$0x1] =	wrdreg $0xFFFFFFFF  }
0xad: {  	[dreg:$0x0] =	wrdreg $0x60  }
0xae: {  	[dreg:$0x2] =	wrdreg s24  }
0xaf: {  	[dreg:$0x3] =	wrdreg s2  }
0xb0: {  	[dreg:$0x4] =	wrdreg $0x13A000  }
0xb1: {  	[dreg:$0x5] =	wrdreg $0x9  }
0xb2: {  	_ =	task.clear_ibuf [dreg:s7], $0x6FFFF;
	_ =	strace $0x9000004C  }
0xb3: {  	s29 =	simm.s32 $0x9;
	_ =	strace $0x8000004E  }
0xb4: {  	_ =	swait.ge [sflag:s29], $0x1  }
0xb5: {  	[sflag:s29] =	ssyncadd.s32 $0xFFFFFFFF  }
0xb6: {  	_ =	strace $0x9000004E  }
0xb7: {  	_ =	sfence  }
0xb8: {  	s30 =	sld [smem:$0x0];
	_ =	sdelay $0x2  }
0xb9: {  	s31 =	sshll.u32 s1, $0xD;
	s1 =	sshrl.u32 s1, $0x2  }
0xba: {  	s3 =	sand.u32 $0x4000, s31;
	s1 =	sadd.s32 s1, s30  }
0xbb: {  	s0 =	sor.u32 s3, s0;
	s1 =	sshll.u32 s1, $0x11  }
0xbc: {  	s0 =	sor.u32 s1, s0  }
0xbd: {  	s0 =	sadd.s32 $0x8F2B, s0  }
0xbe: {  	[sflag:s0] =	ssyncadd.remote.s32 $0x1  }
0xbf: {  	_ =	sfence.sel $0xFFFF  }
0xc0: {  	[dreg:$0x0] =	wrdreg $0xFFFFFFFF;
	(pc) =	sbr.abs _section_cstart, $3  }
0xc1: {  	[dreg:$0x1] =	wrdreg $0xFFFFFFFF  }
0xc2: {  	_ =	task.clear_ibuf [dreg:s7], $0x2FFFF;
	_ =	strace $0x9FFFFFFF  }
0xc3: {  	(tm) =	ssettm $0x7FFFFFFF  }
tec
execute0_lowered:
.L_overlay_start_1:
0x0: {  	(tag) =	ssettag $0x1  }
0x1: {  	s0 =	srdreg.scid;
	s1 =	rddreg [dreg:$0x0]  }
0x2: {  	s15 =	stileid.u32;
	s3 =	rddreg [dreg:$0x2]  }
0x3: {  	s4 =	simm.s32 $0x0;
	s29 =	simm.s32 $0x2;
	s30 =	simm.s32 $0x1680  }
0x4: {  	s31 =	simm.s32 $0x8;
	s0 =	sand.u32 $0x1, s0;
	[smem:$0x7FF] =	sst s4  }
0x5: {  	s9 =	smul.u32 $0xA00, s15;
	s6 =	sadd.s32 $0xD400, s1;
	s7 =	sadd.s32 $0x8200, s1  }
0x6: {  	s8 =	sadd.s32 $0x1E3000, s1;
	s20 =	smul.u32 $0x14000, s15;
	s13 =	sadd.s32 $0xD200, s1  }
0x7: {  	s23 =	sshll.u32 s15, $0x6;
	s16 =	sadd.s32 $0xD700, s1;
	s2 =	sshll.u32 s0, $0x4  }
0x8: {  	_ =	strace $0x8000004D;
	s10 =	smul.u32 $0xA000, s0;
	[dreg:$0x4] =	wrdreg s13  }
0x9: {  	s0 =	ssub.s32 $0x2, s0;
	s13 =	sor.u32 $0x1C09, s23;
	s23 =	simm.s32 $0x13800  }
0xa: {  	s2 =	sor.u32 s15, s2;
	s21 =	sshrl.u32 s0, $0x1;
	s14 =	sshrl.u32 s20, $0x2  }
0xb: {  	s15 =	sadd.s32 $0xD600, s1;
	[dreg:$0x5] =	wrdreg s13;
	s5 =	smul.u32 $0x13A0, s2  }
0xc: {  	s9 =	sadd.s32 s9, s10;
	s10 =	smul.u32 $0x9D00, s2;
	s0 =	ssub.s32 s0, s21  }
0xd: {  	s22 =	sadd.s32 s14, s3;
	s14 =	sadd.s32 $0xD500, s1;
	s21 =	simm.s32 $0x1600  }
0xe: {  	s9 =	sadd.s32 s9, s1;
	s0 =	smax.u32 s0, $0x1;
	s2 =	sshrl.u32 s22, $0x3  }
0xf: {  	s22 =	simm.s32 $0x1500;
	s11 =	sshrl.u32 s5, $0x3;
	s24 =	sshrl.u32 s10, $0x3  }
0x10: {  	s28 =	sadd.s32 $0xA9800, s9;
	[dreg:$0xb] =	wrdreg s0;
	s9 =	simm.s32 $0x9  }
0x11: {  	[dreg:$0xc] =	wrdreg s2;
	s12 =	sadd.s32 s11, s1;
	s11 =	sadd.s32 s7, s11  }
0x12: {  	[dreg:$0xa] =	wrdreg s28;
	s1 =	simm.s32 $0x4;
	s12 =	sadd.s32 $0x3200, s12  }
0x13: {  	s25 =	sadd.s32 $0x270, s11;
	s11 =	simm.s32 $0x1;
	[dreg:$0x6] =	wrdreg s12  }
0x14: {  	v2 =	vlaneseq.u32;
	s12 =	sadd.s32 s8, s24;
	[dreg:$0x8] =	wrdreg s25;
	s24 =	simm.s32 $0x1400  }
0x15: {  	vm0 =	vmmov $0xffff;
	v1 =	vshrl.u32 v2, $0x3;
	s25 =	simm.s32 $0x3;
	[dreg:$0x7] =	wrdreg s12;
	s26 =	sadd.s32 $0x1380, s12  }
0x16: {  	v0 =	vand.u32 $0x7, v2;
	v2 =	vor.u32 $0x8, v2;
	v1 =	vmul.u32 $0x8, v1;
	s12 =	simm.s32 $0x0;
	[dreg:$0x9] =	wrdreg s26;
	s26 =	simm.s32 $0x20  }
.LBB2_1:
0x17: {  	[dreg:$0xd] =	wrdreg s12  }
0x18: {  	s0 =	rddreg [dreg:$0x1]  }
0x19: {  	[spmem:s2], [sflag:s13] =	dma.local [hbm:s0], $0xA00  }
0x1a: {  	_ =	swait.ge [sflag:s9], $0xA00  }
0x1b: {  	[sflag:s9] =	ssyncset.done $0x0  }
0x1c: {  	s20 =	rddreg [dreg:$0x4];
	[sflag:s9] =	ssyncadd.s32 $0xFFFFF600  }
0x1d: {  	[tilespmem:s23], [sflag:$0x9] =	stream.linear.gather [hbm4b:s20+s4], $0x200, $0x38;
	[tilespmem:$0x18A00] =	vst v63  }
0x1e: {  	_ =	swait.ge [sflag:s9], $0x200  }
0x1f: {  	[sflag:s9] =	ssyncset.done $0x0  }
0x20: {  	s28 =	rddreg [dreg:$0x6];
	[sflag:s9] =	ssyncadd.s32 $0xFFFFFE00  }
0x21: {  	[tilespmem:s4], [sflag:$0x9] =	stream.linear.gather [hbm4b:s28+s4], $0x13A0, $0x38;
	[tilespmem:$0x18A00] =	vst v63  }
0x22: {  	_ =	swait.ge [sflag:s9], $0x13A0  }
0x23: {  	[sflag:s9] =	ssyncset.done $0x0  }
0x24: {  	s2 =	rddreg [dreg:$0x7];
	[sflag:s9] =	ssyncadd.s32 $0xFFFFEC60  }
0x25: {  	[tilespmem:s24], [sflag:$0x9] =	stream.linear.gather [hbm4b:s2+s4], $0x100, $0x38;
	[tilespmem:$0x18A00] =	vst v63  }
0x26: {  	_ =	swait.ge [sflag:s9], $0x100  }
0x27: {  	[sflag:s9] =	ssyncset.done $0x0  }
0x28: {  	[sflag:s9] =	ssyncadd.s32 $0xFFFFFF00  }
0x29: {  	[bflag:$0x0] =	sbarrier.arrive $0xFFFF  }
0x2a: {  	v3 =	vld [tilespmem:$0x0];
	_ =	sdelay $0x4  }
0x2b: {  	v4 =	vshll.u32 v3, $0x3  }
0x2c: {  	v5 =	vand.u32 $0x7, v3;
	v4 =	vand.u32 $0xFFFFFFC0, v4  }
0x2d: {  	v4 =	vor.u32 v5, v4  }
0x2e: {  	v5 =	vperm.xlane v4, v0  }
0x2f: {  	v6 =	vld [tilespmem:$0x10]  }
0x30: {  	v5 =	vadd.s32 v1, v5;
	_ =	sdelay $0x2  }
0x31: {  	[tilespmem:$0x1700] =	vst v3  }
0x32: {  	s12 =	simm.s32 $0x1800;
	[tilespmem:$0x1710] =	vst v6  }
0x33: {  	[tilespmem:s12], [sflag:$0x1] =	stream.indirect_vreg.gather [hbm4b:s6+s4], $0x80, v5, vm0, $0xb8;
	[tilespmem:$0x18A00] =	vst v63  }
0x34: {  	s13 =	simm.s32 $0x2000;
	v3 =	vperm.xlane v4, v2  }
0x35: {  	[tilespmem:s13], [sflag:$0x1] =	stream.indirect_vreg.gather [hbm4b:s14+s4], $0x80, v5, vm0, $0xb8;
	[tilespmem:$0x18A00] =	vst v63  }
0x36: {  	s17 =	simm.s32 $0x2800;
	v3 =	vadd.s32 v1, v3  }
0x37: {  	[tilespmem:s17], [sflag:$0x1] =	stream.indirect_vreg.gather [hbm4b:s15+s4], $0x80, v5, vm0, $0xb8;
	[tilespmem:$0x18A00] =	vst v63  }
0x38: {  	s18 =	simm.s32 $0x3000  }
0x39: {  	[tilespmem:s18], [sflag:$0x1] =	stream.indirect_vreg.gather [hbm4b:s16+s4], $0x80, v5, vm0, $0xb8;
	[tilespmem:$0x18A00] =	vst v63  }
0x3a: {  	s19 =	simm.s32 $0x3800  }
0x3b: {  	[tilespmem:s19], [sflag:$0x1] =	stream.indirect_vreg.gather [hbm4b:s6+s4], $0x80, v3, vm0, $0xb8;
	[tilespmem:$0x18A00] =	vst v63  }
0x3c: {  	s20 =	simm.s32 $0x4000  }
0x3d: {  	[tilespmem:s20], [sflag:$0x1] =	stream.indirect_vreg.gather [hbm4b:s14+s4], $0x80, v3, vm0, $0xb8;
	[tilespmem:$0x18A00] =	vst v63  }
0x3e: {  	s28 =	simm.s32 $0x4800  }
0x3f: {  	[tilespmem:s28], [sflag:$0x1] =	stream.indirect_vreg.gather [hbm4b:s15+s4], $0x80, v3, vm0, $0xb8;
	[tilespmem:$0x18A00] =	vst v63  }
0x40: {  	s2 =	simm.s32 $0x5000  }
0x41: {  	[tilespmem:s2], [sflag:$0x1] =	stream.indirect_vreg.gather [hbm4b:s16+s4], $0x80, v3, vm0, $0xb8;
	[tilespmem:$0x18A00] =	vst v63  }
0x42: {  	v3 =	vld [tilespmem:$0x1710];
	_ =	sdelay $0x4  }
0x43: {  	v63 =	vshll.u32 v3, $0x3  }
0x44: {  	v3 =	vand.u32 $0x7, v3;
	v4 =	vand.u32 $0xFFFFFFC0, v63  }
0x45: {  	v3 =	vor.u32 v3, v4  }
0x46: {  	v4 =	vperm.xlane v3, v0;
	_ =	sdelay $0x1  }
0x47: {  	v4 =	vadd.s32 v1, v4;
	_ =	sdelay $0x3  }
0x48: {  	s9 =	simm.s32 $0x5800  }
0x49: {  	[tilespmem:s9], [sflag:$0x1] =	stream.indirect_vreg.gather [hbm4b:s6+s4], $0x80, v4, vm0, $0xb8;
	[tilespmem:$0x18A00] =	vst v63  }
0x4a: {  	s12 =	simm.s32 $0x6000;
	v3 =	vperm.xlane v3, v2  }
0x4b: {  	[tilespmem:s12], [sflag:$0x1] =	stream.indirect_vreg.gather [hbm4b:s14+s4], $0x80, v4, vm0, $0xb8;
	[tilespmem:$0x18A00] =	vst v63  }
0x4c: {  	s13 =	simm.s32 $0x6800;
	v3 =	vadd.s32 v1, v3  }
0x4d: {  	[tilespmem:s13], [sflag:$0x1] =	stream.indirect_vreg.gather [hbm4b:s15+s4], $0x80, v4, vm0, $0xb8;
	[tilespmem:$0x18A00] =	vst v63  }
0x4e: {  	s17 =	simm.s32 $0x7000  }
0x4f: {  	[tilespmem:s17], [sflag:$0x1] =	stream.indirect_vreg.gather [hbm4b:s16+s4], $0x80, v4, vm0, $0xb8;
	[tilespmem:$0x18A00] =	vst v63  }
0x50: {  	s18 =	simm.s32 $0x7800  }
0x51: {  	[tilespmem:s18], [sflag:$0x1] =	stream.indirect_vreg.gather [hbm4b:s6+s4], $0x80, v3, vm0, $0xb8;
	[tilespmem:$0x18A00] =	vst v63  }
0x52: {  	s19 =	simm.s32 $0x8000  }
0x53: {  	[tilespmem:s19], [sflag:$0x1] =	stream.indirect_vreg.gather [hbm4b:s14+s4], $0x80, v3, vm0, $0xb8;
	[tilespmem:$0x18A00] =	vst v63  }
0x54: {  	s20 =	simm.s32 $0x8800  }
0x55: {  	[tilespmem:s20], [sflag:$0x1] =	stream.indirect_vreg.gather [hbm4b:s15+s4], $0x80, v3, vm0, $0xb8;
	[tilespmem:$0x18A00] =	vst v63  }
0x56: {  	s28 =	simm.s32 $0x9000;
	s2 =	simm.s32 $0x0  }
0x57: {  	[tilespmem:s28], [sflag:$0x1] =	stream.indirect_vreg.gather [hbm4b:s16+s4], $0x80, v3, vm0, $0xb8;
	[tilespmem:$0x18A00] =	vst v63  }
.LBB2_2:
0x58: {  	_ =	swait.ge [sflag:s11], $0x8000  }
0x59: {  	s0 =	sshllo.u32 s2, $0x1;
	[sflag:s11] =	ssyncset.done $0x0  }
0x5a: {  	s9 =	sshll.u32 s0, $0x5;
	[sflag:s11] =	ssyncadd.s32 $0xFFFF8000  }
0x5b: {  	v3 =	vld [tilespmem:s9+$0x0];
	_ =	sdelay $0x4  }
0x5c: {  	v4 =	vshll.u32 v3, $0x3  }
0x5d: {  	v5 =	vand.u32 $0x7, v3;
	v4 =	vand.u32 $0xFFFFFFC0, v4  }
0x5e: {  	v4 =	vor.u32 v5, v4  }
0x5f: {  	[tilespmem:$0x1780] =	vst v3;
	v3 =	vperm.xlane v4, v0  }
0x60: {  	v62 =	vld [tilespmem:s9+$0x10]  }
0x61: {  	v3 =	vadd.s32 v1, v3;
	_ =	sdelay $0x3  }
0x62: {  	s12 =	simm.s32 $0x9800;
	[tilespmem:$0x1790] =	vst v62  }
0x63: {  	[tilespmem:s12], [sflag:$0x2] =	stream.indirect_vreg.gather [hbm4b:s6+s4], $0x80, v3, vm0, $0xb8;
	[tilespmem:$0x18A00] =	vst v63  }
0x64: {  	s18 =	simm.s32 $0xA000;
	v4 =	vperm.xlane v4, v2  }
0x65: {  	[tilespmem:s18], [sflag:$0x2] =	stream.indirect_vreg.gather [hbm4b:s14+s4], $0x80, v3, vm0, $0xb8;
	[tilespmem:$0x18A00] =	vst v63  }
0x66: {  	s19 =	simm.s32 $0xA800;
	v4 =	vadd.s32 v1, v4  }
0x67: {  	[tilespmem:s19], [sflag:$0x2] =	stream.indirect_vreg.gather [hbm4b:s15+s4], $0x80, v3, vm0, $0xb8;
	[tilespmem:$0x18A00] =	vst v63  }
0x68: {  	s20 =	simm.s32 $0xB000  }
0x69: {  	[tilespmem:s20], [sflag:$0x2] =	stream.indirect_vreg.gather [hbm4b:s16+s4], $0x80, v3, vm0, $0xb8;
	[tilespmem:$0x18A00] =	vst v63  }
0x6a: {  	s28 =	simm.s32 $0xB800  }
0x6b: {  	[tilespmem:s28], [sflag:$0x2] =	stream.indirect_vreg.gather [hbm4b:s6+s4], $0x80, v4, vm0, $0xb8;
	[tilespmem:$0x18A00] =	vst v63  }
0x6c: {  	s13 =	simm.s32 $0xC000  }
0x6d: {  	[tilespmem:s13], [sflag:$0x2] =	stream.indirect_vreg.gather [hbm4b:s14+s4], $0x80, v4, vm0, $0xb8;
	[tilespmem:$0x18A00] =	vst v63  }
0x6e: {  	s17 =	simm.s32 $0xC800  }
0x6f: {  	[tilespmem:s17], [sflag:$0x2] =	stream.indirect_vreg.gather [hbm4b:s15+s4], $0x80, v4, vm0, $0xb8;
	[tilespmem:$0x18A00] =	vst v63  }
0x70: {  	s18 =	simm.s32 $0xD000  }
0x71: {  	[tilespmem:s18], [sflag:$0x2] =	stream.indirect_vreg.gather [hbm4b:s16+s4], $0x80, v4, vm0, $0xb8;
	[tilespmem:$0x18A00] =	vst v63  }
0x72: {  	v3 =	vld [tilespmem:$0x1790];
	_ =	sdelay $0x4  }
0x73: {  	v63 =	vshll.u32 v3, $0x3  }
0x74: {  	v3 =	vand.u32 $0x7, v3;
	v4 =	vand.u32 $0xFFFFFFC0, v63  }
0x75: {  	v3 =	vor.u32 v3, v4  }
0x76: {  	v4 =	vperm.xlane v3, v0;
	_ =	sdelay $0x1  }
0x77: {  	v4 =	vadd.s32 v1, v4;
	_ =	sdelay $0x3  }
0x78: {  	s19 =	simm.s32 $0xD800  }
0x79: {  	[tilespmem:s19], [sflag:$0x2] =	stream.indirect_vreg.gather [hbm4b:s6+s4], $0x80, v4, vm0, $0xb8;
	[tilespmem:$0x18A00] =	vst v63  }
0x7a: {  	s20 =	simm.s32 $0xE000;
	v3 =	vperm.xlane v3, v2  }
0x7b: {  	[tilespmem:s20], [sflag:$0x2] =	stream.indirect_vreg.gather [hbm4b:s14+s4], $0x80, v4, vm0, $0xb8;
	[tilespmem:$0x18A00] =	vst v63  }
0x7c: {  	s28 =	simm.s32 $0xE800;
	v3 =	vadd.s32 v1, v3  }
0x7d: {  	[tilespmem:s28], [sflag:$0x2] =	stream.indirect_vreg.gather [hbm4b:s15+s4], $0x80, v4, vm0, $0xb8;
	[tilespmem:$0x18A00] =	vst v63  }
0x7e: {  	s13 =	simm.s32 $0xF000  }
0x7f: {  	[tilespmem:s13], [sflag:$0x2] =	stream.indirect_vreg.gather [hbm4b:s16+s4], $0x80, v4, vm0, $0xb8;
	[tilespmem:$0x18A00] =	vst v63  }
0x80: {  	s17 =	simm.s32 $0xF800  }
0x81: {  	[tilespmem:s17], [sflag:$0x2] =	stream.indirect_vreg.gather [hbm4b:s6+s4], $0x80, v3, vm0, $0xb8;
	[tilespmem:$0x18A00] =	vst v63  }
0x82: {  	s18 =	simm.s32 $0x10000  }
0x83: {  	[tilespmem:s18], [sflag:$0x2] =	stream.indirect_vreg.gather [hbm4b:s14+s4], $0x80, v3, vm0, $0xb8;
	[tilespmem:$0x18A00] =	vst v63  }
0x84: {  	p0 =	seq.s32 s2, $0x0;
	s19 =	simm.s32 $0x10800  }
0x85: {  	[tilespmem:s19], [sflag:$0x2] =	stream.indirect_vreg.gather [hbm4b:s15+s4], $0x80, v3, vm0, $0xb8;
	[tilespmem:$0x18A00] =	vst v63  }
0x86: {  	s12 =	simm.s32 @!p0 $0x5;
	s20 =	simm.s32 $0x11000;
	s13 =	sshll.u32 s2, $0x6  }
0x87: {  	[tilespmem:s20], [sflag:$0x2] =	stream.indirect_vreg.gather [hbm4b:s16+s4], $0x80, v3, vm0, $0xb8;
	[tilespmem:$0x18A00] =	vst v63  }
0x88: {  	s0 =	sshll.u32 s0, $0x8;
	s13 =	sadd.s32 s5, s13;
	_ =	swait.ge @!p0 [sflag:s12], $0x1000  }
0x89: {  	s0 =	sadd.s32 s10, s0;
	s13 =	sshrl.u32 s13, $0x3;
	[sflag:s12] =	ssyncset.done @!p0 $0x0  }
0x8a: {  	s0 =	sshrl.u32 s0, $0x3;
	s28 =	sadd.s32 s7, s13;
	[sflag:s12] =	ssyncadd.s32 @!p0 $0xFFFFF000  }
0x8b: {  	[tilespmem:s21], [sflag:$0x3] =	stream.linear.gather [hbm4b:s28+s4], $0x20, $0x38;
	[tilespmem:$0x18A00] =	vst v63  }
0x8c: {  	s0 =	sadd.s32 s8, s0  }
0x8d: {  	[tilespmem:s22], [sflag:$0x8] =	stream.linear.gather [hbm4b:s0+s4], $0x100, $0x38;
	[tilespmem:$0x18A00] =	vst v63  }
0x8e: {  	s0 =	simm.s32 @!p0 $0x7  }
0x8f: {  	s17 =	simm.s32 $0x0;
	s18 =	simm.s32 $0x11840;
	_ =	swait.ge @!p0 [sflag:s0], $0x100  }
0x90: {  	s19 =	simm.s32 $0x0;
	s20 =	simm.s32 $0x0;
	[sflag:s0] =	ssyncset.done @!p0 $0x0  }
0x91: {  	s12 =	sshll.u32 s2, $0x1;
	[sflag:s0] =	ssyncadd.s32 @!p0 $0xFFFFFF00;
	s0 =	simm.s32 $0x0  }
.LBB2_3:
0x92: {  	s13 =	sand.u32 $0x6000, s19;
	s28 =	sand.u32 $0x380, s17  }
0x93: {  	s13 =	sor.u32 s28, s13  }
0x94: {  	v6 =	vld [tilespmem:s13+$0x1800]  }
0x95: {  	v7 =	vld [tilespmem:s13+$0x1810]  }
0x96: {  	v8 =	vld [tilespmem:s13+$0x1820]  }
0x97: {  	v9 =	vld [tilespmem:s13+$0x1830]  }
0x98: {  	v11 =	vld [tilespmem:s13+$0x1840]  }
0x99: {  	v12 =	vld [tilespmem:s13+$0x1850]  }
0x9a: {  	v13 =	vld [tilespmem:s13+$0x1860]  }
0x9b: {  	v14 =	vld [tilespmem:s13+$0x1870]  }
0x9c: {  	v15 =	vld [tilespmem:s13+$0x1C00]  }
0x9d: {  	v16 =	vld [tilespmem:s13+$0x1C10]  }
0x9e: {  	v17 =	vld [tilespmem:s13+$0x1C20]  }
0x9f: {  	v18 =	vld [tilespmem:s13+$0x1C30]  }
0xa0: {  	v3 =	vmov s20;
	v20 =	vld [tilespmem:s13+$0x1C40]  }
0xa1: {  	v21 =	vld [tilespmem:s13+$0x1C50]  }
0xa2: {  	v22 =	vld [tilespmem:s13+$0x1C60]  }
0xa3: {  	v23 =	vld [tilespmem:s13+$0x1C70]  }
0xa4: {  	v24 =	vld [tilespmem:s13+$0x2000]  }
0xa5: {  	v4 =	vld.idx.msk [tilespmem:v3+s24+$0x0], $0xffff  }
0xa6: {  	v25 =	vld [tilespmem:s13+$0x2010]  }
0xa7: {  	v26 =	vld [tilespmem:s13+$0x2020]  }
0xa8: {  	v27 =	vld [tilespmem:s13+$0x2030]  }
0xa9: {  	v29 =	vld [tilespmem:s13+$0x2040]  }
0xaa: {  	v30 =	vld [tilespmem:s13+$0x2050];
	v4 =	vshll.u32 v4, $0x3  }
0xab: {  	v31 =	vld [tilespmem:s13+$0x2060]  }
0xac: {  	v32 =	vld [tilespmem:s13+$0x2070]  }
0xad: {  	v33 =	vld [tilespmem:s13+$0x2400]  }
0xae: {  	v34 =	vld [tilespmem:s13+$0x2410];
	v10 =	vor.u32 $0x1, v4  }
0xaf: {  	v5 =	vld.idx.msk [tilespmem:v4+s23+$0x0], $0xffff  }
0xb0: {  	v35 =	vld [tilespmem:s13+$0x2420]  }
0xb1: {  	v36 =	vld [tilespmem:s13+$0x2430]  }
0xb2: {  	v38 =	vld [tilespmem:s13+$0x2440];
	v19 =	vor.u32 $0x2, v4  }
0xb3: {  	v10 =	vld.idx.msk [tilespmem:v10+s23+$0x0], $0xffff  }
0xb4: {  	v39 =	vld [tilespmem:s13+$0x2450];
	v6 =	vmul.f32 v6, v5;
	v7 =	vmul.f32 v7, v5  }
0xb5: {  	v40 =	vld [tilespmem:s13+$0x2460];
	v3 =	vor.u32 $0x80, v3;
	v8 =	vmul.f32 v8, v5;
	v9 =	vmul.f32 v9, v5  }
0xb6: {  	v41 =	vld [tilespmem:s13+$0x2470];
	v28 =	vor.u32 $0x3, v4;
	v11 =	vmul.f32 v11, v5;
	v12 =	vmul.f32 v12, v5  }
0xb7: {  	v37 =	vor.u32 $0x4, v4;
	v19 =	vld.idx.msk [tilespmem:v19+s23+$0x0], $0xffff;
	v13 =	vmul.f32 v13, v5;
	v5 =	vmul.f32 v14, v5  }
0xb8: {  	v43 =	vld [tilespmem:s13+$0x2C30];
	v15 =	vmul.f32 v15, v10;
	v16 =	vmul.f32 v16, v10  }
0xb9: {  	v47 =	vld [tilespmem:s13+$0x2C40];
	v48 =	vmul.f32 v17, v10;
	v49 =	vmul.f32 v18, v10  }
0xba: {  	v3 =	vld.idx.msk [tilespmem:v3+s24+$0x0], $0xffff;
	v50 =	vmul.f32 v20, v10;
	v51 =	vmul.f32 v21, v10  }
0xbb: {  	v28 =	vld.idx.msk [tilespmem:v28+s23+$0x0], $0xffff;
	v53 =	vmul.f32 v22, v10;
	v10 =	vmul.f32 v23, v10  }
0xbc: {  	v52 =	vor.u32 $0x5, v4;
	v37 =	vld.idx.msk [tilespmem:v37+s23+$0x0], $0xffff;
	v54 =	vmul.f32 v24, v19;
	v55 =	vmul.f32 v25, v19  }
0xbd: {  	v44 =	vor.u32 $0x6, v4;
	v14 =	vld [tilespmem:s13+$0x2820];
	v56 =	vmul.f32 v26, v19;
	v57 =	vmul.f32 v27, v19  }
0xbe: {  	v4 =	vor.u32 $0x7, v4;
	v18 =	vld [tilespmem:s13+$0x2800];
	v58 =	vmul.f32 v29, v19;
	v59 =	vmul.f32 v30, v19  }
0xbf: {  	v20 =	vld [tilespmem:s13+$0x2810];
	v60 =	vmul.f32 v31, v19;
	v6 =	vadd.f32 $0.0e+00, v6;
	v7 =	vadd.f32 $0.0e+00, v7  }
0xc0: {  	v22 =	vld [tilespmem:s13+$0x2840];
	v19 =	vmul.f32 v32, v19;
	v8 =	vadd.f32 $0.0e+00, v8;
	v9 =	vadd.f32 $0.0e+00, v9  }
0xc1: {  	v24 =	vld [tilespmem:s13+$0x2850];
	v62 =	vmul.f32 v33, v28;
	v11 =	vadd.f32 $0.0e+00, v11;
	v12 =	vadd.f32 $0.0e+00, v12  }
0xc2: {  	v21 =	vld [tilespmem:s13+$0x2860];
	v63 =	vmul.f32 v34, v28;
	v13 =	vadd.f32 $0.0e+00, v13;
	v5 =	vadd.f32 $0.0e+00, v5  }
0xc3: {  	v23 =	vld [tilespmem:s13+$0x2870];
	v42 =	vmul.f32 v35, v28;
	v6 =	vadd.f32 v15, v6;
	v7 =	vadd.f32 v16, v7  }
0xc4: {  	v17 =	vld.idx.msk [tilespmem:v52+s23+$0x0], $0xffff;
	v45 =	vmul.f32 v36, v28;
	v8 =	vadd.f32 v48, v8;
	v9 =	vadd.f32 v49, v9  }
0xc5: {  	v26 =	vld [tilespmem:s13+$0x2C00];
	v46 =	vmul.f32 v38, v28;
	v11 =	vadd.f32 v50, v11;
	v12 =	vadd.f32 v51, v12  }
0xc6: {  	v52 =	vmul.f32 v41, v28;
	v30 =	vld [tilespmem:s13+$0x3050];
	v13 =	vadd.f32 v53, v13;
	v5 =	vadd.f32 v10, v5  }
0xc7: {  	v16 =	vld [tilespmem:s13+$0x2830];
	v48 =	vmul.f32 v39, v28;
	v6 =	vadd.f32 v54, v6;
	v7 =	vadd.f32 v55, v7  }
0xc8: {  	v49 =	vld [tilespmem:s13+$0x2C50];
	v50 =	vmul.f32 v40, v28;
	v8 =	vadd.f32 v56, v8;
	v9 =	vadd.f32 v57, v9  }
0xc9: {  	v51 =	vld [tilespmem:s13+$0x2C60];
	v14 =	vmul.f32 v14, v37;
	v10 =	vadd.f32 v58, v11;
	v61 =	vadd.f32 v59, v12  }
0xca: {  	v53 =	vld [tilespmem:s13+$0x2C70];
	v13 =	vadd.f32 v60, v13;
	v18 =	vmul.f32 v18, v37;
	v54 =	vmul.f32 v20, v37  }
0xcb: {  	v12 =	vld [tilespmem:s13+$0x2C10];
	v5 =	vadd.f32 v19, v5;
	v58 =	vmul.f32 v22, v37;
	v59 =	vmul.f32 v24, v37  }
0xcc: {  	v19 =	vld [tilespmem:s13+$0x2C20];
	v21 =	vmul.f32 v21, v37;
	v23 =	vmul.f32 v23, v37;
	v6 =	vadd.f32 v62, v6  }
0xcd: {  	v55 =	vld.idx.msk [tilespmem:v44+s23+$0x0], $0xffff;
	v34 =	vmul.f32 v43, v17;
	v7 =	vadd.f32 v63, v7;
	v8 =	vadd.f32 v42, v8  }
0xce: {  	v56 =	vld [tilespmem:s13+$0x3000];
	v36 =	vmul.f32 v47, v17;
	v9 =	vadd.f32 v45, v9;
	v10 =	vadd.f32 v46, v10  }
0xcf: {  	v57 =	vld [tilespmem:s13+$0x3010];
	v11 =	vadd.f32 v48, v61;
	v13 =	vadd.f32 v50, v13;
	v62 =	vmul.f32 v26, v17  }
0xd0: {  	v60 =	vld [tilespmem:s13+$0x3020];
	v5 =	vadd.f32 v52, v5;
	v16 =	vmul.f32 v16, v37;
	v37 =	vmul.f32 v49, v17  }
0xd1: {  	v35 =	vld [tilespmem:s13+$0x3060];
	v39 =	vmul.f32 v51, v17;
	v6 =	vadd.f32 v18, v6;
	v7 =	vadd.f32 v54, v7  }
0xd2: {  	s28 =	sand.u32 $0x7, s0;
	v38 =	vld [tilespmem:s13+$0x3070];
	v40 =	vmul.f32 v53, v17;
	v8 =	vadd.f32 v14, v8;
	v10 =	vadd.f32 v58, v10  }
0xd3: {  	s28 =	sshll.u32 s28, $0x7;
	v61 =	vld [tilespmem:s13+$0x3030];
	v11 =	vadd.f32 v59, v11;
	v13 =	vadd.f32 v21, v13;
	v12 =	vmul.f32 v12, v17  }
0xd4: {  	v63 =	vld [tilespmem:s13+$0x3040];
	s13 =	sadd.s32 s28, s19;
	v5 =	vadd.f32 v23, v5;
	v33 =	vmul.f32 v19, v17;
	v42 =	vmul.f32 v56, v55  }
0xd5: {  	v4 =	vld.idx.msk [tilespmem:v4+s23+$0x0], $0xffff;
	s28 =	sor.u32 $0x1C00, s13;
	v9 =	vadd.f32 v16, v9;
	v14 =	vmul.f32 v57, v55;
	v44 =	vmul.f32 v60, v55  }
0xd6: {  	v41 =	vld [tilespmem:s28+$0x1800];
	s28 =	sor.u32 $0x1C10, s13;
	v49 =	vmul.f32 v30, v55;
	v6 =	vadd.f32 v62, v6;
	v10 =	vadd.f32 v36, v10  }
0xd7: {  	v43 =	vld [tilespmem:s28+$0x1800];
	s28 =	sor.u32 $0x1C20, s13;
	v51 =	vmul.f32 v35, v55;
	v11 =	vadd.f32 v37, v11;
	v13 =	vadd.f32 v39, v13  }
0xd8: {  	v53 =	vmul.f32 v38, v55;
	v5 =	vadd.f32 v40, v5;
	v46 =	vld [tilespmem:s28+$0x1800];
	s28 =	sor.u32 $0x1C30, s13;
	v7 =	vadd.f32 v12, v7  }
0xd9: {  	v8 =	vadd.f32 v33, v8;
	v9 =	vadd.f32 v34, v9;
	v45 =	vmul.f32 v61, v55;
	v48 =	vld [tilespmem:s28+$0x1800];
	s28 =	sor.u32 $0x1C40, s13  }
0xda: {  	v47 =	vmul.f32 v63, v55;
	v6 =	vadd.f32 v42, v6;
	v50 =	vld [tilespmem:s28+$0x1800];
	s28 =	sor.u32 $0x1C50, s13;
	v11 =	vadd.f32 v49, v11  }
0xdb: {  	v13 =	vadd.f32 v51, v13;
	v5 =	vadd.f32 v53, v5;
	v17 =	vmul.f32 v41, v4;
	v52 =	vld [tilespmem:s28+$0x1800];
	s28 =	sor.u32 $0x1C60, s13  }
0xdc: {  	v7 =	vadd.f32 v14, v7;
	v8 =	vadd.f32 v44, v8;
	s13 =	sor.u32 $0x1C70, s13;
	v18 =	vmul.f32 v43, v4;
	v54 =	vld [tilespmem:s28+$0x1800]  }
0xdd: {  	v9 =	vadd.f32 v45, v9;
	v56 =	vld [tilespmem:s13+$0x1800];
	v6 =	vadd.f32 v17, v6;
	v55 =	vmul.f32 v46, v4  }
0xde: {  	v10 =	vadd.f32 v47, v10;
	v7 =	vadd.f32 v18, v7;
	v57 =	vmul.f32 v48, v4  }
0xdf: {  	v8 =	vadd.f32 v55, v8;
	v58 =	vmul.f32 v50, v4;
	v6 =	vmul.f32 v3, v6  }
0xe0: {  	v9 =	vadd.f32 v57, v9;
	v59 =	vmul.f32 v52, v4;
	v7 =	vmul.f32 v3, v7  }
0xe1: {  	v10 =	vadd.f32 v58, v10;
	[tilespmem:s18+$0xFFFFFFC0] =	vst v6;
	v60 =	vmul.f32 v54, v4;
	v8 =	vmul.f32 v3, v8  }
0xe2: {  	v4 =	vmul.f32 v56, v4;
	v11 =	vadd.f32 v59, v11;
	[tilespmem:s18+$0xFFFFFFD0] =	vst v7;
	v61 =	vmul.f32 v3, v9  }
0xe3: {  	p1 =	sne.s32 s20, $0x1F;
	v6 =	vadd.f32 v60, v13;
	[tilespmem:s18+$0xFFFFFFE0] =	vst v8;
	v62 =	vmul.f32 v3, v10  }
.Ltmp0:
0xe4: {  	v4 =	vadd.f32 v4, v5;
	[tilespmem:s18+$0xFFFFFFF0] =	vst v61;
	v63 =	vmul.f32 v3, v11;
	(pc) =	sbr.rel @p1 .LBB2_3-.Ltmp0, $4  }
0xe5: {  	[tilespmem:s18+$0x0] =	vst v62;
	v6 =	vmul.f32 v3, v6  }
0xe6: {  	v3 =	vmul.f32 v3, v4;
	[tilespmem:s18+$0x10] =	vst v63  }
0xe7: {  	s17 =	sadd.s32 $0x80, s17;
	s20 =	sadd.s32 $0x1, s20;
	[tilespmem:s18+$0x20] =	vst v6  }
0xe8: {  	s0 =	sadd.s32 $0x1, s0;
	s19 =	sadd.s32 $0x400, s19;
	[tilespmem:s18+$0x30] =	vst v3;
	s18 =	sadd.s32 $0x80, s18  }
0xe9: {  	_ =	swait.ge [sflag:s25], $0x20  }
0xea: {  	[sflag:s25] =	ssyncset.done $0x0  }
0xeb: {  	s0 =	simm.s32 $0x11800;
	[sflag:s25] =	ssyncadd.s32 $0xFFFFFFE0  }
0xec: {  	[spmem:s3] =	stream.indirect.scatter.add.f32 [tilespmem:s0], [sflag:$0x5], $0x80, s21, s26, $0xb8;
	[tilespmem:$0x18A00] =	vst v63  }
0xed: {  	s0 =	sadd.s32 $0x2, s12;
	_ =	swait.ge [sflag:s29], $0x8000  }
0xee: {  	s12 =	sshll.u32 s0, $0x5;
	[sflag:s29] =	ssyncset.done $0x0  }
0xef: {  	s12 =	sand.u32 $0x3FFFFFE0, s12;
	[sflag:s29] =	ssyncadd.s32 $0xFFFF8000  }
0xf0: {  	v3 =	vld [tilespmem:s12+$0x0];
	_ =	sdelay $0x4  }
0xf1: {  	v4 =	vshll.u32 v3, $0x3  }
0xf2: {  	v5 =	vand.u32 $0x7, v3;
	v4 =	vand.u32 $0xFFFFFFC0, v4  }
0xf3: {  	v4 =	vor.u32 v5, v4  }
0xf4: {  	[tilespmem:$0x1700] =	vst v3;
	v3 =	vperm.xlane v4, v0  }
0xf5: {  	v62 =	vld [tilespmem:s12+$0x10]  }
0xf6: {  	v3 =	vadd.s32 v1, v3;
	_ =	sdelay $0x3  }
0xf7: {  	s17 =	simm.s32 $0x1800;
	[tilespmem:$0x1710] =	vst v62  }
0xf8: {  	[tilespmem:s17], [sflag:$0x1] =	stream.indirect_vreg.gather [hbm4b:s6+s4], $0x80, v3, vm0, $0xb8;
	[tilespmem:$0x18A00] =	vst v63  }
0xf9: {  	s18 =	simm.s32 $0x2000;
	v4 =	vperm.xlane v4, v2  }
0xfa: {  	[tilespmem:s18], [sflag:$0x1] =	stream.indirect_vreg.gather [hbm4b:s14+s4], $0x80, v3, vm0, $0xb8;
	[tilespmem:$0x18A00] =	vst v63  }
0xfb: {  	s19 =	simm.s32 $0x2800;
	v4 =	vadd.s32 v1, v4  }
0xfc: {  	[tilespmem:s19], [sflag:$0x1] =	stream.indirect_vreg.gather [hbm4b:s15+s4], $0x80, v3, vm0, $0xb8;
	[tilespmem:$0x18A00] =	vst v63  }
0xfd: {  	s20 =	simm.s32 $0x3000  }
0xfe: {  	[tilespmem:s20], [sflag:$0x1] =	stream.indirect_vreg.gather [hbm4b:s16+s4], $0x80, v3, vm0, $0xb8;
	[tilespmem:$0x18A00] =	vst v63  }
0xff: {  	s28 =	simm.s32 $0x3800  }
0x100: {  	[tilespmem:s28], [sflag:$0x1] =	stream.indirect_vreg.gather [hbm4b:s6+s4], $0x80, v4, vm0, $0xb8;
	[tilespmem:$0x18A00] =	vst v63  }
0x101: {  	s13 =	simm.s32 $0x4000  }
0x102: {  	[tilespmem:s13], [sflag:$0x1] =	stream.indirect_vreg.gather [hbm4b:s14+s4], $0x80, v4, vm0, $0xb8;
	[tilespmem:$0x18A00] =	vst v63  }
0x103: {  	s17 =	simm.s32 $0x4800  }
0x104: {  	[tilespmem:s17], [sflag:$0x1] =	stream.indirect_vreg.gather [hbm4b:s15+s4], $0x80, v4, vm0, $0xb8;
	[tilespmem:$0x18A00] =	vst v63  }
0x105: {  	s18 =	simm.s32 $0x5000  }
0x106: {  	[tilespmem:s18], [sflag:$0x1] =	stream.indirect_vreg.gather [hbm4b:s16+s4], $0x80, v4, vm0, $0xb8;
	[tilespmem:$0x18A00] =	vst v63  }
0x107: {  	v3 =	vld [tilespmem:$0x1710];
	_ =	sdelay $0x4  }
0x108: {  	v63 =	vshll.u32 v3, $0x3  }
0x109: {  	v3 =	vand.u32 $0x7, v3;
	v4 =	vand.u32 $0xFFFFFFC0, v63  }
0x10a: {  	v3 =	vor.u32 v3, v4  }
0x10b: {  	v4 =	vperm.xlane v3, v0;
	_ =	sdelay $0x1  }
0x10c: {  	v4 =	vadd.s32 v1, v4;
	_ =	sdelay $0x3  }
0x10d: {  	s19 =	simm.s32 $0x5800  }
0x10e: {  	[tilespmem:s19], [sflag:$0x1] =	stream.indirect_vreg.gather [hbm4b:s6+s4], $0x80, v4, vm0, $0xb8;
	[tilespmem:$0x18A00] =	vst v63  }
0x10f: {  	s20 =	simm.s32 $0x6000;
	v3 =	vperm.xlane v3, v2  }
0x110: {  	[tilespmem:s20], [sflag:$0x1] =	stream.indirect_vreg.gather [hbm4b:s14+s4], $0x80, v4, vm0, $0xb8;
	[tilespmem:$0x18A00] =	vst v63  }
0x111: {  	s28 =	simm.s32 $0x6800;
	v3 =	vadd.s32 v1, v3  }
0x112: {  	[tilespmem:s28], [sflag:$0x1] =	stream.indirect_vreg.gather [hbm4b:s15+s4], $0x80, v4, vm0, $0xb8;
	[tilespmem:$0x18A00] =	vst v63  }
0x113: {  	s13 =	simm.s32 $0x7000  }
0x114: {  	[tilespmem:s13], [sflag:$0x1] =	stream.indirect_vreg.gather [hbm4b:s16+s4], $0x80, v4, vm0, $0xb8;
	[tilespmem:$0x18A00] =	vst v63  }
0x115: {  	s17 =	simm.s32 $0x7800  }
0x116: {  	[tilespmem:s17], [sflag:$0x1] =	stream.indirect_vreg.gather [hbm4b:s6+s4], $0x80, v3, vm0, $0xb8;
	[tilespmem:$0x18A00] =	vst v63  }
0x117: {  	s18 =	simm.s32 $0x8000  }
0x118: {  	[tilespmem:s18], [sflag:$0x1] =	stream.indirect_vreg.gather [hbm4b:s14+s4], $0x80, v3, vm0, $0xb8;
	[tilespmem:$0x18A00] =	vst v63  }
0x119: {  	s19 =	simm.s32 $0x8800  }
0x11a: {  	[tilespmem:s19], [sflag:$0x1] =	stream.indirect_vreg.gather [hbm4b:s15+s4], $0x80, v3, vm0, $0xb8;
	[tilespmem:$0x18A00] =	vst v63  }
0x11b: {  	s0 =	sshll.u32 s0, $0x8;
	s12 =	simm.s32 @!p0 $0x6;
	s20 =	simm.s32 $0x9000  }
0x11c: {  	[tilespmem:s20], [sflag:$0x1] =	stream.indirect_vreg.gather [hbm4b:s16+s4], $0x80, v3, vm0, $0xb8;
	[tilespmem:$0x18A00] =	vst v63  }
0x11d: {  	s9 =	sadd.s32 s5, s9;
	s0 =	sadd.s32 s10, s0;
	_ =	swait.ge @!p0 [sflag:s12], $0x1000  }
0x11e: {  	s9 =	sshrl.u32 s9, $0x3;
	s0 =	sshrl.u32 s0, $0x3;
	[sflag:s12] =	ssyncset.done @!p0 $0x0  }
0x11f: {  	s28 =	sadd.s32 s7, s9;
	s9 =	simm.s32 $0x0;
	[sflag:s12] =	ssyncadd.s32 @!p0 $0xFFFFF000  }
0x120: {  	[tilespmem:s30], [sflag:$0x4] =	stream.linear.gather [hbm4b:s28+s9], $0x20, $0x38;
	[tilespmem:$0x18A00] =	vst v63  }
0x121: {  	s0 =	sadd.s32 s8, s0  }
0x122: {  	[tilespmem:s24], [sflag:$0x7] =	stream.linear.gather [hbm4b:s0+s9], $0x100, $0x38;
	[tilespmem:$0x18A00] =	vst v63  }
0x123: {  	_ =	swait.ge [sflag:s31], $0x100  }
0x124: {  	s17 =	simm.s32 $0x0;
	s18 =	simm.s32 $0x0;
	[sflag:s31] =	ssyncset.done $0x0  }
0x125: {  	s12 =	simm.s32 $0x12840;
	s0 =	simm.s32 $0x0;
	[sflag:s31] =	ssyncadd.s32 $0xFFFFFF00  }
.LBB2_5:
0x126: {  	s13 =	sand.u32 $0x6000, s17;
	s19 =	sand.u32 $0x380, s9  }
0x127: {  	s13 =	sor.u32 s19, s13  }
0x128: {  	v6 =	vld [tilespmem:s13+$0x9800]  }
0x129: {  	v7 =	vld [tilespmem:s13+$0x9810]  }
0x12a: {  	v8 =	vld [tilespmem:s13+$0x9820]  }
0x12b: {  	v9 =	vld [tilespmem:s13+$0x9830]  }
0x12c: {  	v11 =	vld [tilespmem:s13+$0x9840]  }
0x12d: {  	v12 =	vld [tilespmem:s13+$0x9850]  }
0x12e: {  	v13 =	vld [tilespmem:s13+$0x9860]  }
0x12f: {  	v14 =	vld [tilespmem:s13+$0x9870]  }
0x130: {  	v15 =	vld [tilespmem:s13+$0x9C00]  }
0x131: {  	v16 =	vld [tilespmem:s13+$0x9C10]  }
0x132: {  	v17 =	vld [tilespmem:s13+$0x9C20]  }
0x133: {  	v18 =	vld [tilespmem:s13+$0x9C30]  }
0x134: {  	v3 =	vmov s18;
	v20 =	vld [tilespmem:s13+$0x9C40]  }
0x135: {  	v21 =	vld [tilespmem:s13+$0x9C50]  }
0x136: {  	v22 =	vld [tilespmem:s13+$0x9C60]  }
0x137: {  	v23 =	vld [tilespmem:s13+$0x9C70]  }
0x138: {  	v24 =	vld [tilespmem:s13+$0xA000]  }
0x139: {  	v4 =	vld.idx.msk [tilespmem:v3+s22+$0x0], $0xffff  }
0x13a: {  	v25 =	vld [tilespmem:s13+$0xA010]  }
0x13b: {  	v26 =	vld [tilespmem:s13+$0xA020]  }
0x13c: {  	v27 =	vld [tilespmem:s13+$0xA030]  }
0x13d: {  	v29 =	vld [tilespmem:s13+$0xA040]  }
0x13e: {  	v30 =	vld [tilespmem:s13+$0xA050];
	v4 =	vshll.u32 v4, $0x3  }
0x13f: {  	v31 =	vld [tilespmem:s13+$0xA060]  }
0x140: {  	v32 =	vld [tilespmem:s13+$0xA070]  }
0x141: {  	v33 =	vld [tilespmem:s13+$0xA400]  }
0x142: {  	v34 =	vld [tilespmem:s13+$0xA410];
	v10 =	vor.u32 $0x1, v4  }
0x143: {  	v5 =	vld.idx.msk [tilespmem:v4+s23+$0x0], $0xffff  }
0x144: {  	v35 =	vld [tilespmem:s13+$0xA420]  }
0x145: {  	v36 =	vld [tilespmem:s13+$0xA430]  }
0x146: {  	v38 =	vld [tilespmem:s13+$0xA440];
	v19 =	vor.u32 $0x2, v4  }
0x147: {  	v10 =	vld.idx.msk [tilespmem:v10+s23+$0x0], $0xffff  }
0x148: {  	v39 =	vld [tilespmem:s13+$0xA450];
	v6 =	vmul.f32 v6, v5;
	v7 =	vmul.f32 v7, v5  }
0x149: {  	v40 =	vld [tilespmem:s13+$0xA460];
	v3 =	vor.u32 $0x80, v3;
	v8 =	vmul.f32 v8, v5;
	v9 =	vmul.f32 v9, v5  }
0x14a: {  	v41 =	vld [tilespmem:s13+$0xA470];
	v28 =	vor.u32 $0x3, v4;
	v11 =	vmul.f32 v11, v5;
	v12 =	vmul.f32 v12, v5  }
0x14b: {  	v37 =	vor.u32 $0x4, v4;
	v19 =	vld.idx.msk [tilespmem:v19+s23+$0x0], $0xffff;
	v13 =	vmul.f32 v13, v5;
	v5 =	vmul.f32 v14, v5  }
0x14c: {  	v43 =	vld [tilespmem:s13+$0xAC30];
	v15 =	vmul.f32 v15, v10;
	v16 =	vmul.f32 v16, v10  }
0x14d: {  	v47 =	vld [tilespmem:s13+$0xAC40];
	v48 =	vmul.f32 v17, v10;
	v49 =	vmul.f32 v18, v10  }
0x14e: {  	v3 =	vld.idx.msk [tilespmem:v3+s22+$0x0], $0xffff;
	v50 =	vmul.f32 v20, v10;
	v51 =	vmul.f32 v21, v10  }
0x14f: {  	v28 =	vld.idx.msk [tilespmem:v28+s23+$0x0], $0xffff;
	v53 =	vmul.f32 v22, v10;
	v10 =	vmul.f32 v23, v10  }
0x150: {  	v52 =	vor.u32 $0x5, v4;
	v37 =	vld.idx.msk [tilespmem:v37+s23+$0x0], $0xffff;
	v54 =	vmul.f32 v24, v19;
	v55 =	vmul.f32 v25, v19  }
0x151: {  	v44 =	vor.u32 $0x6, v4;
	v14 =	vld [tilespmem:s13+$0xA820];
	v56 =	vmul.f32 v26, v19;
	v57 =	vmul.f32 v27, v19  }
0x152: {  	v4 =	vor.u32 $0x7, v4;
	v18 =	vld [tilespmem:s13+$0xA800];
	v58 =	vmul.f32 v29, v19;
	v59 =	vmul.f32 v30, v19  }
0x153: {  	v20 =	vld [tilespmem:s13+$0xA810];
	v60 =	vmul.f32 v31, v19;
	v6 =	vadd.f32 $0.0e+00, v6;
	v7 =	vadd.f32 $0.0e+00, v7  }
0x154: {  	v22 =	vld [tilespmem:s13+$0xA840];
	v19 =	vmul.f32 v32, v19;
	v8 =	vadd.f32 $0.0e+00, v8;
	v9 =	vadd.f32 $0.0e+00, v9  }
0x155: {  	v24 =	vld [tilespmem:s13+$0xA850];
	v62 =	vmul.f32 v33, v28;
	v11 =	vadd.f32 $0.0e+00, v11;
	v12 =	vadd.f32 $0.0e+00, v12  }
0x156: {  	v21 =	vld [tilespmem:s13+$0xA860];
	v63 =	vmul.f32 v34, v28;
	v13 =	vadd.f32 $0.0e+00, v13;
	v5 =	vadd.f32 $0.0e+00, v5  }
0x157: {  	v23 =	vld [tilespmem:s13+$0xA870];
	v42 =	vmul.f32 v35, v28;
	v6 =	vadd.f32 v15, v6;
	v7 =	vadd.f32 v16, v7  }
0x158: {  	v17 =	vld.idx.msk [tilespmem:v52+s23+$0x0], $0xffff;
	v45 =	vmul.f32 v36, v28;
	v8 =	vadd.f32 v48, v8;
	v9 =	vadd.f32 v49, v9  }
0x159: {  	v26 =	vld [tilespmem:s13+$0xAC00];
	v46 =	vmul.f32 v38, v28;
	v11 =	vadd.f32 v50, v11;
	v12 =	vadd.f32 v51, v12  }
0x15a: {  	v52 =	vmul.f32 v41, v28;
	v30 =	vld [tilespmem:s13+$0xB050];
	v13 =	vadd.f32 v53, v13;
	v5 =	vadd.f32 v10, v5  }
0x15b: {  	v16 =	vld [tilespmem:s13+$0xA830];
	v48 =	vmul.f32 v39, v28;
	v6 =	vadd.f32 v54, v6;
	v7 =	vadd.f32 v55, v7  }
0x15c: {  	v49 =	vld [tilespmem:s13+$0xAC50];
	v50 =	vmul.f32 v40, v28;
	v8 =	vadd.f32 v56, v8;
	v9 =	vadd.f32 v57, v9  }
0x15d: {  	v51 =	vld [tilespmem:s13+$0xAC60];
	v14 =	vmul.f32 v14, v37;
	v10 =	vadd.f32 v58, v11;
	v61 =	vadd.f32 v59, v12  }
0x15e: {  	v53 =	vld [tilespmem:s13+$0xAC70];
	v13 =	vadd.f32 v60, v13;
	v18 =	vmul.f32 v18, v37;
	v54 =	vmul.f32 v20, v37  }
0x15f: {  	v12 =	vld [tilespmem:s13+$0xAC10];
	v5 =	vadd.f32 v19, v5;
	v58 =	vmul.f32 v22, v37;
	v59 =	vmul.f32 v24, v37  }
0x160: {  	v19 =	vld [tilespmem:s13+$0xAC20];
	v21 =	vmul.f32 v21, v37;
	v23 =	vmul.f32 v23, v37;
	v6 =	vadd.f32 v62, v6  }
0x161: {  	v55 =	vld.idx.msk [tilespmem:v44+s23+$0x0], $0xffff;
	v34 =	vmul.f32 v43, v17;
	v7 =	vadd.f32 v63, v7;
	v8 =	vadd.f32 v42, v8  }
0x162: {  	v56 =	vld [tilespmem:s13+$0xB000];
	v36 =	vmul.f32 v47, v17;
	v9 =	vadd.f32 v45, v9;
	v10 =	vadd.f32 v46, v10  }
0x163: {  	v57 =	vld [tilespmem:s13+$0xB010];
	v11 =	vadd.f32 v48, v61;
	v13 =	vadd.f32 v50, v13;
	v62 =	vmul.f32 v26, v17  }
0x164: {  	v60 =	vld [tilespmem:s13+$0xB020];
	v5 =	vadd.f32 v52, v5;
	v16 =	vmul.f32 v16, v37;
	v37 =	vmul.f32 v49, v17  }
0x165: {  	v35 =	vld [tilespmem:s13+$0xB060];
	v39 =	vmul.f32 v51, v17;
	v6 =	vadd.f32 v18, v6;
	v7 =	vadd.f32 v54, v7  }
0x166: {  	s28 =	sand.u32 $0x7, s0;
	v38 =	vld [tilespmem:s13+$0xB070];
	v40 =	vmul.f32 v53, v17;
	v8 =	vadd.f32 v14, v8;
	v10 =	vadd.f32 v58, v10  }
0x167: {  	s19 =	sshll.u32 s28, $0x7;
	v61 =	vld [tilespmem:s13+$0xB030];
	v11 =	vadd.f32 v59, v11;
	v13 =	vadd.f32 v21, v13;
	v12 =	vmul.f32 v12, v17  }
0x168: {  	v63 =	vld [tilespmem:s13+$0xB040];
	s13 =	sadd.s32 s19, s17;
	v5 =	vadd.f32 v23, v5;
	v33 =	vmul.f32 v19, v17;
	v42 =	vmul.f32 v56, v55  }
0x169: {  	v4 =	vld.idx.msk [tilespmem:v4+s23+$0x0], $0xffff;
	s19 =	sor.u32 $0x1C00, s13;
	v9 =	vadd.f32 v16, v9;
	v14 =	vmul.f32 v57, v55;
	v44 =	vmul.f32 v60, v55  }
0x16a: {  	s20 =	sor.u32 $0x1C10, s13;
	v41 =	vld [tilespmem:s19+$0x9800];
	v49 =	vmul.f32 v30, v55;
	v6 =	vadd.f32 v62, v6;
	v10 =	vadd.f32 v36, v10  }
0x16b: {  	s28 =	sor.u32 $0x1C20, s13;
	v43 =	vld [tilespmem:s20+$0x9800];
	v51 =	vmul.f32 v35, v55;
	v11 =	vadd.f32 v37, v11;
	v13 =	vadd.f32 v39, v13  }
0x16c: {  	v46 =	vld [tilespmem:s28+$0x9800];
	s20 =	sor.u32 $0x1C30, s13;
	v53 =	vmul.f32 v38, v55;
	v5 =	vadd.f32 v40, v5;
	v7 =	vadd.f32 v12, v7  }
0x16d: {  	s28 =	sor.u32 $0x1C40, s13;
	v48 =	vld [tilespmem:s20+$0x9800];
	v8 =	vadd.f32 v33, v8;
	v9 =	vadd.f32 v34, v9;
	v45 =	vmul.f32 v61, v55  }
0x16e: {  	v50 =	vld [tilespmem:s28+$0x9800];
	s20 =	sor.u32 $0x1C50, s13;
	v47 =	vmul.f32 v63, v55;
	v6 =	vadd.f32 v42, v6;
	v11 =	vadd.f32 v49, v11  }
0x16f: {  	s28 =	sor.u32 $0x1C60, s13;
	v52 =	vld [tilespmem:s20+$0x9800];
	v13 =	vadd.f32 v51, v13;
	v5 =	vadd.f32 v53, v5;
	v17 =	vmul.f32 v41, v4  }
0x170: {  	s13 =	sor.u32 $0x1C70, s13;
	v54 =	vld [tilespmem:s28+$0x9800];
	v7 =	vadd.f32 v14, v7;
	v8 =	vadd.f32 v44, v8;
	v18 =	vmul.f32 v43, v4  }
0x171: {  	v56 =	vld [tilespmem:s13+$0x9800];
	v9 =	vadd.f32 v45, v9;
	v55 =	vmul.f32 v46, v4;
	v6 =	vadd.f32 v17, v6  }
0x172: {  	v10 =	vadd.f32 v47, v10;
	v57 =	vmul.f32 v48, v4;
	v7 =	vadd.f32 v18, v7  }
0x173: {  	v58 =	vmul.f32 v50, v4;
	v8 =	vadd.f32 v55, v8;
	v6 =	vmul.f32 v3, v6  }
0x174: {  	v59 =	vmul.f32 v52, v4;
	v9 =	vadd.f32 v57, v9;
	v7 =	vmul.f32 v3, v7  }
0x175: {  	v60 =	vmul.f32 v54, v4;
	v10 =	vadd.f32 v58, v10;
	v8 =	vmul.f32 v3, v8;
	[tilespmem:s12+$0xFFFFFFC0] =	vst v6  }
0x176: {  	v4 =	vmul.f32 v56, v4;
	v11 =	vadd.f32 v59, v11;
	v61 =	vmul.f32 v3, v9;
	[tilespmem:s12+$0xFFFFFFD0] =	vst v7  }
0x177: {  	p0 =	sne.s32 s18, $0x1F;
	v62 =	vmul.f32 v3, v10;
	v6 =	vadd.f32 v60, v13;
	[tilespmem:s12+$0xFFFFFFE0] =	vst v8  }
.Ltmp1:
0x178: {  	v4 =	vadd.f32 v4, v5;
	v63 =	vmul.f32 v3, v11;
	[tilespmem:s12+$0xFFFFFFF0] =	vst v61;
	(pc) =	sbr.rel @p0 .LBB2_5-.Ltmp1, $4  }
0x179: {  	[tilespmem:s12+$0x0] =	vst v62;
	v6 =	vmul.f32 v3, v6  }
0x17a: {  	[tilespmem:s12+$0x10] =	vst v63;
	v3 =	vmul.f32 v3, v4  }
0x17b: {  	s0 =	sadd.s32 $0x1, s0;
	s9 =	sadd.s32 $0x80, s9;
	[tilespmem:s12+$0x20] =	vst v6  }
0x17c: {  	s18 =	sadd.s32 $0x1, s18;
	s17 =	sadd.s32 $0x400, s17;
	[tilespmem:s12+$0x30] =	vst v3;
	s12 =	sadd.s32 $0x80, s12  }
0x17d: {  	s2 =	sadd.s32 $0x1, s2  }
0x17e: {  	p0 =	sne.s32 s2, $0x4E  }
.Ltmp2:
0x17f: {  	_ = 	snop;
	(pc) =	sbr.rel @p0 .LBB2_2-.Ltmp2, $4  }
0x180: {  	_ =	swait.ge [sflag:s1], $0x20  }
0x181: {  	[sflag:s1] =	ssyncset.done $0x0  }
0x182: {  	s0 =	simm.s32 $0x12800;
	[sflag:s1] =	ssyncadd.s32 $0xFFFFFFE0  }
0x183: {  	[spmem:s3] =	stream.indirect.scatter.add.f32 [tilespmem:s0], [sflag:$0x6], $0x80, s30, s26, $0xb8;
	[tilespmem:$0x18A00] =	vst v63  }
0x184: {  	_ =	swait.ge [sflag:s11], $0x8000  }
0x185: {  	[sflag:s11] =	ssyncset.done $0x0  }
0x186: {  	s19 =	simm.s32 $0x5;
	[sflag:s11] =	ssyncadd.s32 $0xFFFF8000  }
0x187: {  	_ =	swait.ge [sflag:s19], $0x1000  }
0x188: {  	[sflag:s19] =	ssyncset.done $0x0  }
0x189: {  	s2 =	simm.s32 $0x0;
	s0 =	rddreg [dreg:$0x8];
	[sflag:s19] =	ssyncadd.s32 $0xFFFFF000  }
0x18a: {  	[tilespmem:s21], [sflag:$0x3] =	stream.linear.gather [hbm4b:s0+s2], $0x20, $0x38;
	[tilespmem:$0x18A00] =	vst v63  }
0x18b: {  	s28 =	simm.s32 $0x7;
	s20 =	rddreg [dreg:$0x9]  }
0x18c: {  	[tilespmem:s22], [sflag:$0x8] =	stream.linear.gather [hbm4b:s20+s2], $0x100, $0x38;
	[tilespmem:$0x18A00] =	vst v63  }
0x18d: {  	_ =	swait.ge [sflag:s28], $0x100  }
0x18e: {  	s9 =	simm.s32 $0x11840;
	s12 =	simm.s32 $0x0;
	[sflag:s28] =	ssyncset.done $0x0  }
0x18f: {  	s17 =	simm.s32 $0x0;
	s0 =	simm.s32 $0x0;
	[sflag:s28] =	ssyncadd.s32 $0xFFFFFF00  }
.LBB2_8:
0x190: {  	s13 =	sand.u32 $0x6000, s12;
	s18 =	sand.u32 $0x380, s2  }
0x191: {  	s13 =	sor.u32 s18, s13  }
0x192: {  	v6 =	vld [tilespmem:s13+$0x1800]  }
0x193: {  	v7 =	vld [tilespmem:s13+$0x1810]  }
0x194: {  	v8 =	vld [tilespmem:s13+$0x1820]  }
0x195: {  	v9 =	vld [tilespmem:s13+$0x1830]  }
0x196: {  	v11 =	vld [tilespmem:s13+$0x1840]  }
0x197: {  	v12 =	vld [tilespmem:s13+$0x1850]  }
0x198: {  	v13 =	vld [tilespmem:s13+$0x1860]  }
0x199: {  	v14 =	vld [tilespmem:s13+$0x1870]  }
0x19a: {  	v15 =	vld [tilespmem:s13+$0x1C00]  }
0x19b: {  	v16 =	vld [tilespmem:s13+$0x1C10]  }
0x19c: {  	v17 =	vld [tilespmem:s13+$0x1C20]  }
0x19d: {  	v18 =	vld [tilespmem:s13+$0x1C30]  }
0x19e: {  	v3 =	vmov s17;
	v20 =	vld [tilespmem:s13+$0x1C40]  }
0x19f: {  	v21 =	vld [tilespmem:s13+$0x1C50]  }
0x1a0: {  	v22 =	vld [tilespmem:s13+$0x1C60]  }
0x1a1: {  	v23 =	vld [tilespmem:s13+$0x1C70]  }
0x1a2: {  	v24 =	vld [tilespmem:s13+$0x2000]  }
0x1a3: {  	v4 =	vld.idx.msk [tilespmem:v3+s24+$0x0], $0xffff  }
0x1a4: {  	v25 =	vld [tilespmem:s13+$0x2010]  }
0x1a5: {  	v26 =	vld [tilespmem:s13+$0x2020]  }
0x1a6: {  	v27 =	vld [tilespmem:s13+$0x2030]  }
0x1a7: {  	v29 =	vld [tilespmem:s13+$0x2040]  }
0x1a8: {  	v30 =	vld [tilespmem:s13+$0x2050];
	v4 =	vshll.u32 v4, $0x3  }
0x1a9: {  	v31 =	vld [tilespmem:s13+$0x2060]  }
0x1aa: {  	v32 =	vld [tilespmem:s13+$0x2070]  }
0x1ab: {  	v33 =	vld [tilespmem:s13+$0x2400]  }
0x1ac: {  	v34 =	vld [tilespmem:s13+$0x2410];
	v10 =	vor.u32 $0x1, v4  }
0x1ad: {  	v5 =	vld.idx.msk [tilespmem:v4+s23+$0x0], $0xffff  }
0x1ae: {  	v35 =	vld [tilespmem:s13+$0x2420]  }
0x1af: {  	v36 =	vld [tilespmem:s13+$0x2430]  }
0x1b0: {  	v38 =	vld [tilespmem:s13+$0x2440];
	v19 =	vor.u32 $0x2, v4  }
0x1b1: {  	v10 =	vld.idx.msk [tilespmem:v10+s23+$0x0], $0xffff  }
0x1b2: {  	v39 =	vld [tilespmem:s13+$0x2450];
	v6 =	vmul.f32 v6, v5;
	v7 =	vmul.f32 v7, v5  }
0x1b3: {  	v40 =	vld [tilespmem:s13+$0x2460];
	v3 =	vor.u32 $0x80, v3;
	v8 =	vmul.f32 v8, v5;
	v9 =	vmul.f32 v9, v5  }
0x1b4: {  	v41 =	vld [tilespmem:s13+$0x2470];
	v28 =	vor.u32 $0x3, v4;
	v11 =	vmul.f32 v11, v5;
	v12 =	vmul.f32 v12, v5  }
0x1b5: {  	v37 =	vor.u32 $0x4, v4;
	v19 =	vld.idx.msk [tilespmem:v19+s23+$0x0], $0xffff;
	v13 =	vmul.f32 v13, v5;
	v5 =	vmul.f32 v14, v5  }
0x1b6: {  	v43 =	vld [tilespmem:s13+$0x2C30];
	v15 =	vmul.f32 v15, v10;
	v16 =	vmul.f32 v16, v10  }
0x1b7: {  	v47 =	vld [tilespmem:s13+$0x2C40];
	v48 =	vmul.f32 v17, v10;
	v49 =	vmul.f32 v18, v10  }
0x1b8: {  	v3 =	vld.idx.msk [tilespmem:v3+s24+$0x0], $0xffff;
	v50 =	vmul.f32 v20, v10;
	v51 =	vmul.f32 v21, v10  }
0x1b9: {  	v28 =	vld.idx.msk [tilespmem:v28+s23+$0x0], $0xffff;
	v53 =	vmul.f32 v22, v10;
	v10 =	vmul.f32 v23, v10  }
0x1ba: {  	v52 =	vor.u32 $0x5, v4;
	v37 =	vld.idx.msk [tilespmem:v37+s23+$0x0], $0xffff;
	v54 =	vmul.f32 v24, v19;
	v55 =	vmul.f32 v25, v19  }
0x1bb: {  	v44 =	vor.u32 $0x6, v4;
	v14 =	vld [tilespmem:s13+$0x2820];
	v56 =	vmul.f32 v26, v19;
	v57 =	vmul.f32 v27, v19  }
0x1bc: {  	v4 =	vor.u32 $0x7, v4;
	v18 =	vld [tilespmem:s13+$0x2800];
	v58 =	vmul.f32 v29, v19;
	v59 =	vmul.f32 v30, v19  }
0x1bd: {  	v20 =	vld [tilespmem:s13+$0x2810];
	v60 =	vmul.f32 v31, v19;
	v6 =	vadd.f32 $0.0e+00, v6;
	v7 =	vadd.f32 $0.0e+00, v7  }
0x1be: {  	v22 =	vld [tilespmem:s13+$0x2840];
	v19 =	vmul.f32 v32, v19;
	v8 =	vadd.f32 $0.0e+00, v8;
	v9 =	vadd.f32 $0.0e+00, v9  }
0x1bf: {  	v24 =	vld [tilespmem:s13+$0x2850];
	v62 =	vmul.f32 v33, v28;
	v11 =	vadd.f32 $0.0e+00, v11;
	v12 =	vadd.f32 $0.0e+00, v12  }
0x1c0: {  	v21 =	vld [tilespmem:s13+$0x2860];
	v63 =	vmul.f32 v34, v28;
	v13 =	vadd.f32 $0.0e+00, v13;
	v5 =	vadd.f32 $0.0e+00, v5  }
0x1c1: {  	v23 =	vld [tilespmem:s13+$0x2870];
	v42 =	vmul.f32 v35, v28;
	v6 =	vadd.f32 v15, v6;
	v7 =	vadd.f32 v16, v7  }
0x1c2: {  	v17 =	vld.idx.msk [tilespmem:v52+s23+$0x0], $0xffff;
	v45 =	vmul.f32 v36, v28;
	v8 =	vadd.f32 v48, v8;
	v9 =	vadd.f32 v49, v9  }
0x1c3: {  	v26 =	vld [tilespmem:s13+$0x2C00];
	v46 =	vmul.f32 v38, v28;
	v11 =	vadd.f32 v50, v11;
	v12 =	vadd.f32 v51, v12  }
0x1c4: {  	v52 =	vmul.f32 v41, v28;
	v30 =	vld [tilespmem:s13+$0x3050];
	v13 =	vadd.f32 v53, v13;
	v5 =	vadd.f32 v10, v5  }
0x1c5: {  	v16 =	vld [tilespmem:s13+$0x2830];
	v48 =	vmul.f32 v39, v28;
	v6 =	vadd.f32 v54, v6;
	v7 =	vadd.f32 v55, v7  }
0x1c6: {  	v49 =	vld [tilespmem:s13+$0x2C50];
	v50 =	vmul.f32 v40, v28;
	v8 =	vadd.f32 v56, v8;
	v9 =	vadd.f32 v57, v9  }
0x1c7: {  	v51 =	vld [tilespmem:s13+$0x2C60];
	v14 =	vmul.f32 v14, v37;
	v10 =	vadd.f32 v58, v11;
	v61 =	vadd.f32 v59, v12  }
0x1c8: {  	v53 =	vld [tilespmem:s13+$0x2C70];
	v13 =	vadd.f32 v60, v13;
	v18 =	vmul.f32 v18, v37;
	v54 =	vmul.f32 v20, v37  }
0x1c9: {  	v12 =	vld [tilespmem:s13+$0x2C10];
	v5 =	vadd.f32 v19, v5;
	v58 =	vmul.f32 v22, v37;
	v59 =	vmul.f32 v24, v37  }
0x1ca: {  	v19 =	vld [tilespmem:s13+$0x2C20];
	v21 =	vmul.f32 v21, v37;
	v23 =	vmul.f32 v23, v37;
	v6 =	vadd.f32 v62, v6  }
0x1cb: {  	v55 =	vld.idx.msk [tilespmem:v44+s23+$0x0], $0xffff;
	v34 =	vmul.f32 v43, v17;
	v7 =	vadd.f32 v63, v7;
	v8 =	vadd.f32 v42, v8  }
0x1cc: {  	v56 =	vld [tilespmem:s13+$0x3000];
	v36 =	vmul.f32 v47, v17;
	v9 =	vadd.f32 v45, v9;
	v10 =	vadd.f32 v46, v10  }
0x1cd: {  	v57 =	vld [tilespmem:s13+$0x3010];
	v11 =	vadd.f32 v48, v61;
	v13 =	vadd.f32 v50, v13;
	v62 =	vmul.f32 v26, v17  }
0x1ce: {  	v60 =	vld [tilespmem:s13+$0x3020];
	v5 =	vadd.f32 v52, v5;
	v16 =	vmul.f32 v16, v37;
	v37 =	vmul.f32 v49, v17  }
0x1cf: {  	v35 =	vld [tilespmem:s13+$0x3060];
	v39 =	vmul.f32 v51, v17;
	v6 =	vadd.f32 v18, v6;
	v7 =	vadd.f32 v54, v7  }
0x1d0: {  	s28 =	sand.u32 $0x7, s0;
	v38 =	vld [tilespmem:s13+$0x3070];
	v40 =	vmul.f32 v53, v17;
	v8 =	vadd.f32 v14, v8;
	v10 =	vadd.f32 v58, v10  }
0x1d1: {  	s18 =	sshll.u32 s28, $0x7;
	v61 =	vld [tilespmem:s13+$0x3030];
	v11 =	vadd.f32 v59, v11;
	v13 =	vadd.f32 v21, v13;
	v12 =	vmul.f32 v12, v17  }
0x1d2: {  	v63 =	vld [tilespmem:s13+$0x3040];
	s13 =	sadd.s32 s18, s12;
	v5 =	vadd.f32 v23, v5;
	v33 =	vmul.f32 v19, v17;
	v42 =	vmul.f32 v56, v55  }
0x1d3: {  	v4 =	vld.idx.msk [tilespmem:v4+s23+$0x0], $0xffff;
	s18 =	sor.u32 $0x1C00, s13;
	v9 =	vadd.f32 v16, v9;
	v14 =	vmul.f32 v57, v55;
	v44 =	vmul.f32 v60, v55  }
0x1d4: {  	s20 =	sor.u32 $0x1C10, s13;
	v41 =	vld [tilespmem:s18+$0x1800];
	v49 =	vmul.f32 v30, v55;
	v6 =	vadd.f32 v62, v6;
	v10 =	vadd.f32 v36, v10  }
0x1d5: {  	s28 =	sor.u32 $0x1C20, s13;
	v43 =	vld [tilespmem:s20+$0x1800];
	v51 =	vmul.f32 v35, v55;
	v11 =	vadd.f32 v37, v11;
	v13 =	vadd.f32 v39, v13  }
0x1d6: {  	v46 =	vld [tilespmem:s28+$0x1800];
	s20 =	sor.u32 $0x1C30, s13;
	v53 =	vmul.f32 v38, v55;
	v5 =	vadd.f32 v40, v5;
	v7 =	vadd.f32 v12, v7  }
0x1d7: {  	s28 =	sor.u32 $0x1C40, s13;
	v48 =	vld [tilespmem:s20+$0x1800];
	v8 =	vadd.f32 v33, v8;
	v9 =	vadd.f32 v34, v9;
	v45 =	vmul.f32 v61, v55  }
0x1d8: {  	v50 =	vld [tilespmem:s28+$0x1800];
	s20 =	sor.u32 $0x1C50, s13;
	v47 =	vmul.f32 v63, v55;
	v6 =	vadd.f32 v42, v6;
	v11 =	vadd.f32 v49, v11  }
0x1d9: {  	s28 =	sor.u32 $0x1C60, s13;
	v52 =	vld [tilespmem:s20+$0x1800];
	v13 =	vadd.f32 v51, v13;
	v5 =	vadd.f32 v53, v5;
	v17 =	vmul.f32 v41, v4  }
0x1da: {  	s13 =	sor.u32 $0x1C70, s13;
	v54 =	vld [tilespmem:s28+$0x1800];
	v7 =	vadd.f32 v14, v7;
	v8 =	vadd.f32 v44, v8;
	v18 =	vmul.f32 v43, v4  }
0x1db: {  	v56 =	vld [tilespmem:s13+$0x1800];
	v9 =	vadd.f32 v45, v9;
	v55 =	vmul.f32 v46, v4;
	v6 =	vadd.f32 v17, v6  }
0x1dc: {  	v10 =	vadd.f32 v47, v10;
	v57 =	vmul.f32 v48, v4;
	v7 =	vadd.f32 v18, v7  }
0x1dd: {  	v58 =	vmul.f32 v50, v4;
	v8 =	vadd.f32 v55, v8;
	v6 =	vmul.f32 v3, v6  }
0x1de: {  	v59 =	vmul.f32 v52, v4;
	v9 =	vadd.f32 v57, v9;
	v7 =	vmul.f32 v3, v7  }
0x1df: {  	v60 =	vmul.f32 v54, v4;
	v10 =	vadd.f32 v58, v10;
	v8 =	vmul.f32 v3, v8;
	[tilespmem:s9+$0xFFFFFFC0] =	vst v6  }
0x1e0: {  	v4 =	vmul.f32 v56, v4;
	v11 =	vadd.f32 v59, v11;
	v61 =	vmul.f32 v3, v9;
	[tilespmem:s9+$0xFFFFFFD0] =	vst v7  }
0x1e1: {  	p0 =	sne.s32 s17, $0x1F;
	v62 =	vmul.f32 v3, v10;
	v6 =	vadd.f32 v60, v13;
	[tilespmem:s9+$0xFFFFFFE0] =	vst v8  }
.Ltmp3:
0x1e2: {  	v4 =	vadd.f32 v4, v5;
	v63 =	vmul.f32 v3, v11;
	[tilespmem:s9+$0xFFFFFFF0] =	vst v61;
	(pc) =	sbr.rel @p0 .LBB2_8-.Ltmp3, $4  }
0x1e3: {  	[tilespmem:s9+$0x0] =	vst v62;
	v6 =	vmul.f32 v3, v6  }
0x1e4: {  	[tilespmem:s9+$0x10] =	vst v63;
	v3 =	vmul.f32 v3, v4  }
0x1e5: {  	s0 =	sadd.s32 $0x1, s0;
	s2 =	sadd.s32 $0x80, s2;
	[tilespmem:s9+$0x20] =	vst v6  }
0x1e6: {  	s17 =	sadd.s32 $0x1, s17;
	s12 =	sadd.s32 $0x400, s12;
	[tilespmem:s9+$0x30] =	vst v3;
	s9 =	sadd.s32 $0x80, s9  }
0x1e7: {  	_ =	swait.ge [sflag:s25], $0x20  }
0x1e8: {  	[sflag:s25] =	ssyncset.done $0x0  }
0x1e9: {  	s0 =	simm.s32 $0x11800;
	[sflag:s25] =	ssyncadd.s32 $0xFFFFFFE0  }
0x1ea: {  	[spmem:s3] =	stream.indirect.scatter.add.f32 [tilespmem:s0], [sflag:$0x5], $0x80, s21, s26, $0xb8;
	[tilespmem:$0x18A00] =	vst v63  }
0x1eb: {  	_ =	swait.ge [sflag:s19], $0x1000  }
0x1ec: {  	[sflag:s19] =	ssyncset.done $0x0  }
0x1ed: {  	[sflag:s19] =	ssyncadd.s32 $0xFFFFF000;
	s19 =	simm.s32 $0x6  }
0x1ee: {  	_ =	swait.ge [sflag:s19], $0x1000  }
0x1ef: {  	[sflag:s19] =	ssyncset.done $0x0  }
0x1f0: {  	[sflag:s19] =	ssyncadd.s32 $0xFFFFF000  }
0x1f1: {  	_ =	swait.ge [sflag:s31], $0x100  }
0x1f2: {  	[sflag:s31] =	ssyncset.done $0x0  }
0x1f3: {  	[sflag:s31] =	ssyncadd.s32 $0xFFFFFF00  }
0x1f4: {  	[bflag:$0x0] =	sbarrier.arrive $0xFFFF  }
0x1f5: {  	s13 =	rddreg [dreg:$0x5]  }
0x1f6: {  	s20 =	rddreg [dreg:$0xa]  }
0x1f7: {  	s9 =	simm.s32 $0x9;
	s2 =	rddreg [dreg:$0xc]  }
0x1f8: {  	[hbm:s20], [sflag:s13] =	dma.local [spmem:s2], $0xA00  }
0x1f9: {  	_ =	swait.ge [sflag:s9], $0xA00  }
0x1fa: {  	s12 =	rddreg [dreg:$0xd]  }
0x1fb: {  	s28 =	rddreg [dreg:$0xb];
	s12 =	sadd.s32 $0x1, s12  }
0x1fc: {  	p0 =	sne.s32 s12, s28  }
.Ltmp4:
0x1fd: {  	_ = 	snop;
	(pc) =	sbr.rel @p0 .LBB2_1-.Ltmp4, $3  }
0x1fe: {  	_ =	sdelay $0x1  }
0x1ff: {  	[sflag:s9] =	ssyncset.done $0x0  }
0x200: {  	[sflag:s9] =	ssyncadd.s32 $0xFFFFF600  }
0x201: {  	_ =	sfence.sel $0x180000  }
0x202: {  	[bflag:$0x0] =	sbarrier.arrive $0xFFFF  }
0x203: {  	_ =	strace $0x9000004D  }
0x204: {  	s0 =	stileid.u32;
	[bflag:$0x2] =	sbarrier.arrive $0xFFFF  }
0x205: {  	p0 =	sne.s32 s0, $0x0;
	s0 =	rddreg [dreg:$0x3]  }
0x206: {  	s0 =	sadd.s32 @!p0 $0x100000, s0  }
0x207: {  	[sflag:s0] =	ssyncadd.tile.s32 @!p0 $0x1;
	_ =	shalt  }
.Lfunc_end2:
_tile_overlayer_lowered:
.L_overlay_start_2:
0x208: {  	(tag) =	ssettag $0x2  }
0x209: {  	s0 =	rddreg [dreg:$0x0];
	s2 =	stileid.u32  }
0x20a: {  	s1 =	rddreg [dreg:$0x1];
	p0 =	sne.s32 s2, $0x0  }
0x20b: {  	s3 =	rddreg [dreg:$0x2];
	[bflag:$0x3] =	sbarrier.arrive $0xFFFF;
	s2 =	simm.s32 @!p0 $0x1C09  }
0x20c: {  	[timem:s3], [sflag:s2] =	dma.local @!p0 [hbm:s0], s1  }
0x20d: {  	s0 =	simm.s32 @!p0 $0x9  }
0x20e: {  	_ =	swait.ge @!p0 [sflag:s0], s1  }
0x20f: {  	s1 =	ssub.s32 @!p0 $0x0, s1;
	[sflag:s0] =	ssyncset.done @!p0 $0x0  }
0x210: {  	[sflag:s0] =	ssyncadd.s32 @!p0 s1  }
0x211: {  	[bflag:$0x3] =	sbarrier.arrive $0xFFFF  }
0x212: {  	_ =	shalt  }

// kernel: kernel.8.cloned.1.call-start
scs
__scs_entry_jumppad:
0x0: {  	(pc) =	sbr.rel $0x88, $3  }
0x1: {  	(tag) =	ssettag $0x0;
	lr =	simm.s32 $0x1  }
0x2: {  	[smem:$0x3F91] =	sst lr;
	_ =	strace $0xD0000000  }
0x3: {  	_ = 	snop  }
0x4: {  	_ = 	snop  }
0x5: {  	_ = 	snop  }
0x6: {  	_ = 	snop  }
0x7: {  	_ = 	snop  }
__scs_overlays_trampoline_lowered:
0x8: {  	[smem:$0x3FA0] =	sst s0  }
0x9: {  	[smem:$0x3FA1] =	sst s1  }
0xa: {  	[smem:$0x3FA2] =	sst s2  }
0xb: {  	[smem:$0x3FA3] =	sst s3  }
0xc: {  	[smem:$0x3FA4] =	sst s4  }
0xd: {  	[smem:$0x3FA5] =	sst s5  }
0xe: {  	[smem:$0x3FA6] =	sst s6  }
0xf: {  	[smem:$0x3FA7] =	sst s7  }
0x10: {  	[smem:$0x3FA8] =	sst s8  }
0x11: {  	[smem:$0x3FA9] =	sst s9;
	s0 =	simm.s32 @!p0 $0x0  }
0x12: {  	s1 =	sld [smem:$0x3F8F];
	s0 =	simm.s32 @p0 $0x1  }
0x13: {  	[smem:$0x3FAA] =	sst s0;
	s0 =	simm.s32 @!p1 $0x0  }
0x14: {  	s2 =	sld [smem:$0x3F8E];
	s0 =	simm.s32 @p1 $0x1  }
0x15: {  	[smem:$0x3FAB] =	sst s0;
	s0 =	simm.s32 @!p2 $0x0  }
0x16: {  	s3 =	sld [smem:$0x3FDB];
	s0 =	simm.s32 @p2 $0x1  }
0x17: {  	s4 =	simm.s32 $0x1BF5;
	[smem:$0x3FAD] =	sst s0  }
0x18: {  	s0 =	sld [smem:$0x3F90];
	_ =	swait.ge [sflag:s4], $0x0  }
0x19: {  	s7 =	sld [smem:$0x3F91]  }
0x1a: {  	s8 =	sadd.s32 $0xFFFFE003, lr  }
0x1b: {  	s9 =	sadd.s32 $0xFFFFFEF7, lr;
	s5 =	simm.s32 $0xFFFFFFFF;
	p2 =	slt.u32 s8, $0xFFFFF086  }
0x1c: {  	p1 =	slt.u32 s9, $0xF7A;
	s5 =	simm.s32 @!p2 $0x0  }
0x1d: {  	s5 =	simm.s32 @p1 $0x1;
	p0 =	seq.s32 s7, s2  }
0x1e: {  	s7 =	smul.u32 @!p0 $0xF7A, s2;
	p2 =	seq.s32 @!p0 s5, $0x0  }
0x1f: {  	s9 =	smul.u32 $0xF7A, s1;
	s8 =	simm.s32 @!p0 $0x1BF5;
	p2 =	por !p2, p0  }
0x20: {  	[sflag:s8] =	ssyncset.s32 @!p0 $0xFFFFF086;
	s6 =	sadd.s32 @!p0 s3, s7;
	s7 =	simm.s32 @!p0 $0x108  }
0x21: {  	s3 =	sadd.s32 s3, s9;
	s6 =	sadd.s32 @!p0 $0x88, s6;
	s7 =	simm.s32 @p2 $0x1082  }
0x22: {  	[simem:s7], [sflag:s8] =	dma.local @!p0 [hbm:s6], $0xF7A  }
0x23: {  	s9 =	sor.u32 $0xD0000000, s2;
	s6 =	simm.s32 $0x108;
	_ =	swait.ge @!p0 [sflag:s8], $0x0  }
0x24: {  	s3 =	sadd.s32 $0x88, s3;
	s6 =	simm.s32 @!p1 $0x1082;
	[sflag:s4] =	ssyncset.s32 $0xFFFFF086  }
0x25: {  	[simem:s6], [sflag:s4] =	dma.local [hbm:s3], $0xF7A  }
0x26: {  	[smem:$0x3F91] =	sst s1;
	(tag) =	ssettag s2;
	_ =	strace s9  }
0x27: {  	s1 =	sld [smem:$0x3FA1]  }
0x28: {  	s2 =	sld [smem:$0x3FA2]  }
0x29: {  	s4 =	sld [smem:$0x3FA4]  }
0x2a: {  	p0 =	seq.s32 s5, $0x0;
	s5 =	sld [smem:$0x3FA5]  }
0x2b: {  	s6 =	sld [smem:$0x3FA6]  }
0x2c: {  	s7 =	sld [smem:$0x3FA7]  }
0x2d: {  	s3 =	simm.s32 $0x108;
	s8 =	sld [smem:$0x3FA8]  }
0x2e: {  	s3 =	simm.s32 @!p0 $0x1082;
	s9 =	sld [smem:$0x3FA9]  }
0x2f: {  	lr =	sadd.s32 s0, s3;
	s0 =	sld [smem:$0x3FA0]  }
0x30: {  	s3 =	sld [smem:$0x3FA3]  }
0x31: {  	[smem:$0x3FAC] =	sst s10  }
0x32: {  	s10 =	sld [smem:$0x3FAA];
	_ =	sdelay $0x3  }
0x33: {  	p0 =	seq.s32 s10, $0x1;
	s10 =	sld [smem:$0x3FAC];
	_ =	sdelay $0x3  }
0x34: {  	[smem:$0x3FAC] =	sst s10  }
0x35: {  	s10 =	sld [smem:$0x3FAB];
	_ =	sdelay $0x3  }
0x36: {  	p1 =	seq.s32 s10, $0x1;
	s10 =	sld [smem:$0x3FAC];
	_ =	sdelay $0x3  }
0x37: {  	[smem:$0x3FAC] =	sst s10  }
0x38: {  	s10 =	sld [smem:$0x3FAD]  }
0x39: {  	_ = 	snop;
	(pc) =	sbr.ind lr, $3  }
0x3a: {  	_ = 	snop  }
0x3b: {  	_ = 	snop  }
0x3c: {  	p2 =	seq.s32 s10, $0x1;
	s10 =	sld [smem:$0x3FAC]  }
0x3d: {  	_ =	shalt  }
0x3e: {  	_ =	shalt  }
0x3f: {  	_ =	shalt  }
0x40: {  	_ =	shalt  }
0x41: {  	_ =	shalt  }
0x42: {  	_ =	shalt  }
0x43: {  	_ =	shalt  }
0x44: {  	_ =	shalt  }
0x45: {  	_ =	shalt  }
0x46: {  	_ =	shalt  }
0x47: {  	_ =	shalt  }
0x48: {  	_ =	shalt  }
0x49: {  	_ =	shalt  }
0x4a: {  	_ =	shalt  }
0x4b: {  	_ =	shalt  }
0x4c: {  	_ =	shalt  }
0x4d: {  	_ =	shalt  }
0x4e: {  	_ =	shalt  }
0x4f: {  	_ =	shalt  }
0x50: {  	_ =	shalt  }
0x51: {  	_ =	shalt  }
0x52: {  	_ =	shalt  }
0x53: {  	_ =	shalt  }
0x54: {  	_ =	shalt  }
0x55: {  	_ =	shalt  }
0x56: {  	_ =	shalt  }
0x57: {  	_ =	shalt  }
0x58: {  	_ =	shalt  }
0x59: {  	_ =	shalt  }
0x5a: {  	_ =	shalt  }
0x5b: {  	_ =	shalt  }
0x5c: {  	_ =	shalt  }
0x5d: {  	_ =	shalt  }
0x5e: {  	_ =	shalt  }
0x5f: {  	_ =	shalt  }
0x60: {  	_ =	shalt  }
0x61: {  	_ =	shalt  }
0x62: {  	_ =	shalt  }
0x63: {  	_ =	shalt  }
0x64: {  	_ =	shalt  }
0x65: {  	_ =	shalt  }
0x66: {  	_ =	shalt  }
0x67: {  	_ =	shalt  }
0x68: {  	_ =	shalt  }
0x69: {  	_ =	shalt  }
0x6a: {  	_ =	shalt  }
0x6b: {  	_ =	shalt  }
0x6c: {  	_ =	shalt  }
0x6d: {  	_ =	shalt  }
0x6e: {  	_ =	shalt  }
0x6f: {  	_ =	shalt  }
0x70: {  	_ =	shalt  }
0x71: {  	_ =	shalt  }
0x72: {  	_ =	shalt  }
0x73: {  	_ =	shalt  }
0x74: {  	_ =	shalt  }
0x75: {  	_ =	shalt  }
0x76: {  	_ =	shalt  }
0x77: {  	_ =	shalt  }
0x78: {  	_ =	shalt  }
0x79: {  	_ =	shalt  }
0x7a: {  	_ =	shalt  }
0x7b: {  	_ =	shalt  }
0x7c: {  	_ =	shalt  }
0x7d: {  	_ =	shalt  }
0x7e: {  	_ =	shalt  }
0x7f: {  	_ =	shalt  }
0x80: {  	_ =	shalt  }
0x81: {  	_ =	shalt  }
0x82: {  	_ =	shalt  }
0x83: {  	_ =	shalt  }
0x84: {  	_ =	shalt  }
0x85: {  	_ =	shalt  }
0x86: {  	_ =	shalt  }
0x87: {  	_ =	shalt  }
.Lfunc_end0:
.L_simem_size_0:
called_computation_lowered:
.L_overlay_start_0:
0x88: {  	s2 =	sld [smem:$0x3FD9]  }
0x89: {  	s3 =	sld [smem:$0x3FFE];
	_ =	sdelay $0x1  }
0x8a: {  	s1 =	srdreg.scid  }
0x8b: {  	s0 =	sand.u32 $0x1, s1  }
0x8c: {  	s17 =	sshll.u32 s0, $0xA;
	s2 =	sadd.s32 s3, s2  }
0x8d: {  	s2 =	sadd.s32 s2, s17  }
0x8e: {  	[smem:$0x3FB8] =	sst s2  }
0x8f: {  	_ = 	snop  }
0x90: {  	s2 =	sld [smem:$0x3FC0];
	(tm) =	ssettm $0x1  }
0x91: {  	s18 =	sld [smem:$0x3FFB];
	_ =	sdelay $0x3  }
0x92: {  	_ =	strace s18  }
0x93: {  	s3 =	sld [smem:$0x3FFC];
	_ =	sdelay $0x3  }
0x94: {  	_ =	strace s3  }
0x95: {  	s3 =	sld [smem:$0x3FFD];
	_ =	sdelay $0x3  }
0x96: {  	_ =	strace s3  }
0x97: {  	_ =	strace $0x8FFFFFFF  }
0x98: {  	s19 =	sld [smem:$0x3FDB];
	_ =	sdelay $0x1  }
0x99: {  	s4 =	simm.s32 $_scs_section_size  }
0x9a: {  	s5 =	simm.s32 $_size__tile_overlayer_lowered;
	s6 =	simm.s32 $_tile_overlayer_lowered  }
0x9b: {  	s22 =	simm.s32 $0x1BFF;
	s21 =	sshll.u32 s6, $0x1;
	s3 =	sadd.s32 s4, s19  }
0x9c: {  	s7 =	simm.s32 $0x0;
	s20 =	sshll.u32 s5, $0x1;
	s5 =	sadd.s32 s21, s3  }
0x9d: {  	[timem:s7], [sflag:s22] =	dma.local [hbm:s5], s20  }
0x9e: {  	_ =	swait.ge [sflag:s22], s20  }
0x9f: {  	s4 =	ssub.s32 $0x0, s20;
	[sflag:s22] =	ssyncset.done $0x0  }
0xa0: {  	[sflag:s22] =	ssyncadd.s32 s4;
	_ =	sdelay $0x1  }
0xa1: {  	s23 =	simm.s32 $0x1B8B  }
0xa2: {  	_ =	swait.ge [sflag:s23], $0x1  }
0xa3: {  	[sflag:s23] =	ssyncset.done $0x0  }
0xa4: {  	s25 =	simm.s32 $0x1B8E;
	s24 =	sld [smem:$0x3FFE];
	[sflag:s23] =	ssyncadd.s32 $0xFFFFFFFF  }
0xa5: {  	s26 =	simm.s32 $execute0_lowered;
	[smem:$0x3FD2] =	sst s25  }
0xa6: {  	s5 =	sshll.u32 s26, $0x1;
	_ =	strace $0x80000046;
	[dreg:$0x1] =	wrdreg $0xFFFFFFFF  }
0xa7: {  	s28 =	simm.s32 $_size_execute0_lowered;
	s3 =	sadd.s32 s3, s5;
	[dreg:$0x0] =	wrdreg $0x0  }
0xa8: {  	s5 =	sshll.u32 s28, $0x1;
	[dreg:$0x2] =	wrdreg s3  }
0xa9: {  	[dreg:$0x3] =	wrdreg s5  }
0xaa: {  	[dreg:$0x4] =	wrdreg $0xC0  }
0xab: {  	_ =	task [dreg:s7], $0x5FFFF  }
0xac: {  	[dreg:$0x1] =	wrdreg $0xFFFFFFFF  }
0xad: {  	[dreg:$0x0] =	wrdreg $0x60  }
0xae: {  	[dreg:$0x2] =	wrdreg s2  }
0xaf: {  	[dreg:$0x3] =	wrdreg s24  }
0xb0: {  	[dreg:$0x4] =	wrdreg $0x9  }
0xb1: {  	_ =	task.clear_ibuf [dreg:s7], $0x5FFFF;
	_ =	strace $0x90000046  }
0xb2: {  	s29 =	simm.s32 $0x9;
	_ =	strace $0x80000048  }
0xb3: {  	_ =	swait.ge [sflag:s29], $0x1  }
0xb4: {  	[sflag:s29] =	ssyncadd.s32 $0xFFFFFFFF  }
0xb5: {  	_ =	strace $0x90000048  }
0xb6: {  	_ =	sfence  }
0xb7: {  	s30 =	sld [smem:$0x0];
	_ =	sdelay $0x2  }
0xb8: {  	s31 =	sshll.u32 s1, $0xD;
	s1 =	sshrl.u32 s1, $0x2  }
0xb9: {  	s3 =	sand.u32 $0x4000, s31;
	s1 =	sadd.s32 s1, s30  }
0xba: {  	s0 =	sor.u32 s3, s0;
	s1 =	sshll.u32 s1, $0x11  }
0xbb: {  	s0 =	sor.u32 s1, s0  }
0xbc: {  	s0 =	sadd.s32 $0x8F2B, s0  }
0xbd: {  	[sflag:s0] =	ssyncadd.remote.s32 $0x1  }
0xbe: {  	_ =	sfence.sel $0xFFFF  }
0xbf: {  	[dreg:$0x0] =	wrdreg $0xFFFFFFFF;
	(pc) =	sbr.abs _section_cstart, $3  }
0xc0: {  	[dreg:$0x1] =	wrdreg $0xFFFFFFFF  }
0xc1: {  	_ =	task.clear_ibuf [dreg:s7], $0x2FFFF;
	_ =	strace $0x9FFFFFFF  }
0xc2: {  	(tm) =	ssettm $0x7FFFFFFF  }
0xc3: {  	_ =	shalt  }
tec
execute0_lowered:
.L_overlay_start_1:
0x0: {  	(tag) =	ssettag $0x1  }
0x1: {  	s1 =	srdreg.scid;
	s0 =	stileid.u32  }
0x2: {  	s2 =	rddreg [dreg:$0x0];
	s6 =	sand.u32 $0x1, s1;
	s30 =	sshll.u32 s0, $0x1  }
0x3: {  	s9 =	rddreg [dreg:$0x1];
	s7 =	sor.u32 s6, s30  }
0x4: {  	s3 =	simm.s32 $0x0;
	s1 =	rddreg [dreg:$0x2];
	s4 =	smul.u32 $0x28, s7  }
0x5: {  	s8 =	simm.s32 $0x1;
	[smem:$0x7FF] =	sst s3  }
0x6: {  	_ =	strace $0x80000047;
	s11 =	ssub.s32 $0x2, s6;
	s4 =	sadd.s32 s4, s9  }
0x7: {  	s6 =	simm.s32 $0x140;
	s5 =	sadd.s32 $0x1E00, s4;
	s4 =	simm.s32 $0x2  }
0x8: {  	[tilespmem:s3], [sflag:$0x2] =	stream.linear.gather [hbm4b:s5+s3], $0x140, $0x38;
	[tilespmem:$0xA180] =	vst v63  }
0x9: {  	s10 =	smul.u32 $0x1400, s7;
	s12 =	sshrl.u32 s11, $0x1;
	_ =	swait.ge [sflag:s4], $0x140  }
0xa: {  	s7 =	simm.s32 $0x180;
	s31 =	ssub.s32 s11, s12;
	[sflag:s4] =	ssyncset.done $0x0  }
0xb: {  	s9 =	sadd.s32 s10, s9;
	s10 =	smax.u32 s31, $0x1;
	[sflag:s4] =	ssyncadd.s32 $0xFFFFFEC0  }
0xc: {  	[tilespmem:s7], [sflag:$0x1] =	stream.indirect.gather [hbm4b:s2+s6], $0x80, s3, s6, $0xb8;
	[tilespmem:$0xA180] =	vst v63  }
0xd: {  	p0 =	sne.s32 s10, $0x1;
	_ =	swait.ge [sflag:s8], $0xA000  }
.Ltmp0:
0xe: {  	[sflag:s8] =	ssyncset.done $0x0;
	(pc) =	sbr.rel @!p0 .LBB2_2-.Ltmp0, $4  }
0xf: {  	s9 =	sadd.s32 $0x2400, s9;
	[sflag:s8] =	ssyncadd.s32 $0xFFFF6000  }
0x10: {  	[hbm4b:s9+s3] =	stream.linear.scatter [tilespmem:s7], [sflag:$0x2], $0xA000, $0x38;
	[tilespmem:$0xA180] =	vst v63  }
0x11: {  	_ =	swait.ge [sflag:s4], $0xA000  }
0x12: {  	s10 =	sadd.s32 $0xFFFFFFFF, s10;
	[sflag:s4] =	ssyncset.done $0x0  }
.LBB2_1:
0x13: {  	p0 =	sne.s32 s10, $0x1;
	s10 =	sadd.s32 $0xFFFFFFFF, s10;
	[sflag:s4] =	ssyncadd.s32 $0xFFFF6000  }
0x14: {  	[tilespmem:s3], [sflag:$0x2] =	stream.linear.gather [hbm4b:s5+s3], $0x140, $0x38;
	[tilespmem:$0xA180] =	vst v63  }
0x15: {  	_ =	swait.ge [sflag:s4], $0x140  }
0x16: {  	[sflag:s4] =	ssyncset.done $0x0  }
0x17: {  	[sflag:s4] =	ssyncadd.s32 $0xFFFFFEC0  }
0x18: {  	[tilespmem:s7], [sflag:$0x1] =	stream.indirect.gather [hbm4b:s2+s6], $0x80, s3, s6, $0xb8;
	[tilespmem:$0xA180] =	vst v63  }
0x19: {  	_ =	swait.ge [sflag:s8], $0xA000  }
.Ltmp1:
0x1a: {  	[sflag:s8] =	ssyncset.done $0x0;
	(pc) =	sbr.rel @p0 .LBB2_1-.Ltmp1, $4  }
0x1b: {  	[sflag:s8] =	ssyncadd.s32 $0xFFFF6000  }
0x1c: {  	[hbm4b:s9+s3] =	stream.linear.scatter [tilespmem:s7], [sflag:$0x2], $0xA000, $0x38;
	[tilespmem:$0xA180] =	vst v63  }
0x1d: {  	_ =	swait.ge [sflag:s4], $0xA000  }
0x1e: {  	[sflag:s4] =	ssyncset.done $0x0  }
.LBB2_2:
0x1f: {  	[sflag:s4] =	ssyncadd.s32 $0xFFFF6000  }
0x20: {  	_ =	sfence.sel $0x180000  }
0x21: {  	[bflag:$0x0] =	sbarrier.arrive $0xFFFF  }
0x22: {  	p0 =	sne.s32 s0, $0x0;
	_ =	strace $0x90000047  }
0x23: {  	s0 =	sadd.s32 @!p0 $0x100000, s1;
	[bflag:$0x2] =	sbarrier.arrive $0xFFFF  }
0x24: {  	[sflag:s0] =	ssyncadd.tile.s32 @!p0 $0x1;
	_ =	shalt  }
.Lfunc_end2:
_tile_overlayer_lowered:
.L_overlay_start_2:
0x25: {  	(tag) =	ssettag $0x2  }
0x26: {  	s0 =	rddreg [dreg:$0x0];
	s2 =	stileid.u32  }
0x27: {  	s1 =	rddreg [dreg:$0x1];
	p0 =	sne.s32 s2, $0x0  }
0x28: {  	s3 =	rddreg [dreg:$0x2];
	[bflag:$0x3] =	sbarrier.arrive $0xFFFF;
	s2 =	simm.s32 @!p0 $0x1C02  }
0x29: {  	[timem:s3], [sflag:s2] =	dma.local @!p0 [hbm:s0], s1  }
0x2a: {  	s0 =	simm.s32 @!p0 $0x2  }
0x2b: {  	_ =	swait.ge @!p0 [sflag:s0], s1  }
0x2c: {  	s1 =	ssub.s32 @!p0 $0x0, s1;
	[sflag:s0] =	ssyncset.done @!p0 $0x0  }
0x2d: {  	[sflag:s0] =	ssyncadd.s32 @!p0 s1  }
0x2e: {  	[bflag:$0x3] =	sbarrier.arrive $0xFFFF  }
0x2f: {  	_ =	shalt  }

</sc_bundles>
